<compile_context>
chip_gen: v7x
topology: tpu7x:2x2x1
jax: 0.10.2.dev20260603
libtpu: 0.0.44.dev20260713+nightly
codegen_flags: <defaults>
</compile_context>

<pallas_src>
import functools

import jax
import jax.numpy as jnp
from jax import lax
from jax.experimental import pallas as pl
from jax.experimental.pallas import tpu as pltpu
from jax.experimental.pallas import tpu_sc as plsc

B = 4
N = 10000
H = 128
E = 320000

NC = 2
NS = 16

EDGES_PER_TILE = E // NS
CHUNK = 125
NCHUNK = EDGES_PER_TILE // CHUNK
BLK = 16
NBLK = NCHUNK // BLK
ROWS_MAIN = 624
ROWS_LAST = N - (NS - 1) * ROWS_MAIN

_sc_mesh = plsc.VectorSubcoreMesh(core_axis_name="c", subcore_axis_name="s")


@functools.partial(
    pl.kernel,
    out_type=jax.ShapeDtypeStruct((B * N, H), jnp.float32),
    mesh=_sc_mesh,
    scratch_types=[
        pltpu.VMEM((BLK, CHUNK), jnp.int32),
        pltpu.VMEM((BLK, CHUNK), jnp.int32),
        pltpu.VMEM((BLK, CHUNK), jnp.int32),
        pltpu.VMEM((BLK, CHUNK), jnp.int32),
        pltpu.VMEM((CHUNK, H), jnp.float32),
        pltpu.VMEM((CHUNK, H), jnp.float32),
        pltpu.VMEM_SHARED((N, H), jnp.float32),
        pltpu.SemaphoreType.DMA,
        pltpu.SemaphoreType.DMA,
        pltpu.SemaphoreType.DMA,
        pltpu.SemaphoreType.DMA,
        pltpu.SemaphoreType.DMA,
        pltpu.SemaphoreType.DMA,
    ],
)
def _sc_segment_sum(emb3, src_t, dst_t, zeros, out,
                    svA, dvA, svB, dvB, gbuf0, gbuf1, acc,
                    sem0, sem1, semA, semB, ssem0, ssem1):
    c = lax.axis_index("c")
    s = lax.axis_index("s")
    row0 = s * ROWS_MAIN
    emb = emb3.at[0]
    gbufs = (gbuf0, gbuf1)
    gsems = (sem0, sem1)
    ssems = (ssem0, ssem1)

    def wait_gather(par):
        pltpu.make_async_copy(emb.at[svA.at[0]], gbufs[par], gsems[par]).wait()

    def wait_scatter(par):
        pltpu.make_async_copy(emb.at[svA.at[0]], gbufs[par], ssems[par]).wait()

    for k in range(B // NC):
        b = NC * c + k
        emb = emb3.at[b]

        @pl.when(s < NS - 1)
        def _():
            pltpu.sync_copy(zeros.at[pl.ds(0, ROWS_MAIN)],
                            acc.at[pl.ds(row0, ROWS_MAIN)])

        @pl.when(s == NS - 1)
        def _():
            pltpu.sync_copy(zeros, acc.at[pl.ds((NS - 1) * ROWS_MAIN, ROWS_LAST)])

        plsc.subcore_barrier()

        pltpu.sync_copy(src_t.at[s].at[pl.ds(0, BLK)], svA)
        pltpu.sync_copy(dst_t.at[s].at[pl.ds(0, BLK)], dvA)
        pltpu.async_copy(emb.at[svA.at[0]], gbuf0, sem0)

        def run_block(sv, dv, sv_next, sem_next, issue_cond, first_wait_cond):
            for j in range(BLK):
                par = j % 2
                wait_gather(par)
                if j == 0 and first_wait_cond is not None:
                    pl.when(first_wait_cond)(lambda: wait_scatter(1 - par))
                else:
                    wait_scatter(1 - par)
                if j + 1 < BLK:
                    pltpu.async_copy(emb.at[sv.at[j + 1]],
                                     gbufs[1 - par], gsems[1 - par])
                else:
                    def issue_next():
                        pltpu.make_async_copy(
                            src_t.at[s].at[pl.ds(0, BLK)],
                            sv_next, sem_next).wait()
                        pltpu.make_async_copy(
                            src_t.at[s].at[pl.ds(0, BLK)],
                            sv_next, sem_next).wait()
                        pltpu.async_copy(emb.at[sv_next.at[0]],
                                         gbufs[1 - par], gsems[1 - par])
                    if issue_cond is None:
                        issue_next()
                    else:
                        pl.when(issue_cond)(issue_next)
                pltpu.async_copy(gbufs[par], acc.at[dv.at[j]], ssems[par],
                                 add=True)

        def pair_body(p, carry):
            iB = 2 * p + 1
            pltpu.async_copy(src_t.at[s].at[pl.ds(iB * BLK, BLK)], svB, semB)
            pltpu.async_copy(dst_t.at[s].at[pl.ds(iB * BLK, BLK)], dvB, semB)
            run_block(svA, dvA, svB, semB, None, p > 0)
            iA = 2 * p + 2

            @pl.when(iA < NBLK)
            def _():
                pltpu.async_copy(src_t.at[s].at[pl.ds(iA * BLK, BLK)], svA, semA)
                pltpu.async_copy(dst_t.at[s].at[pl.ds(iA * BLK, BLK)], dvA, semA)

            run_block(svB, dvB, svA, semA, p < (NBLK // 2) - 1, None)
            return carry

        lax.fori_loop(0, NBLK // 2, pair_body, 0)
        wait_scatter(1)
        plsc.subcore_barrier()

        @pl.when(s < NS - 1)
        def _():
            pltpu.sync_copy(acc.at[pl.ds(row0, ROWS_MAIN)],
                            out.at[pl.ds(b * N + row0, ROWS_MAIN)])

        @pl.when(s == NS - 1)
        def _():
            pltpu.sync_copy(
                acc.at[pl.ds((NS - 1) * ROWS_MAIN, ROWS_LAST)],
                out.at[pl.ds(b * N + (NS - 1) * ROWS_MAIN, ROWS_LAST)])

        plsc.subcore_barrier()


def _mlp_body(nb_ref, x_ref, m_ref, w1a_ref, w1b_ref, b1_ref, w2_ref, b2_ref, out_ref):
    h = jnp.dot(nb_ref[...], w1a_ref[...], preferred_element_type=jnp.float32)
    h += jnp.dot(x_ref[...], w1b_ref[...], preferred_element_type=jnp.float32)
    h = jnp.maximum(h + b1_ref[...], 0.0)
    imp = jnp.dot(h, w2_ref[...], preferred_element_type=jnp.float32) + b2_ref[...]
    out_ref[...] = jnp.where(m_ref[...] != 0, imp, x_ref[...])


MLP_BLK = 8000


def _mlp(nb, x, m, w1a, w1b, b1, w2, b2):
    grid = ((B * N) // MLP_BLK,)
    return pl.pallas_call(
        _mlp_body,
        grid=grid,
        in_specs=[
            pl.BlockSpec((MLP_BLK, H), lambda i: (i, 0)),
            pl.BlockSpec((MLP_BLK, H), lambda i: (i, 0)),
            pl.BlockSpec((MLP_BLK, 1), lambda i: (i, 0)),
            pl.BlockSpec((H, H), lambda i: (0, 0)),
            pl.BlockSpec((H, H), lambda i: (0, 0)),
            pl.BlockSpec((1, H), lambda i: (0, 0)),
            pl.BlockSpec((H, H), lambda i: (0, 0)),
            pl.BlockSpec((1, H), lambda i: (0, 0)),
        ],
        out_specs=pl.BlockSpec((MLP_BLK, H), lambda i: (i, 0)),
        out_shape=jax.ShapeDtypeStruct((B * N, H), jnp.float32),
    )(nb, x, m, w1a, w1b, b1, w2, b2)


@jax.jit
def kernel(node_embeddings, missing_mask, edge_index, W1, b1, W2, b2):
    src = edge_index[0].astype(jnp.int32)
    dst = edge_index[1].astype(jnp.int32)
    emb_flat = node_embeddings.reshape(B * N, H)
    src_t = src.reshape(NS, NCHUNK, CHUNK)
    dst_t = dst.reshape(NS, NCHUNK, CHUNK)
    zeros = jnp.zeros((ROWS_LAST, H), jnp.float32)
    nb_flat = _sc_segment_sum(node_embeddings, src_t, dst_t, zeros)
    mask = missing_mask.reshape(B * N, 1).astype(jnp.int32)
    out_flat = _mlp(nb_flat, emb_flat, mask, W1[:H], W1[H:], b1.reshape(1, H),
                    W2, b2.reshape(1, H))
    return out_flat.reshape(B, N, H)

# --- scband reference (transcript-rebuilt; emitter-appended) ---
"""Pipeline reference for scband-missing-sensor-imputation-58909771432758 (READ-ONLY COPY).

The authoritative reference and input builder live on the scoring server;
editing this copy changes nothing except your own understanding.
"""

import jax, jax.numpy as jnp
import numpy as np

NUM_NODES = 10000
HIDDEN = 128
BATCH = 4
NUM_EDGES = 320000


def setup_inputs(seed: int = 0) -> dict:
    key = jax.random.key(seed)
    k1, k2, k3, k4, k5, k6, k7 = jax.random.split(key, 7)
    node_embeddings = jax.random.normal(k1, (BATCH, NUM_NODES, HIDDEN), dtype=jnp.float32)
    missing_mask = jax.random.randint(k2, (BATCH, NUM_NODES), 0, 2).astype(jnp.bool_)
    edge_index = jax.random.randint(k3, (2, NUM_EDGES), 0, NUM_NODES, dtype=jnp.int64)
    W1 = jax.random.normal(k4, (2 * HIDDEN, HIDDEN), dtype=jnp.float32) * 0.02
    b1 = jnp.zeros((HIDDEN,), dtype=jnp.float32)
    W2 = jax.random.normal(k5, (HIDDEN, HIDDEN), dtype=jnp.float32) * 0.02
    b2 = jnp.zeros((HIDDEN,), dtype=jnp.float32)
    return {"node_embeddings": node_embeddings, "missing_mask": missing_mask,
            "edge_index": edge_index, "W1": W1, "b1": b1, "W2": W2, "b2": b2}


def reference(node_embeddings, missing_mask, edge_index, W1, b1, W2, b2):
    batch_size, num_nodes, hidden_dim = node_embeddings.shape
    src = edge_index[0]
    dst = edge_index[1]
    # gather source node features per edge, scatter-add into dst (per batch)
    gathered = jnp.take(node_embeddings, src, axis=1)  # [B, E, H]
    neighbor_embeddings = jax.vmap(
        lambda g: jax.ops.segment_sum(g, dst, num_segments=num_nodes)
    )(gathered)  # [B, N, H]
    # faithful to original: counts are ones, clamped at min=1 -> divide by 1
    neighbor_counts = jnp.clip(jnp.ones((num_nodes,), dtype=node_embeddings.dtype), 1.0, None)
    neighbor_embeddings = neighbor_embeddings / neighbor_counts[None, :, None]
    context_features = jnp.concatenate([neighbor_embeddings, node_embeddings], axis=-1)
    h = jax.nn.relu(context_features @ W1 + b1)
    imputed = h @ W2 + b2
    out = jnp.where(missing_mask[..., None], imputed, node_embeddings)
    return out

if __name__ == "__main__":
    import jax
    _d = setup_inputs()
    print(jax.jit(kernel)(*tuple(_d.values())))

</pallas_src>

<mosaic_0001>
#map = affine_map<(d0, d1) -> (0, 0, 0)>
#map1 = affine_map<(d0, d1) -> (0, 0)>
module attributes {stable_mosaic.version = 14 : i64} {
  func.func @_sc_segment_sum(%arg0: i32, %arg1: i32, %arg2: memref<4x10000x128xf32, #tpu.memory_space<hbm>>, %arg3: memref<16x160x125xi32, #tpu.memory_space<hbm>>, %arg4: memref<16x160x125xi32, #tpu.memory_space<hbm>>, %arg5: memref<640x128xf32, #tpu.memory_space<hbm>>, %arg6: memref<40000x128xf32, #tpu.memory_space<hbm>>, %arg7: memref<16x125xi32, #tpu.memory_space<vmem>>, %arg8: memref<16x125xi32, #tpu.memory_space<vmem>>, %arg9: memref<16x125xi32, #tpu.memory_space<vmem>>, %arg10: memref<16x125xi32, #tpu.memory_space<vmem>>, %arg11: memref<125x128xf32, #tpu.memory_space<vmem>>, %arg12: memref<125x128xf32, #tpu.memory_space<vmem>>, %arg13: memref<10000x128xf32, #tpu.memory_space<vmem_shared>>, %arg14: memref<!tpu.dma_semaphore, #tpu.memory_space<semaphore_mem>>, %arg15: memref<!tpu.dma_semaphore, #tpu.memory_space<semaphore_mem>>, %arg16: memref<!tpu.dma_semaphore, #tpu.memory_space<semaphore_mem>>, %arg17: memref<!tpu.dma_semaphore, #tpu.memory_space<semaphore_mem>>, %arg18: memref<!tpu.dma_semaphore, #tpu.memory_space<semaphore_mem>>, %arg19: memref<!tpu.dma_semaphore, #tpu.memory_space<semaphore_mem>>) attributes {dimension_semantics = [#tpu.dimension_semantics<core_parallel>, #tpu.dimension_semantics<subcore_parallel>], iteration_bounds = array<i64: 2, 16>, scalar_prefetch = 0 : i64, scratch_operands = 13 : i64, tpu.core_type = #tpu.core_type<sc_vector_subcore>, window_params = [{transform_indices = #map}, {transform_indices = #map}, {transform_indices = #map}, {transform_indices = #map1}, {transform_indices = #map1}]} {
    %mul3A = arith.constant 624 : i32
    %mul3A_0 = arith.muli %arg1, %mul3A : i32
    %mul3A_1 = arith.constant 2 : i32
    %mul3A_2 = arith.muli %mul3A_1, %arg0 : i32
    %add3A = arith.constant 0 : i32
    %add3A_3 = arith.addi %mul3A_2, %add3A : i32
    %lt3A = arith.constant 15 : i32
    %lt3A_4 = arith.cmpi slt, %arg1, %lt3A : i32
    %convert_element_type3A = arith.extui %lt3A_4 : i1 to i32
    %cond3A = arith.constant 0 : i32
    %cond3A_5 = arith.cmpi ne, %convert_element_type3A, %cond3A : i32
    scf.if %cond3A_5 {
      "tpu.region"() ({
        %run_scoped3A = tpu.sem_alloc : memref<!tpu.dma_semaphore, #tpu.memory_space<semaphore_mem>>
        %dma_start3A_102 = arith.constant 0 : i32
        %dma_start3A_103 = tpu.memref_slice %arg13[%mul3A_0, %dma_start3A_102] : memref<10000x128xf32, #tpu.memory_space<vmem_shared>> -> memref<624x128xf32, #tpu.memory_space<vmem_shared>>
        %dma_start3A_104 = arith.constant 0 : i32
        %dma_start3A_105 = arith.constant 0 : i32
        %dma_start3A_106 = tpu.memref_slice %arg5[%dma_start3A_104, %dma_start3A_105] : memref<640x128xf32, #tpu.memory_space<hbm>> -> memref<624x128xf32, #tpu.memory_space<hbm>>
        tpu.enqueue_dma source(%dma_start3A_106 : memref<624x128xf32, #tpu.memory_space<hbm>>) target(%dma_start3A_103 : memref<624x128xf32, #tpu.memory_space<vmem_shared>>) target_semaphore(%run_scoped3A : memref<!tpu.dma_semaphore, #tpu.memory_space<semaphore_mem>>)
        %dma_wait3A_107 = arith.constant 0 : i32
        %dma_wait3A_108 = tpu.memref_slice %arg13[%mul3A_0, %dma_wait3A_107] : memref<10000x128xf32, #tpu.memory_space<vmem_shared>> -> memref<624x128xf32, #tpu.memory_space<vmem_shared>>
        %dma_wait3A_109 = arith.constant 0 : i32
        %dma_wait3A_110 = arith.constant 0 : i32
        %dma_wait3A_111 = tpu.memref_slice %arg5[%dma_wait3A_109, %dma_wait3A_110] : memref<640x128xf32, #tpu.memory_space<hbm>> -> memref<624x128xf32, #tpu.memory_space<hbm>>
        tpu.wait_dma2 semaphore(%run_scoped3A : memref<!tpu.dma_semaphore, #tpu.memory_space<semaphore_mem>>) src(%dma_wait3A_111 : memref<624x128xf32, #tpu.memory_space<hbm>>) dst(%dma_wait3A_108 : memref<624x128xf32, #tpu.memory_space<vmem_shared>>)
        tpu.yield
      }) : () -> ()
    } else {
    }
    %eq3A = arith.constant 15 : i32
    %eq3A_6 = arith.cmpi eq, %arg1, %eq3A : i32
    %convert_element_type3A_7 = arith.extui %eq3A_6 : i1 to i32
    %cond3A_8 = arith.constant 0 : i32
    %cond3A_9 = arith.cmpi ne, %convert_element_type3A_7, %cond3A_8 : i32
    scf.if %cond3A_9 {
      "tpu.region"() ({
        %run_scoped3A = tpu.sem_alloc : memref<!tpu.dma_semaphore, #tpu.memory_space<semaphore_mem>>
        %dma_start3A_102 = arith.constant 9360 : i32
        %dma_start3A_103 = arith.constant 0 : i32
        %dma_start3A_104 = tpu.memref_slice %arg13[%dma_start3A_102, %dma_start3A_103] : memref<10000x128xf32, #tpu.memory_space<vmem_shared>> -> memref<640x128xf32, #tpu.memory_space<vmem_shared>>
        tpu.enqueue_dma source(%arg5 : memref<640x128xf32, #tpu.memory_space<hbm>>) target(%dma_start3A_104 : memref<640x128xf32, #tpu.memory_space<vmem_shared>>) target_semaphore(%run_scoped3A : memref<!tpu.dma_semaphore, #tpu.memory_space<semaphore_mem>>)
        %dma_wait3A_105 = arith.constant 9360 : i32
        %dma_wait3A_106 = arith.constant 0 : i32
        %dma_wait3A_107 = tpu.memref_slice %arg13[%dma_wait3A_105, %dma_wait3A_106] : memref<10000x128xf32, #tpu.memory_space<vmem_shared>> -> memref<640x128xf32, #tpu.memory_space<vmem_shared>>
        tpu.wait_dma2 semaphore(%run_scoped3A : memref<!tpu.dma_semaphore, #tpu.memory_space<semaphore_mem>>) src(%arg5 : memref<640x128xf32, #tpu.memory_space<hbm>>) dst(%dma_wait3A_107 : memref<640x128xf32, #tpu.memory_space<vmem_shared>>)
        tpu.yield
      }) : () -> ()
    } else {
    }
    %barrier3A = arith.constant 0 : index
    tpu.barrier barrier_id(%barrier3A)
    "tpu.region"() ({
      %run_scoped3A = tpu.sem_alloc : memref<!tpu.dma_semaphore, #tpu.memory_space<semaphore_mem>>
      %dma_start3A_102 = arith.constant 0 : i32
      %dma_start3A_103 = arith.constant 0 : i32
      %dma_start3A_104 = tpu.memref_slice %arg3[%arg1, %dma_start3A_102, %dma_start3A_103] : memref<16x160x125xi32, #tpu.memory_space<hbm>> -> memref<1x160x125xi32, #tpu.memory_space<hbm>>
      %dma_start3A_105 = tpu.memref_squeeze %dma_start3A_104 : memref<1x160x125xi32, #tpu.memory_space<hbm>> -> memref<160x125xi32, #tpu.memory_space<hbm>>
      %dma_start3A_106 = arith.constant 0 : i32
      %dma_start3A_107 = arith.constant 0 : i32
      %dma_start3A_108 = tpu.memref_slice %dma_start3A_105[%dma_start3A_106, %dma_start3A_107] : memref<160x125xi32, #tpu.memory_space<hbm>> -> memref<16x125xi32, #tpu.memory_space<hbm>>
      %dma_start3A_109 = arith.constant 0 : i32
      %dma_start3A_110 = arith.constant 0 : i32
      %dma_start3A_111 = tpu.memref_slice %arg3[%arg1, %dma_start3A_109, %dma_start3A_110] : memref<16x160x125xi32, #tpu.memory_space<hbm>> -> memref<1x160x125xi32, #tpu.memory_space<hbm>>
      %dma_start3A_112 = tpu.memref_squeeze %dma_start3A_111 : memref<1x160x125xi32, #tpu.memory_space<hbm>> -> memref<160x125xi32, #tpu.memory_space<hbm>>
      %dma_start3A_113 = arith.constant 0 : i32
      %dma_start3A_114 = arith.constant 0 : i32
      %dma_start3A_115 = tpu.memref_slice %dma_start3A_112[%dma_start3A_113, %dma_start3A_114] : memref<160x125xi32, #tpu.memory_space<hbm>> -> memref<16x125xi32, #tpu.memory_space<hbm>>
      tpu.enqueue_dma source(%dma_start3A_115 : memref<16x125xi32, #tpu.memory_space<hbm>>) target(%arg7 : memref<16x125xi32, #tpu.memory_space<vmem>>) target_semaphore(%run_scoped3A : memref<!tpu.dma_semaphore, #tpu.memory_space<semaphore_mem>>)
      %dma_wait3A_116 = arith.constant 0 : i32
      %dma_wait3A_117 = arith.constant 0 : i32
      %dma_wait3A_118 = tpu.memref_slice %arg3[%arg1, %dma_wait3A_116, %dma_wait3A_117] : memref<16x160x125xi32, #tpu.memory_space<hbm>> -> memref<1x160x125xi32, #tpu.memory_space<hbm>>
      %dma_wait3A_119 = tpu.memref_squeeze %dma_wait3A_118 : memref<1x160x125xi32, #tpu.memory_space<hbm>> -> memref<160x125xi32, #tpu.memory_space<hbm>>
      %dma_wait3A_120 = arith.constant 0 : i32
      %dma_wait3A_121 = arith.constant 0 : i32
      %dma_wait3A_122 = tpu.memref_slice %dma_wait3A_119[%dma_wait3A_120, %dma_wait3A_121] : memref<160x125xi32, #tpu.memory_space<hbm>> -> memref<16x125xi32, #tpu.memory_space<hbm>>
      %dma_wait3A_123 = arith.constant 0 : i32
      %dma_wait3A_124 = arith.constant 0 : i32
      %dma_wait3A_125 = tpu.memref_slice %arg3[%arg1, %dma_wait3A_123, %dma_wait3A_124] : memref<16x160x125xi32, #tpu.memory_space<hbm>> -> memref<1x160x125xi32, #tpu.memory_space<hbm>>
      %dma_wait3A_126 = tpu.memref_squeeze %dma_wait3A_125 : memref<1x160x125xi32, #tpu.memory_space<hbm>> -> memref<160x125xi32, #tpu.memory_space<hbm>>
      %dma_wait3A_127 = arith.constant 0 : i32
      %dma_wait3A_128 = arith.constant 0 : i32
      %dma_wait3A_129 = tpu.memref_slice %dma_wait3A_126[%dma_wait3A_127, %dma_wait3A_128] : memref<160x125xi32, #tpu.memory_space<hbm>> -> memref<16x125xi32, #tpu.memory_space<hbm>>
      tpu.wait_dma2 semaphore(%run_scoped3A : memref<!tpu.dma_semaphore, #tpu.memory_space<semaphore_mem>>) src(%dma_wait3A_129 : memref<16x125xi32, #tpu.memory_space<hbm>>) dst(%arg7 : memref<16x125xi32, #tpu.memory_space<vmem>>)
      tpu.yield
    }) : () -> ()
    "tpu.region"() ({
      %run_scoped3A = tpu.sem_alloc : memref<!tpu.dma_semaphore, #tpu.memory_space<semaphore_mem>>
      %dma_start3A_102 = arith.constant 0 : i32
      %dma_start3A_103 = arith.constant 0 : i32
      %dma_start3A_104 = tpu.memref_slice %arg4[%arg1, %dma_start3A_102, %dma_start3A_103] : memref<16x160x125xi32, #tpu.memory_space<hbm>> -> memref<1x160x125xi32, #tpu.memory_space<hbm>>
      %dma_start3A_105 = tpu.memref_squeeze %dma_start3A_104 : memref<1x160x125xi32, #tpu.memory_space<hbm>> -> memref<160x125xi32, #tpu.memory_space<hbm>>
      %dma_start3A_106 = arith.constant 0 : i32
      %dma_start3A_107 = arith.constant 0 : i32
      %dma_start3A_108 = tpu.memref_slice %dma_start3A_105[%dma_start3A_106, %dma_start3A_107] : memref<160x125xi32, #tpu.memory_space<hbm>> -> memref<16x125xi32, #tpu.memory_space<hbm>>
      %dma_start3A_109 = arith.constant 0 : i32
      %dma_start3A_110 = arith.constant 0 : i32
      %dma_start3A_111 = tpu.memref_slice %arg4[%arg1, %dma_start3A_109, %dma_start3A_110] : memref<16x160x125xi32, #tpu.memory_space<hbm>> -> memref<1x160x125xi32, #tpu.memory_space<hbm>>
      %dma_start3A_112 = tpu.memref_squeeze %dma_start3A_111 : memref<1x160x125xi32, #tpu.memory_space<hbm>> -> memref<160x125xi32, #tpu.memory_space<hbm>>
      %dma_start3A_113 = arith.constant 0 : i32
      %dma_start3A_114 = arith.constant 0 : i32
      %dma_start3A_115 = tpu.memref_slice %dma_start3A_112[%dma_start3A_113, %dma_start3A_114] : memref<160x125xi32, #tpu.memory_space<hbm>> -> memref<16x125xi32, #tpu.memory_space<hbm>>
      tpu.enqueue_dma source(%dma_start3A_115 : memref<16x125xi32, #tpu.memory_space<hbm>>) target(%arg8 : memref<16x125xi32, #tpu.memory_space<vmem>>) target_semaphore(%run_scoped3A : memref<!tpu.dma_semaphore, #tpu.memory_space<semaphore_mem>>)
      %dma_wait3A_116 = arith.constant 0 : i32
      %dma_wait3A_117 = arith.constant 0 : i32
      %dma_wait3A_118 = tpu.memref_slice %arg4[%arg1, %dma_wait3A_116, %dma_wait3A_117] : memref<16x160x125xi32, #tpu.memory_space<hbm>> -> memref<1x160x125xi32, #tpu.memory_space<hbm>>
      %dma_wait3A_119 = tpu.memref_squeeze %dma_wait3A_118 : memref<1x160x125xi32, #tpu.memory_space<hbm>> -> memref<160x125xi32, #tpu.memory_space<hbm>>
      %dma_wait3A_120 = arith.constant 0 : i32
      %dma_wait3A_121 = arith.constant 0 : i32
      %dma_wait3A_122 = tpu.memref_slice %dma_wait3A_119[%dma_wait3A_120, %dma_wait3A_121] : memref<160x125xi32, #tpu.memory_space<hbm>> -> memref<16x125xi32, #tpu.memory_space<hbm>>
      %dma_wait3A_123 = arith.constant 0 : i32
      %dma_wait3A_124 = arith.constant 0 : i32
      %dma_wait3A_125 = tpu.memref_slice %arg4[%arg1, %dma_wait3A_123, %dma_wait3A_124] : memref<16x160x125xi32, #tpu.memory_space<hbm>> -> memref<1x160x125xi32, #tpu.memory_space<hbm>>
      %dma_wait3A_126 = tpu.memref_squeeze %dma_wait3A_125 : memref<1x160x125xi32, #tpu.memory_space<hbm>> -> memref<160x125xi32, #tpu.memory_space<hbm>>
      %dma_wait3A_127 = arith.constant 0 : i32
      %dma_wait3A_128 = arith.constant 0 : i32
      %dma_wait3A_129 = tpu.memref_slice %dma_wait3A_126[%dma_wait3A_127, %dma_wait3A_128] : memref<160x125xi32, #tpu.memory_space<hbm>> -> memref<16x125xi32, #tpu.memory_space<hbm>>
      tpu.wait_dma2 semaphore(%run_scoped3A : memref<!tpu.dma_semaphore, #tpu.memory_space<semaphore_mem>>) src(%dma_wait3A_129 : memref<16x125xi32, #tpu.memory_space<hbm>>) dst(%arg8 : memref<16x125xi32, #tpu.memory_space<vmem>>)
      tpu.yield
    }) : () -> ()
    %dma_start3A = arith.constant 0 : i32
    %dma_start3A_10 = arith.constant 0 : i32
    %dma_start3A_11 = tpu.memref_slice %arg7[%dma_start3A, %dma_start3A_10] : memref<16x125xi32, #tpu.memory_space<vmem>> -> memref<1x125xi32, #tpu.memory_space<vmem>>
    %dma_start3A_12 = tpu.memref_squeeze %dma_start3A_11 : memref<1x125xi32, #tpu.memory_space<vmem>> -> memref<125xi32, #tpu.memory_space<vmem>>
    %dma_start3A_13 = arith.constant 0 : i32
    %dma_start3A_14 = arith.constant 0 : i32
    %dma_start3A_15 = tpu.memref_slice %arg2[%add3A_3, %dma_start3A_13, %dma_start3A_14] : memref<4x10000x128xf32, #tpu.memory_space<hbm>> -> memref<1x10000x128xf32, #tpu.memory_space<hbm>>
    %dma_start3A_16 = tpu.memref_squeeze %dma_start3A_15 : memref<1x10000x128xf32, #tpu.memory_space<hbm>> -> memref<10000x128xf32, #tpu.memory_space<hbm>>
    %dma_start3A_17 = arith.constant 0 : i32
    %dma_start3A_18 = arith.constant 0 : i32
    %dma_start3A_19 = tpu.memref_slice %dma_start3A_16[%dma_start3A_17, %dma_start3A_18] : memref<10000x128xf32, #tpu.memory_space<hbm>> -> memref<10000x128xf32, #tpu.memory_space<hbm>>
    tpu.enqueue_indirect_dma source(%dma_start3A_19 : memref<10000x128xf32, #tpu.memory_space<hbm>>) target(%arg11 : memref<125x128xf32, #tpu.memory_space<vmem>>) offsets(%dma_start3A_12 : memref<125xi32, #tpu.memory_space<vmem>>) semaphore(%arg14 : memref<!tpu.dma_semaphore, #tpu.memory_space<semaphore_mem>>)
    %scan3A = arith.constant 0 : i32
    %scan3A_20 = arith.constant 0 : i32
    %scan3A_21 = arith.constant 5 : i32
    %scan3A_22 = arith.addi %scan3A_20, %scan3A_21 : i32
    %scan3A_23 = arith.constant 1 : i32
    scf.for %scan3A_102 = %scan3A_20 to %scan3A_22 step %scan3A_23  : i32 {
      %mul3A_103 = arith.constant 2 : i32
      %mul3A_104 = arith.muli %mul3A_103, %scan3A_102 : i32
      %add3A_105 = arith.constant 1 : i32
      %add3A_106 = arith.addi %mul3A_104, %add3A_105 : i32
      %mul3A_107 = arith.constant 16 : i32
      %mul3A_108 = arith.muli %add3A_106, %mul3A_107 : i32
      %dma_start3A_109 = arith.constant 0 : i32
      %dma_start3A_110 = arith.constant 0 : i32
      %dma_start3A_111 = tpu.memref_slice %arg3[%arg1, %dma_start3A_109, %dma_start3A_110] : memref<16x160x125xi32, #tpu.memory_space<hbm>> -> memref<1x160x125xi32, #tpu.memory_space<hbm>>
      %dma_start3A_112 = tpu.memref_squeeze %dma_start3A_111 : memref<1x160x125xi32, #tpu.memory_space<hbm>> -> memref<160x125xi32, #tpu.memory_space<hbm>>
      %dma_start3A_113 = arith.constant 0 : i32
      %dma_start3A_114 = tpu.memref_slice %dma_start3A_112[%mul3A_108, %dma_start3A_113] : memref<160x125xi32, #tpu.memory_space<hbm>> -> memref<16x125xi32, #tpu.memory_space<hbm>>
      %dma_start3A_115 = arith.constant 0 : i32
      %dma_start3A_116 = arith.constant 0 : i32
      %dma_start3A_117 = tpu.memref_slice %arg3[%arg1, %dma_start3A_115, %dma_start3A_116] : memref<16x160x125xi32, #tpu.memory_space<hbm>> -> memref<1x160x125xi32, #tpu.memory_space<hbm>>
      %dma_start3A_118 = tpu.memref_squeeze %dma_start3A_117 : memref<1x160x125xi32, #tpu.memory_space<hbm>> -> memref<160x125xi32, #tpu.memory_space<hbm>>
      %dma_start3A_119 = arith.constant 0 : i32
      %dma_start3A_120 = tpu.memref_slice %dma_start3A_118[%mul3A_108, %dma_start3A_119] : memref<160x125xi32, #tpu.memory_space<hbm>> -> memref<16x125xi32, #tpu.memory_space<hbm>>
      tpu.enqueue_dma source(%dma_start3A_120 : memref<16x125xi32, #tpu.memory_space<hbm>>) target(%arg9 : memref<16x125xi32, #tpu.memory_space<vmem>>) target_semaphore(%arg17 : memref<!tpu.dma_semaphore, #tpu.memory_space<semaphore_mem>>)
      %mul3A_121 = arith.constant 16 : i32
      %mul3A_122 = arith.muli %add3A_106, %mul3A_121 : i32
      %dma_start3A_123 = arith.constant 0 : i32
      %dma_start3A_124 = arith.constant 0 : i32
      %dma_start3A_125 = tpu.memref_slice %arg4[%arg1, %dma_start3A_123, %dma_start3A_124] : memref<16x160x125xi32, #tpu.memory_space<hbm>> -> memref<1x160x125xi32, #tpu.memory_space<hbm>>
      %dma_start3A_126 = tpu.memref_squeeze %dma_start3A_125 : memref<1x160x125xi32, #tpu.memory_space<hbm>> -> memref<160x125xi32, #tpu.memory_space<hbm>>
      %dma_start3A_127 = arith.constant 0 : i32
      %dma_start3A_128 = tpu.memref_slice %dma_start3A_126[%mul3A_122, %dma_start3A_127] : memref<160x125xi32, #tpu.memory_space<hbm>> -> memref<16x125xi32, #tpu.memory_space<hbm>>
      %dma_start3A_129 = arith.constant 0 : i32
      %dma_start3A_130 = arith.constant 0 : i32
      %dma_start3A_131 = tpu.memref_slice %arg4[%arg1, %dma_start3A_129, %dma_start3A_130] : memref<16x160x125xi32, #tpu.memory_space<hbm>> -> memref<1x160x125xi32, #tpu.memory_space<hbm>>
      %dma_start3A_132 = tpu.memref_squeeze %dma_start3A_131 : memref<1x160x125xi32, #tpu.memory_space<hbm>> -> memref<160x125xi32, #tpu.memory_space<hbm>>
      %dma_start3A_133 = arith.constant 0 : i32
      %dma_start3A_134 = tpu.memref_slice %dma_start3A_132[%mul3A_122, %dma_start3A_133] : memref<160x125xi32, #tpu.memory_space<hbm>> -> memref<16x125xi32, #tpu.memory_space<hbm>>
      tpu.enqueue_dma source(%dma_start3A_134 : memref<16x125xi32, #tpu.memory_space<hbm>>) target(%arg10 : memref<16x125xi32, #tpu.memory_space<vmem>>) target_semaphore(%arg17 : memref<!tpu.dma_semaphore, #tpu.memory_space<semaphore_mem>>)
      %gt3A = arith.constant 0 : i32
      %gt3A_135 = arith.cmpi sgt, %scan3A_102, %gt3A : i32
      %dma_wait3A_136 = arith.constant 0 : i32
      %dma_wait3A_137 = arith.constant 0 : i32
      %dma_wait3A_138 = tpu.memref_slice %arg7[%dma_wait3A_136, %dma_wait3A_137] : memref<16x125xi32, #tpu.memory_space<vmem>> -> memref<1x125xi32, #tpu.memory_space<vmem>>
      %dma_wait3A_139 = tpu.memref_squeeze %dma_wait3A_138 : memref<1x125xi32, #tpu.memory_space<vmem>> -> memref<125xi32, #tpu.memory_space<vmem>>
      %dma_wait3A_140 = arith.constant 0 : i32
      %dma_wait3A_141 = arith.constant 0 : i32
      %dma_wait3A_142 = tpu.memref_slice %arg2[%add3A_3, %dma_wait3A_140, %dma_wait3A_141] : memref<4x10000x128xf32, #tpu.memory_space<hbm>> -> memref<1x10000x128xf32, #tpu.memory_space<hbm>>
      %dma_wait3A_143 = tpu.memref_squeeze %dma_wait3A_142 : memref<1x10000x128xf32, #tpu.memory_space<hbm>> -> memref<10000x128xf32, #tpu.memory_space<hbm>>
      %dma_wait3A_144 = arith.constant 0 : i32
      %dma_wait3A_145 = arith.constant 0 : i32
      %dma_wait3A_146 = tpu.memref_slice %dma_wait3A_143[%dma_wait3A_144, %dma_wait3A_145] : memref<10000x128xf32, #tpu.memory_space<hbm>> -> memref<10000x128xf32, #tpu.memory_space<hbm>>
      tpu.wait_indirect_dma semaphore(%arg14 : memref<!tpu.dma_semaphore, #tpu.memory_space<semaphore_mem>>) src(%dma_wait3A_146 : memref<10000x128xf32, #tpu.memory_space<hbm>>) dst(%arg11 : memref<125x128xf32, #tpu.memory_space<vmem>>)
      %convert_element_type3A_147 = arith.extui %gt3A_135 : i1 to i32
      %cond3A_148 = arith.constant 0 : i32
      %cond3A_149 = arith.cmpi ne, %convert_element_type3A_147, %cond3A_148 : i32
      scf.if %cond3A_149 {
        %dma_wait3A_1439 = arith.constant 0 : i32
        %dma_wait3A_1440 = arith.constant 0 : i32
        %dma_wait3A_1441 = tpu.memref_slice %arg7[%dma_wait3A_1439, %dma_wait3A_1440] : memref<16x125xi32, #tpu.memory_space<vmem>> -> memref<1x125xi32, #tpu.memory_space<vmem>>
        %dma_wait3A_1442 = tpu.memref_squeeze %dma_wait3A_1441 : memref<1x125xi32, #tpu.memory_space<vmem>> -> memref<125xi32, #tpu.memory_space<vmem>>
        %dma_wait3A_1443 = arith.constant 0 : i32
        %dma_wait3A_1444 = arith.constant 0 : i32
        %dma_wait3A_1445 = tpu.memref_slice %arg2[%add3A_3, %dma_wait3A_1443, %dma_wait3A_1444] : memref<4x10000x128xf32, #tpu.memory_space<hbm>> -> memref<1x10000x128xf32, #tpu.memory_space<hbm>>
        %dma_wait3A_1446 = tpu.memref_squeeze %dma_wait3A_1445 : memref<1x10000x128xf32, #tpu.memory_space<hbm>> -> memref<10000x128xf32, #tpu.memory_space<hbm>>
        %dma_wait3A_1447 = arith.constant 0 : i32
        %dma_wait3A_1448 = arith.constant 0 : i32
        %dma_wait3A_1449 = tpu.memref_slice %dma_wait3A_1446[%dma_wait3A_1447, %dma_wait3A_1448] : memref<10000x128xf32, #tpu.memory_space<hbm>> -> memref<10000x128xf32, #tpu.memory_space<hbm>>
        tpu.wait_indirect_dma semaphore(%arg19 : memref<!tpu.dma_semaphore, #tpu.memory_space<semaphore_mem>>) src(%dma_wait3A_1449 : memref<10000x128xf32, #tpu.memory_space<hbm>>) dst(%arg12 : memref<125x128xf32, #tpu.memory_space<vmem>>)
      } else {
      }
      %dma_start3A_150 = arith.constant 1 : i32
      %dma_start3A_151 = arith.constant 0 : i32
      %dma_start3A_152 = tpu.memref_slice %arg7[%dma_start3A_150, %dma_start3A_151] : memref<16x125xi32, #tpu.memory_space<vmem>> -> memref<1x125xi32, #tpu.memory_space<vmem>>
      %dma_start3A_153 = tpu.memref_squeeze %dma_start3A_152 : memref<1x125xi32, #tpu.memory_space<vmem>> -> memref<125xi32, #tpu.memory_space<vmem>>
      %dma_start3A_154 = arith.constant 0 : i32
      %dma_start3A_155 = arith.constant 0 : i32
      %dma_start3A_156 = tpu.memref_slice %arg2[%add3A_3, %dma_start3A_154, %dma_start3A_155] : memref<4x10000x128xf32, #tpu.memory_space<hbm>> -> memref<1x10000x128xf32, #tpu.memory_space<hbm>>
      %dma_start3A_157 = tpu.memref_squeeze %dma_start3A_156 : memref<1x10000x128xf32, #tpu.memory_space<hbm>> -> memref<10000x128xf32, #tpu.memory_space<hbm>>
      %dma_start3A_158 = arith.constant 0 : i32
      %dma_start3A_159 = arith.constant 0 : i32
      %dma_start3A_160 = tpu.memref_slice %dma_start3A_157[%dma_start3A_158, %dma_start3A_159] : memref<10000x128xf32, #tpu.memory_space<hbm>> -> memref<10000x128xf32, #tpu.memory_space<hbm>>
      tpu.enqueue_indirect_dma source(%dma_start3A_160 : memref<10000x128xf32, #tpu.memory_space<hbm>>) target(%arg12 : memref<125x128xf32, #tpu.memory_space<vmem>>) offsets(%dma_start3A_153 : memref<125xi32, #tpu.memory_space<vmem>>) semaphore(%arg15 : memref<!tpu.dma_semaphore, #tpu.memory_space<semaphore_mem>>)
      %dma_start3A_161 = arith.constant 0 : i32
      %dma_start3A_162 = arith.constant 0 : i32
      %dma_start3A_163 = tpu.memref_slice %arg8[%dma_start3A_161, %dma_start3A_162] : memref<16x125xi32, #tpu.memory_space<vmem>> -> memref<1x125xi32, #tpu.memory_space<vmem>>
      %dma_start3A_164 = tpu.memref_squeeze %dma_start3A_163 : memref<1x125xi32, #tpu.memory_space<vmem>> -> memref<125xi32, #tpu.memory_space<vmem>>
      %dma_start3A_165 = arith.constant 0 : i32
      %dma_start3A_166 = arith.constant 0 : i32
      %dma_start3A_167 = tpu.memref_slice %arg13[%dma_start3A_165, %dma_start3A_166] : memref<10000x128xf32, #tpu.memory_space<vmem_shared>> -> memref<10000x128xf32, #tpu.memory_space<vmem_shared>>
      tpu.enqueue_indirect_dma source(%arg11 : memref<125x128xf32, #tpu.memory_space<vmem>>) target(%dma_start3A_167 : memref<10000x128xf32, #tpu.memory_space<vmem_shared>>) offsets(%dma_start3A_164 : memref<125xi32, #tpu.memory_space<vmem>>) semaphore(%arg18 : memref<!tpu.dma_semaphore, #tpu.memory_space<semaphore_mem>>) {add = true}
      %dma_wait3A_168 = arith.constant 0 : i32
      %dma_wait3A_169 = arith.constant 0 : i32
      %dma_wait3A_170 = tpu.memref_slice %arg7[%dma_wait3A_168, %dma_wait3A_169] : memref<16x125xi32, #tpu.memory_space<vmem>> -> memref<1x125xi32, #tpu.memory_space<vmem>>
      %dma_wait3A_171 = tpu.memref_squeeze %dma_wait3A_170 : memref<1x125xi32, #tpu.memory_space<vmem>> -> memref<125xi32, #tpu.memory_space<vmem>>
      %dma_wait3A_172 = arith.constant 0 : i32
      %dma_wait3A_173 = arith.constant 0 : i32
      %dma_wait3A_174 = tpu.memref_slice %arg2[%add3A_3, %dma_wait3A_172, %dma_wait3A_173] : memref<4x10000x128xf32, #tpu.memory_space<hbm>> -> memref<1x10000x128xf32, #tpu.memory_space<hbm>>
      %dma_wait3A_175 = tpu.memref_squeeze %dma_wait3A_174 : memref<1x10000x128xf32, #tpu.memory_space<hbm>> -> memref<10000x128xf32, #tpu.memory_space<hbm>>
      %dma_wait3A_176 = arith.constant 0 : i32
      %dma_wait3A_177 = arith.constant 0 : i32
      %dma_wait3A_178 = tpu.memref_slice %dma_wait3A_175[%dma_wait3A_176, %dma_wait3A_177] : memref<10000x128xf32, #tpu.memory_space<hbm>> -> memref<10000x128xf32, #tpu.memory_space<hbm>>
      tpu.wait_indirect_dma semaphore(%arg15 : memref<!tpu.dma_semaphore, #tpu.memory_space<semaphore_mem>>) src(%dma_wait3A_178 : memref<10000x128xf32, #tpu.memory_space<hbm>>) dst(%arg12 : memref<125x128xf32, #tpu.memory_space<vmem>>)
      %dma_wait3A_179 = arith.constant 0 : i32
      %dma_wait3A_180 = arith.constant 0 : i32
      %dma_wait3A_181 = tpu.memref_slice %arg7[%dma_wait3A_179, %dma_wait3A_180] : memref<16x125xi32, #tpu.memory_space<vmem>> -> memref<1x125xi32, #tpu.memory_space<vmem>>
      %dma_wait3A_182 = tpu.memref_squeeze %dma_wait3A_181 : memref<1x125xi32, #tpu.memory_space<vmem>> -> memref<125xi32, #tpu.memory_space<vmem>>
      %dma_wait3A_183 = arith.constant 0 : i32
      %dma_wait3A_184 = arith.constant 0 : i32
      %dma_wait3A_185 = tpu.memref_slice %arg2[%add3A_3, %dma_wait3A_183, %dma_wait3A_184] : memref<4x10000x128xf32, #tpu.memory_space<hbm>> -> memref<1x10000x128xf32, #tpu.memory_space<hbm>>
      %dma_wait3A_186 = tpu.memref_squeeze %dma_wait3A_185 : memref<1x10000x128xf32, #tpu.memory_space<hbm>> -> memref<10000x128xf32, #tpu.memory_space<hbm>>
      %dma_wait3A_187 = arith.constant 0 : i32
      %dma_wait3A_188 = arith.constant 0 : i32
      %dma_wait3A_189 = tpu.memref_slice %dma_wait3A_186[%dma_wait3A_187, %dma_wait3A_188] : memref<10000x128xf32, #tpu.memory_space<hbm>> -> memref<10000x128xf32, #tpu.memory_space<hbm>>
      tpu.wait_indirect_dma semaphore(%arg18 : memref<!tpu.dma_semaphore, #tpu.memory_space<semaphore_mem>>) src(%dma_wait3A_189 : memref<10000x128xf32, #tpu.memory_space<hbm>>) dst(%arg11 : memref<125x128xf32, #tpu.memory_space<vmem>>)
      %dma_start3A_190 = arith.constant 2 : i32
      %dma_start3A_191 = arith.constant 0 : i32
      %dma_start3A_192 = tpu.memref_slice %arg7[%dma_start3A_190, %dma_start3A_191] : memref<16x125xi32, #tpu.memory_space<vmem>> -> memref<1x125xi32, #tpu.memory_space<vmem>>
      %dma_start3A_193 = tpu.memref_squeeze %dma_start3A_192 : memref<1x125xi32, #tpu.memory_space<vmem>> -> memref<125xi32, #tpu.memory_space<vmem>>
      %dma_start3A_194 = arith.constant 0 : i32
      %dma_start3A_195 = arith.constant 0 : i32
      %dma_start3A_196 = tpu.memref_slice %arg2[%add3A_3, %dma_start3A_194, %dma_start3A_195] : memref<4x10000x128xf32, #tpu.memory_space<hbm>> -> memref<1x10000x128xf32, #tpu.memory_space<hbm>>
      %dma_start3A_197 = tpu.memref_squeeze %dma_start3A_196 : memref<1x10000x128xf32, #tpu.memory_space<hbm>> -> memref<10000x128xf32, #tpu.memory_space<hbm>>
      %dma_start3A_198 = arith.constant 0 : i32
      %dma_start3A_199 = arith.constant 0 : i32
      %dma_start3A_200 = tpu.memref_slice %dma_start3A_197[%dma_start3A_198, %dma_start3A_199] : memref<10000x128xf32, #tpu.memory_space<hbm>> -> memref<10000x128xf32, #tpu.memory_space<hbm>>
      tpu.enqueue_indirect_dma source(%dma_start3A_200 : memref<10000x128xf32, #tpu.memory_space<hbm>>) target(%arg11 : memref<125x128xf32, #tpu.memory_space<vmem>>) offsets(%dma_start3A_193 : memref<125xi32, #tpu.memory_space<vmem>>) semaphore(%arg14 : memref<!tpu.dma_semaphore, #tpu.memory_space<semaphore_mem>>)
      %dma_start3A_201 = arith.constant 1 : i32
      %dma_start3A_202 = arith.constant 0 : i32
      %dma_start3A_203 = tpu.memref_slice %arg8[%dma_start3A_201, %dma_start3A_202] : memref<16x125xi32, #tpu.memory_space<vmem>> -> memref<1x125xi32, #tpu.memory_space<vmem>>
      %dma_start3A_204 = tpu.memref_squeeze %dma_start3A_203 : memref<1x125xi32, #tpu.memory_space<vmem>> -> memref<125xi32, #tpu.memory_space<vmem>>
      %dma_start3A_205 = arith.constant 0 : i32
      %dma_start3A_206 = arith.constant 0 : i32
      %dma_start3A_207 = tpu.memref_slice %arg13[%dma_start3A_205, %dma_start3A_206] : memref<10000x128xf32, #tpu.memory_space<vmem_shared>> -> memref<10000x128xf32, #tpu.memory_space<vmem_shared>>
      tpu.enqueue_indirect_dma source(%arg12 : memref<125x128xf32, #tpu.memory_space<vmem>>) target(%dma_start3A_207 : memref<10000x128xf32, #tpu.memory_space<vmem_shared>>) offsets(%dma_start3A_204 : memref<125xi32, #tpu.memory_space<vmem>>) semaphore(%arg19 : memref<!tpu.dma_semaphore, #tpu.memory_space<semaphore_mem>>) {add = true}
      %dma_wait3A_208 = arith.constant 0 : i32
      %dma_wait3A_209 = arith.constant 0 : i32
      %dma_wait3A_210 = tpu.memref_slice %arg7[%dma_wait3A_208, %dma_wait3A_209] : memref<16x125xi32, #tpu.memory_space<vmem>> -> memref<1x125xi32, #tpu.memory_space<vmem>>
      %dma_wait3A_211 = tpu.memref_squeeze %dma_wait3A_210 : memref<1x125xi32, #tpu.memory_space<vmem>> -> memref<125xi32, #tpu.memory_space<vmem>>
      %dma_wait3A_212 = arith.constant 0 : i32
      %dma_wait3A_213 = arith.constant 0 : i32
      %dma_wait3A_214 = tpu.memref_slice %arg2[%add3A_3, %dma_wait3A_212, %dma_wait3A_213] : memref<4x10000x128xf32, #tpu.memory_space<hbm>> -> memref<1x10000x128xf32, #tpu.memory_space<hbm>>
      %dma_wait3A_215 = tpu.memref_squeeze %dma_wait3A_214 : memref<1x10000x128xf32, #tpu.memory_space<hbm>> -> memref<10000x128xf32, #tpu.memory_space<hbm>>
      %dma_wait3A_216 = arith.constant 0 : i32
      %dma_wait3A_217 = arith.constant 0 : i32
      %dma_wait3A_218 = tpu.memref_slice %dma_wait3A_215[%dma_wait3A_216, %dma_wait3A_217] : memref<10000x128xf32, #tpu.memory_space<hbm>> -> memref<10000x128xf32, #tpu.memory_space<hbm>>
      tpu.wait_indirect_dma semaphore(%arg14 : memref<!tpu.dma_semaphore, #tpu.memory_space<semaphore_mem>>) src(%dma_wait3A_218 : memref<10000x128xf32, #tpu.memory_space<hbm>>) dst(%arg11 : memref<125x128xf32, #tpu.memory_space<vmem>>)
      %dma_wait3A_219 = arith.constant 0 : i32
      %dma_wait3A_220 = arith.constant 0 : i32
      %dma_wait3A_221 = tpu.memref_slice %arg7[%dma_wait3A_219, %dma_wait3A_220] : memref<16x125xi32, #tpu.memory_space<vmem>> -> memref<1x125xi32, #tpu.memory_space<vmem>>
      %dma_wait3A_222 = tpu.memref_squeeze %dma_wait3A_221 : memref<1x125xi32, #tpu.memory_space<vmem>> -> memref<125xi32, #tpu.memory_space<vmem>>
      %dma_wait3A_223 = arith.constant 0 : i32
      %dma_wait3A_224 = arith.constant 0 : i32
      %dma_wait3A_225 = tpu.memref_slice %arg2[%add3A_3, %dma_wait3A_223, %dma_wait3A_224] : memref<4x10000x128xf32, #tpu.memory_space<hbm>> -> memref<1x10000x128xf32, #tpu.memory_space<hbm>>
      %dma_wait3A_226 = tpu.memref_squeeze %dma_wait3A_225 : memref<1x10000x128xf32, #tpu.memory_space<hbm>> -> memref<10000x128xf32, #tpu.memory_space<hbm>>
      %dma_wait3A_227 = arith.constant 0 : i32
      %dma_wait3A_228 = arith.constant 0 : i32
      %dma_wait3A_229 = tpu.memref_slice %dma_wait3A_226[%dma_wait3A_227, %dma_wait3A_228] : memref<10000x128xf32, #tpu.memory_space<hbm>> -> memref<10000x128xf32, #tpu.memory_space<hbm>>
      tpu.wait_indirect_dma semaphore(%arg19 : memref<!tpu.dma_semaphore, #tpu.memory_space<semaphore_mem>>) src(%dma_wait3A_229 : memref<10000x128xf32, #tpu.memory_space<hbm>>) dst(%arg12 : memref<125x128xf32, #tpu.memory_space<vmem>>)
      %dma_start3A_230 = arith.constant 3 : i32
      %dma_start3A_231 = arith.constant 0 : i32
      %dma_start3A_232 = tpu.memref_slice %arg7[%dma_start3A_230, %dma_start3A_231] : memref<16x125xi32, #tpu.memory_space<vmem>> -> memref<1x125xi32, #tpu.memory_space<vmem>>
      %dma_start3A_233 = tpu.memref_squeeze %dma_start3A_232 : memref<1x125xi32, #tpu.memory_space<vmem>> -> memref<125xi32, #tpu.memory_space<vmem>>
      %dma_start3A_234 = arith.constant 0 : i32
      %dma_start3A_235 = arith.constant 0 : i32
      %dma_start3A_236 = tpu.memref_slice %arg2[%add3A_3, %dma_start3A_234, %dma_start3A_235] : memref<4x10000x128xf32, #tpu.memory_space<hbm>> -> memref<1x10000x128xf32, #tpu.memory_space<hbm>>
      %dma_start3A_237 = tpu.memref_squeeze %dma_start3A_236 : memref<1x10000x128xf32, #tpu.memory_space<hbm>> -> memref<10000x128xf32, #tpu.memory_space<hbm>>
      %dma_start3A_238 = arith.constant 0 : i32
      %dma_start3A_239 = arith.constant 0 : i32
      %dma_start3A_240 = tpu.memref_slice %dma_start3A_237[%dma_start3A_238, %dma_start3A_239] : memref<10000x128xf32, #tpu.memory_space<hbm>> -> memref<10000x128xf32, #tpu.memory_space<hbm>>
      tpu.enqueue_indirect_dma source(%dma_start3A_240 : memref<10000x128xf32, #tpu.memory_space<hbm>>) target(%arg12 : memref<125x128xf32, #tpu.memory_space<vmem>>) offsets(%dma_start3A_233 : memref<125xi32, #tpu.memory_space<vmem>>) semaphore(%arg15 : memref<!tpu.dma_semaphore, #tpu.memory_space<semaphore_mem>>)
      %dma_start3A_241 = arith.constant 2 : i32
      %dma_start3A_242 = arith.constant 0 : i32
      %dma_start3A_243 = tpu.memref_slice %arg8[%dma_start3A_241, %dma_start3A_242] : memref<16x125xi32, #tpu.memory_space<vmem>> -> memref<1x125xi32, #tpu.memory_space<vmem>>
      %dma_start3A_244 = tpu.memref_squeeze %dma_start3A_243 : memref<1x125xi32, #tpu.memory_space<vmem>> -> memref<125xi32, #tpu.memory_space<vmem>>
      %dma_start3A_245 = arith.constant 0 : i32
      %dma_start3A_246 = arith.constant 0 : i32
      %dma_start3A_247 = tpu.memref_slice %arg13[%dma_start3A_245, %dma_start3A_246] : memref<10000x128xf32, #tpu.memory_space<vmem_shared>> -> memref<10000x128xf32, #tpu.memory_space<vmem_shared>>
      tpu.enqueue_indirect_dma source(%arg11 : memref<125x128xf32, #tpu.memory_space<vmem>>) target(%dma_start3A_247 : memref<10000x128xf32, #tpu.memory_space<vmem_shared>>) offsets(%dma_start3A_244 : memref<125xi32, #tpu.memory_space<vmem>>) semaphore(%arg18 : memref<!tpu.dma_semaphore, #tpu.memory_space<semaphore_mem>>) {add = true}
      %dma_wait3A_248 = arith.constant 0 : i32
      %dma_wait3A_249 = arith.constant 0 : i32
      %dma_wait3A_250 = tpu.memref_slice %arg7[%dma_wait3A_248, %dma_wait3A_249] : memref<16x125xi32, #tpu.memory_space<vmem>> -> memref<1x125xi32, #tpu.memory_space<vmem>>
      %dma_wait3A_251 = tpu.memref_squeeze %dma_wait3A_250 : memref<1x125xi32, #tpu.memory_space<vmem>> -> memref<125xi32, #tpu.memory_space<vmem>>
      %dma_wait3A_252 = arith.constant 0 : i32
      %dma_wait3A_253 = arith.constant 0 : i32
      %dma_wait3A_254 = tpu.memref_slice %arg2[%add3A_3, %dma_wait3A_252, %dma_wait3A_253] : memref<4x10000x128xf32, #tpu.memory_space<hbm>> -> memref<1x10000x128xf32, #tpu.memory_space<hbm>>
      %dma_wait3A_255 = tpu.memref_squeeze %dma_wait3A_254 : memref<1x10000x128xf32, #tpu.memory_space<hbm>> -> memref<10000x128xf32, #tpu.memory_space<hbm>>
      %dma_wait3A_256 = arith.constant 0 : i32
      %dma_wait3A_257 = arith.constant 0 : i32
      %dma_wait3A_258 = tpu.memref_slice %dma_wait3A_255[%dma_wait3A_256, %dma_wait3A_257] : memref<10000x128xf32, #tpu.memory_space<hbm>> -> memref<10000x128xf32, #tpu.memory_space<hbm>>
      tpu.wait_indirect_dma semaphore(%arg15 : memref<!tpu.dma_semaphore, #tpu.memory_space<semaphore_mem>>) src(%dma_wait3A_258 : memref<10000x128xf32, #tpu.memory_space<hbm>>) dst(%arg12 : memref<125x128xf32, #tpu.memory_space<vmem>>)
      %dma_wait3A_259 = arith.constant 0 : i32
      %dma_wait3A_260 = arith.constant 0 : i32
      %dma_wait3A_261 = tpu.memref_slice %arg7[%dma_wait3A_259, %dma_wait3A_260] : memref<16x125xi32, #tpu.memory_space<vmem>> -> memref<1x125xi32, #tpu.memory_space<vmem>>
      %dma_wait3A_262 = tpu.memref_squeeze %dma_wait3A_261 : memref<1x125xi32, #tpu.memory_space<vmem>> -> memref<125xi32, #tpu.memory_space<vmem>>
      %dma_wait3A_263 = arith.constant 0 : i32
      %dma_wait3A_264 = arith.constant 0 : i32
      %dma_wait3A_265 = tpu.memref_slice %arg2[%add3A_3, %dma_wait3A_263, %dma_wait3A_264] : memref<4x10000x128xf32, #tpu.memory_space<hbm>> -> memref<1x10000x128xf32, #tpu.memory_space<hbm>>
      %dma_wait3A_266 = tpu.memref_squeeze %dma_wait3A_265 : memref<1x10000x128xf32, #tpu.memory_space<hbm>> -> memref<10000x128xf32, #tpu.memory_space<hbm>>
      %dma_wait3A_267 = arith.constant 0 : i32
      %dma_wait3A_268 = arith.constant 0 : i32
      %dma_wait3A_269 = tpu.memref_slice %dma_wait3A_266[%dma_wait3A_267, %dma_wait3A_268] : memref<10000x128xf32, #tpu.memory_space<hbm>> -> memref<10000x128xf32, #tpu.memory_space<hbm>>
      tpu.wait_indirect_dma semaphore(%arg18 : memref<!tpu.dma_semaphore, #tpu.memory_space<semaphore_mem>>) src(%dma_wait3A_269 : memref<10000x128xf32, #tpu.memory_space<hbm>>) dst(%arg11 : memref<125x128xf32, #tpu.memory_space<vmem>>)
      %dma_start3A_270 = arith.constant 4 : i32
      %dma_start3A_271 = arith.constant 0 : i32
      %dma_start3A_272 = tpu.memref_slice %arg7[%dma_start3A_270, %dma_start3A_271] : memref<16x125xi32, #tpu.memory_space<vmem>> -> memref<1x125xi32, #tpu.memory_space<vmem>>
      %dma_start3A_273 = tpu.memref_squeeze %dma_start3A_272 : memref<1x125xi32, #tpu.memory_space<vmem>> -> memref<125xi32, #tpu.memory_space<vmem>>
      %dma_start3A_274 = arith.constant 0 : i32
      %dma_start3A_275 = arith.constant 0 : i32
      %dma_start3A_276 = tpu.memref_slice %arg2[%add3A_3, %dma_start3A_274, %dma_start3A_275] : memref<4x10000x128xf32, #tpu.memory_space<hbm>> -> memref<1x10000x128xf32, #tpu.memory_space<hbm>>
      %dma_start3A_277 = tpu.memref_squeeze %dma_start3A_276 : memref<1x10000x128xf32, #tpu.memory_space<hbm>> -> memref<10000x128xf32, #tpu.memory_space<hbm>>
      %dma_start3A_278 = arith.constant 0 : i32
      %dma_start3A_279 = arith.constant 0 : i32
      %dma_start3A_280 = tpu.memref_slice %dma_start3A_277[%dma_start3A_278, %dma_start3A_279] : memref<10000x128xf32, #tpu.memory_space<hbm>> -> memref<10000x128xf32, #tpu.memory_space<hbm>>
      tpu.enqueue_indirect_dma source(%dma_start3A_280 : memref<10000x128xf32, #tpu.memory_space<hbm>>) target(%arg11 : memref<125x128xf32, #tpu.memory_space<vmem>>) offsets(%dma_start3A_273 : memref<125xi32, #tpu.memory_space<vmem>>) semaphore(%arg14 : memref<!tpu.dma_semaphore, #tpu.memory_space<semaphore_mem>>)
      %dma_start3A_281 = arith.constant 3 : i32
      %dma_start3A_282 = arith.constant 0 : i32
      %dma_start3A_283 = tpu.memref_slice %arg8[%dma_start3A_281, %dma_start3A_282] : memref<16x125xi32, #tpu.memory_space<vmem>> -> memref<1x125xi32, #tpu.memory_space<vmem>>
      %dma_start3A_284 = tpu.memref_squeeze %dma_start3A_283 : memref<1x125xi32, #tpu.memory_space<vmem>> -> memref<125xi32, #tpu.memory_space<vmem>>
      %dma_start3A_285 = arith.constant 0 : i32
      %dma_start3A_286 = arith.constant 0 : i32
      %dma_start3A_287 = tpu.memref_slice %arg13[%dma_start3A_285, %dma_start3A_286] : memref<10000x128xf32, #tpu.memory_space<vmem_shared>> -> memref<10000x128xf32, #tpu.memory_space<vmem_shared>>
      tpu.enqueue_indirect_dma source(%arg12 : memref<125x128xf32, #tpu.memory_space<vmem>>) target(%dma_start3A_287 : memref<10000x128xf32, #tpu.memory_space<vmem_shared>>) offsets(%dma_start3A_284 : memref<125xi32, #tpu.memory_space<vmem>>) semaphore(%arg19 : memref<!tpu.dma_semaphore, #tpu.memory_space<semaphore_mem>>) {add = true}
      %dma_wait3A_288 = arith.constant 0 : i32
      %dma_wait3A_289 = arith.constant 0 : i32
      %dma_wait3A_290 = tpu.memref_slice %arg7[%dma_wait3A_288, %dma_wait3A_289] : memref<16x125xi32, #tpu.memory_space<vmem>> -> memref<1x125xi32, #tpu.memory_space<vmem>>
      %dma_wait3A_291 = tpu.memref_squeeze %dma_wait3A_290 : memref<1x125xi32, #tpu.memory_space<vmem>> -> memref<125xi32, #tpu.memory_space<vmem>>
      %dma_wait3A_292 = arith.constant 0 : i32
      %dma_wait3A_293 = arith.constant 0 : i32
      %dma_wait3A_294 = tpu.memref_slice %arg2[%add3A_3, %dma_wait3A_292, %dma_wait3A_293] : memref<4x10000x128xf32, #tpu.memory_space<hbm>> -> memref<1x10000x128xf32, #tpu.memory_space<hbm>>
      %dma_wait3A_295 = tpu.memref_squeeze %dma_wait3A_294 : memref<1x10000x128xf32, #tpu.memory_space<hbm>> -> memref<10000x128xf32, #tpu.memory_space<hbm>>
      %dma_wait3A_296 = arith.constant 0 : i32
      %dma_wait3A_297 = arith.constant 0 : i32
      %dma_wait3A_298 = tpu.memref_slice %dma_wait3A_295[%dma_wait3A_296, %dma_wait3A_297] : memref<10000x128xf32, #tpu.memory_space<hbm>> -> memref<10000x128xf32, #tpu.memory_space<hbm>>
      tpu.wait_indirect_dma semaphore(%arg14 : memref<!tpu.dma_semaphore, #tpu.memory_space<semaphore_mem>>) src(%dma_wait3A_298 : memref<10000x128xf32, #tpu.memory_space<hbm>>) dst(%arg11 : memref<125x128xf32, #tpu.memory_space<vmem>>)
      %dma_wait3A_299 = arith.constant 0 : i32
      %dma_wait3A_300 = arith.constant 0 : i32
      %dma_wait3A_301 = tpu.memref_slice %arg7[%dma_wait3A_299, %dma_wait3A_300] : memref<16x125xi32, #tpu.memory_space<vmem>> -> memref<1x125xi32, #tpu.memory_space<vmem>>
      %dma_wait3A_302 = tpu.memref_squeeze %dma_wait3A_301 : memref<1x125xi32, #tpu.memory_space<vmem>> -> memref<125xi32, #tpu.memory_space<vmem>>
      %dma_wait3A_303 = arith.constant 0 : i32
      %dma_wait3A_304 = arith.constant 0 : i32
      %dma_wait3A_305 = tpu.memref_slice %arg2[%add3A_3, %dma_wait3A_303, %dma_wait3A_304] : memref<4x10000x128xf32, #tpu.memory_space<hbm>> -> memref<1x10000x128xf32, #tpu.memory_space<hbm>>
      %dma_wait3A_306 = tpu.memref_squeeze %dma_wait3A_305 : memref<1x10000x128xf32, #tpu.memory_space<hbm>> -> memref<10000x128xf32, #tpu.memory_space<hbm>>
      %dma_wait3A_307 = arith.constant 0 : i32
      %dma_wait3A_308 = arith.constant 0 : i32
      %dma_wait3A_309 = tpu.memref_slice %dma_wait3A_306[%dma_wait3A_307, %dma_wait3A_308] : memref<10000x128xf32, #tpu.memory_space<hbm>> -> memref<10000x128xf32, #tpu.memory_space<hbm>>
      tpu.wait_indirect_dma semaphore(%arg19 : memref<!tpu.dma_semaphore, #tpu.memory_space<semaphore_mem>>) src(%dma_wait3A_309 : memref<10000x128xf32, #tpu.memory_space<hbm>>) dst(%arg12 : memref<125x128xf32, #tpu.memory_space<vmem>>)
      %dma_start3A_310 = arith.constant 5 : i32
      %dma_start3A_311 = arith.constant 0 : i32
      %dma_start3A_312 = tpu.memref_slice %arg7[%dma_start3A_310, %dma_start3A_311] : memref<16x125xi32, #tpu.memory_space<vmem>> -> memref<1x125xi32, #tpu.memory_space<vmem>>
      %dma_start3A_313 = tpu.memref_squeeze %dma_start3A_312 : memref<1x125xi32, #tpu.memory_space<vmem>> -> memref<125xi32, #tpu.memory_space<vmem>>
      %dma_start3A_314 = arith.constant 0 : i32
      %dma_start3A_315 = arith.constant 0 : i32
      %dma_start3A_316 = tpu.memref_slice %arg2[%add3A_3, %dma_start3A_314, %dma_start3A_315] : memref<4x10000x128xf32, #tpu.memory_space<hbm>> -> memref<1x10000x128xf32, #tpu.memory_space<hbm>>
      %dma_start3A_317 = tpu.memref_squeeze %dma_start3A_316 : memref<1x10000x128xf32, #tpu.memory_space<hbm>> -> memref<10000x128xf32, #tpu.memory_space<hbm>>
      %dma_start3A_318 = arith.constant 0 : i32
      %dma_start3A_319 = arith.constant 0 : i32
      %dma_start3A_320 = tpu.memref_slice %dma_start3A_317[%dma_start3A_318, %dma_start3A_319] : memref<10000x128xf32, #tpu.memory_space<hbm>> -> memref<10000x128xf32, #tpu.memory_space<hbm>>
      tpu.enqueue_indirect_dma source(%dma_start3A_320 : memref<10000x128xf32, #tpu.memory_space<hbm>>) target(%arg12 : memref<125x128xf32, #tpu.memory_space<vmem>>) offsets(%dma_start3A_313 : memref<125xi32, #tpu.memory_space<vmem>>) semaphore(%arg15 : memref<!tpu.dma_semaphore, #tpu.memory_space<semaphore_mem>>)
      %dma_start3A_321 = arith.constant 4 : i32
      %dma_start3A_322 = arith.constant 0 : i32
      %dma_start3A_323 = tpu.memref_slice %arg8[%dma_start3A_321, %dma_start3A_322] : memref<16x125xi32, #tpu.memory_space<vmem>> -> memref<1x125xi32, #tpu.memory_space<vmem>>
      %dma_start3A_324 = tpu.memref_squeeze %dma_start3A_323 : memref<1x125xi32, #tpu.memory_space<vmem>> -> memref<125xi32, #tpu.memory_space<vmem>>
      %dma_start3A_325 = arith.constant 0 : i32
      %dma_start3A_326 = arith.constant 0 : i32
      %dma_start3A_327 = tpu.memref_slice %arg13[%dma_start3A_325, %dma_start3A_326] : memref<10000x128xf32, #tpu.memory_space<vmem_shared>> -> memref<10000x128xf32, #tpu.memory_space<vmem_shared>>
      tpu.enqueue_indirect_dma source(%arg11 : memref<125x128xf32, #tpu.memory_space<vmem>>) target(%dma_start3A_327 : memref<10000x128xf32, #tpu.memory_space<vmem_shared>>) offsets(%dma_start3A_324 : memref<125xi32, #tpu.memory_space<vmem>>) semaphore(%arg18 : memref<!tpu.dma_semaphore, #tpu.memory_space<semaphore_mem>>) {add = true}
      %dma_wait3A_328 = arith.constant 0 : i32
      %dma_wait3A_329 = arith.constant 0 : i32
      %dma_wait3A_330 = tpu.memref_slice %arg7[%dma_wait3A_328, %dma_wait3A_329] : memref<16x125xi32, #tpu.memory_space<vmem>> -> memref<1x125xi32, #tpu.memory_space<vmem>>
      %dma_wait3A_331 = tpu.memref_squeeze %dma_wait3A_330 : memref<1x125xi32, #tpu.memory_space<vmem>> -> memref<125xi32, #tpu.memory_space<vmem>>
      %dma_wait3A_332 = arith.constant 0 : i32
      %dma_wait3A_333 = arith.constant 0 : i32
      %dma_wait3A_334 = tpu.memref_slice %arg2[%add3A_3, %dma_wait3A_332, %dma_wait3A_333] : memref<4x10000x128xf32, #tpu.memory_space<hbm>> -> memref<1x10000x128xf32, #tpu.memory_space<hbm>>
      %dma_wait3A_335 = tpu.memref_squeeze %dma_wait3A_334 : memref<1x10000x128xf32, #tpu.memory_space<hbm>> -> memref<10000x128xf32, #tpu.memory_space<hbm>>
      %dma_wait3A_336 = arith.constant 0 : i32
      %dma_wait3A_337 = arith.constant 0 : i32
      %dma_wait3A_338 = tpu.memref_slice %dma_wait3A_335[%dma_wait3A_336, %dma_wait3A_337] : memref<10000x128xf32, #tpu.memory_space<hbm>> -> memref<10000x128xf32, #tpu.memory_space<hbm>>
      tpu.wait_indirect_dma semaphore(%arg15 : memref<!tpu.dma_semaphore, #tpu.memory_space<semaphore_mem>>) src(%dma_wait3A_338 : memref<10000x128xf32, #tpu.memory_space<hbm>>) dst(%arg12 : memref<125x128xf32, #tpu.memory_space<vmem>>)
      %dma_wait3A_339 = arith.constant 0 : i32
      %dma_wait3A_340 = arith.constant 0 : i32
      %dma_wait3A_341 = tpu.memref_slice %arg7[%dma_wait3A_339, %dma_wait3A_340] : memref<16x125xi32, #tpu.memory_space<vmem>> -> memref<1x125xi32, #tpu.memory_space<vmem>>
      %dma_wait3A_342 = tpu.memref_squeeze %dma_wait3A_341 : memref<1x125xi32, #tpu.memory_space<vmem>> -> memref<125xi32, #tpu.memory_space<vmem>>
      %dma_wait3A_343 = arith.constant 0 : i32
      %dma_wait3A_344 = arith.constant 0 : i32
      %dma_wait3A_345 = tpu.memref_slice %arg2[%add3A_3, %dma_wait3A_343, %dma_wait3A_344] : memref<4x10000x128xf32, #tpu.memory_space<hbm>> -> memref<1x10000x128xf32, #tpu.memory_space<hbm>>
      %dma_wait3A_346 = tpu.memref_squeeze %dma_wait3A_345 : memref<1x10000x128xf32, #tpu.memory_space<hbm>> -> memref<10000x128xf32, #tpu.memory_space<hbm>>
      %dma_wait3A_347 = arith.constant 0 : i32
      %dma_wait3A_348 = arith.constant 0 : i32
      %dma_wait3A_349 = tpu.memref_slice %dma_wait3A_346[%dma_wait3A_347, %dma_wait3A_348] : memref<10000x128xf32, #tpu.memory_space<hbm>> -> memref<10000x128xf32, #tpu.memory_space<hbm>>
      tpu.wait_indirect_dma semaphore(%arg18 : memref<!tpu.dma_semaphore, #tpu.memory_space<semaphore_mem>>) src(%dma_wait3A_349 : memref<10000x128xf32, #tpu.memory_space<hbm>>) dst(%arg11 : memref<125x128xf32, #tpu.memory_space<vmem>>)
      %dma_start3A_350 = arith.constant 6 : i32
      %dma_start3A_351 = arith.constant 0 : i32
      %dma_start3A_352 = tpu.memref_slice %arg7[%dma_start3A_350, %dma_start3A_351] : memref<16x125xi32, #tpu.memory_space<vmem>> -> memref<1x125xi32, #tpu.memory_space<vmem>>
      %dma_start3A_353 = tpu.memref_squeeze %dma_start3A_352 : memref<1x125xi32, #tpu.memory_space<vmem>> -> memref<125xi32, #tpu.memory_space<vmem>>
      %dma_start3A_354 = arith.constant 0 : i32
      %dma_start3A_355 = arith.constant 0 : i32
      %dma_start3A_356 = tpu.memref_slice %arg2[%add3A_3, %dma_start3A_354, %dma_start3A_355] : memref<4x10000x128xf32, #tpu.memory_space<hbm>> -> memref<1x10000x128xf32, #tpu.memory_space<hbm>>
      %dma_start3A_357 = tpu.memref_squeeze %dma_start3A_356 : memref<1x10000x128xf32, #tpu.memory_space<hbm>> -> memref<10000x128xf32, #tpu.memory_space<hbm>>
      %dma_start3A_358 = arith.constant 0 : i32
      %dma_start3A_359 = arith.constant 0 : i32
      %dma_start3A_360 = tpu.memref_slice %dma_start3A_357[%dma_start3A_358, %dma_start3A_359] : memref<10000x128xf32, #tpu.memory_space<hbm>> -> memref<10000x128xf32, #tpu.memory_space<hbm>>
      tpu.enqueue_indirect_dma source(%dma_start3A_360 : memref<10000x128xf32, #tpu.memory_space<hbm>>) target(%arg11 : memref<125x128xf32, #tpu.memory_space<vmem>>) offsets(%dma_start3A_353 : memref<125xi32, #tpu.memory_space<vmem>>) semaphore(%arg14 : memref<!tpu.dma_semaphore, #tpu.memory_space<semaphore_mem>>)
      %dma_start3A_361 = arith.constant 5 : i32
      %dma_start3A_362 = arith.constant 0 : i32
      %dma_start3A_363 = tpu.memref_slice %arg8[%dma_start3A_361, %dma_start3A_362] : memref<16x125xi32, #tpu.memory_space<vmem>> -> memref<1x125xi32, #tpu.memory_space<vmem>>
      %dma_start3A_364 = tpu.memref_squeeze %dma_start3A_363 : memref<1x125xi32, #tpu.memory_space<vmem>> -> memref<125xi32, #tpu.memory_space<vmem>>
      %dma_start3A_365 = arith.constant 0 : i32
      %dma_start3A_366 = arith.constant 0 : i32
      %dma_start3A_367 = tpu.memref_slice %arg13[%dma_start3A_365, %dma_start3A_366] : memref<10000x128xf32, #tpu.memory_space<vmem_shared>> -> memref<10000x128xf32, #tpu.memory_space<vmem_shared>>
      tpu.enqueue_indirect_dma source(%arg12 : memref<125x128xf32, #tpu.memory_space<vmem>>) target(%dma_start3A_367 : memref<10000x128xf32, #tpu.memory_space<vmem_shared>>) offsets(%dma_start3A_364 : memref<125xi32, #tpu.memory_space<vmem>>) semaphore(%arg19 : memref<!tpu.dma_semaphore, #tpu.memory_space<semaphore_mem>>) {add = true}
      %dma_wait3A_368 = arith.constant 0 : i32
      %dma_wait3A_369 = arith.constant 0 : i32
      %dma_wait3A_370 = tpu.memref_slice %arg7[%dma_wait3A_368, %dma_wait3A_369] : memref<16x125xi32, #tpu.memory_space<vmem>> -> memref<1x125xi32, #tpu.memory_space<vmem>>
      %dma_wait3A_371 = tpu.memref_squeeze %dma_wait3A_370 : memref<1x125xi32, #tpu.memory_space<vmem>> -> memref<125xi32, #tpu.memory_space<vmem>>
      %dma_wait3A_372 = arith.constant 0 : i32
      %dma_wait3A_373 = arith.constant 0 : i32
      %dma_wait3A_374 = tpu.memref_slice %arg2[%add3A_3, %dma_wait3A_372, %dma_wait3A_373] : memref<4x10000x128xf32, #tpu.memory_space<hbm>> -> memref<1x10000x128xf32, #tpu.memory_space<hbm>>
      %dma_wait3A_375 = tpu.memref_squeeze %dma_wait3A_374 : memref<1x10000x128xf32, #tpu.memory_space<hbm>> -> memref<10000x128xf32, #tpu.memory_space<hbm>>
      %dma_wait3A_376 = arith.constant 0 : i32
      %dma_wait3A_377 = arith.constant 0 : i32
      %dma_wait3A_378 = tpu.memref_slice %dma_wait3A_375[%dma_wait3A_376, %dma_wait3A_377] : memref<10000x128xf32, #tpu.memory_space<hbm>> -> memref<10000x128xf32, #tpu.memory_space<hbm>>
      tpu.wait_indirect_dma semaphore(%arg14 : memref<!tpu.dma_semaphore, #tpu.memory_space<semaphore_mem>>) src(%dma_wait3A_378 : memref<10000x128xf32, #tpu.memory_space<hbm>>) dst(%arg11 : memref<125x128xf32, #tpu.memory_space<vmem>>)
      %dma_wait3A_379 = arith.constant 0 : i32
      %dma_wait3A_380 = arith.constant 0 : i32
      %dma_wait3A_381 = tpu.memref_slice %arg7[%dma_wait3A_379, %dma_wait3A_380] : memref<16x125xi32, #tpu.memory_space<vmem>> -> memref<1x125xi32, #tpu.memory_space<vmem>>
      %dma_wait3A_382 = tpu.memref_squeeze %dma_wait3A_381 : memref<1x125xi32, #tpu.memory_space<vmem>> -> memref<125xi32, #tpu.memory_space<vmem>>
      %dma_wait3A_383 = arith.constant 0 : i32
      %dma_wait3A_384 = arith.constant 0 : i32
      %dma_wait3A_385 = tpu.memref_slice %arg2[%add3A_3, %dma_wait3A_383, %dma_wait3A_384] : memref<4x10000x128xf32, #tpu.memory_space<hbm>> -> memref<1x10000x128xf32, #tpu.memory_space<hbm>>
      %dma_wait3A_386 = tpu.memref_squeeze %dma_wait3A_385 : memref<1x10000x128xf32, #tpu.memory_space<hbm>> -> memref<10000x128xf32, #tpu.memory_space<hbm>>
      %dma_wait3A_387 = arith.constant 0 : i32
      %dma_wait3A_388 = arith.constant 0 : i32
      %dma_wait3A_389 = tpu.memref_slice %dma_wait3A_386[%dma_wait3A_387, %dma_wait3A_388] : memref<10000x128xf32, #tpu.memory_space<hbm>> -> memref<10000x128xf32, #tpu.memory_space<hbm>>
      tpu.wait_indirect_dma semaphore(%arg19 : memref<!tpu.dma_semaphore, #tpu.memory_space<semaphore_mem>>) src(%dma_wait3A_389 : memref<10000x128xf32, #tpu.memory_space<hbm>>) dst(%arg12 : memref<125x128xf32, #tpu.memory_space<vmem>>)
      %dma_start3A_390 = arith.constant 7 : i32
      %dma_start3A_391 = arith.constant 0 : i32
      %dma_start3A_392 = tpu.memref_slice %arg7[%dma_start3A_390, %dma_start3A_391] : memref<16x125xi32, #tpu.memory_space<vmem>> -> memref<1x125xi32, #tpu.memory_space<vmem>>
      %dma_start3A_393 = tpu.memref_squeeze %dma_start3A_392 : memref<1x125xi32, #tpu.memory_space<vmem>> -> memref<125xi32, #tpu.memory_space<vmem>>
      %dma_start3A_394 = arith.constant 0 : i32
      %dma_start3A_395 = arith.constant 0 : i32
      %dma_start3A_396 = tpu.memref_slice %arg2[%add3A_3, %dma_start3A_394, %dma_start3A_395] : memref<4x10000x128xf32, #tpu.memory_space<hbm>> -> memref<1x10000x128xf32, #tpu.memory_space<hbm>>
      %dma_start3A_397 = tpu.memref_squeeze %dma_start3A_396 : memref<1x10000x128xf32, #tpu.memory_space<hbm>> -> memref<10000x128xf32, #tpu.memory_space<hbm>>
      %dma_start3A_398 = arith.constant 0 : i32
      %dma_start3A_399 = arith.constant 0 : i32
      %dma_start3A_400 = tpu.memref_slice %dma_start3A_397[%dma_start3A_398, %dma_start3A_399] : memref<10000x128xf32, #tpu.memory_space<hbm>> -> memref<10000x128xf32, #tpu.memory_space<hbm>>
      tpu.enqueue_indirect_dma source(%dma_start3A_400 : memref<10000x128xf32, #tpu.memory_space<hbm>>) target(%arg12 : memref<125x128xf32, #tpu.memory_space<vmem>>) offsets(%dma_start3A_393 : memref<125xi32, #tpu.memory_space<vmem>>) semaphore(%arg15 : memref<!tpu.dma_semaphore, #tpu.memory_space<semaphore_mem>>)
      %dma_start3A_401 = arith.constant 6 : i32
      %dma_start3A_402 = arith.constant 0 : i32
      %dma_start3A_403 = tpu.memref_slice %arg8[%dma_start3A_401, %dma_start3A_402] : memref<16x125xi32, #tpu.memory_space<vmem>> -> memref<1x125xi32, #tpu.memory_space<vmem>>
      %dma_start3A_404 = tpu.memref_squeeze %dma_start3A_403 : memref<1x125xi32, #tpu.memory_space<vmem>> -> memref<125xi32, #tpu.memory_space<vmem>>
      %dma_start3A_405 = arith.constant 0 : i32
      %dma_start3A_406 = arith.constant 0 : i32
      %dma_start3A_407 = tpu.memref_slice %arg13[%dma_start3A_405, %dma_start3A_406] : memref<10000x128xf32, #tpu.memory_space<vmem_shared>> -> memref<10000x128xf32, #tpu.memory_space<vmem_shared>>
      tpu.enqueue_indirect_dma source(%arg11 : memref<125x128xf32, #tpu.memory_space<vmem>>) target(%dma_start3A_407 : memref<10000x128xf32, #tpu.memory_space<vmem_shared>>) offsets(%dma_start3A_404 : memref<125xi32, #tpu.memory_space<vmem>>) semaphore(%arg18 : memref<!tpu.dma_semaphore, #tpu.memory_space<semaphore_mem>>) {add = true}
      %dma_wait3A_408 = arith.constant 0 : i32
      %dma_wait3A_409 = arith.constant 0 : i32
      %dma_wait3A_410 = tpu.memref_slice %arg7[%dma_wait3A_408, %dma_wait3A_409] : memref<16x125xi32, #tpu.memory_space<vmem>> -> memref<1x125xi32, #tpu.memory_space<vmem>>
      %dma_wait3A_411 = tpu.memref_squeeze %dma_wait3A_410 : memref<1x125xi32, #tpu.memory_space<vmem>> -> memref<125xi32, #tpu.memory_space<vmem>>
      %dma_wait3A_412 = arith.constant 0 : i32
      %dma_wait3A_413 = arith.constant 0 : i32
      %dma_wait3A_414 = tpu.memref_slice %arg2[%add3A_3, %dma_wait3A_412, %dma_wait3A_413] : memref<4x10000x128xf32, #tpu.memory_space<hbm>> -> memref<1x10000x128xf32, #tpu.memory_space<hbm>>
      %dma_wait3A_415 = tpu.memref_squeeze %dma_wait3A_414 : memref<1x10000x128xf32, #tpu.memory_space<hbm>> -> memref<10000x128xf32, #tpu.memory_space<hbm>>
      %dma_wait3A_416 = arith.constant 0 : i32
      %dma_wait3A_417 = arith.constant 0 : i32
      %dma_wait3A_418 = tpu.memref_slice %dma_wait3A_415[%dma_wait3A_416, %dma_wait3A_417] : memref<10000x128xf32, #tpu.memory_space<hbm>> -> memref<10000x128xf32, #tpu.memory_space<hbm>>
      tpu.wait_indirect_dma semaphore(%arg15 : memref<!tpu.dma_semaphore, #tpu.memory_space<semaphore_mem>>) src(%dma_wait3A_418 : memref<10000x128xf32, #tpu.memory_space<hbm>>) dst(%arg12 : memref<125x128xf32, #tpu.memory_space<vmem>>)
      %dma_wait3A_419 = arith.constant 0 : i32
      %dma_wait3A_420 = arith.constant 0 : i32
      %dma_wait3A_421 = tpu.memref_slice %arg7[%dma_wait3A_419, %dma_wait3A_420] : memref<16x125xi32, #tpu.memory_space<vmem>> -> memref<1x125xi32, #tpu.memory_space<vmem>>
      %dma_wait3A_422 = tpu.memref_squeeze %dma_wait3A_421 : memref<1x125xi32, #tpu.memory_space<vmem>> -> memref<125xi32, #tpu.memory_space<vmem>>
      %dma_wait3A_423 = arith.constant 0 : i32
      %dma_wait3A_424 = arith.constant 0 : i32
      %dma_wait3A_425 = tpu.memref_slice %arg2[%add3A_3, %dma_wait3A_423, %dma_wait3A_424] : memref<4x10000x128xf32, #tpu.memory_space<hbm>> -> memref<1x10000x128xf32, #tpu.memory_space<hbm>>
      %dma_wait3A_426 = tpu.memref_squeeze %dma_wait3A_425 : memref<1x10000x128xf32, #tpu.memory_space<hbm>> -> memref<10000x128xf32, #tpu.memory_space<hbm>>
      %dma_wait3A_427 = arith.constant 0 : i32
      %dma_wait3A_428 = arith.constant 0 : i32
      %dma_wait3A_429 = tpu.memref_slice %dma_wait3A_426[%dma_wait3A_427, %dma_wait3A_428] : memref<10000x128xf32, #tpu.memory_space<hbm>> -> memref<10000x128xf32, #tpu.memory_space<hbm>>
      tpu.wait_indirect_dma semaphore(%arg18 : memref<!tpu.dma_semaphore, #tpu.memory_space<semaphore_mem>>) src(%dma_wait3A_429 : memref<10000x128xf32, #tpu.memory_space<hbm>>) dst(%arg11 : memref<125x128xf32, #tpu.memory_space<vmem>>)
      %dma_start3A_430 = arith.constant 8 : i32
      %dma_start3A_431 = arith.constant 0 : i32
      %dma_start3A_432 = tpu.memref_slice %arg7[%dma_start3A_430, %dma_start3A_431] : memref<16x125xi32, #tpu.memory_space<vmem>> -> memref<1x125xi32, #tpu.memory_space<vmem>>
      %dma_start3A_433 = tpu.memref_squeeze %dma_start3A_432 : memref<1x125xi32, #tpu.memory_space<vmem>> -> memref<125xi32, #tpu.memory_space<vmem>>
      %dma_start3A_434 = arith.constant 0 : i32
      %dma_start3A_435 = arith.constant 0 : i32
      %dma_start3A_436 = tpu.memref_slice %arg2[%add3A_3, %dma_start3A_434, %dma_start3A_435] : memref<4x10000x128xf32, #tpu.memory_space<hbm>> -> memref<1x10000x128xf32, #tpu.memory_space<hbm>>
      %dma_start3A_437 = tpu.memref_squeeze %dma_start3A_436 : memref<1x10000x128xf32, #tpu.memory_space<hbm>> -> memref<10000x128xf32, #tpu.memory_space<hbm>>
      %dma_start3A_438 = arith.constant 0 : i32
      %dma_start3A_439 = arith.constant 0 : i32
      %dma_start3A_440 = tpu.memref_slice %dma_start3A_437[%dma_start3A_438, %dma_start3A_439] : memref<10000x128xf32, #tpu.memory_space<hbm>> -> memref<10000x128xf32, #tpu.memory_space<hbm>>
      tpu.enqueue_indirect_dma source(%dma_start3A_440 : memref<10000x128xf32, #tpu.memory_space<hbm>>) target(%arg11 : memref<125x128xf32, #tpu.memory_space<vmem>>) offsets(%dma_start3A_433 : memref<125xi32, #tpu.memory_space<vmem>>) semaphore(%arg14 : memref<!tpu.dma_semaphore, #tpu.memory_space<semaphore_mem>>)
      %dma_start3A_441 = arith.constant 7 : i32
      %dma_start3A_442 = arith.constant 0 : i32
      %dma_start3A_443 = tpu.memref_slice %arg8[%dma_start3A_441, %dma_start3A_442] : memref<16x125xi32, #tpu.memory_space<vmem>> -> memref<1x125xi32, #tpu.memory_space<vmem>>
      %dma_start3A_444 = tpu.memref_squeeze %dma_start3A_443 : memref<1x125xi32, #tpu.memory_space<vmem>> -> memref<125xi32, #tpu.memory_space<vmem>>
      %dma_start3A_445 = arith.constant 0 : i32
      %dma_start3A_446 = arith.constant 0 : i32
      %dma_start3A_447 = tpu.memref_slice %arg13[%dma_start3A_445, %dma_start3A_446] : memref<10000x128xf32, #tpu.memory_space<vmem_shared>> -> memref<10000x128xf32, #tpu.memory_space<vmem_shared>>
      tpu.enqueue_indirect_dma source(%arg12 : memref<125x128xf32, #tpu.memory_space<vmem>>) target(%dma_start3A_447 : memref<10000x128xf32, #tpu.memory_space<vmem_shared>>) offsets(%dma_start3A_444 : memref<125xi32, #tpu.memory_space<vmem>>) semaphore(%arg19 : memref<!tpu.dma_semaphore, #tpu.memory_space<semaphore_mem>>) {add = true}
      %dma_wait3A_448 = arith.constant 0 : i32
      %dma_wait3A_449 = arith.constant 0 : i32
      %dma_wait3A_450 = tpu.memref_slice %arg7[%dma_wait3A_448, %dma_wait3A_449] : memref<16x125xi32, #tpu.memory_space<vmem>> -> memref<1x125xi32, #tpu.memory_space<vmem>>
      %dma_wait3A_451 = tpu.memref_squeeze %dma_wait3A_450 : memref<1x125xi32, #tpu.memory_space<vmem>> -> memref<125xi32, #tpu.memory_space<vmem>>
      %dma_wait3A_452 = arith.constant 0 : i32
      %dma_wait3A_453 = arith.constant 0 : i32
      %dma_wait3A_454 = tpu.memref_slice %arg2[%add3A_3, %dma_wait3A_452, %dma_wait3A_453] : memref<4x10000x128xf32, #tpu.memory_space<hbm>> -> memref<1x10000x128xf32, #tpu.memory_space<hbm>>
      %dma_wait3A_455 = tpu.memref_squeeze %dma_wait3A_454 : memref<1x10000x128xf32, #tpu.memory_space<hbm>> -> memref<10000x128xf32, #tpu.memory_space<hbm>>
      %dma_wait3A_456 = arith.constant 0 : i32
      %dma_wait3A_457 = arith.constant 0 : i32
      %dma_wait3A_458 = tpu.memref_slice %dma_wait3A_455[%dma_wait3A_456, %dma_wait3A_457] : memref<10000x128xf32, #tpu.memory_space<hbm>> -> memref<10000x128xf32, #tpu.memory_space<hbm>>
      tpu.wait_indirect_dma semaphore(%arg14 : memref<!tpu.dma_semaphore, #tpu.memory_space<semaphore_mem>>) src(%dma_wait3A_458 : memref<10000x128xf32, #tpu.memory_space<hbm>>) dst(%arg11 : memref<125x128xf32, #tpu.memory_space<vmem>>)
      %dma_wait3A_459 = arith.constant 0 : i32
      %dma_wait3A_460 = arith.constant 0 : i32
      %dma_wait3A_461 = tpu.memref_slice %arg7[%dma_wait3A_459, %dma_wait3A_460] : memref<16x125xi32, #tpu.memory_space<vmem>> -> memref<1x125xi32, #tpu.memory_space<vmem>>
      %dma_wait3A_462 = tpu.memref_squeeze %dma_wait3A_461 : memref<1x125xi32, #tpu.memory_space<vmem>> -> memref<125xi32, #tpu.memory_space<vmem>>
      %dma_wait3A_463 = arith.constant 0 : i32
      %dma_wait3A_464 = arith.constant 0 : i32
      %dma_wait3A_465 = tpu.memref_slice %arg2[%add3A_3, %dma_wait3A_463, %dma_wait3A_464] : memref<4x10000x128xf32, #tpu.memory_space<hbm>> -> memref<1x10000x128xf32, #tpu.memory_space<hbm>>
      %dma_wait3A_466 = tpu.memref_squeeze %dma_wait3A_465 : memref<1x10000x128xf32, #tpu.memory_space<hbm>> -> memref<10000x128xf32, #tpu.memory_space<hbm>>
      %dma_wait3A_467 = arith.constant 0 : i32
      %dma_wait3A_468 = arith.constant 0 : i32
      %dma_wait3A_469 = tpu.memref_slice %dma_wait3A_466[%dma_wait3A_467, %dma_wait3A_468] : memref<10000x128xf32, #tpu.memory_space<hbm>> -> memref<10000x128xf32, #tpu.memory_space<hbm>>
      tpu.wait_indirect_dma semaphore(%arg19 : memref<!tpu.dma_semaphore, #tpu.memory_space<semaphore_mem>>) src(%dma_wait3A_469 : memref<10000x128xf32, #tpu.memory_space<hbm>>) dst(%arg12 : memref<125x128xf32, #tpu.memory_space<vmem>>)
      %dma_start3A_470 = arith.constant 9 : i32
      %dma_start3A_471 = arith.constant 0 : i32
      %dma_start3A_472 = tpu.memref_slice %arg7[%dma_start3A_470, %dma_start3A_471] : memref<16x125xi32, #tpu.memory_space<vmem>> -> memref<1x125xi32, #tpu.memory_space<vmem>>
      %dma_start3A_473 = tpu.memref_squeeze %dma_start3A_472 : memref<1x125xi32, #tpu.memory_space<vmem>> -> memref<125xi32, #tpu.memory_space<vmem>>
      %dma_start3A_474 = arith.constant 0 : i32
      %dma_start3A_475 = arith.constant 0 : i32
      %dma_start3A_476 = tpu.memref_slice %arg2[%add3A_3, %dma_start3A_474, %dma_start3A_475] : memref<4x10000x128xf32, #tpu.memory_space<hbm>> -> memref<1x10000x128xf32, #tpu.memory_space<hbm>>
      %dma_start3A_477 = tpu.memref_squeeze %dma_start3A_476 : memref<1x10000x128xf32, #tpu.memory_space<hbm>> -> memref<10000x128xf32, #tpu.memory_space<hbm>>
      %dma_start3A_478 = arith.constant 0 : i32
      %dma_start3A_479 = arith.constant 0 : i32
      %dma_start3A_480 = tpu.memref_slice %dma_start3A_477[%dma_start3A_478, %dma_start3A_479] : memref<10000x128xf32, #tpu.memory_space<hbm>> -> memref<10000x128xf32, #tpu.memory_space<hbm>>
      tpu.enqueue_indirect_dma source(%dma_start3A_480 : memref<10000x128xf32, #tpu.memory_space<hbm>>) target(%arg12 : memref<125x128xf32, #tpu.memory_space<vmem>>) offsets(%dma_start3A_473 : memref<125xi32, #tpu.memory_space<vmem>>) semaphore(%arg15 : memref<!tpu.dma_semaphore, #tpu.memory_space<semaphore_mem>>)
      %dma_start3A_481 = arith.constant 8 : i32
      %dma_start3A_482 = arith.constant 0 : i32
      %dma_start3A_483 = tpu.memref_slice %arg8[%dma_start3A_481, %dma_start3A_482] : memref<16x125xi32, #tpu.memory_space<vmem>> -> memref<1x125xi32, #tpu.memory_space<vmem>>
      %dma_start3A_484 = tpu.memref_squeeze %dma_start3A_483 : memref<1x125xi32, #tpu.memory_space<vmem>> -> memref<125xi32, #tpu.memory_space<vmem>>
      %dma_start3A_485 = arith.constant 0 : i32
      %dma_start3A_486 = arith.constant 0 : i32
      %dma_start3A_487 = tpu.memref_slice %arg13[%dma_start3A_485, %dma_start3A_486] : memref<10000x128xf32, #tpu.memory_space<vmem_shared>> -> memref<10000x128xf32, #tpu.memory_space<vmem_shared>>
      tpu.enqueue_indirect_dma source(%arg11 : memref<125x128xf32, #tpu.memory_space<vmem>>) target(%dma_start3A_487 : memref<10000x128xf32, #tpu.memory_space<vmem_shared>>) offsets(%dma_start3A_484 : memref<125xi32, #tpu.memory_space<vmem>>) semaphore(%arg18 : memref<!tpu.dma_semaphore, #tpu.memory_space<semaphore_mem>>) {add = true}
      %dma_wait3A_488 = arith.constant 0 : i32
      %dma_wait3A_489 = arith.constant 0 : i32
      %dma_wait3A_490 = tpu.memref_slice %arg7[%dma_wait3A_488, %dma_wait3A_489] : memref<16x125xi32, #tpu.memory_space<vmem>> -> memref<1x125xi32, #tpu.memory_space<vmem>>
      %dma_wait3A_491 = tpu.memref_squeeze %dma_wait3A_490 : memref<1x125xi32, #tpu.memory_space<vmem>> -> memref<125xi32, #tpu.memory_space<vmem>>
      %dma_wait3A_492 = arith.constant 0 : i32
      %dma_wait3A_493 = arith.constant 0 : i32
      %dma_wait3A_494 = tpu.memref_slice %arg2[%add3A_3, %dma_wait3A_492, %dma_wait3A_493] : memref<4x10000x128xf32, #tpu.memory_space<hbm>> -> memref<1x10000x128xf32, #tpu.memory_space<hbm>>
      %dma_wait3A_495 = tpu.memref_squeeze %dma_wait3A_494 : memref<1x10000x128xf32, #tpu.memory_space<hbm>> -> memref<10000x128xf32, #tpu.memory_space<hbm>>
      %dma_wait3A_496 = arith.constant 0 : i32
      %dma_wait3A_497 = arith.constant 0 : i32
      %dma_wait3A_498 = tpu.memref_slice %dma_wait3A_495[%dma_wait3A_496, %dma_wait3A_497] : memref<10000x128xf32, #tpu.memory_space<hbm>> -> memref<10000x128xf32, #tpu.memory_space<hbm>>
      tpu.wait_indirect_dma semaphore(%arg15 : memref<!tpu.dma_semaphore, #tpu.memory_space<semaphore_mem>>) src(%dma_wait3A_498 : memref<10000x128xf32, #tpu.memory_space<hbm>>) dst(%arg12 : memref<125x128xf32, #tpu.memory_space<vmem>>)
      %dma_wait3A_499 = arith.constant 0 : i32
      %dma_wait3A_500 = arith.constant 0 : i32
      %dma_wait3A_501 = tpu.memref_slice %arg7[%dma_wait3A_499, %dma_wait3A_500] : memref<16x125xi32, #tpu.memory_space<vmem>> -> memref<1x125xi32, #tpu.memory_space<vmem>>
      %dma_wait3A_502 = tpu.memref_squeeze %dma_wait3A_501 : memref<1x125xi32, #tpu.memory_space<vmem>> -> memref<125xi32, #tpu.memory_space<vmem>>
      %dma_wait3A_503 = arith.constant 0 : i32
      %dma_wait3A_504 = arith.constant 0 : i32
      %dma_wait3A_505 = tpu.memref_slice %arg2[%add3A_3, %dma_wait3A_503, %dma_wait3A_504] : memref<4x10000x128xf32, #tpu.memory_space<hbm>> -> memref<1x10000x128xf32, #tpu.memory_space<hbm>>
      %dma_wait3A_506 = tpu.memref_squeeze %dma_wait3A_505 : memref<1x10000x128xf32, #tpu.memory_space<hbm>> -> memref<10000x128xf32, #tpu.memory_space<hbm>>
      %dma_wait3A_507 = arith.constant 0 : i32
      %dma_wait3A_508 = arith.constant 0 : i32
      %dma_wait3A_509 = tpu.memref_slice %dma_wait3A_506[%dma_wait3A_507, %dma_wait3A_508] : memref<10000x128xf32, #tpu.memory_space<hbm>> -> memref<10000x128xf32, #tpu.memory_space<hbm>>
      tpu.wait_indirect_dma semaphore(%arg18 : memref<!tpu.dma_semaphore, #tpu.memory_space<semaphore_mem>>) src(%dma_wait3A_509 : memref<10000x128xf32, #tpu.memory_space<hbm>>) dst(%arg11 : memref<125x128xf32, #tpu.memory_space<vmem>>)
      %dma_start3A_510 = arith.constant 10 : i32
      %dma_start3A_511 = arith.constant 0 : i32
      %dma_start3A_512 = tpu.memref_slice %arg7[%dma_start3A_510, %dma_start3A_511] : memref<16x125xi32, #tpu.memory_space<vmem>> -> memref<1x125xi32, #tpu.memory_space<vmem>>
      %dma_start3A_513 = tpu.memref_squeeze %dma_start3A_512 : memref<1x125xi32, #tpu.memory_space<vmem>> -> memref<125xi32, #tpu.memory_space<vmem>>
      %dma_start3A_514 = arith.constant 0 : i32
      %dma_start3A_515 = arith.constant 0 : i32
      %dma_start3A_516 = tpu.memref_slice %arg2[%add3A_3, %dma_start3A_514, %dma_start3A_515] : memref<4x10000x128xf32, #tpu.memory_space<hbm>> -> memref<1x10000x128xf32, #tpu.memory_space<hbm>>
      %dma_start3A_517 = tpu.memref_squeeze %dma_start3A_516 : memref<1x10000x128xf32, #tpu.memory_space<hbm>> -> memref<10000x128xf32, #tpu.memory_space<hbm>>
      %dma_start3A_518 = arith.constant 0 : i32
      %dma_start3A_519 = arith.constant 0 : i32
      %dma_start3A_520 = tpu.memref_slice %dma_start3A_517[%dma_start3A_518, %dma_start3A_519] : memref<10000x128xf32, #tpu.memory_space<hbm>> -> memref<10000x128xf32, #tpu.memory_space<hbm>>
      tpu.enqueue_indirect_dma source(%dma_start3A_520 : memref<10000x128xf32, #tpu.memory_space<hbm>>) target(%arg11 : memref<125x128xf32, #tpu.memory_space<vmem>>) offsets(%dma_start3A_513 : memref<125xi32, #tpu.memory_space<vmem>>) semaphore(%arg14 : memref<!tpu.dma_semaphore, #tpu.memory_space<semaphore_mem>>)
      %dma_start3A_521 = arith.constant 9 : i32
      %dma_start3A_522 = arith.constant 0 : i32
      %dma_start3A_523 = tpu.memref_slice %arg8[%dma_start3A_521, %dma_start3A_522] : memref<16x125xi32, #tpu.memory_space<vmem>> -> memref<1x125xi32, #tpu.memory_space<vmem>>
      %dma_start3A_524 = tpu.memref_squeeze %dma_start3A_523 : memref<1x125xi32, #tpu.memory_space<vmem>> -> memref<125xi32, #tpu.memory_space<vmem>>
      %dma_start3A_525 = arith.constant 0 : i32
      %dma_start3A_526 = arith.constant 0 : i32
      %dma_start3A_527 = tpu.memref_slice %arg13[%dma_start3A_525, %dma_start3A_526] : memref<10000x128xf32, #tpu.memory_space<vmem_shared>> -> memref<10000x128xf32, #tpu.memory_space<vmem_shared>>
      tpu.enqueue_indirect_dma source(%arg12 : memref<125x128xf32, #tpu.memory_space<vmem>>) target(%dma_start3A_527 : memref<10000x128xf32, #tpu.memory_space<vmem_shared>>) offsets(%dma_start3A_524 : memref<125xi32, #tpu.memory_space<vmem>>) semaphore(%arg19 : memref<!tpu.dma_semaphore, #tpu.memory_space<semaphore_mem>>) {add = true}
      %dma_wait3A_528 = arith.constant 0 : i32
      %dma_wait3A_529 = arith.constant 0 : i32
      %dma_wait3A_530 = tpu.memref_slice %arg7[%dma_wait3A_528, %dma_wait3A_529] : memref<16x125xi32, #tpu.memory_space<vmem>> -> memref<1x125xi32, #tpu.memory_space<vmem>>
      %dma_wait3A_531 = tpu.memref_squeeze %dma_wait3A_530 : memref<1x125xi32, #tpu.memory_space<vmem>> -> memref<125xi32, #tpu.memory_space<vmem>>
      %dma_wait3A_532 = arith.constant 0 : i32
      %dma_wait3A_533 = arith.constant 0 : i32
      %dma_wait3A_534 = tpu.memref_slice %arg2[%add3A_3, %dma_wait3A_532, %dma_wait3A_533] : memref<4x10000x128xf32, #tpu.memory_space<hbm>> -> memref<1x10000x128xf32, #tpu.memory_space<hbm>>
      %dma_wait3A_535 = tpu.memref_squeeze %dma_wait3A_534 : memref<1x10000x128xf32, #tpu.memory_space<hbm>> -> memref<10000x128xf32, #tpu.memory_space<hbm>>
      %dma_wait3A_536 = arith.constant 0 : i32
      %dma_wait3A_537 = arith.constant 0 : i32
      %dma_wait3A_538 = tpu.memref_slice %dma_wait3A_535[%dma_wait3A_536, %dma_wait3A_537] : memref<10000x128xf32, #tpu.memory_space<hbm>> -> memref<10000x128xf32, #tpu.memory_space<hbm>>
      tpu.wait_indirect_dma semaphore(%arg14 : memref<!tpu.dma_semaphore, #tpu.memory_space<semaphore_mem>>) src(%dma_wait3A_538 : memref<10000x128xf32, #tpu.memory_space<hbm>>) dst(%arg11 : memref<125x128xf32, #tpu.memory_space<vmem>>)
      %dma_wait3A_539 = arith.constant 0 : i32
      %dma_wait3A_540 = arith.constant 0 : i32
      %dma_wait3A_541 = tpu.memref_slice %arg7[%dma_wait3A_539, %dma_wait3A_540] : memref<16x125xi32, #tpu.memory_space<vmem>> -> memref<1x125xi32, #tpu.memory_space<vmem>>
      %dma_wait3A_542 = tpu.memref_squeeze %dma_wait3A_541 : memref<1x125xi32, #tpu.memory_space<vmem>> -> memref<125xi32, #tpu.memory_space<vmem>>
      %dma_wait3A_543 = arith.constant 0 : i32
      %dma_wait3A_544 = arith.constant 0 : i32
      %dma_wait3A_545 = tpu.memref_slice %arg2[%add3A_3, %dma_wait3A_543, %dma_wait3A_544] : memref<4x10000x128xf32, #tpu.memory_space<hbm>> -> memref<1x10000x128xf32, #tpu.memory_space<hbm>>
      %dma_wait3A_546 = tpu.memref_squeeze %dma_wait3A_545 : memref<1x10000x128xf32, #tpu.memory_space<hbm>> -> memref<10000x128xf32, #tpu.memory_space<hbm>>
      %dma_wait3A_547 = arith.constant 0 : i32
      %dma_wait3A_548 = arith.constant 0 : i32
      %dma_wait3A_549 = tpu.memref_slice %dma_wait3A_546[%dma_wait3A_547, %dma_wait3A_548] : memref<10000x128xf32, #tpu.memory_space<hbm>> -> memref<10000x128xf32, #tpu.memory_space<hbm>>
      tpu.wait_indirect_dma semaphore(%arg19 : memref<!tpu.dma_semaphore, #tpu.memory_space<semaphore_mem>>) src(%dma_wait3A_549 : memref<10000x128xf32, #tpu.memory_space<hbm>>) dst(%arg12 : memref<125x128xf32, #tpu.memory_space<vmem>>)
      %dma_start3A_550 = arith.constant 11 : i32
      %dma_start3A_551 = arith.constant 0 : i32
      %dma_start3A_552 = tpu.memref_slice %arg7[%dma_start3A_550, %dma_start3A_551] : memref<16x125xi32, #tpu.memory_space<vmem>> -> memref<1x125xi32, #tpu.memory_space<vmem>>
      %dma_start3A_553 = tpu.memref_squeeze %dma_start3A_552 : memref<1x125xi32, #tpu.memory_space<vmem>> -> memref<125xi32, #tpu.memory_space<vmem>>
      %dma_start3A_554 = arith.constant 0 : i32
      %dma_start3A_555 = arith.constant 0 : i32
      %dma_start3A_556 = tpu.memref_slice %arg2[%add3A_3, %dma_start3A_554, %dma_start3A_555] : memref<4x10000x128xf32, #tpu.memory_space<hbm>> -> memref<1x10000x128xf32, #tpu.memory_space<hbm>>
      %dma_start3A_557 = tpu.memref_squeeze %dma_start3A_556 : memref<1x10000x128xf32, #tpu.memory_space<hbm>> -> memref<10000x128xf32, #tpu.memory_space<hbm>>
      %dma_start3A_558 = arith.constant 0 : i32
      %dma_start3A_559 = arith.constant 0 : i32
      %dma_start3A_560 = tpu.memref_slice %dma_start3A_557[%dma_start3A_558, %dma_start3A_559] : memref<10000x128xf32, #tpu.memory_space<hbm>> -> memref<10000x128xf32, #tpu.memory_space<hbm>>
      tpu.enqueue_indirect_dma source(%dma_start3A_560 : memref<10000x128xf32, #tpu.memory_space<hbm>>) target(%arg12 : memref<125x128xf32, #tpu.memory_space<vmem>>) offsets(%dma_start3A_553 : memref<125xi32, #tpu.memory_space<vmem>>) semaphore(%arg15 : memref<!tpu.dma_semaphore, #tpu.memory_space<semaphore_mem>>)
      %dma_start3A_561 = arith.constant 10 : i32
      %dma_start3A_562 = arith.constant 0 : i32
      %dma_start3A_563 = tpu.memref_slice %arg8[%dma_start3A_561, %dma_start3A_562] : memref<16x125xi32, #tpu.memory_space<vmem>> -> memref<1x125xi32, #tpu.memory_space<vmem>>
      %dma_start3A_564 = tpu.memref_squeeze %dma_start3A_563 : memref<1x125xi32, #tpu.memory_space<vmem>> -> memref<125xi32, #tpu.memory_space<vmem>>
      %dma_start3A_565 = arith.constant 0 : i32
      %dma_start3A_566 = arith.constant 0 : i32
      %dma_start3A_567 = tpu.memref_slice %arg13[%dma_start3A_565, %dma_start3A_566] : memref<10000x128xf32, #tpu.memory_space<vmem_shared>> -> memref<10000x128xf32, #tpu.memory_space<vmem_shared>>
      tpu.enqueue_indirect_dma source(%arg11 : memref<125x128xf32, #tpu.memory_space<vmem>>) target(%dma_start3A_567 : memref<10000x128xf32, #tpu.memory_space<vmem_shared>>) offsets(%dma_start3A_564 : memref<125xi32, #tpu.memory_space<vmem>>) semaphore(%arg18 : memref<!tpu.dma_semaphore, #tpu.memory_space<semaphore_mem>>) {add = true}
      %dma_wait3A_568 = arith.constant 0 : i32
      %dma_wait3A_569 = arith.constant 0 : i32
      %dma_wait3A_570 = tpu.memref_slice %arg7[%dma_wait3A_568, %dma_wait3A_569] : memref<16x125xi32, #tpu.memory_space<vmem>> -> memref<1x125xi32, #tpu.memory_space<vmem>>
      %dma_wait3A_571 = tpu.memref_squeeze %dma_wait3A_570 : memref<1x125xi32, #tpu.memory_space<vmem>> -> memref<125xi32, #tpu.memory_space<vmem>>
      %dma_wait3A_572 = arith.constant 0 : i32
      %dma_wait3A_573 = arith.constant 0 : i32
      %dma_wait3A_574 = tpu.memref_slice %arg2[%add3A_3, %dma_wait3A_572, %dma_wait3A_573] : memref<4x10000x128xf32, #tpu.memory_space<hbm>> -> memref<1x10000x128xf32, #tpu.memory_space<hbm>>
      %dma_wait3A_575 = tpu.memref_squeeze %dma_wait3A_574 : memref<1x10000x128xf32, #tpu.memory_space<hbm>> -> memref<10000x128xf32, #tpu.memory_space<hbm>>
      %dma_wait3A_576 = arith.constant 0 : i32
      %dma_wait3A_577 = arith.constant 0 : i32
      %dma_wait3A_578 = tpu.memref_slice %dma_wait3A_575[%dma_wait3A_576, %dma_wait3A_577] : memref<10000x128xf32, #tpu.memory_space<hbm>> -> memref<10000x128xf32, #tpu.memory_space<hbm>>
      tpu.wait_indirect_dma semaphore(%arg15 : memref<!tpu.dma_semaphore, #tpu.memory_space<semaphore_mem>>) src(%dma_wait3A_578 : memref<10000x128xf32, #tpu.memory_space<hbm>>) dst(%arg12 : memref<125x128xf32, #tpu.memory_space<vmem>>)
      %dma_wait3A_579 = arith.constant 0 : i32
      %dma_wait3A_580 = arith.constant 0 : i32
      %dma_wait3A_581 = tpu.memref_slice %arg7[%dma_wait3A_579, %dma_wait3A_580] : memref<16x125xi32, #tpu.memory_space<vmem>> -> memref<1x125xi32, #tpu.memory_space<vmem>>
      %dma_wait3A_582 = tpu.memref_squeeze %dma_wait3A_581 : memref<1x125xi32, #tpu.memory_space<vmem>> -> memref<125xi32, #tpu.memory_space<vmem>>
      %dma_wait3A_583 = arith.constant 0 : i32
      %dma_wait3A_584 = arith.constant 0 : i32
      %dma_wait3A_585 = tpu.memref_slice %arg2[%add3A_3, %dma_wait3A_583, %dma_wait3A_584] : memref<4x10000x128xf32, #tpu.memory_space<hbm>> -> memref<1x10000x128xf32, #tpu.memory_space<hbm>>
      %dma_wait3A_586 = tpu.memref_squeeze %dma_wait3A_585 : memref<1x10000x128xf32, #tpu.memory_space<hbm>> -> memref<10000x128xf32, #tpu.memory_space<hbm>>
      %dma_wait3A_587 = arith.constant 0 : i32
      %dma_wait3A_588 = arith.constant 0 : i32
      %dma_wait3A_589 = tpu.memref_slice %dma_wait3A_586[%dma_wait3A_587, %dma_wait3A_588] : memref<10000x128xf32, #tpu.memory_space<hbm>> -> memref<10000x128xf32, #tpu.memory_space<hbm>>
      tpu.wait_indirect_dma semaphore(%arg18 : memref<!tpu.dma_semaphore, #tpu.memory_space<semaphore_mem>>) src(%dma_wait3A_589 : memref<10000x128xf32, #tpu.memory_space<hbm>>) dst(%arg11 : memref<125x128xf32, #tpu.memory_space<vmem>>)
      %dma_start3A_590 = arith.constant 12 : i32
      %dma_start3A_591 = arith.constant 0 : i32
      %dma_start3A_592 = tpu.memref_slice %arg7[%dma_start3A_590, %dma_start3A_591] : memref<16x125xi32, #tpu.memory_space<vmem>> -> memref<1x125xi32, #tpu.memory_space<vmem>>
      %dma_start3A_593 = tpu.memref_squeeze %dma_start3A_592 : memref<1x125xi32, #tpu.memory_space<vmem>> -> memref<125xi32, #tpu.memory_space<vmem>>
      %dma_start3A_594 = arith.constant 0 : i32
      %dma_start3A_595 = arith.constant 0 : i32
      %dma_start3A_596 = tpu.memref_slice %arg2[%add3A_3, %dma_start3A_594, %dma_start3A_595] : memref<4x10000x128xf32, #tpu.memory_space<hbm>> -> memref<1x10000x128xf32, #tpu.memory_space<hbm>>
      %dma_start3A_597 = tpu.memref_squeeze %dma_start3A_596 : memref<1x10000x128xf32, #tpu.memory_space<hbm>> -> memref<10000x128xf32, #tpu.memory_space<hbm>>
      %dma_start3A_598 = arith.constant 0 : i32
      %dma_start3A_599 = arith.constant 0 : i32
      %dma_start3A_600 = tpu.memref_slice %dma_start3A_597[%dma_start3A_598, %dma_start3A_599] : memref<10000x128xf32, #tpu.memory_space<hbm>> -> memref<10000x128xf32, #tpu.memory_space<hbm>>
      tpu.enqueue_indirect_dma source(%dma_start3A_600 : memref<10000x128xf32, #tpu.memory_space<hbm>>) target(%arg11 : memref<125x128xf32, #tpu.memory_space<vmem>>) offsets(%dma_start3A_593 : memref<125xi32, #tpu.memory_space<vmem>>) semaphore(%arg14 : memref<!tpu.dma_semaphore, #tpu.memory_space<semaphore_mem>>)
      %dma_start3A_601 = arith.constant 11 : i32
      %dma_start3A_602 = arith.constant 0 : i32
      %dma_start3A_603 = tpu.memref_slice %arg8[%dma_start3A_601, %dma_start3A_602] : memref<16x125xi32, #tpu.memory_space<vmem>> -> memref<1x125xi32, #tpu.memory_space<vmem>>
      %dma_start3A_604 = tpu.memref_squeeze %dma_start3A_603 : memref<1x125xi32, #tpu.memory_space<vmem>> -> memref<125xi32, #tpu.memory_space<vmem>>
      %dma_start3A_605 = arith.constant 0 : i32
      %dma_start3A_606 = arith.constant 0 : i32
      %dma_start3A_607 = tpu.memref_slice %arg13[%dma_start3A_605, %dma_start3A_606] : memref<10000x128xf32, #tpu.memory_space<vmem_shared>> -> memref<10000x128xf32, #tpu.memory_space<vmem_shared>>
      tpu.enqueue_indirect_dma source(%arg12 : memref<125x128xf32, #tpu.memory_space<vmem>>) target(%dma_start3A_607 : memref<10000x128xf32, #tpu.memory_space<vmem_shared>>) offsets(%dma_start3A_604 : memref<125xi32, #tpu.memory_space<vmem>>) semaphore(%arg19 : memref<!tpu.dma_semaphore, #tpu.memory_space<semaphore_mem>>) {add = true}
      %dma_wait3A_608 = arith.constant 0 : i32
      %dma_wait3A_609 = arith.constant 0 : i32
      %dma_wait3A_610 = tpu.memref_slice %arg7[%dma_wait3A_608, %dma_wait3A_609] : memref<16x125xi32, #tpu.memory_space<vmem>> -> memref<1x125xi32, #tpu.memory_space<vmem>>
      %dma_wait3A_611 = tpu.memref_squeeze %dma_wait3A_610 : memref<1x125xi32, #tpu.memory_space<vmem>> -> memref<125xi32, #tpu.memory_space<vmem>>
      %dma_wait3A_612 = arith.constant 0 : i32
      %dma_wait3A_613 = arith.constant 0 : i32
      %dma_wait3A_614 = tpu.memref_slice %arg2[%add3A_3, %dma_wait3A_612, %dma_wait3A_613] : memref<4x10000x128xf32, #tpu.memory_space<hbm>> -> memref<1x10000x128xf32, #tpu.memory_space<hbm>>
      %dma_wait3A_615 = tpu.memref_squeeze %dma_wait3A_614 : memref<1x10000x128xf32, #tpu.memory_space<hbm>> -> memref<10000x128xf32, #tpu.memory_space<hbm>>
      %dma_wait3A_616 = arith.constant 0 : i32
      %dma_wait3A_617 = arith.constant 0 : i32
      %dma_wait3A_618 = tpu.memref_slice %dma_wait3A_615[%dma_wait3A_616, %dma_wait3A_617] : memref<10000x128xf32, #tpu.memory_space<hbm>> -> memref<10000x128xf32, #tpu.memory_space<hbm>>
      tpu.wait_indirect_dma semaphore(%arg14 : memref<!tpu.dma_semaphore, #tpu.memory_space<semaphore_mem>>) src(%dma_wait3A_618 : memref<10000x128xf32, #tpu.memory_space<hbm>>) dst(%arg11 : memref<125x128xf32, #tpu.memory_space<vmem>>)
      %dma_wait3A_619 = arith.constant 0 : i32
      %dma_wait3A_620 = arith.constant 0 : i32
      %dma_wait3A_621 = tpu.memref_slice %arg7[%dma_wait3A_619, %dma_wait3A_620] : memref<16x125xi32, #tpu.memory_space<vmem>> -> memref<1x125xi32, #tpu.memory_space<vmem>>
      %dma_wait3A_622 = tpu.memref_squeeze %dma_wait3A_621 : memref<1x125xi32, #tpu.memory_space<vmem>> -> memref<125xi32, #tpu.memory_space<vmem>>
      %dma_wait3A_623 = arith.constant 0 : i32
      %dma_wait3A_624 = arith.constant 0 : i32
      %dma_wait3A_625 = tpu.memref_slice %arg2[%add3A_3, %dma_wait3A_623, %dma_wait3A_624] : memref<4x10000x128xf32, #tpu.memory_space<hbm>> -> memref<1x10000x128xf32, #tpu.memory_space<hbm>>
      %dma_wait3A_626 = tpu.memref_squeeze %dma_wait3A_625 : memref<1x10000x128xf32, #tpu.memory_space<hbm>> -> memref<10000x128xf32, #tpu.memory_space<hbm>>
      %dma_wait3A_627 = arith.constant 0 : i32
      %dma_wait3A_628 = arith.constant 0 : i32
      %dma_wait3A_629 = tpu.memref_slice %dma_wait3A_626[%dma_wait3A_627, %dma_wait3A_628] : memref<10000x128xf32, #tpu.memory_space<hbm>> -> memref<10000x128xf32, #tpu.memory_space<hbm>>
      tpu.wait_indirect_dma semaphore(%arg19 : memref<!tpu.dma_semaphore, #tpu.memory_space<semaphore_mem>>) src(%dma_wait3A_629 : memref<10000x128xf32, #tpu.memory_space<hbm>>) dst(%arg12 : memref<125x128xf32, #tpu.memory_space<vmem>>)
      %dma_start3A_630 = arith.constant 13 : i32
      %dma_start3A_631 = arith.constant 0 : i32
      %dma_start3A_632 = tpu.memref_slice %arg7[%dma_start3A_630, %dma_start3A_631] : memref<16x125xi32, #tpu.memory_space<vmem>> -> memref<1x125xi32, #tpu.memory_space<vmem>>
      %dma_start3A_633 = tpu.memref_squeeze %dma_start3A_632 : memref<1x125xi32, #tpu.memory_space<vmem>> -> memref<125xi32, #tpu.memory_space<vmem>>
      %dma_start3A_634 = arith.constant 0 : i32
      %dma_start3A_635 = arith.constant 0 : i32
      %dma_start3A_636 = tpu.memref_slice %arg2[%add3A_3, %dma_start3A_634, %dma_start3A_635] : memref<4x10000x128xf32, #tpu.memory_space<hbm>> -> memref<1x10000x128xf32, #tpu.memory_space<hbm>>
      %dma_start3A_637 = tpu.memref_squeeze %dma_start3A_636 : memref<1x10000x128xf32, #tpu.memory_space<hbm>> -> memref<10000x128xf32, #tpu.memory_space<hbm>>
      %dma_start3A_638 = arith.constant 0 : i32
      %dma_start3A_639 = arith.constant 0 : i32
      %dma_start3A_640 = tpu.memref_slice %dma_start3A_637[%dma_start3A_638, %dma_start3A_639] : memref<10000x128xf32, #tpu.memory_space<hbm>> -> memref<10000x128xf32, #tpu.memory_space<hbm>>
      tpu.enqueue_indirect_dma source(%dma_start3A_640 : memref<10000x128xf32, #tpu.memory_space<hbm>>) target(%arg12 : memref<125x128xf32, #tpu.memory_space<vmem>>) offsets(%dma_start3A_633 : memref<125xi32, #tpu.memory_space<vmem>>) semaphore(%arg15 : memref<!tpu.dma_semaphore, #tpu.memory_space<semaphore_mem>>)
      %dma_start3A_641 = arith.constant 12 : i32
      %dma_start3A_642 = arith.constant 0 : i32
      %dma_start3A_643 = tpu.memref_slice %arg8[%dma_start3A_641, %dma_start3A_642] : memref<16x125xi32, #tpu.memory_space<vmem>> -> memref<1x125xi32, #tpu.memory_space<vmem>>
      %dma_start3A_644 = tpu.memref_squeeze %dma_start3A_643 : memref<1x125xi32, #tpu.memory_space<vmem>> -> memref<125xi32, #tpu.memory_space<vmem>>
      %dma_start3A_645 = arith.constant 0 : i32
      %dma_start3A_646 = arith.constant 0 : i32
      %dma_start3A_647 = tpu.memref_slice %arg13[%dma_start3A_645, %dma_start3A_646] : memref<10000x128xf32, #tpu.memory_space<vmem_shared>> -> memref<10000x128xf32, #tpu.memory_space<vmem_shared>>
      tpu.enqueue_indirect_dma source(%arg11 : memref<125x128xf32, #tpu.memory_space<vmem>>) target(%dma_start3A_647 : memref<10000x128xf32, #tpu.memory_space<vmem_shared>>) offsets(%dma_start3A_644 : memref<125xi32, #tpu.memory_space<vmem>>) semaphore(%arg18 : memref<!tpu.dma_semaphore, #tpu.memory_space<semaphore_mem>>) {add = true}
      %dma_wait3A_648 = arith.constant 0 : i32
      %dma_wait3A_649 = arith.constant 0 : i32
      %dma_wait3A_650 = tpu.memref_slice %arg7[%dma_wait3A_648, %dma_wait3A_649] : memref<16x125xi32, #tpu.memory_space<vmem>> -> memref<1x125xi32, #tpu.memory_space<vmem>>
      %dma_wait3A_651 = tpu.memref_squeeze %dma_wait3A_650 : memref<1x125xi32, #tpu.memory_space<vmem>> -> memref<125xi32, #tpu.memory_space<vmem>>
      %dma_wait3A_652 = arith.constant 0 : i32
      %dma_wait3A_653 = arith.constant 0 : i32
      %dma_wait3A_654 = tpu.memref_slice %arg2[%add3A_3, %dma_wait3A_652, %dma_wait3A_653] : memref<4x10000x128xf32, #tpu.memory_space<hbm>> -> memref<1x10000x128xf32, #tpu.memory_space<hbm>>
      %dma_wait3A_655 = tpu.memref_squeeze %dma_wait3A_654 : memref<1x10000x128xf32, #tpu.memory_space<hbm>> -> memref<10000x128xf32, #tpu.memory_space<hbm>>
      %dma_wait3A_656 = arith.constant 0 : i32
      %dma_wait3A_657 = arith.constant 0 : i32
      %dma_wait3A_658 = tpu.memref_slice %dma_wait3A_655[%dma_wait3A_656, %dma_wait3A_657] : memref<10000x128xf32, #tpu.memory_space<hbm>> -> memref<10000x128xf32, #tpu.memory_space<hbm>>
      tpu.wait_indirect_dma semaphore(%arg15 : memref<!tpu.dma_semaphore, #tpu.memory_space<semaphore_mem>>) src(%dma_wait3A_658 : memref<10000x128xf32, #tpu.memory_space<hbm>>) dst(%arg12 : memref<125x128xf32, #tpu.memory_space<vmem>>)
      %dma_wait3A_659 = arith.constant 0 : i32
      %dma_wait3A_660 = arith.constant 0 : i32
      %dma_wait3A_661 = tpu.memref_slice %arg7[%dma_wait3A_659, %dma_wait3A_660] : memref<16x125xi32, #tpu.memory_space<vmem>> -> memref<1x125xi32, #tpu.memory_space<vmem>>
      %dma_wait3A_662 = tpu.memref_squeeze %dma_wait3A_661 : memref<1x125xi32, #tpu.memory_space<vmem>> -> memref<125xi32, #tpu.memory_space<vmem>>
      %dma_wait3A_663 = arith.constant 0 : i32
      %dma_wait3A_664 = arith.constant 0 : i32
      %dma_wait3A_665 = tpu.memref_slice %arg2[%add3A_3, %dma_wait3A_663, %dma_wait3A_664] : memref<4x10000x128xf32, #tpu.memory_space<hbm>> -> memref<1x10000x128xf32, #tpu.memory_space<hbm>>
      %dma_wait3A_666 = tpu.memref_squeeze %dma_wait3A_665 : memref<1x10000x128xf32, #tpu.memory_space<hbm>> -> memref<10000x128xf32, #tpu.memory_space<hbm>>
      %dma_wait3A_667 = arith.constant 0 : i32
      %dma_wait3A_668 = arith.constant 0 : i32
      %dma_wait3A_669 = tpu.memref_slice %dma_wait3A_666[%dma_wait3A_667, %dma_wait3A_668] : memref<10000x128xf32, #tpu.memory_space<hbm>> -> memref<10000x128xf32, #tpu.memory_space<hbm>>
      tpu.wait_indirect_dma semaphore(%arg18 : memref<!tpu.dma_semaphore, #tpu.memory_space<semaphore_mem>>) src(%dma_wait3A_669 : memref<10000x128xf32, #tpu.memory_space<hbm>>) dst(%arg11 : memref<125x128xf32, #tpu.memory_space<vmem>>)
      %dma_start3A_670 = arith.constant 14 : i32
      %dma_start3A_671 = arith.constant 0 : i32
      %dma_start3A_672 = tpu.memref_slice %arg7[%dma_start3A_670, %dma_start3A_671] : memref<16x125xi32, #tpu.memory_space<vmem>> -> memref<1x125xi32, #tpu.memory_space<vmem>>
      %dma_start3A_673 = tpu.memref_squeeze %dma_start3A_672 : memref<1x125xi32, #tpu.memory_space<vmem>> -> memref<125xi32, #tpu.memory_space<vmem>>
      %dma_start3A_674 = arith.constant 0 : i32
      %dma_start3A_675 = arith.constant 0 : i32
      %dma_start3A_676 = tpu.memref_slice %arg2[%add3A_3, %dma_start3A_674, %dma_start3A_675] : memref<4x10000x128xf32, #tpu.memory_space<hbm>> -> memref<1x10000x128xf32, #tpu.memory_space<hbm>>
      %dma_start3A_677 = tpu.memref_squeeze %dma_start3A_676 : memref<1x10000x128xf32, #tpu.memory_space<hbm>> -> memref<10000x128xf32, #tpu.memory_space<hbm>>
      %dma_start3A_678 = arith.constant 0 : i32
      %dma_start3A_679 = arith.constant 0 : i32
      %dma_start3A_680 = tpu.memref_slice %dma_start3A_677[%dma_start3A_678, %dma_start3A_679] : memref<10000x128xf32, #tpu.memory_space<hbm>> -> memref<10000x128xf32, #tpu.memory_space<hbm>>
      tpu.enqueue_indirect_dma source(%dma_start3A_680 : memref<10000x128xf32, #tpu.memory_space<hbm>>) target(%arg11 : memref<125x128xf32, #tpu.memory_space<vmem>>) offsets(%dma_start3A_673 : memref<125xi32, #tpu.memory_space<vmem>>) semaphore(%arg14 : memref<!tpu.dma_semaphore, #tpu.memory_space<semaphore_mem>>)
      %dma_start3A_681 = arith.constant 13 : i32
      %dma_start3A_682 = arith.constant 0 : i32
      %dma_start3A_683 = tpu.memref_slice %arg8[%dma_start3A_681, %dma_start3A_682] : memref<16x125xi32, #tpu.memory_space<vmem>> -> memref<1x125xi32, #tpu.memory_space<vmem>>
      %dma_start3A_684 = tpu.memref_squeeze %dma_start3A_683 : memref<1x125xi32, #tpu.memory_space<vmem>> -> memref<125xi32, #tpu.memory_space<vmem>>
      %dma_start3A_685 = arith.constant 0 : i32
      %dma_start3A_686 = arith.constant 0 : i32
      %dma_start3A_687 = tpu.memref_slice %arg13[%dma_start3A_685, %dma_start3A_686] : memref<10000x128xf32, #tpu.memory_space<vmem_shared>> -> memref<10000x128xf32, #tpu.memory_space<vmem_shared>>
      tpu.enqueue_indirect_dma source(%arg12 : memref<125x128xf32, #tpu.memory_space<vmem>>) target(%dma_start3A_687 : memref<10000x128xf32, #tpu.memory_space<vmem_shared>>) offsets(%dma_start3A_684 : memref<125xi32, #tpu.memory_space<vmem>>) semaphore(%arg19 : memref<!tpu.dma_semaphore, #tpu.memory_space<semaphore_mem>>) {add = true}
      %dma_wait3A_688 = arith.constant 0 : i32
      %dma_wait3A_689 = arith.constant 0 : i32
      %dma_wait3A_690 = tpu.memref_slice %arg7[%dma_wait3A_688, %dma_wait3A_689] : memref<16x125xi32, #tpu.memory_space<vmem>> -> memref<1x125xi32, #tpu.memory_space<vmem>>
      %dma_wait3A_691 = tpu.memref_squeeze %dma_wait3A_690 : memref<1x125xi32, #tpu.memory_space<vmem>> -> memref<125xi32, #tpu.memory_space<vmem>>
      %dma_wait3A_692 = arith.constant 0 : i32
      %dma_wait3A_693 = arith.constant 0 : i32
      %dma_wait3A_694 = tpu.memref_slice %arg2[%add3A_3, %dma_wait3A_692, %dma_wait3A_693] : memref<4x10000x128xf32, #tpu.memory_space<hbm>> -> memref<1x10000x128xf32, #tpu.memory_space<hbm>>
      %dma_wait3A_695 = tpu.memref_squeeze %dma_wait3A_694 : memref<1x10000x128xf32, #tpu.memory_space<hbm>> -> memref<10000x128xf32, #tpu.memory_space<hbm>>
      %dma_wait3A_696 = arith.constant 0 : i32
      %dma_wait3A_697 = arith.constant 0 : i32
      %dma_wait3A_698 = tpu.memref_slice %dma_wait3A_695[%dma_wait3A_696, %dma_wait3A_697] : memref<10000x128xf32, #tpu.memory_space<hbm>> -> memref<10000x128xf32, #tpu.memory_space<hbm>>
      tpu.wait_indirect_dma semaphore(%arg14 : memref<!tpu.dma_semaphore, #tpu.memory_space<semaphore_mem>>) src(%dma_wait3A_698 : memref<10000x128xf32, #tpu.memory_space<hbm>>) dst(%arg11 : memref<125x128xf32, #tpu.memory_space<vmem>>)
      %dma_wait3A_699 = arith.constant 0 : i32
      %dma_wait3A_700 = arith.constant 0 : i32
      %dma_wait3A_701 = tpu.memref_slice %arg7[%dma_wait3A_699, %dma_wait3A_700] : memref<16x125xi32, #tpu.memory_space<vmem>> -> memref<1x125xi32, #tpu.memory_space<vmem>>
      %dma_wait3A_702 = tpu.memref_squeeze %dma_wait3A_701 : memref<1x125xi32, #tpu.memory_space<vmem>> -> memref<125xi32, #tpu.memory_space<vmem>>
      %dma_wait3A_703 = arith.constant 0 : i32
      %dma_wait3A_704 = arith.constant 0 : i32
      %dma_wait3A_705 = tpu.memref_slice %arg2[%add3A_3, %dma_wait3A_703, %dma_wait3A_704] : memref<4x10000x128xf32, #tpu.memory_space<hbm>> -> memref<1x10000x128xf32, #tpu.memory_space<hbm>>
      %dma_wait3A_706 = tpu.memref_squeeze %dma_wait3A_705 : memref<1x10000x128xf32, #tpu.memory_space<hbm>> -> memref<10000x128xf32, #tpu.memory_space<hbm>>
      %dma_wait3A_707 = arith.constant 0 : i32
      %dma_wait3A_708 = arith.constant 0 : i32
      %dma_wait3A_709 = tpu.memref_slice %dma_wait3A_706[%dma_wait3A_707, %dma_wait3A_708] : memref<10000x128xf32, #tpu.memory_space<hbm>> -> memref<10000x128xf32, #tpu.memory_space<hbm>>
      tpu.wait_indirect_dma semaphore(%arg19 : memref<!tpu.dma_semaphore, #tpu.memory_space<semaphore_mem>>) src(%dma_wait3A_709 : memref<10000x128xf32, #tpu.memory_space<hbm>>) dst(%arg12 : memref<125x128xf32, #tpu.memory_space<vmem>>)
      %dma_start3A_710 = arith.constant 15 : i32
      %dma_start3A_711 = arith.constant 0 : i32
      %dma_start3A_712 = tpu.memref_slice %arg7[%dma_start3A_710, %dma_start3A_711] : memref<16x125xi32, #tpu.memory_space<vmem>> -> memref<1x125xi32, #tpu.memory_space<vmem>>
      %dma_start3A_713 = tpu.memref_squeeze %dma_start3A_712 : memref<1x125xi32, #tpu.memory_space<vmem>> -> memref<125xi32, #tpu.memory_space<vmem>>
      %dma_start3A_714 = arith.constant 0 : i32
      %dma_start3A_715 = arith.constant 0 : i32
      %dma_start3A_716 = tpu.memref_slice %arg2[%add3A_3, %dma_start3A_714, %dma_start3A_715] : memref<4x10000x128xf32, #tpu.memory_space<hbm>> -> memref<1x10000x128xf32, #tpu.memory_space<hbm>>
      %dma_start3A_717 = tpu.memref_squeeze %dma_start3A_716 : memref<1x10000x128xf32, #tpu.memory_space<hbm>> -> memref<10000x128xf32, #tpu.memory_space<hbm>>
      %dma_start3A_718 = arith.constant 0 : i32
      %dma_start3A_719 = arith.constant 0 : i32
      %dma_start3A_720 = tpu.memref_slice %dma_start3A_717[%dma_start3A_718, %dma_start3A_719] : memref<10000x128xf32, #tpu.memory_space<hbm>> -> memref<10000x128xf32, #tpu.memory_space<hbm>>
      tpu.enqueue_indirect_dma source(%dma_start3A_720 : memref<10000x128xf32, #tpu.memory_space<hbm>>) target(%arg12 : memref<125x128xf32, #tpu.memory_space<vmem>>) offsets(%dma_start3A_713 : memref<125xi32, #tpu.memory_space<vmem>>) semaphore(%arg15 : memref<!tpu.dma_semaphore, #tpu.memory_space<semaphore_mem>>)
      %dma_start3A_721 = arith.constant 14 : i32
      %dma_start3A_722 = arith.constant 0 : i32
      %dma_start3A_723 = tpu.memref_slice %arg8[%dma_start3A_721, %dma_start3A_722] : memref<16x125xi32, #tpu.memory_space<vmem>> -> memref<1x125xi32, #tpu.memory_space<vmem>>
      %dma_start3A_724 = tpu.memref_squeeze %dma_start3A_723 : memref<1x125xi32, #tpu.memory_space<vmem>> -> memref<125xi32, #tpu.memory_space<vmem>>
      %dma_start3A_725 = arith.constant 0 : i32
      %dma_start3A_726 = arith.constant 0 : i32
      %dma_start3A_727 = tpu.memref_slice %arg13[%dma_start3A_725, %dma_start3A_726] : memref<10000x128xf32, #tpu.memory_space<vmem_shared>> -> memref<10000x128xf32, #tpu.memory_space<vmem_shared>>
      tpu.enqueue_indirect_dma source(%arg11 : memref<125x128xf32, #tpu.memory_space<vmem>>) target(%dma_start3A_727 : memref<10000x128xf32, #tpu.memory_space<vmem_shared>>) offsets(%dma_start3A_724 : memref<125xi32, #tpu.memory_space<vmem>>) semaphore(%arg18 : memref<!tpu.dma_semaphore, #tpu.memory_space<semaphore_mem>>) {add = true}
      %dma_wait3A_728 = arith.constant 0 : i32
      %dma_wait3A_729 = arith.constant 0 : i32
      %dma_wait3A_730 = tpu.memref_slice %arg7[%dma_wait3A_728, %dma_wait3A_729] : memref<16x125xi32, #tpu.memory_space<vmem>> -> memref<1x125xi32, #tpu.memory_space<vmem>>
      %dma_wait3A_731 = tpu.memref_squeeze %dma_wait3A_730 : memref<1x125xi32, #tpu.memory_space<vmem>> -> memref<125xi32, #tpu.memory_space<vmem>>
      %dma_wait3A_732 = arith.constant 0 : i32
      %dma_wait3A_733 = arith.constant 0 : i32
      %dma_wait3A_734 = tpu.memref_slice %arg2[%add3A_3, %dma_wait3A_732, %dma_wait3A_733] : memref<4x10000x128xf32, #tpu.memory_space<hbm>> -> memref<1x10000x128xf32, #tpu.memory_space<hbm>>
      %dma_wait3A_735 = tpu.memref_squeeze %dma_wait3A_734 : memref<1x10000x128xf32, #tpu.memory_space<hbm>> -> memref<10000x128xf32, #tpu.memory_space<hbm>>
      %dma_wait3A_736 = arith.constant 0 : i32
      %dma_wait3A_737 = arith.constant 0 : i32
      %dma_wait3A_738 = tpu.memref_slice %dma_wait3A_735[%dma_wait3A_736, %dma_wait3A_737] : memref<10000x128xf32, #tpu.memory_space<hbm>> -> memref<10000x128xf32, #tpu.memory_space<hbm>>
      tpu.wait_indirect_dma semaphore(%arg15 : memref<!tpu.dma_semaphore, #tpu.memory_space<semaphore_mem>>) src(%dma_wait3A_738 : memref<10000x128xf32, #tpu.memory_space<hbm>>) dst(%arg12 : memref<125x128xf32, #tpu.memory_space<vmem>>)
      %dma_wait3A_739 = arith.constant 0 : i32
      %dma_wait3A_740 = arith.constant 0 : i32
      %dma_wait3A_741 = tpu.memref_slice %arg7[%dma_wait3A_739, %dma_wait3A_740] : memref<16x125xi32, #tpu.memory_space<vmem>> -> memref<1x125xi32, #tpu.memory_space<vmem>>
      %dma_wait3A_742 = tpu.memref_squeeze %dma_wait3A_741 : memref<1x125xi32, #tpu.memory_space<vmem>> -> memref<125xi32, #tpu.memory_space<vmem>>
      %dma_wait3A_743 = arith.constant 0 : i32
      %dma_wait3A_744 = arith.constant 0 : i32
      %dma_wait3A_745 = tpu.memref_slice %arg2[%add3A_3, %dma_wait3A_743, %dma_wait3A_744] : memref<4x10000x128xf32, #tpu.memory_space<hbm>> -> memref<1x10000x128xf32, #tpu.memory_space<hbm>>
      %dma_wait3A_746 = tpu.memref_squeeze %dma_wait3A_745 : memref<1x10000x128xf32, #tpu.memory_space<hbm>> -> memref<10000x128xf32, #tpu.memory_space<hbm>>
      %dma_wait3A_747 = arith.constant 0 : i32
      %dma_wait3A_748 = arith.constant 0 : i32
      %dma_wait3A_749 = tpu.memref_slice %dma_wait3A_746[%dma_wait3A_747, %dma_wait3A_748] : memref<10000x128xf32, #tpu.memory_space<hbm>> -> memref<10000x128xf32, #tpu.memory_space<hbm>>
      tpu.wait_indirect_dma semaphore(%arg18 : memref<!tpu.dma_semaphore, #tpu.memory_space<semaphore_mem>>) src(%dma_wait3A_749 : memref<10000x128xf32, #tpu.memory_space<hbm>>) dst(%arg11 : memref<125x128xf32, #tpu.memory_space<vmem>>)
      %dma_wait3A_750 = arith.constant 0 : i32
      %dma_wait3A_751 = arith.constant 0 : i32
      %dma_wait3A_752 = tpu.memref_slice %arg3[%arg1, %dma_wait3A_750, %dma_wait3A_751] : memref<16x160x125xi32, #tpu.memory_space<hbm>> -> memref<1x160x125xi32, #tpu.memory_space<hbm>>
      %dma_wait3A_753 = tpu.memref_squeeze %dma_wait3A_752 : memref<1x160x125xi32, #tpu.memory_space<hbm>> -> memref<160x125xi32, #tpu.memory_space<hbm>>
      %dma_wait3A_754 = arith.constant 0 : i32
      %dma_wait3A_755 = arith.constant 0 : i32
      %dma_wait3A_756 = tpu.memref_slice %dma_wait3A_753[%dma_wait3A_754, %dma_wait3A_755] : memref<160x125xi32, #tpu.memory_space<hbm>> -> memref<16x125xi32, #tpu.memory_space<hbm>>
      %dma_wait3A_757 = arith.constant 0 : i32
      %dma_wait3A_758 = arith.constant 0 : i32
      %dma_wait3A_759 = tpu.memref_slice %arg3[%arg1, %dma_wait3A_757, %dma_wait3A_758] : memref<16x160x125xi32, #tpu.memory_space<hbm>> -> memref<1x160x125xi32, #tpu.memory_space<hbm>>
      %dma_wait3A_760 = tpu.memref_squeeze %dma_wait3A_759 : memref<1x160x125xi32, #tpu.memory_space<hbm>> -> memref<160x125xi32, #tpu.memory_space<hbm>>
      %dma_wait3A_761 = arith.constant 0 : i32
      %dma_wait3A_762 = arith.constant 0 : i32
      %dma_wait3A_763 = tpu.memref_slice %dma_wait3A_760[%dma_wait3A_761, %dma_wait3A_762] : memref<160x125xi32, #tpu.memory_space<hbm>> -> memref<16x125xi32, #tpu.memory_space<hbm>>
      tpu.wait_dma2 semaphore(%arg17 : memref<!tpu.dma_semaphore, #tpu.memory_space<semaphore_mem>>) src(%dma_wait3A_763 : memref<16x125xi32, #tpu.memory_space<hbm>>) dst(%arg9 : memref<16x125xi32, #tpu.memory_space<vmem>>)
      %dma_wait3A_764 = arith.constant 0 : i32
      %dma_wait3A_765 = arith.constant 0 : i32
      %dma_wait3A_766 = tpu.memref_slice %arg3[%arg1, %dma_wait3A_764, %dma_wait3A_765] : memref<16x160x125xi32, #tpu.memory_space<hbm>> -> memref<1x160x125xi32, #tpu.memory_space<hbm>>
      %dma_wait3A_767 = tpu.memref_squeeze %dma_wait3A_766 : memref<1x160x125xi32, #tpu.memory_space<hbm>> -> memref<160x125xi32, #tpu.memory_space<hbm>>
      %dma_wait3A_768 = arith.constant 0 : i32
      %dma_wait3A_769 = arith.constant 0 : i32
      %dma_wait3A_770 = tpu.memref_slice %dma_wait3A_767[%dma_wait3A_768, %dma_wait3A_769] : memref<160x125xi32, #tpu.memory_space<hbm>> -> memref<16x125xi32, #tpu.memory_space<hbm>>
      %dma_wait3A_771 = arith.constant 0 : i32
      %dma_wait3A_772 = arith.constant 0 : i32
      %dma_wait3A_773 = tpu.memref_slice %arg3[%arg1, %dma_wait3A_771, %dma_wait3A_772] : memref<16x160x125xi32, #tpu.memory_space<hbm>> -> memref<1x160x125xi32, #tpu.memory_space<hbm>>
      %dma_wait3A_774 = tpu.memref_squeeze %dma_wait3A_773 : memref<1x160x125xi32, #tpu.memory_space<hbm>> -> memref<160x125xi32, #tpu.memory_space<hbm>>
      %dma_wait3A_775 = arith.constant 0 : i32
      %dma_wait3A_776 = arith.constant 0 : i32
      %dma_wait3A_777 = tpu.memref_slice %dma_wait3A_774[%dma_wait3A_775, %dma_wait3A_776] : memref<160x125xi32, #tpu.memory_space<hbm>> -> memref<16x125xi32, #tpu.memory_space<hbm>>
      tpu.wait_dma2 semaphore(%arg17 : memref<!tpu.dma_semaphore, #tpu.memory_space<semaphore_mem>>) src(%dma_wait3A_777 : memref<16x125xi32, #tpu.memory_space<hbm>>) dst(%arg9 : memref<16x125xi32, #tpu.memory_space<vmem>>)
      %dma_start3A_778 = arith.constant 0 : i32
      %dma_start3A_779 = arith.constant 0 : i32
      %dma_start3A_780 = tpu.memref_slice %arg9[%dma_start3A_778, %dma_start3A_779] : memref<16x125xi32, #tpu.memory_space<vmem>> -> memref<1x125xi32, #tpu.memory_space<vmem>>
      %dma_start3A_781 = tpu.memref_squeeze %dma_start3A_780 : memref<1x125xi32, #tpu.memory_space<vmem>> -> memref<125xi32, #tpu.memory_space<vmem>>
      %dma_start3A_782 = arith.constant 0 : i32
      %dma_start3A_783 = arith.constant 0 : i32
      %dma_start3A_784 = tpu.memref_slice %arg2[%add3A_3, %dma_start3A_782, %dma_start3A_783] : memref<4x10000x128xf32, #tpu.memory_space<hbm>> -> memref<1x10000x128xf32, #tpu.memory_space<hbm>>
      %dma_start3A_785 = tpu.memref_squeeze %dma_start3A_784 : memref<1x10000x128xf32, #tpu.memory_space<hbm>> -> memref<10000x128xf32, #tpu.memory_space<hbm>>
      %dma_start3A_786 = arith.constant 0 : i32
      %dma_start3A_787 = arith.constant 0 : i32
      %dma_start3A_788 = tpu.memref_slice %dma_start3A_785[%dma_start3A_786, %dma_start3A_787] : memref<10000x128xf32, #tpu.memory_space<hbm>> -> memref<10000x128xf32, #tpu.memory_space<hbm>>
      tpu.enqueue_indirect_dma source(%dma_start3A_788 : memref<10000x128xf32, #tpu.memory_space<hbm>>) target(%arg11 : memref<125x128xf32, #tpu.memory_space<vmem>>) offsets(%dma_start3A_781 : memref<125xi32, #tpu.memory_space<vmem>>) semaphore(%arg14 : memref<!tpu.dma_semaphore, #tpu.memory_space<semaphore_mem>>)
      %dma_start3A_789 = arith.constant 15 : i32
      %dma_start3A_790 = arith.constant 0 : i32
      %dma_start3A_791 = tpu.memref_slice %arg8[%dma_start3A_789, %dma_start3A_790] : memref<16x125xi32, #tpu.memory_space<vmem>> -> memref<1x125xi32, #tpu.memory_space<vmem>>
      %dma_start3A_792 = tpu.memref_squeeze %dma_start3A_791 : memref<1x125xi32, #tpu.memory_space<vmem>> -> memref<125xi32, #tpu.memory_space<vmem>>
      %dma_start3A_793 = arith.constant 0 : i32
      %dma_start3A_794 = arith.constant 0 : i32
      %dma_start3A_795 = tpu.memref_slice %arg13[%dma_start3A_793, %dma_start3A_794] : memref<10000x128xf32, #tpu.memory_space<vmem_shared>> -> memref<10000x128xf32, #tpu.memory_space<vmem_shared>>
      tpu.enqueue_indirect_dma source(%arg12 : memref<125x128xf32, #tpu.memory_space<vmem>>) target(%dma_start3A_795 : memref<10000x128xf32, #tpu.memory_space<vmem_shared>>) offsets(%dma_start3A_792 : memref<125xi32, #tpu.memory_space<vmem>>) semaphore(%arg19 : memref<!tpu.dma_semaphore, #tpu.memory_space<semaphore_mem>>) {add = true}
      %mul3A_796 = arith.constant 2 : i32
      %mul3A_797 = arith.muli %mul3A_796, %scan3A_102 : i32
      %add3A_798 = arith.constant 2 : i32
      %add3A_799 = arith.addi %mul3A_797, %add3A_798 : i32
      %lt3A_800 = arith.constant 10 : i32
      %lt3A_801 = arith.cmpi slt, %add3A_799, %lt3A_800 : i32
      %convert_element_type3A_802 = arith.extui %lt3A_801 : i1 to i32
      %cond3A_803 = arith.constant 0 : i32
      %cond3A_804 = arith.cmpi ne, %convert_element_type3A_802, %cond3A_803 : i32
      scf.if %cond3A_804 {
        %mul3A_1439 = arith.constant 16 : i32
        %mul3A_1440 = arith.muli %add3A_799, %mul3A_1439 : i32
        %dma_start3A_1441 = arith.constant 0 : i32
        %dma_start3A_1442 = arith.constant 0 : i32
        %dma_start3A_1443 = tpu.memref_slice %arg3[%arg1, %dma_start3A_1441, %dma_start3A_1442] : memref<16x160x125xi32, #tpu.memory_space<hbm>> -> memref<1x160x125xi32, #tpu.memory_space<hbm>>
        %dma_start3A_1444 = tpu.memref_squeeze %dma_start3A_1443 : memref<1x160x125xi32, #tpu.memory_space<hbm>> -> memref<160x125xi32, #tpu.memory_space<hbm>>
        %dma_start3A_1445 = arith.constant 0 : i32
        %dma_start3A_1446 = tpu.memref_slice %dma_start3A_1444[%mul3A_1440, %dma_start3A_1445] : memref<160x125xi32, #tpu.memory_space<hbm>> -> memref<16x125xi32, #tpu.memory_space<hbm>>
        %dma_start3A_1447 = arith.constant 0 : i32
        %dma_start3A_1448 = arith.constant 0 : i32
        %dma_start3A_1449 = tpu.memref_slice %arg3[%arg1, %dma_start3A_1447, %dma_start3A_1448] : memref<16x160x125xi32, #tpu.memory_space<hbm>> -> memref<1x160x125xi32, #tpu.memory_space<hbm>>
        %dma_start3A_1450 = tpu.memref_squeeze %dma_start3A_1449 : memref<1x160x125xi32, #tpu.memory_space<hbm>> -> memref<160x125xi32, #tpu.memory_space<hbm>>
        %dma_start3A_1451 = arith.constant 0 : i32
        %dma_start3A_1452 = tpu.memref_slice %dma_start3A_1450[%mul3A_1440, %dma_start3A_1451] : memref<160x125xi32, #tpu.memory_space<hbm>> -> memref<16x125xi32, #tpu.memory_space<hbm>>
        tpu.enqueue_dma source(%dma_start3A_1452 : memref<16x125xi32, #tpu.memory_space<hbm>>) target(%arg7 : memref<16x125xi32, #tpu.memory_space<vmem>>) target_semaphore(%arg16 : memref<!tpu.dma_semaphore, #tpu.memory_space<semaphore_mem>>)
        %mul3A_1453 = arith.constant 16 : i32
        %mul3A_1454 = arith.muli %add3A_799, %mul3A_1453 : i32
        %dma_start3A_1455 = arith.constant 0 : i32
        %dma_start3A_1456 = arith.constant 0 : i32
        %dma_start3A_1457 = tpu.memref_slice %arg4[%arg1, %dma_start3A_1455, %dma_start3A_1456] : memref<16x160x125xi32, #tpu.memory_space<hbm>> -> memref<1x160x125xi32, #tpu.memory_space<hbm>>
        %dma_start3A_1458 = tpu.memref_squeeze %dma_start3A_1457 : memref<1x160x125xi32, #tpu.memory_space<hbm>> -> memref<160x125xi32, #tpu.memory_space<hbm>>
        %dma_start3A_1459 = arith.constant 0 : i32
        %dma_start3A_1460 = tpu.memref_slice %dma_start3A_1458[%mul3A_1454, %dma_start3A_1459] : memref<160x125xi32, #tpu.memory_space<hbm>> -> memref<16x125xi32, #tpu.memory_space<hbm>>
        %dma_start3A_1461 = arith.constant 0 : i32
        %dma_start3A_1462 = arith.constant 0 : i32
        %dma_start3A_1463 = tpu.memref_slice %arg4[%arg1, %dma_start3A_1461, %dma_start3A_1462] : memref<16x160x125xi32, #tpu.memory_space<hbm>> -> memref<1x160x125xi32, #tpu.memory_space<hbm>>
        %dma_start3A_1464 = tpu.memref_squeeze %dma_start3A_1463 : memref<1x160x125xi32, #tpu.memory_space<hbm>> -> memref<160x125xi32, #tpu.memory_space<hbm>>
        %dma_start3A_1465 = arith.constant 0 : i32
        %dma_start3A_1466 = tpu.memref_slice %dma_start3A_1464[%mul3A_1454, %dma_start3A_1465] : memref<160x125xi32, #tpu.memory_space<hbm>> -> memref<16x125xi32, #tpu.memory_space<hbm>>
        tpu.enqueue_dma source(%dma_start3A_1466 : memref<16x125xi32, #tpu.memory_space<hbm>>) target(%arg8 : memref<16x125xi32, #tpu.memory_space<vmem>>) target_semaphore(%arg16 : memref<!tpu.dma_semaphore, #tpu.memory_space<semaphore_mem>>)
      } else {
      }
      %lt3A_805 = arith.constant 4 : i32
      %lt3A_806 = arith.cmpi slt, %scan3A_102, %lt3A_805 : i32
      %dma_wait3A_807 = arith.constant 0 : i32
      %dma_wait3A_808 = arith.constant 0 : i32
      %dma_wait3A_809 = tpu.memref_slice %arg7[%dma_wait3A_807, %dma_wait3A_808] : memref<16x125xi32, #tpu.memory_space<vmem>> -> memref<1x125xi32, #tpu.memory_space<vmem>>
      %dma_wait3A_810 = tpu.memref_squeeze %dma_wait3A_809 : memref<1x125xi32, #tpu.memory_space<vmem>> -> memref<125xi32, #tpu.memory_space<vmem>>
      %dma_wait3A_811 = arith.constant 0 : i32
      %dma_wait3A_812 = arith.constant 0 : i32
      %dma_wait3A_813 = tpu.memref_slice %arg2[%add3A_3, %dma_wait3A_811, %dma_wait3A_812] : memref<4x10000x128xf32, #tpu.memory_space<hbm>> -> memref<1x10000x128xf32, #tpu.memory_space<hbm>>
      %dma_wait3A_814 = tpu.memref_squeeze %dma_wait3A_813 : memref<1x10000x128xf32, #tpu.memory_space<hbm>> -> memref<10000x128xf32, #tpu.memory_space<hbm>>
      %dma_wait3A_815 = arith.constant 0 : i32
      %dma_wait3A_816 = arith.constant 0 : i32
      %dma_wait3A_817 = tpu.memref_slice %dma_wait3A_814[%dma_wait3A_815, %dma_wait3A_816] : memref<10000x128xf32, #tpu.memory_space<hbm>> -> memref<10000x128xf32, #tpu.memory_space<hbm>>
      tpu.wait_indirect_dma semaphore(%arg14 : memref<!tpu.dma_semaphore, #tpu.memory_space<semaphore_mem>>) src(%dma_wait3A_817 : memref<10000x128xf32, #tpu.memory_space<hbm>>) dst(%arg11 : memref<125x128xf32, #tpu.memory_space<vmem>>)
      %dma_wait3A_818 = arith.constant 0 : i32
      %dma_wait3A_819 = arith.constant 0 : i32
      %dma_wait3A_820 = tpu.memref_slice %arg7[%dma_wait3A_818, %dma_wait3A_819] : memref<16x125xi32, #tpu.memory_space<vmem>> -> memref<1x125xi32, #tpu.memory_space<vmem>>
      %dma_wait3A_821 = tpu.memref_squeeze %dma_wait3A_820 : memref<1x125xi32, #tpu.memory_space<vmem>> -> memref<125xi32, #tpu.memory_space<vmem>>
      %dma_wait3A_822 = arith.constant 0 : i32
      %dma_wait3A_823 = arith.constant 0 : i32
      %dma_wait3A_824 = tpu.memref_slice %arg2[%add3A_3, %dma_wait3A_822, %dma_wait3A_823] : memref<4x10000x128xf32, #tpu.memory_space<hbm>> -> memref<1x10000x128xf32, #tpu.memory_space<hbm>>
      %dma_wait3A_825 = tpu.memref_squeeze %dma_wait3A_824 : memref<1x10000x128xf32, #tpu.memory_space<hbm>> -> memref<10000x128xf32, #tpu.memory_space<hbm>>
      %dma_wait3A_826 = arith.constant 0 : i32
      %dma_wait3A_827 = arith.constant 0 : i32
      %dma_wait3A_828 = tpu.memref_slice %dma_wait3A_825[%dma_wait3A_826, %dma_wait3A_827] : memref<10000x128xf32, #tpu.memory_space<hbm>> -> memref<10000x128xf32, #tpu.memory_space<hbm>>
      tpu.wait_indirect_dma semaphore(%arg19 : memref<!tpu.dma_semaphore, #tpu.memory_space<semaphore_mem>>) src(%dma_wait3A_828 : memref<10000x128xf32, #tpu.memory_space<hbm>>) dst(%arg12 : memref<125x128xf32, #tpu.memory_space<vmem>>)
      %dma_start3A_829 = arith.constant 1 : i32
      %dma_start3A_830 = arith.constant 0 : i32
      %dma_start3A_831 = tpu.memref_slice %arg9[%dma_start3A_829, %dma_start3A_830] : memref<16x125xi32, #tpu.memory_space<vmem>> -> memref<1x125xi32, #tpu.memory_space<vmem>>
      %dma_start3A_832 = tpu.memref_squeeze %dma_start3A_831 : memref<1x125xi32, #tpu.memory_space<vmem>> -> memref<125xi32, #tpu.memory_space<vmem>>
      %dma_start3A_833 = arith.constant 0 : i32
      %dma_start3A_834 = arith.constant 0 : i32
      %dma_start3A_835 = tpu.memref_slice %arg2[%add3A_3, %dma_start3A_833, %dma_start3A_834] : memref<4x10000x128xf32, #tpu.memory_space<hbm>> -> memref<1x10000x128xf32, #tpu.memory_space<hbm>>
      %dma_start3A_836 = tpu.memref_squeeze %dma_start3A_835 : memref<1x10000x128xf32, #tpu.memory_space<hbm>> -> memref<10000x128xf32, #tpu.memory_space<hbm>>
      %dma_start3A_837 = arith.constant 0 : i32
      %dma_start3A_838 = arith.constant 0 : i32
      %dma_start3A_839 = tpu.memref_slice %dma_start3A_836[%dma_start3A_837, %dma_start3A_838] : memref<10000x128xf32, #tpu.memory_space<hbm>> -> memref<10000x128xf32, #tpu.memory_space<hbm>>
      tpu.enqueue_indirect_dma source(%dma_start3A_839 : memref<10000x128xf32, #tpu.memory_space<hbm>>) target(%arg12 : memref<125x128xf32, #tpu.memory_space<vmem>>) offsets(%dma_start3A_832 : memref<125xi32, #tpu.memory_space<vmem>>) semaphore(%arg15 : memref<!tpu.dma_semaphore, #tpu.memory_space<semaphore_mem>>)
      %dma_start3A_840 = arith.constant 0 : i32
      %dma_start3A_841 = arith.constant 0 : i32
      %dma_start3A_842 = tpu.memref_slice %arg10[%dma_start3A_840, %dma_start3A_841] : memref<16x125xi32, #tpu.memory_space<vmem>> -> memref<1x125xi32, #tpu.memory_space<vmem>>
      %dma_start3A_843 = tpu.memref_squeeze %dma_start3A_842 : memref<1x125xi32, #tpu.memory_space<vmem>> -> memref<125xi32, #tpu.memory_space<vmem>>
      %dma_start3A_844 = arith.constant 0 : i32
      %dma_start3A_845 = arith.constant 0 : i32
      %dma_start3A_846 = tpu.memref_slice %arg13[%dma_start3A_844, %dma_start3A_845] : memref<10000x128xf32, #tpu.memory_space<vmem_shared>> -> memref<10000x128xf32, #tpu.memory_space<vmem_shared>>
      tpu.enqueue_indirect_dma source(%arg11 : memref<125x128xf32, #tpu.memory_space<vmem>>) target(%dma_start3A_846 : memref<10000x128xf32, #tpu.memory_space<vmem_shared>>) offsets(%dma_start3A_843 : memref<125xi32, #tpu.memory_space<vmem>>) semaphore(%arg18 : memref<!tpu.dma_semaphore, #tpu.memory_space<semaphore_mem>>) {add = true}
      %dma_wait3A_847 = arith.constant 0 : i32
      %dma_wait3A_848 = arith.constant 0 : i32
      %dma_wait3A_849 = tpu.memref_slice %arg7[%dma_wait3A_847, %dma_wait3A_848] : memref<16x125xi32, #tpu.memory_space<vmem>> -> memref<1x125xi32, #tpu.memory_space<vmem>>
      %dma_wait3A_850 = tpu.memref_squeeze %dma_wait3A_849 : memref<1x125xi32, #tpu.memory_space<vmem>> -> memref<125xi32, #tpu.memory_space<vmem>>
      %dma_wait3A_851 = arith.constant 0 : i32
      %dma_wait3A_852 = arith.constant 0 : i32
      %dma_wait3A_853 = tpu.memref_slice %arg2[%add3A_3, %dma_wait3A_851, %dma_wait3A_852] : memref<4x10000x128xf32, #tpu.memory_space<hbm>> -> memref<1x10000x128xf32, #tpu.memory_space<hbm>>
      %dma_wait3A_854 = tpu.memref_squeeze %dma_wait3A_853 : memref<1x10000x128xf32, #tpu.memory_space<hbm>> -> memref<10000x128xf32, #tpu.memory_space<hbm>>
      %dma_wait3A_855 = arith.constant 0 : i32
      %dma_wait3A_856 = arith.constant 0 : i32
      %dma_wait3A_857 = tpu.memref_slice %dma_wait3A_854[%dma_wait3A_855, %dma_wait3A_856] : memref<10000x128xf32, #tpu.memory_space<hbm>> -> memref<10000x128xf32, #tpu.memory_space<hbm>>
      tpu.wait_indirect_dma semaphore(%arg15 : memref<!tpu.dma_semaphore, #tpu.memory_space<semaphore_mem>>) src(%dma_wait3A_857 : memref<10000x128xf32, #tpu.memory_space<hbm>>) dst(%arg12 : memref<125x128xf32, #tpu.memory_space<vmem>>)
      %dma_wait3A_858 = arith.constant 0 : i32
      %dma_wait3A_859 = arith.constant 0 : i32
      %dma_wait3A_860 = tpu.memref_slice %arg7[%dma_wait3A_858, %dma_wait3A_859] : memref<16x125xi32, #tpu.memory_space<vmem>> -> memref<1x125xi32, #tpu.memory_space<vmem>>
      %dma_wait3A_861 = tpu.memref_squeeze %dma_wait3A_860 : memref<1x125xi32, #tpu.memory_space<vmem>> -> memref<125xi32, #tpu.memory_space<vmem>>
      %dma_wait3A_862 = arith.constant 0 : i32
      %dma_wait3A_863 = arith.constant 0 : i32
      %dma_wait3A_864 = tpu.memref_slice %arg2[%add3A_3, %dma_wait3A_862, %dma_wait3A_863] : memref<4x10000x128xf32, #tpu.memory_space<hbm>> -> memref<1x10000x128xf32, #tpu.memory_space<hbm>>
      %dma_wait3A_865 = tpu.memref_squeeze %dma_wait3A_864 : memref<1x10000x128xf32, #tpu.memory_space<hbm>> -> memref<10000x128xf32, #tpu.memory_space<hbm>>
      %dma_wait3A_866 = arith.constant 0 : i32
      %dma_wait3A_867 = arith.constant 0 : i32
      %dma_wait3A_868 = tpu.memref_slice %dma_wait3A_865[%dma_wait3A_866, %dma_wait3A_867] : memref<10000x128xf32, #tpu.memory_space<hbm>> -> memref<10000x128xf32, #tpu.memory_space<hbm>>
      tpu.wait_indirect_dma semaphore(%arg18 : memref<!tpu.dma_semaphore, #tpu.memory_space<semaphore_mem>>) src(%dma_wait3A_868 : memref<10000x128xf32, #tpu.memory_space<hbm>>) dst(%arg11 : memref<125x128xf32, #tpu.memory_space<vmem>>)
      %dma_start3A_869 = arith.constant 2 : i32
      %dma_start3A_870 = arith.constant 0 : i32
      %dma_start3A_871 = tpu.memref_slice %arg9[%dma_start3A_869, %dma_start3A_870] : memref<16x125xi32, #tpu.memory_space<vmem>> -> memref<1x125xi32, #tpu.memory_space<vmem>>
      %dma_start3A_872 = tpu.memref_squeeze %dma_start3A_871 : memref<1x125xi32, #tpu.memory_space<vmem>> -> memref<125xi32, #tpu.memory_space<vmem>>
      %dma_start3A_873 = arith.constant 0 : i32
      %dma_start3A_874 = arith.constant 0 : i32
      %dma_start3A_875 = tpu.memref_slice %arg2[%add3A_3, %dma_start3A_873, %dma_start3A_874] : memref<4x10000x128xf32, #tpu.memory_space<hbm>> -> memref<1x10000x128xf32, #tpu.memory_space<hbm>>
      %dma_start3A_876 = tpu.memref_squeeze %dma_start3A_875 : memref<1x10000x128xf32, #tpu.memory_space<hbm>> -> memref<10000x128xf32, #tpu.memory_space<hbm>>
      %dma_start3A_877 = arith.constant 0 : i32
      %dma_start3A_878 = arith.constant 0 : i32
      %dma_start3A_879 = tpu.memref_slice %dma_start3A_876[%dma_start3A_877, %dma_start3A_878] : memref<10000x128xf32, #tpu.memory_space<hbm>> -> memref<10000x128xf32, #tpu.memory_space<hbm>>
      tpu.enqueue_indirect_dma source(%dma_start3A_879 : memref<10000x128xf32, #tpu.memory_space<hbm>>) target(%arg11 : memref<125x128xf32, #tpu.memory_space<vmem>>) offsets(%dma_start3A_872 : memref<125xi32, #tpu.memory_space<vmem>>) semaphore(%arg14 : memref<!tpu.dma_semaphore, #tpu.memory_space<semaphore_mem>>)
      %dma_start3A_880 = arith.constant 1 : i32
      %dma_start3A_881 = arith.constant 0 : i32
      %dma_start3A_882 = tpu.memref_slice %arg10[%dma_start3A_880, %dma_start3A_881] : memref<16x125xi32, #tpu.memory_space<vmem>> -> memref<1x125xi32, #tpu.memory_space<vmem>>
      %dma_start3A_883 = tpu.memref_squeeze %dma_start3A_882 : memref<1x125xi32, #tpu.memory_space<vmem>> -> memref<125xi32, #tpu.memory_space<vmem>>
      %dma_start3A_884 = arith.constant 0 : i32
      %dma_start3A_885 = arith.constant 0 : i32
      %dma_start3A_886 = tpu.memref_slice %arg13[%dma_start3A_884, %dma_start3A_885] : memref<10000x128xf32, #tpu.memory_space<vmem_shared>> -> memref<10000x128xf32, #tpu.memory_space<vmem_shared>>
      tpu.enqueue_indirect_dma source(%arg12 : memref<125x128xf32, #tpu.memory_space<vmem>>) target(%dma_start3A_886 : memref<10000x128xf32, #tpu.memory_space<vmem_shared>>) offsets(%dma_start3A_883 : memref<125xi32, #tpu.memory_space<vmem>>) semaphore(%arg19 : memref<!tpu.dma_semaphore, #tpu.memory_space<semaphore_mem>>) {add = true}
      %dma_wait3A_887 = arith.constant 0 : i32
      %dma_wait3A_888 = arith.constant 0 : i32
      %dma_wait3A_889 = tpu.memref_slice %arg7[%dma_wait3A_887, %dma_wait3A_888] : memref<16x125xi32, #tpu.memory_space<vmem>> -> memref<1x125xi32, #tpu.memory_space<vmem>>
      %dma_wait3A_890 = tpu.memref_squeeze %dma_wait3A_889 : memref<1x125xi32, #tpu.memory_space<vmem>> -> memref<125xi32, #tpu.memory_space<vmem>>
      %dma_wait3A_891 = arith.constant 0 : i32
      %dma_wait3A_892 = arith.constant 0 : i32
      %dma_wait3A_893 = tpu.memref_slice %arg2[%add3A_3, %dma_wait3A_891, %dma_wait3A_892] : memref<4x10000x128xf32, #tpu.memory_space<hbm>> -> memref<1x10000x128xf32, #tpu.memory_space<hbm>>
      %dma_wait3A_894 = tpu.memref_squeeze %dma_wait3A_893 : memref<1x10000x128xf32, #tpu.memory_space<hbm>> -> memref<10000x128xf32, #tpu.memory_space<hbm>>
      %dma_wait3A_895 = arith.constant 0 : i32
      %dma_wait3A_896 = arith.constant 0 : i32
      %dma_wait3A_897 = tpu.memref_slice %dma_wait3A_894[%dma_wait3A_895, %dma_wait3A_896] : memref<10000x128xf32, #tpu.memory_space<hbm>> -> memref<10000x128xf32, #tpu.memory_space<hbm>>
      tpu.wait_indirect_dma semaphore(%arg14 : memref<!tpu.dma_semaphore, #tpu.memory_space<semaphore_mem>>) src(%dma_wait3A_897 : memref<10000x128xf32, #tpu.memory_space<hbm>>) dst(%arg11 : memref<125x128xf32, #tpu.memory_space<vmem>>)
      %dma_wait3A_898 = arith.constant 0 : i32
      %dma_wait3A_899 = arith.constant 0 : i32
      %dma_wait3A_900 = tpu.memref_slice %arg7[%dma_wait3A_898, %dma_wait3A_899] : memref<16x125xi32, #tpu.memory_space<vmem>> -> memref<1x125xi32, #tpu.memory_space<vmem>>
      %dma_wait3A_901 = tpu.memref_squeeze %dma_wait3A_900 : memref<1x125xi32, #tpu.memory_space<vmem>> -> memref<125xi32, #tpu.memory_space<vmem>>
      %dma_wait3A_902 = arith.constant 0 : i32
      %dma_wait3A_903 = arith.constant 0 : i32
      %dma_wait3A_904 = tpu.memref_slice %arg2[%add3A_3, %dma_wait3A_902, %dma_wait3A_903] : memref<4x10000x128xf32, #tpu.memory_space<hbm>> -> memref<1x10000x128xf32, #tpu.memory_space<hbm>>
      %dma_wait3A_905 = tpu.memref_squeeze %dma_wait3A_904 : memref<1x10000x128xf32, #tpu.memory_space<hbm>> -> memref<10000x128xf32, #tpu.memory_space<hbm>>
      %dma_wait3A_906 = arith.constant 0 : i32
      %dma_wait3A_907 = arith.constant 0 : i32
      %dma_wait3A_908 = tpu.memref_slice %dma_wait3A_905[%dma_wait3A_906, %dma_wait3A_907] : memref<10000x128xf32, #tpu.memory_space<hbm>> -> memref<10000x128xf32, #tpu.memory_space<hbm>>
      tpu.wait_indirect_dma semaphore(%arg19 : memref<!tpu.dma_semaphore, #tpu.memory_space<semaphore_mem>>) src(%dma_wait3A_908 : memref<10000x128xf32, #tpu.memory_space<hbm>>) dst(%arg12 : memref<125x128xf32, #tpu.memory_space<vmem>>)
      %dma_start3A_909 = arith.constant 3 : i32
      %dma_start3A_910 = arith.constant 0 : i32
      %dma_start3A_911 = tpu.memref_slice %arg9[%dma_start3A_909, %dma_start3A_910] : memref<16x125xi32, #tpu.memory_space<vmem>> -> memref<1x125xi32, #tpu.memory_space<vmem>>
      %dma_start3A_912 = tpu.memref_squeeze %dma_start3A_911 : memref<1x125xi32, #tpu.memory_space<vmem>> -> memref<125xi32, #tpu.memory_space<vmem>>
      %dma_start3A_913 = arith.constant 0 : i32
      %dma_start3A_914 = arith.constant 0 : i32
      %dma_start3A_915 = tpu.memref_slice %arg2[%add3A_3, %dma_start3A_913, %dma_start3A_914] : memref<4x10000x128xf32, #tpu.memory_space<hbm>> -> memref<1x10000x128xf32, #tpu.memory_space<hbm>>
      %dma_start3A_916 = tpu.memref_squeeze %dma_start3A_915 : memref<1x10000x128xf32, #tpu.memory_space<hbm>> -> memref<10000x128xf32, #tpu.memory_space<hbm>>
      %dma_start3A_917 = arith.constant 0 : i32
      %dma_start3A_918 = arith.constant 0 : i32
      %dma_start3A_919 = tpu.memref_slice %dma_start3A_916[%dma_start3A_917, %dma_start3A_918] : memref<10000x128xf32, #tpu.memory_space<hbm>> -> memref<10000x128xf32, #tpu.memory_space<hbm>>
      tpu.enqueue_indirect_dma source(%dma_start3A_919 : memref<10000x128xf32, #tpu.memory_space<hbm>>) target(%arg12 : memref<125x128xf32, #tpu.memory_space<vmem>>) offsets(%dma_start3A_912 : memref<125xi32, #tpu.memory_space<vmem>>) semaphore(%arg15 : memref<!tpu.dma_semaphore, #tpu.memory_space<semaphore_mem>>)
      %dma_start3A_920 = arith.constant 2 : i32
      %dma_start3A_921 = arith.constant 0 : i32
      %dma_start3A_922 = tpu.memref_slice %arg10[%dma_start3A_920, %dma_start3A_921] : memref<16x125xi32, #tpu.memory_space<vmem>> -> memref<1x125xi32, #tpu.memory_space<vmem>>
      %dma_start3A_923 = tpu.memref_squeeze %dma_start3A_922 : memref<1x125xi32, #tpu.memory_space<vmem>> -> memref<125xi32, #tpu.memory_space<vmem>>
      %dma_start3A_924 = arith.constant 0 : i32
      %dma_start3A_925 = arith.constant 0 : i32
      %dma_start3A_926 = tpu.memref_slice %arg13[%dma_start3A_924, %dma_start3A_925] : memref<10000x128xf32, #tpu.memory_space<vmem_shared>> -> memref<10000x128xf32, #tpu.memory_space<vmem_shared>>
      tpu.enqueue_indirect_dma source(%arg11 : memref<125x128xf32, #tpu.memory_space<vmem>>) target(%dma_start3A_926 : memref<10000x128xf32, #tpu.memory_space<vmem_shared>>) offsets(%dma_start3A_923 : memref<125xi32, #tpu.memory_space<vmem>>) semaphore(%arg18 : memref<!tpu.dma_semaphore, #tpu.memory_space<semaphore_mem>>) {add = true}
      %dma_wait3A_927 = arith.constant 0 : i32
      %dma_wait3A_928 = arith.constant 0 : i32
      %dma_wait3A_929 = tpu.memref_slice %arg7[%dma_wait3A_927, %dma_wait3A_928] : memref<16x125xi32, #tpu.memory_space<vmem>> -> memref<1x125xi32, #tpu.memory_space<vmem>>
      %dma_wait3A_930 = tpu.memref_squeeze %dma_wait3A_929 : memref<1x125xi32, #tpu.memory_space<vmem>> -> memref<125xi32, #tpu.memory_space<vmem>>
      %dma_wait3A_931 = arith.constant 0 : i32
      %dma_wait3A_932 = arith.constant 0 : i32
      %dma_wait3A_933 = tpu.memref_slice %arg2[%add3A_3, %dma_wait3A_931, %dma_wait3A_932] : memref<4x10000x128xf32, #tpu.memory_space<hbm>> -> memref<1x10000x128xf32, #tpu.memory_space<hbm>>
      %dma_wait3A_934 = tpu.memref_squeeze %dma_wait3A_933 : memref<1x10000x128xf32, #tpu.memory_space<hbm>> -> memref<10000x128xf32, #tpu.memory_space<hbm>>
      %dma_wait3A_935 = arith.constant 0 : i32
      %dma_wait3A_936 = arith.constant 0 : i32
      %dma_wait3A_937 = tpu.memref_slice %dma_wait3A_934[%dma_wait3A_935, %dma_wait3A_936] : memref<10000x128xf32, #tpu.memory_space<hbm>> -> memref<10000x128xf32, #tpu.memory_space<hbm>>
      tpu.wait_indirect_dma semaphore(%arg15 : memref<!tpu.dma_semaphore, #tpu.memory_space<semaphore_mem>>) src(%dma_wait3A_937 : memref<10000x128xf32, #tpu.memory_space<hbm>>) dst(%arg12 : memref<125x128xf32, #tpu.memory_space<vmem>>)
      %dma_wait3A_938 = arith.constant 0 : i32
      %dma_wait3A_939 = arith.constant 0 : i32
      %dma_wait3A_940 = tpu.memref_slice %arg7[%dma_wait3A_938, %dma_wait3A_939] : memref<16x125xi32, #tpu.memory_space<vmem>> -> memref<1x125xi32, #tpu.memory_space<vmem>>
      %dma_wait3A_941 = tpu.memref_squeeze %dma_wait3A_940 : memref<1x125xi32, #tpu.memory_space<vmem>> -> memref<125xi32, #tpu.memory_space<vmem>>
      %dma_wait3A_942 = arith.constant 0 : i32
      %dma_wait3A_943 = arith.constant 0 : i32
      %dma_wait3A_944 = tpu.memref_slice %arg2[%add3A_3, %dma_wait3A_942, %dma_wait3A_943] : memref<4x10000x128xf32, #tpu.memory_space<hbm>> -> memref<1x10000x128xf32, #tpu.memory_space<hbm>>
      %dma_wait3A_945 = tpu.memref_squeeze %dma_wait3A_944 : memref<1x10000x128xf32, #tpu.memory_space<hbm>> -> memref<10000x128xf32, #tpu.memory_space<hbm>>
      %dma_wait3A_946 = arith.constant 0 : i32
      %dma_wait3A_947 = arith.constant 0 : i32
      %dma_wait3A_948 = tpu.memref_slice %dma_wait3A_945[%dma_wait3A_946, %dma_wait3A_947] : memref<10000x128xf32, #tpu.memory_space<hbm>> -> memref<10000x128xf32, #tpu.memory_space<hbm>>
      tpu.wait_indirect_dma semaphore(%arg18 : memref<!tpu.dma_semaphore, #tpu.memory_space<semaphore_mem>>) src(%dma_wait3A_948 : memref<10000x128xf32, #tpu.memory_space<hbm>>) dst(%arg11 : memref<125x128xf32, #tpu.memory_space<vmem>>)
      %dma_start3A_949 = arith.constant 4 : i32
      %dma_start3A_950 = arith.constant 0 : i32
      %dma_start3A_951 = tpu.memref_slice %arg9[%dma_start3A_949, %dma_start3A_950] : memref<16x125xi32, #tpu.memory_space<vmem>> -> memref<1x125xi32, #tpu.memory_space<vmem>>
      %dma_start3A_952 = tpu.memref_squeeze %dma_start3A_951 : memref<1x125xi32, #tpu.memory_space<vmem>> -> memref<125xi32, #tpu.memory_space<vmem>>
      %dma_start3A_953 = arith.constant 0 : i32
      %dma_start3A_954 = arith.constant 0 : i32
      %dma_start3A_955 = tpu.memref_slice %arg2[%add3A_3, %dma_start3A_953, %dma_start3A_954] : memref<4x10000x128xf32, #tpu.memory_space<hbm>> -> memref<1x10000x128xf32, #tpu.memory_space<hbm>>
      %dma_start3A_956 = tpu.memref_squeeze %dma_start3A_955 : memref<1x10000x128xf32, #tpu.memory_space<hbm>> -> memref<10000x128xf32, #tpu.memory_space<hbm>>
      %dma_start3A_957 = arith.constant 0 : i32
      %dma_start3A_958 = arith.constant 0 : i32
      %dma_start3A_959 = tpu.memref_slice %dma_start3A_956[%dma_start3A_957, %dma_start3A_958] : memref<10000x128xf32, #tpu.memory_space<hbm>> -> memref<10000x128xf32, #tpu.memory_space<hbm>>
      tpu.enqueue_indirect_dma source(%dma_start3A_959 : memref<10000x128xf32, #tpu.memory_space<hbm>>) target(%arg11 : memref<125x128xf32, #tpu.memory_space<vmem>>) offsets(%dma_start3A_952 : memref<125xi32, #tpu.memory_space<vmem>>) semaphore(%arg14 : memref<!tpu.dma_semaphore, #tpu.memory_space<semaphore_mem>>)
      %dma_start3A_960 = arith.constant 3 : i32
      %dma_start3A_961 = arith.constant 0 : i32
      %dma_start3A_962 = tpu.memref_slice %arg10[%dma_start3A_960, %dma_start3A_961] : memref<16x125xi32, #tpu.memory_space<vmem>> -> memref<1x125xi32, #tpu.memory_space<vmem>>
      %dma_start3A_963 = tpu.memref_squeeze %dma_start3A_962 : memref<1x125xi32, #tpu.memory_space<vmem>> -> memref<125xi32, #tpu.memory_space<vmem>>
      %dma_start3A_964 = arith.constant 0 : i32
      %dma_start3A_965 = arith.constant 0 : i32
      %dma_start3A_966 = tpu.memref_slice %arg13[%dma_start3A_964, %dma_start3A_965] : memref<10000x128xf32, #tpu.memory_space<vmem_shared>> -> memref<10000x128xf32, #tpu.memory_space<vmem_shared>>
      tpu.enqueue_indirect_dma source(%arg12 : memref<125x128xf32, #tpu.memory_space<vmem>>) target(%dma_start3A_966 : memref<10000x128xf32, #tpu.memory_space<vmem_shared>>) offsets(%dma_start3A_963 : memref<125xi32, #tpu.memory_space<vmem>>) semaphore(%arg19 : memref<!tpu.dma_semaphore, #tpu.memory_space<semaphore_mem>>) {add = true}
      %dma_wait3A_967 = arith.constant 0 : i32
      %dma_wait3A_968 = arith.constant 0 : i32
      %dma_wait3A_969 = tpu.memref_slice %arg7[%dma_wait3A_967, %dma_wait3A_968] : memref<16x125xi32, #tpu.memory_space<vmem>> -> memref<1x125xi32, #tpu.memory_space<vmem>>
      %dma_wait3A_970 = tpu.memref_squeeze %dma_wait3A_969 : memref<1x125xi32, #tpu.memory_space<vmem>> -> memref<125xi32, #tpu.memory_space<vmem>>
      %dma_wait3A_971 = arith.constant 0 : i32
      %dma_wait3A_972 = arith.constant 0 : i32
      %dma_wait3A_973 = tpu.memref_slice %arg2[%add3A_3, %dma_wait3A_971, %dma_wait3A_972] : memref<4x10000x128xf32, #tpu.memory_space<hbm>> -> memref<1x10000x128xf32, #tpu.memory_space<hbm>>
      %dma_wait3A_974 = tpu.memref_squeeze %dma_wait3A_973 : memref<1x10000x128xf32, #tpu.memory_space<hbm>> -> memref<10000x128xf32, #tpu.memory_space<hbm>>
      %dma_wait3A_975 = arith.constant 0 : i32
      %dma_wait3A_976 = arith.constant 0 : i32
      %dma_wait3A_977 = tpu.memref_slice %dma_wait3A_974[%dma_wait3A_975, %dma_wait3A_976] : memref<10000x128xf32, #tpu.memory_space<hbm>> -> memref<10000x128xf32, #tpu.memory_space<hbm>>
      tpu.wait_indirect_dma semaphore(%arg14 : memref<!tpu.dma_semaphore, #tpu.memory_space<semaphore_mem>>) src(%dma_wait3A_977 : memref<10000x128xf32, #tpu.memory_space<hbm>>) dst(%arg11 : memref<125x128xf32, #tpu.memory_space<vmem>>)
      %dma_wait3A_978 = arith.constant 0 : i32
      %dma_wait3A_979 = arith.constant 0 : i32
      %dma_wait3A_980 = tpu.memref_slice %arg7[%dma_wait3A_978, %dma_wait3A_979] : memref<16x125xi32, #tpu.memory_space<vmem>> -> memref<1x125xi32, #tpu.memory_space<vmem>>
      %dma_wait3A_981 = tpu.memref_squeeze %dma_wait3A_980 : memref<1x125xi32, #tpu.memory_space<vmem>> -> memref<125xi32, #tpu.memory_space<vmem>>
      %dma_wait3A_982 = arith.constant 0 : i32
      %dma_wait3A_983 = arith.constant 0 : i32
      %dma_wait3A_984 = tpu.memref_slice %arg2[%add3A_3, %dma_wait3A_982, %dma_wait3A_983] : memref<4x10000x128xf32, #tpu.memory_space<hbm>> -> memref<1x10000x128xf32, #tpu.memory_space<hbm>>
      %dma_wait3A_985 = tpu.memref_squeeze %dma_wait3A_984 : memref<1x10000x128xf32, #tpu.memory_space<hbm>> -> memref<10000x128xf32, #tpu.memory_space<hbm>>
      %dma_wait3A_986 = arith.constant 0 : i32
      %dma_wait3A_987 = arith.constant 0 : i32
      %dma_wait3A_988 = tpu.memref_slice %dma_wait3A_985[%dma_wait3A_986, %dma_wait3A_987] : memref<10000x128xf32, #tpu.memory_space<hbm>> -> memref<10000x128xf32, #tpu.memory_space<hbm>>
      tpu.wait_indirect_dma semaphore(%arg19 : memref<!tpu.dma_semaphore, #tpu.memory_space<semaphore_mem>>) src(%dma_wait3A_988 : memref<10000x128xf32, #tpu.memory_space<hbm>>) dst(%arg12 : memref<125x128xf32, #tpu.memory_space<vmem>>)
      %dma_start3A_989 = arith.constant 5 : i32
      %dma_start3A_990 = arith.constant 0 : i32
      %dma_start3A_991 = tpu.memref_slice %arg9[%dma_start3A_989, %dma_start3A_990] : memref<16x125xi32, #tpu.memory_space<vmem>> -> memref<1x125xi32, #tpu.memory_space<vmem>>
      %dma_start3A_992 = tpu.memref_squeeze %dma_start3A_991 : memref<1x125xi32, #tpu.memory_space<vmem>> -> memref<125xi32, #tpu.memory_space<vmem>>
      %dma_start3A_993 = arith.constant 0 : i32
      %dma_start3A_994 = arith.constant 0 : i32
      %dma_start3A_995 = tpu.memref_slice %arg2[%add3A_3, %dma_start3A_993, %dma_start3A_994] : memref<4x10000x128xf32, #tpu.memory_space<hbm>> -> memref<1x10000x128xf32, #tpu.memory_space<hbm>>
      %dma_start3A_996 = tpu.memref_squeeze %dma_start3A_995 : memref<1x10000x128xf32, #tpu.memory_space<hbm>> -> memref<10000x128xf32, #tpu.memory_space<hbm>>
      %dma_start3A_997 = arith.constant 0 : i32
      %dma_start3A_998 = arith.constant 0 : i32
      %dma_start3A_999 = tpu.memref_slice %dma_start3A_996[%dma_start3A_997, %dma_start3A_998] : memref<10000x128xf32, #tpu.memory_space<hbm>> -> memref<10000x128xf32, #tpu.memory_space<hbm>>
      tpu.enqueue_indirect_dma source(%dma_start3A_999 : memref<10000x128xf32, #tpu.memory_space<hbm>>) target(%arg12 : memref<125x128xf32, #tpu.memory_space<vmem>>) offsets(%dma_start3A_992 : memref<125xi32, #tpu.memory_space<vmem>>) semaphore(%arg15 : memref<!tpu.dma_semaphore, #tpu.memory_space<semaphore_mem>>)
      %dma_start3A_1000 = arith.constant 4 : i32
      %dma_start3A_1001 = arith.constant 0 : i32
      %dma_start3A_1002 = tpu.memref_slice %arg10[%dma_start3A_1000, %dma_start3A_1001] : memref<16x125xi32, #tpu.memory_space<vmem>> -> memref<1x125xi32, #tpu.memory_space<vmem>>
      %dma_start3A_1003 = tpu.memref_squeeze %dma_start3A_1002 : memref<1x125xi32, #tpu.memory_space<vmem>> -> memref<125xi32, #tpu.memory_space<vmem>>
      %dma_start3A_1004 = arith.constant 0 : i32
      %dma_start3A_1005 = arith.constant 0 : i32
      %dma_start3A_1006 = tpu.memref_slice %arg13[%dma_start3A_1004, %dma_start3A_1005] : memref<10000x128xf32, #tpu.memory_space<vmem_shared>> -> memref<10000x128xf32, #tpu.memory_space<vmem_shared>>
      tpu.enqueue_indirect_dma source(%arg11 : memref<125x128xf32, #tpu.memory_space<vmem>>) target(%dma_start3A_1006 : memref<10000x128xf32, #tpu.memory_space<vmem_shared>>) offsets(%dma_start3A_1003 : memref<125xi32, #tpu.memory_space<vmem>>) semaphore(%arg18 : memref<!tpu.dma_semaphore, #tpu.memory_space<semaphore_mem>>) {add = true}
      %dma_wait3A_1007 = arith.constant 0 : i32
      %dma_wait3A_1008 = arith.constant 0 : i32
      %dma_wait3A_1009 = tpu.memref_slice %arg7[%dma_wait3A_1007, %dma_wait3A_1008] : memref<16x125xi32, #tpu.memory_space<vmem>> -> memref<1x125xi32, #tpu.memory_space<vmem>>
      %dma_wait3A_1010 = tpu.memref_squeeze %dma_wait3A_1009 : memref<1x125xi32, #tpu.memory_space<vmem>> -> memref<125xi32, #tpu.memory_space<vmem>>
      %dma_wait3A_1011 = arith.constant 0 : i32
      %dma_wait3A_1012 = arith.constant 0 : i32
      %dma_wait3A_1013 = tpu.memref_slice %arg2[%add3A_3, %dma_wait3A_1011, %dma_wait3A_1012] : memref<4x10000x128xf32, #tpu.memory_space<hbm>> -> memref<1x10000x128xf32, #tpu.memory_space<hbm>>
      %dma_wait3A_1014 = tpu.memref_squeeze %dma_wait3A_1013 : memref<1x10000x128xf32, #tpu.memory_space<hbm>> -> memref<10000x128xf32, #tpu.memory_space<hbm>>
      %dma_wait3A_1015 = arith.constant 0 : i32
      %dma_wait3A_1016 = arith.constant 0 : i32
      %dma_wait3A_1017 = tpu.memref_slice %dma_wait3A_1014[%dma_wait3A_1015, %dma_wait3A_1016] : memref<10000x128xf32, #tpu.memory_space<hbm>> -> memref<10000x128xf32, #tpu.memory_space<hbm>>
      tpu.wait_indirect_dma semaphore(%arg15 : memref<!tpu.dma_semaphore, #tpu.memory_space<semaphore_mem>>) src(%dma_wait3A_1017 : memref<10000x128xf32, #tpu.memory_space<hbm>>) dst(%arg12 : memref<125x128xf32, #tpu.memory_space<vmem>>)
      %dma_wait3A_1018 = arith.constant 0 : i32
      %dma_wait3A_1019 = arith.constant 0 : i32
      %dma_wait3A_1020 = tpu.memref_slice %arg7[%dma_wait3A_1018, %dma_wait3A_1019] : memref<16x125xi32, #tpu.memory_space<vmem>> -> memref<1x125xi32, #tpu.memory_space<vmem>>
      %dma_wait3A_1021 = tpu.memref_squeeze %dma_wait3A_1020 : memref<1x125xi32, #tpu.memory_space<vmem>> -> memref<125xi32, #tpu.memory_space<vmem>>
      %dma_wait3A_1022 = arith.constant 0 : i32
      %dma_wait3A_1023 = arith.constant 0 : i32
      %dma_wait3A_1024 = tpu.memref_slice %arg2[%add3A_3, %dma_wait3A_1022, %dma_wait3A_1023] : memref<4x10000x128xf32, #tpu.memory_space<hbm>> -> memref<1x10000x128xf32, #tpu.memory_space<hbm>>
      %dma_wait3A_1025 = tpu.memref_squeeze %dma_wait3A_1024 : memref<1x10000x128xf32, #tpu.memory_space<hbm>> -> memref<10000x128xf32, #tpu.memory_space<hbm>>
      %dma_wait3A_1026 = arith.constant 0 : i32
      %dma_wait3A_1027 = arith.constant 0 : i32
      %dma_wait3A_1028 = tpu.memref_slice %dma_wait3A_1025[%dma_wait3A_1026, %dma_wait3A_1027] : memref<10000x128xf32, #tpu.memory_space<hbm>> -> memref<10000x128xf32, #tpu.memory_space<hbm>>
      tpu.wait_indirect_dma semaphore(%arg18 : memref<!tpu.dma_semaphore, #tpu.memory_space<semaphore_mem>>) src(%dma_wait3A_1028 : memref<10000x128xf32, #tpu.memory_space<hbm>>) dst(%arg11 : memref<125x128xf32, #tpu.memory_space<vmem>>)
      %dma_start3A_1029 = arith.constant 6 : i32
      %dma_start3A_1030 = arith.constant 0 : i32
      %dma_start3A_1031 = tpu.memref_slice %arg9[%dma_start3A_1029, %dma_start3A_1030] : memref<16x125xi32, #tpu.memory_space<vmem>> -> memref<1x125xi32, #tpu.memory_space<vmem>>
      %dma_start3A_1032 = tpu.memref_squeeze %dma_start3A_1031 : memref<1x125xi32, #tpu.memory_space<vmem>> -> memref<125xi32, #tpu.memory_space<vmem>>
      %dma_start3A_1033 = arith.constant 0 : i32
      %dma_start3A_1034 = arith.constant 0 : i32
      %dma_start3A_1035 = tpu.memref_slice %arg2[%add3A_3, %dma_start3A_1033, %dma_start3A_1034] : memref<4x10000x128xf32, #tpu.memory_space<hbm>> -> memref<1x10000x128xf32, #tpu.memory_space<hbm>>
      %dma_start3A_1036 = tpu.memref_squeeze %dma_start3A_1035 : memref<1x10000x128xf32, #tpu.memory_space<hbm>> -> memref<10000x128xf32, #tpu.memory_space<hbm>>
      %dma_start3A_1037 = arith.constant 0 : i32
      %dma_start3A_1038 = arith.constant 0 : i32
      %dma_start3A_1039 = tpu.memref_slice %dma_start3A_1036[%dma_start3A_1037, %dma_start3A_1038] : memref<10000x128xf32, #tpu.memory_space<hbm>> -> memref<10000x128xf32, #tpu.memory_space<hbm>>
      tpu.enqueue_indirect_dma source(%dma_start3A_1039 : memref<10000x128xf32, #tpu.memory_space<hbm>>) target(%arg11 : memref<125x128xf32, #tpu.memory_space<vmem>>) offsets(%dma_start3A_1032 : memref<125xi32, #tpu.memory_space<vmem>>) semaphore(%arg14 : memref<!tpu.dma_semaphore, #tpu.memory_space<semaphore_mem>>)
      %dma_start3A_1040 = arith.constant 5 : i32
      %dma_start3A_1041 = arith.constant 0 : i32
      %dma_start3A_1042 = tpu.memref_slice %arg10[%dma_start3A_1040, %dma_start3A_1041] : memref<16x125xi32, #tpu.memory_space<vmem>> -> memref<1x125xi32, #tpu.memory_space<vmem>>
      %dma_start3A_1043 = tpu.memref_squeeze %dma_start3A_1042 : memref<1x125xi32, #tpu.memory_space<vmem>> -> memref<125xi32, #tpu.memory_space<vmem>>
      %dma_start3A_1044 = arith.constant 0 : i32
      %dma_start3A_1045 = arith.constant 0 : i32
      %dma_start3A_1046 = tpu.memref_slice %arg13[%dma_start3A_1044, %dma_start3A_1045] : memref<10000x128xf32, #tpu.memory_space<vmem_shared>> -> memref<10000x128xf32, #tpu.memory_space<vmem_shared>>
      tpu.enqueue_indirect_dma source(%arg12 : memref<125x128xf32, #tpu.memory_space<vmem>>) target(%dma_start3A_1046 : memref<10000x128xf32, #tpu.memory_space<vmem_shared>>) offsets(%dma_start3A_1043 : memref<125xi32, #tpu.memory_space<vmem>>) semaphore(%arg19 : memref<!tpu.dma_semaphore, #tpu.memory_space<semaphore_mem>>) {add = true}
      %dma_wait3A_1047 = arith.constant 0 : i32
      %dma_wait3A_1048 = arith.constant 0 : i32
      %dma_wait3A_1049 = tpu.memref_slice %arg7[%dma_wait3A_1047, %dma_wait3A_1048] : memref<16x125xi32, #tpu.memory_space<vmem>> -> memref<1x125xi32, #tpu.memory_space<vmem>>
      %dma_wait3A_1050 = tpu.memref_squeeze %dma_wait3A_1049 : memref<1x125xi32, #tpu.memory_space<vmem>> -> memref<125xi32, #tpu.memory_space<vmem>>
      %dma_wait3A_1051 = arith.constant 0 : i32
      %dma_wait3A_1052 = arith.constant 0 : i32
      %dma_wait3A_1053 = tpu.memref_slice %arg2[%add3A_3, %dma_wait3A_1051, %dma_wait3A_1052] : memref<4x10000x128xf32, #tpu.memory_space<hbm>> -> memref<1x10000x128xf32, #tpu.memory_space<hbm>>
      %dma_wait3A_1054 = tpu.memref_squeeze %dma_wait3A_1053 : memref<1x10000x128xf32, #tpu.memory_space<hbm>> -> memref<10000x128xf32, #tpu.memory_space<hbm>>
      %dma_wait3A_1055 = arith.constant 0 : i32
      %dma_wait3A_1056 = arith.constant 0 : i32
      %dma_wait3A_1057 = tpu.memref_slice %dma_wait3A_1054[%dma_wait3A_1055, %dma_wait3A_1056] : memref<10000x128xf32, #tpu.memory_space<hbm>> -> memref<10000x128xf32, #tpu.memory_space<hbm>>
      tpu.wait_indirect_dma semaphore(%arg14 : memref<!tpu.dma_semaphore, #tpu.memory_space<semaphore_mem>>) src(%dma_wait3A_1057 : memref<10000x128xf32, #tpu.memory_space<hbm>>) dst(%arg11 : memref<125x128xf32, #tpu.memory_space<vmem>>)
      %dma_wait3A_1058 = arith.constant 0 : i32
      %dma_wait3A_1059 = arith.constant 0 : i32
      %dma_wait3A_1060 = tpu.memref_slice %arg7[%dma_wait3A_1058, %dma_wait3A_1059] : memref<16x125xi32, #tpu.memory_space<vmem>> -> memref<1x125xi32, #tpu.memory_space<vmem>>
      %dma_wait3A_1061 = tpu.memref_squeeze %dma_wait3A_1060 : memref<1x125xi32, #tpu.memory_space<vmem>> -> memref<125xi32, #tpu.memory_space<vmem>>
      %dma_wait3A_1062 = arith.constant 0 : i32
      %dma_wait3A_1063 = arith.constant 0 : i32
      %dma_wait3A_1064 = tpu.memref_slice %arg2[%add3A_3, %dma_wait3A_1062, %dma_wait3A_1063] : memref<4x10000x128xf32, #tpu.memory_space<hbm>> -> memref<1x10000x128xf32, #tpu.memory_space<hbm>>
      %dma_wait3A_1065 = tpu.memref_squeeze %dma_wait3A_1064 : memref<1x10000x128xf32, #tpu.memory_space<hbm>> -> memref<10000x128xf32, #tpu.memory_space<hbm>>
      %dma_wait3A_1066 = arith.constant 0 : i32
      %dma_wait3A_1067 = arith.constant 0 : i32
      %dma_wait3A_1068 = tpu.memref_slice %dma_wait3A_1065[%dma_wait3A_1066, %dma_wait3A_1067] : memref<10000x128xf32, #tpu.memory_space<hbm>> -> memref<10000x128xf32, #tpu.memory_space<hbm>>
      tpu.wait_indirect_dma semaphore(%arg19 : memref<!tpu.dma_semaphore, #tpu.memory_space<semaphore_mem>>) src(%dma_wait3A_1068 : memref<10000x128xf32, #tpu.memory_space<hbm>>) dst(%arg12 : memref<125x128xf32, #tpu.memory_space<vmem>>)
      %dma_start3A_1069 = arith.constant 7 : i32
      %dma_start3A_1070 = arith.constant 0 : i32
      %dma_start3A_1071 = tpu.memref_slice %arg9[%dma_start3A_1069, %dma_start3A_1070] : memref<16x125xi32, #tpu.memory_space<vmem>> -> memref<1x125xi32, #tpu.memory_space<vmem>>
      %dma_start3A_1072 = tpu.memref_squeeze %dma_start3A_1071 : memref<1x125xi32, #tpu.memory_space<vmem>> -> memref<125xi32, #tpu.memory_space<vmem>>
      %dma_start3A_1073 = arith.constant 0 : i32
      %dma_start3A_1074 = arith.constant 0 : i32
      %dma_start3A_1075 = tpu.memref_slice %arg2[%add3A_3, %dma_start3A_1073, %dma_start3A_1074] : memref<4x10000x128xf32, #tpu.memory_space<hbm>> -> memref<1x10000x128xf32, #tpu.memory_space<hbm>>
      %dma_start3A_1076 = tpu.memref_squeeze %dma_start3A_1075 : memref<1x10000x128xf32, #tpu.memory_space<hbm>> -> memref<10000x128xf32, #tpu.memory_space<hbm>>
      %dma_start3A_1077 = arith.constant 0 : i32
      %dma_start3A_1078 = arith.constant 0 : i32
      %dma_start3A_1079 = tpu.memref_slice %dma_start3A_1076[%dma_start3A_1077, %dma_start3A_1078] : memref<10000x128xf32, #tpu.memory_space<hbm>> -> memref<10000x128xf32, #tpu.memory_space<hbm>>
      tpu.enqueue_indirect_dma source(%dma_start3A_1079 : memref<10000x128xf32, #tpu.memory_space<hbm>>) target(%arg12 : memref<125x128xf32, #tpu.memory_space<vmem>>) offsets(%dma_start3A_1072 : memref<125xi32, #tpu.memory_space<vmem>>) semaphore(%arg15 : memref<!tpu.dma_semaphore, #tpu.memory_space<semaphore_mem>>)
      %dma_start3A_1080 = arith.constant 6 : i32
      %dma_start3A_1081 = arith.constant 0 : i32
      %dma_start3A_1082 = tpu.memref_slice %arg10[%dma_start3A_1080, %dma_start3A_1081] : memref<16x125xi32, #tpu.memory_space<vmem>> -> memref<1x125xi32, #tpu.memory_space<vmem>>
      %dma_start3A_1083 = tpu.memref_squeeze %dma_start3A_1082 : memref<1x125xi32, #tpu.memory_space<vmem>> -> memref<125xi32, #tpu.memory_space<vmem>>
      %dma_start3A_1084 = arith.constant 0 : i32
      %dma_start3A_1085 = arith.constant 0 : i32
      %dma_start3A_1086 = tpu.memref_slice %arg13[%dma_start3A_1084, %dma_start3A_1085] : memref<10000x128xf32, #tpu.memory_space<vmem_shared>> -> memref<10000x128xf32, #tpu.memory_space<vmem_shared>>
      tpu.enqueue_indirect_dma source(%arg11 : memref<125x128xf32, #tpu.memory_space<vmem>>) target(%dma_start3A_1086 : memref<10000x128xf32, #tpu.memory_space<vmem_shared>>) offsets(%dma_start3A_1083 : memref<125xi32, #tpu.memory_space<vmem>>) semaphore(%arg18 : memref<!tpu.dma_semaphore, #tpu.memory_space<semaphore_mem>>) {add = true}
      %dma_wait3A_1087 = arith.constant 0 : i32
      %dma_wait3A_1088 = arith.constant 0 : i32
      %dma_wait3A_1089 = tpu.memref_slice %arg7[%dma_wait3A_1087, %dma_wait3A_1088] : memref<16x125xi32, #tpu.memory_space<vmem>> -> memref<1x125xi32, #tpu.memory_space<vmem>>
      %dma_wait3A_1090 = tpu.memref_squeeze %dma_wait3A_1089 : memref<1x125xi32, #tpu.memory_space<vmem>> -> memref<125xi32, #tpu.memory_space<vmem>>
      %dma_wait3A_1091 = arith.constant 0 : i32
      %dma_wait3A_1092 = arith.constant 0 : i32
      %dma_wait3A_1093 = tpu.memref_slice %arg2[%add3A_3, %dma_wait3A_1091, %dma_wait3A_1092] : memref<4x10000x128xf32, #tpu.memory_space<hbm>> -> memref<1x10000x128xf32, #tpu.memory_space<hbm>>
      %dma_wait3A_1094 = tpu.memref_squeeze %dma_wait3A_1093 : memref<1x10000x128xf32, #tpu.memory_space<hbm>> -> memref<10000x128xf32, #tpu.memory_space<hbm>>
      %dma_wait3A_1095 = arith.constant 0 : i32
      %dma_wait3A_1096 = arith.constant 0 : i32
      %dma_wait3A_1097 = tpu.memref_slice %dma_wait3A_1094[%dma_wait3A_1095, %dma_wait3A_1096] : memref<10000x128xf32, #tpu.memory_space<hbm>> -> memref<10000x128xf32, #tpu.memory_space<hbm>>
      tpu.wait_indirect_dma semaphore(%arg15 : memref<!tpu.dma_semaphore, #tpu.memory_space<semaphore_mem>>) src(%dma_wait3A_1097 : memref<10000x128xf32, #tpu.memory_space<hbm>>) dst(%arg12 : memref<125x128xf32, #tpu.memory_space<vmem>>)
      %dma_wait3A_1098 = arith.constant 0 : i32
      %dma_wait3A_1099 = arith.constant 0 : i32
      %dma_wait3A_1100 = tpu.memref_slice %arg7[%dma_wait3A_1098, %dma_wait3A_1099] : memref<16x125xi32, #tpu.memory_space<vmem>> -> memref<1x125xi32, #tpu.memory_space<vmem>>
      %dma_wait3A_1101 = tpu.memref_squeeze %dma_wait3A_1100 : memref<1x125xi32, #tpu.memory_space<vmem>> -> memref<125xi32, #tpu.memory_space<vmem>>
      %dma_wait3A_1102 = arith.constant 0 : i32
      %dma_wait3A_1103 = arith.constant 0 : i32
      %dma_wait3A_1104 = tpu.memref_slice %arg2[%add3A_3, %dma_wait3A_1102, %dma_wait3A_1103] : memref<4x10000x128xf32, #tpu.memory_space<hbm>> -> memref<1x10000x128xf32, #tpu.memory_space<hbm>>
      %dma_wait3A_1105 = tpu.memref_squeeze %dma_wait3A_1104 : memref<1x10000x128xf32, #tpu.memory_space<hbm>> -> memref<10000x128xf32, #tpu.memory_space<hbm>>
      %dma_wait3A_1106 = arith.constant 0 : i32
      %dma_wait3A_1107 = arith.constant 0 : i32
      %dma_wait3A_1108 = tpu.memref_slice %dma_wait3A_1105[%dma_wait3A_1106, %dma_wait3A_1107] : memref<10000x128xf32, #tpu.memory_space<hbm>> -> memref<10000x128xf32, #tpu.memory_space<hbm>>
      tpu.wait_indirect_dma semaphore(%arg18 : memref<!tpu.dma_semaphore, #tpu.memory_space<semaphore_mem>>) src(%dma_wait3A_1108 : memref<10000x128xf32, #tpu.memory_space<hbm>>) dst(%arg11 : memref<125x128xf32, #tpu.memory_space<vmem>>)
      %dma_start3A_1109 = arith.constant 8 : i32
      %dma_start3A_1110 = arith.constant 0 : i32
      %dma_start3A_1111 = tpu.memref_slice %arg9[%dma_start3A_1109, %dma_start3A_1110] : memref<16x125xi32, #tpu.memory_space<vmem>> -> memref<1x125xi32, #tpu.memory_space<vmem>>
      %dma_start3A_1112 = tpu.memref_squeeze %dma_start3A_1111 : memref<1x125xi32, #tpu.memory_space<vmem>> -> memref<125xi32, #tpu.memory_space<vmem>>
      %dma_start3A_1113 = arith.constant 0 : i32
      %dma_start3A_1114 = arith.constant 0 : i32
      %dma_start3A_1115 = tpu.memref_slice %arg2[%add3A_3, %dma_start3A_1113, %dma_start3A_1114] : memref<4x10000x128xf32, #tpu.memory_space<hbm>> -> memref<1x10000x128xf32, #tpu.memory_space<hbm>>
      %dma_start3A_1116 = tpu.memref_squeeze %dma_start3A_1115 : memref<1x10000x128xf32, #tpu.memory_space<hbm>> -> memref<10000x128xf32, #tpu.memory_space<hbm>>
      %dma_start3A_1117 = arith.constant 0 : i32
      %dma_start3A_1118 = arith.constant 0 : i32
      %dma_start3A_1119 = tpu.memref_slice %dma_start3A_1116[%dma_start3A_1117, %dma_start3A_1118] : memref<10000x128xf32, #tpu.memory_space<hbm>> -> memref<10000x128xf32, #tpu.memory_space<hbm>>
      tpu.enqueue_indirect_dma source(%dma_start3A_1119 : memref<10000x128xf32, #tpu.memory_space<hbm>>) target(%arg11 : memref<125x128xf32, #tpu.memory_space<vmem>>) offsets(%dma_start3A_1112 : memref<125xi32, #tpu.memory_space<vmem>>) semaphore(%arg14 : memref<!tpu.dma_semaphore, #tpu.memory_space<semaphore_mem>>)
      %dma_start3A_1120 = arith.constant 7 : i32
      %dma_start3A_1121 = arith.constant 0 : i32
      %dma_start3A_1122 = tpu.memref_slice %arg10[%dma_start3A_1120, %dma_start3A_1121] : memref<16x125xi32, #tpu.memory_space<vmem>> -> memref<1x125xi32, #tpu.memory_space<vmem>>
      %dma_start3A_1123 = tpu.memref_squeeze %dma_start3A_1122 : memref<1x125xi32, #tpu.memory_space<vmem>> -> memref<125xi32, #tpu.memory_space<vmem>>
      %dma_start3A_1124 = arith.constant 0 : i32
      %dma_start3A_1125 = arith.constant 0 : i32
      %dma_start3A_1126 = tpu.memref_slice %arg13[%dma_start3A_1124, %dma_start3A_1125] : memref<10000x128xf32, #tpu.memory_space<vmem_shared>> -> memref<10000x128xf32, #tpu.memory_space<vmem_shared>>
      tpu.enqueue_indirect_dma source(%arg12 : memref<125x128xf32, #tpu.memory_space<vmem>>) target(%dma_start3A_1126 : memref<10000x128xf32, #tpu.memory_space<vmem_shared>>) offsets(%dma_start3A_1123 : memref<125xi32, #tpu.memory_space<vmem>>) semaphore(%arg19 : memref<!tpu.dma_semaphore, #tpu.memory_space<semaphore_mem>>) {add = true}
      %dma_wait3A_1127 = arith.constant 0 : i32
      %dma_wait3A_1128 = arith.constant 0 : i32
      %dma_wait3A_1129 = tpu.memref_slice %arg7[%dma_wait3A_1127, %dma_wait3A_1128] : memref<16x125xi32, #tpu.memory_space<vmem>> -> memref<1x125xi32, #tpu.memory_space<vmem>>
      %dma_wait3A_1130 = tpu.memref_squeeze %dma_wait3A_1129 : memref<1x125xi32, #tpu.memory_space<vmem>> -> memref<125xi32, #tpu.memory_space<vmem>>
      %dma_wait3A_1131 = arith.constant 0 : i32
      %dma_wait3A_1132 = arith.constant 0 : i32
      %dma_wait3A_1133 = tpu.memref_slice %arg2[%add3A_3, %dma_wait3A_1131, %dma_wait3A_1132] : memref<4x10000x128xf32, #tpu.memory_space<hbm>> -> memref<1x10000x128xf32, #tpu.memory_space<hbm>>
      %dma_wait3A_1134 = tpu.memref_squeeze %dma_wait3A_1133 : memref<1x10000x128xf32, #tpu.memory_space<hbm>> -> memref<10000x128xf32, #tpu.memory_space<hbm>>
      %dma_wait3A_1135 = arith.constant 0 : i32
      %dma_wait3A_1136 = arith.constant 0 : i32
      %dma_wait3A_1137 = tpu.memref_slice %dma_wait3A_1134[%dma_wait3A_1135, %dma_wait3A_1136] : memref<10000x128xf32, #tpu.memory_space<hbm>> -> memref<10000x128xf32, #tpu.memory_space<hbm>>
      tpu.wait_indirect_dma semaphore(%arg14 : memref<!tpu.dma_semaphore, #tpu.memory_space<semaphore_mem>>) src(%dma_wait3A_1137 : memref<10000x128xf32, #tpu.memory_space<hbm>>) dst(%arg11 : memref<125x128xf32, #tpu.memory_space<vmem>>)
      %dma_wait3A_1138 = arith.constant 0 : i32
      %dma_wait3A_1139 = arith.constant 0 : i32
      %dma_wait3A_1140 = tpu.memref_slice %arg7[%dma_wait3A_1138, %dma_wait3A_1139] : memref<16x125xi32, #tpu.memory_space<vmem>> -> memref<1x125xi32, #tpu.memory_space<vmem>>
      %dma_wait3A_1141 = tpu.memref_squeeze %dma_wait3A_1140 : memref<1x125xi32, #tpu.memory_space<vmem>> -> memref<125xi32, #tpu.memory_space<vmem>>
      %dma_wait3A_1142 = arith.constant 0 : i32
      %dma_wait3A_1143 = arith.constant 0 : i32
      %dma_wait3A_1144 = tpu.memref_slice %arg2[%add3A_3, %dma_wait3A_1142, %dma_wait3A_1143] : memref<4x10000x128xf32, #tpu.memory_space<hbm>> -> memref<1x10000x128xf32, #tpu.memory_space<hbm>>
      %dma_wait3A_1145 = tpu.memref_squeeze %dma_wait3A_1144 : memref<1x10000x128xf32, #tpu.memory_space<hbm>> -> memref<10000x128xf32, #tpu.memory_space<hbm>>
      %dma_wait3A_1146 = arith.constant 0 : i32
      %dma_wait3A_1147 = arith.constant 0 : i32
      %dma_wait3A_1148 = tpu.memref_slice %dma_wait3A_1145[%dma_wait3A_1146, %dma_wait3A_1147] : memref<10000x128xf32, #tpu.memory_space<hbm>> -> memref<10000x128xf32, #tpu.memory_space<hbm>>
      tpu.wait_indirect_dma semaphore(%arg19 : memref<!tpu.dma_semaphore, #tpu.memory_space<semaphore_mem>>) src(%dma_wait3A_1148 : memref<10000x128xf32, #tpu.memory_space<hbm>>) dst(%arg12 : memref<125x128xf32, #tpu.memory_space<vmem>>)
      %dma_start3A_1149 = arith.constant 9 : i32
      %dma_start3A_1150 = arith.constant 0 : i32
      %dma_start3A_1151 = tpu.memref_slice %arg9[%dma_start3A_1149, %dma_start3A_1150] : memref<16x125xi32, #tpu.memory_space<vmem>> -> memref<1x125xi32, #tpu.memory_space<vmem>>
      %dma_start3A_1152 = tpu.memref_squeeze %dma_start3A_1151 : memref<1x125xi32, #tpu.memory_space<vmem>> -> memref<125xi32, #tpu.memory_space<vmem>>
      %dma_start3A_1153 = arith.constant 0 : i32
      %dma_start3A_1154 = arith.constant 0 : i32
      %dma_start3A_1155 = tpu.memref_slice %arg2[%add3A_3, %dma_start3A_1153, %dma_start3A_1154] : memref<4x10000x128xf32, #tpu.memory_space<hbm>> -> memref<1x10000x128xf32, #tpu.memory_space<hbm>>
      %dma_start3A_1156 = tpu.memref_squeeze %dma_start3A_1155 : memref<1x10000x128xf32, #tpu.memory_space<hbm>> -> memref<10000x128xf32, #tpu.memory_space<hbm>>
      %dma_start3A_1157 = arith.constant 0 : i32
      %dma_start3A_1158 = arith.constant 0 : i32
      %dma_start3A_1159 = tpu.memref_slice %dma_start3A_1156[%dma_start3A_1157, %dma_start3A_1158] : memref<10000x128xf32, #tpu.memory_space<hbm>> -> memref<10000x128xf32, #tpu.memory_space<hbm>>
      tpu.enqueue_indirect_dma source(%dma_start3A_1159 : memref<10000x128xf32, #tpu.memory_space<hbm>>) target(%arg12 : memref<125x128xf32, #tpu.memory_space<vmem>>) offsets(%dma_start3A_1152 : memref<125xi32, #tpu.memory_space<vmem>>) semaphore(%arg15 : memref<!tpu.dma_semaphore, #tpu.memory_space<semaphore_mem>>)
      %dma_start3A_1160 = arith.constant 8 : i32
      %dma_start3A_1161 = arith.constant 0 : i32
      %dma_start3A_1162 = tpu.memref_slice %arg10[%dma_start3A_1160, %dma_start3A_1161] : memref<16x125xi32, #tpu.memory_space<vmem>> -> memref<1x125xi32, #tpu.memory_space<vmem>>
      %dma_start3A_1163 = tpu.memref_squeeze %dma_start3A_1162 : memref<1x125xi32, #tpu.memory_space<vmem>> -> memref<125xi32, #tpu.memory_space<vmem>>
      %dma_start3A_1164 = arith.constant 0 : i32
      %dma_start3A_1165 = arith.constant 0 : i32
      %dma_start3A_1166 = tpu.memref_slice %arg13[%dma_start3A_1164, %dma_start3A_1165] : memref<10000x128xf32, #tpu.memory_space<vmem_shared>> -> memref<10000x128xf32, #tpu.memory_space<vmem_shared>>
      tpu.enqueue_indirect_dma source(%arg11 : memref<125x128xf32, #tpu.memory_space<vmem>>) target(%dma_start3A_1166 : memref<10000x128xf32, #tpu.memory_space<vmem_shared>>) offsets(%dma_start3A_1163 : memref<125xi32, #tpu.memory_space<vmem>>) semaphore(%arg18 : memref<!tpu.dma_semaphore, #tpu.memory_space<semaphore_mem>>) {add = true}
      %dma_wait3A_1167 = arith.constant 0 : i32
      %dma_wait3A_1168 = arith.constant 0 : i32
      %dma_wait3A_1169 = tpu.memref_slice %arg7[%dma_wait3A_1167, %dma_wait3A_1168] : memref<16x125xi32, #tpu.memory_space<vmem>> -> memref<1x125xi32, #tpu.memory_space<vmem>>
      %dma_wait3A_1170 = tpu.memref_squeeze %dma_wait3A_1169 : memref<1x125xi32, #tpu.memory_space<vmem>> -> memref<125xi32, #tpu.memory_space<vmem>>
      %dma_wait3A_1171 = arith.constant 0 : i32
      %dma_wait3A_1172 = arith.constant 0 : i32
      %dma_wait3A_1173 = tpu.memref_slice %arg2[%add3A_3, %dma_wait3A_1171, %dma_wait3A_1172] : memref<4x10000x128xf32, #tpu.memory_space<hbm>> -> memref<1x10000x128xf32, #tpu.memory_space<hbm>>
      %dma_wait3A_1174 = tpu.memref_squeeze %dma_wait3A_1173 : memref<1x10000x128xf32, #tpu.memory_space<hbm>> -> memref<10000x128xf32, #tpu.memory_space<hbm>>
      %dma_wait3A_1175 = arith.constant 0 : i32
      %dma_wait3A_1176 = arith.constant 0 : i32
      %dma_wait3A_1177 = tpu.memref_slice %dma_wait3A_1174[%dma_wait3A_1175, %dma_wait3A_1176] : memref<10000x128xf32, #tpu.memory_space<hbm>> -> memref<10000x128xf32, #tpu.memory_space<hbm>>
      tpu.wait_indirect_dma semaphore(%arg15 : memref<!tpu.dma_semaphore, #tpu.memory_space<semaphore_mem>>) src(%dma_wait3A_1177 : memref<10000x128xf32, #tpu.memory_space<hbm>>) dst(%arg12 : memref<125x128xf32, #tpu.memory_space<vmem>>)
      %dma_wait3A_1178 = arith.constant 0 : i32
      %dma_wait3A_1179 = arith.constant 0 : i32
      %dma_wait3A_1180 = tpu.memref_slice %arg7[%dma_wait3A_1178, %dma_wait3A_1179] : memref<16x125xi32, #tpu.memory_space<vmem>> -> memref<1x125xi32, #tpu.memory_space<vmem>>
      %dma_wait3A_1181 = tpu.memref_squeeze %dma_wait3A_1180 : memref<1x125xi32, #tpu.memory_space<vmem>> -> memref<125xi32, #tpu.memory_space<vmem>>
      %dma_wait3A_1182 = arith.constant 0 : i32
      %dma_wait3A_1183 = arith.constant 0 : i32
      %dma_wait3A_1184 = tpu.memref_slice %arg2[%add3A_3, %dma_wait3A_1182, %dma_wait3A_1183] : memref<4x10000x128xf32, #tpu.memory_space<hbm>> -> memref<1x10000x128xf32, #tpu.memory_space<hbm>>
      %dma_wait3A_1185 = tpu.memref_squeeze %dma_wait3A_1184 : memref<1x10000x128xf32, #tpu.memory_space<hbm>> -> memref<10000x128xf32, #tpu.memory_space<hbm>>
      %dma_wait3A_1186 = arith.constant 0 : i32
      %dma_wait3A_1187 = arith.constant 0 : i32
      %dma_wait3A_1188 = tpu.memref_slice %dma_wait3A_1185[%dma_wait3A_1186, %dma_wait3A_1187] : memref<10000x128xf32, #tpu.memory_space<hbm>> -> memref<10000x128xf32, #tpu.memory_space<hbm>>
      tpu.wait_indirect_dma semaphore(%arg18 : memref<!tpu.dma_semaphore, #tpu.memory_space<semaphore_mem>>) src(%dma_wait3A_1188 : memref<10000x128xf32, #tpu.memory_space<hbm>>) dst(%arg11 : memref<125x128xf32, #tpu.memory_space<vmem>>)
      %dma_start3A_1189 = arith.constant 10 : i32
      %dma_start3A_1190 = arith.constant 0 : i32
      %dma_start3A_1191 = tpu.memref_slice %arg9[%dma_start3A_1189, %dma_start3A_1190] : memref<16x125xi32, #tpu.memory_space<vmem>> -> memref<1x125xi32, #tpu.memory_space<vmem>>
      %dma_start3A_1192 = tpu.memref_squeeze %dma_start3A_1191 : memref<1x125xi32, #tpu.memory_space<vmem>> -> memref<125xi32, #tpu.memory_space<vmem>>
      %dma_start3A_1193 = arith.constant 0 : i32
      %dma_start3A_1194 = arith.constant 0 : i32
      %dma_start3A_1195 = tpu.memref_slice %arg2[%add3A_3, %dma_start3A_1193, %dma_start3A_1194] : memref<4x10000x128xf32, #tpu.memory_space<hbm>> -> memref<1x10000x128xf32, #tpu.memory_space<hbm>>
      %dma_start3A_1196 = tpu.memref_squeeze %dma_start3A_1195 : memref<1x10000x128xf32, #tpu.memory_space<hbm>> -> memref<10000x128xf32, #tpu.memory_space<hbm>>
      %dma_start3A_1197 = arith.constant 0 : i32
      %dma_start3A_1198 = arith.constant 0 : i32
      %dma_start3A_1199 = tpu.memref_slice %dma_start3A_1196[%dma_start3A_1197, %dma_start3A_1198] : memref<10000x128xf32, #tpu.memory_space<hbm>> -> memref<10000x128xf32, #tpu.memory_space<hbm>>
      tpu.enqueue_indirect_dma source(%dma_start3A_1199 : memref<10000x128xf32, #tpu.memory_space<hbm>>) target(%arg11 : memref<125x128xf32, #tpu.memory_space<vmem>>) offsets(%dma_start3A_1192 : memref<125xi32, #tpu.memory_space<vmem>>) semaphore(%arg14 : memref<!tpu.dma_semaphore, #tpu.memory_space<semaphore_mem>>)
      %dma_start3A_1200 = arith.constant 9 : i32
      %dma_start3A_1201 = arith.constant 0 : i32
      %dma_start3A_1202 = tpu.memref_slice %arg10[%dma_start3A_1200, %dma_start3A_1201] : memref<16x125xi32, #tpu.memory_space<vmem>> -> memref<1x125xi32, #tpu.memory_space<vmem>>
      %dma_start3A_1203 = tpu.memref_squeeze %dma_start3A_1202 : memref<1x125xi32, #tpu.memory_space<vmem>> -> memref<125xi32, #tpu.memory_space<vmem>>
      %dma_start3A_1204 = arith.constant 0 : i32
      %dma_start3A_1205 = arith.constant 0 : i32
      %dma_start3A_1206 = tpu.memref_slice %arg13[%dma_start3A_1204, %dma_start3A_1205] : memref<10000x128xf32, #tpu.memory_space<vmem_shared>> -> memref<10000x128xf32, #tpu.memory_space<vmem_shared>>
      tpu.enqueue_indirect_dma source(%arg12 : memref<125x128xf32, #tpu.memory_space<vmem>>) target(%dma_start3A_1206 : memref<10000x128xf32, #tpu.memory_space<vmem_shared>>) offsets(%dma_start3A_1203 : memref<125xi32, #tpu.memory_space<vmem>>) semaphore(%arg19 : memref<!tpu.dma_semaphore, #tpu.memory_space<semaphore_mem>>) {add = true}
      %dma_wait3A_1207 = arith.constant 0 : i32
      %dma_wait3A_1208 = arith.constant 0 : i32
      %dma_wait3A_1209 = tpu.memref_slice %arg7[%dma_wait3A_1207, %dma_wait3A_1208] : memref<16x125xi32, #tpu.memory_space<vmem>> -> memref<1x125xi32, #tpu.memory_space<vmem>>
      %dma_wait3A_1210 = tpu.memref_squeeze %dma_wait3A_1209 : memref<1x125xi32, #tpu.memory_space<vmem>> -> memref<125xi32, #tpu.memory_space<vmem>>
      %dma_wait3A_1211 = arith.constant 0 : i32
      %dma_wait3A_1212 = arith.constant 0 : i32
      %dma_wait3A_1213 = tpu.memref_slice %arg2[%add3A_3, %dma_wait3A_1211, %dma_wait3A_1212] : memref<4x10000x128xf32, #tpu.memory_space<hbm>> -> memref<1x10000x128xf32, #tpu.memory_space<hbm>>
      %dma_wait3A_1214 = tpu.memref_squeeze %dma_wait3A_1213 : memref<1x10000x128xf32, #tpu.memory_space<hbm>> -> memref<10000x128xf32, #tpu.memory_space<hbm>>
      %dma_wait3A_1215 = arith.constant 0 : i32
      %dma_wait3A_1216 = arith.constant 0 : i32
      %dma_wait3A_1217 = tpu.memref_slice %dma_wait3A_1214[%dma_wait3A_1215, %dma_wait3A_1216] : memref<10000x128xf32, #tpu.memory_space<hbm>> -> memref<10000x128xf32, #tpu.memory_space<hbm>>
      tpu.wait_indirect_dma semaphore(%arg14 : memref<!tpu.dma_semaphore, #tpu.memory_space<semaphore_mem>>) src(%dma_wait3A_1217 : memref<10000x128xf32, #tpu.memory_space<hbm>>) dst(%arg11 : memref<125x128xf32, #tpu.memory_space<vmem>>)
      %dma_wait3A_1218 = arith.constant 0 : i32
      %dma_wait3A_1219 = arith.constant 0 : i32
      %dma_wait3A_1220 = tpu.memref_slice %arg7[%dma_wait3A_1218, %dma_wait3A_1219] : memref<16x125xi32, #tpu.memory_space<vmem>> -> memref<1x125xi32, #tpu.memory_space<vmem>>
      %dma_wait3A_1221 = tpu.memref_squeeze %dma_wait3A_1220 : memref<1x125xi32, #tpu.memory_space<vmem>> -> memref<125xi32, #tpu.memory_space<vmem>>
      %dma_wait3A_1222 = arith.constant 0 : i32
      %dma_wait3A_1223 = arith.constant 0 : i32
      %dma_wait3A_1224 = tpu.memref_slice %arg2[%add3A_3, %dma_wait3A_1222, %dma_wait3A_1223] : memref<4x10000x128xf32, #tpu.memory_space<hbm>> -> memref<1x10000x128xf32, #tpu.memory_space<hbm>>
      %dma_wait3A_1225 = tpu.memref_squeeze %dma_wait3A_1224 : memref<1x10000x128xf32, #tpu.memory_space<hbm>> -> memref<10000x128xf32, #tpu.memory_space<hbm>>
      %dma_wait3A_1226 = arith.constant 0 : i32
      %dma_wait3A_1227 = arith.constant 0 : i32
      %dma_wait3A_1228 = tpu.memref_slice %dma_wait3A_1225[%dma_wait3A_1226, %dma_wait3A_1227] : memref<10000x128xf32, #tpu.memory_space<hbm>> -> memref<10000x128xf32, #tpu.memory_space<hbm>>
      tpu.wait_indirect_dma semaphore(%arg19 : memref<!tpu.dma_semaphore, #tpu.memory_space<semaphore_mem>>) src(%dma_wait3A_1228 : memref<10000x128xf32, #tpu.memory_space<hbm>>) dst(%arg12 : memref<125x128xf32, #tpu.memory_space<vmem>>)
      %dma_start3A_1229 = arith.constant 11 : i32
      %dma_start3A_1230 = arith.constant 0 : i32
      %dma_start3A_1231 = tpu.memref_slice %arg9[%dma_start3A_1229, %dma_start3A_1230] : memref<16x125xi32, #tpu.memory_space<vmem>> -> memref<1x125xi32, #tpu.memory_space<vmem>>
      %dma_start3A_1232 = tpu.memref_squeeze %dma_start3A_1231 : memref<1x125xi32, #tpu.memory_space<vmem>> -> memref<125xi32, #tpu.memory_space<vmem>>
      %dma_start3A_1233 = arith.constant 0 : i32
      %dma_start3A_1234 = arith.constant 0 : i32
      %dma_start3A_1235 = tpu.memref_slice %arg2[%add3A_3, %dma_start3A_1233, %dma_start3A_1234] : memref<4x10000x128xf32, #tpu.memory_space<hbm>> -> memref<1x10000x128xf32, #tpu.memory_space<hbm>>
      %dma_start3A_1236 = tpu.memref_squeeze %dma_start3A_1235 : memref<1x10000x128xf32, #tpu.memory_space<hbm>> -> memref<10000x128xf32, #tpu.memory_space<hbm>>
      %dma_start3A_1237 = arith.constant 0 : i32
      %dma_start3A_1238 = arith.constant 0 : i32
      %dma_start3A_1239 = tpu.memref_slice %dma_start3A_1236[%dma_start3A_1237, %dma_start3A_1238] : memref<10000x128xf32, #tpu.memory_space<hbm>> -> memref<10000x128xf32, #tpu.memory_space<hbm>>
      tpu.enqueue_indirect_dma source(%dma_start3A_1239 : memref<10000x128xf32, #tpu.memory_space<hbm>>) target(%arg12 : memref<125x128xf32, #tpu.memory_space<vmem>>) offsets(%dma_start3A_1232 : memref<125xi32, #tpu.memory_space<vmem>>) semaphore(%arg15 : memref<!tpu.dma_semaphore, #tpu.memory_space<semaphore_mem>>)
      %dma_start3A_1240 = arith.constant 10 : i32
      %dma_start3A_1241 = arith.constant 0 : i32
      %dma_start3A_1242 = tpu.memref_slice %arg10[%dma_start3A_1240, %dma_start3A_1241] : memref<16x125xi32, #tpu.memory_space<vmem>> -> memref<1x125xi32, #tpu.memory_space<vmem>>
      %dma_start3A_1243 = tpu.memref_squeeze %dma_start3A_1242 : memref<1x125xi32, #tpu.memory_space<vmem>> -> memref<125xi32, #tpu.memory_space<vmem>>
      %dma_start3A_1244 = arith.constant 0 : i32
      %dma_start3A_1245 = arith.constant 0 : i32
      %dma_start3A_1246 = tpu.memref_slice %arg13[%dma_start3A_1244, %dma_start3A_1245] : memref<10000x128xf32, #tpu.memory_space<vmem_shared>> -> memref<10000x128xf32, #tpu.memory_space<vmem_shared>>
      tpu.enqueue_indirect_dma source(%arg11 : memref<125x128xf32, #tpu.memory_space<vmem>>) target(%dma_start3A_1246 : memref<10000x128xf32, #tpu.memory_space<vmem_shared>>) offsets(%dma_start3A_1243 : memref<125xi32, #tpu.memory_space<vmem>>) semaphore(%arg18 : memref<!tpu.dma_semaphore, #tpu.memory_space<semaphore_mem>>) {add = true}
      %dma_wait3A_1247 = arith.constant 0 : i32
      %dma_wait3A_1248 = arith.constant 0 : i32
      %dma_wait3A_1249 = tpu.memref_slice %arg7[%dma_wait3A_1247, %dma_wait3A_1248] : memref<16x125xi32, #tpu.memory_space<vmem>> -> memref<1x125xi32, #tpu.memory_space<vmem>>
      %dma_wait3A_1250 = tpu.memref_squeeze %dma_wait3A_1249 : memref<1x125xi32, #tpu.memory_space<vmem>> -> memref<125xi32, #tpu.memory_space<vmem>>
      %dma_wait3A_1251 = arith.constant 0 : i32
      %dma_wait3A_1252 = arith.constant 0 : i32
      %dma_wait3A_1253 = tpu.memref_slice %arg2[%add3A_3, %dma_wait3A_1251, %dma_wait3A_1252] : memref<4x10000x128xf32, #tpu.memory_space<hbm>> -> memref<1x10000x128xf32, #tpu.memory_space<hbm>>
      %dma_wait3A_1254 = tpu.memref_squeeze %dma_wait3A_1253 : memref<1x10000x128xf32, #tpu.memory_space<hbm>> -> memref<10000x128xf32, #tpu.memory_space<hbm>>
      %dma_wait3A_1255 = arith.constant 0 : i32
      %dma_wait3A_1256 = arith.constant 0 : i32
      %dma_wait3A_1257 = tpu.memref_slice %dma_wait3A_1254[%dma_wait3A_1255, %dma_wait3A_1256] : memref<10000x128xf32, #tpu.memory_space<hbm>> -> memref<10000x128xf32, #tpu.memory_space<hbm>>
      tpu.wait_indirect_dma semaphore(%arg15 : memref<!tpu.dma_semaphore, #tpu.memory_space<semaphore_mem>>) src(%dma_wait3A_1257 : memref<10000x128xf32, #tpu.memory_space<hbm>>) dst(%arg12 : memref<125x128xf32, #tpu.memory_space<vmem>>)
      %dma_wait3A_1258 = arith.constant 0 : i32
      %dma_wait3A_1259 = arith.constant 0 : i32
      %dma_wait3A_1260 = tpu.memref_slice %arg7[%dma_wait3A_1258, %dma_wait3A_1259] : memref<16x125xi32, #tpu.memory_space<vmem>> -> memref<1x125xi32, #tpu.memory_space<vmem>>
      %dma_wait3A_1261 = tpu.memref_squeeze %dma_wait3A_1260 : memref<1x125xi32, #tpu.memory_space<vmem>> -> memref<125xi32, #tpu.memory_space<vmem>>
      %dma_wait3A_1262 = arith.constant 0 : i32
      %dma_wait3A_1263 = arith.constant 0 : i32
      %dma_wait3A_1264 = tpu.memref_slice %arg2[%add3A_3, %dma_wait3A_1262, %dma_wait3A_1263] : memref<4x10000x128xf32, #tpu.memory_space<hbm>> -> memref<1x10000x128xf32, #tpu.memory_space<hbm>>
      %dma_wait3A_1265 = tpu.memref_squeeze %dma_wait3A_1264 : memref<1x10000x128xf32, #tpu.memory_space<hbm>> -> memref<10000x128xf32, #tpu.memory_space<hbm>>
      %dma_wait3A_1266 = arith.constant 0 : i32
      %dma_wait3A_1267 = arith.constant 0 : i32
      %dma_wait3A_1268 = tpu.memref_slice %dma_wait3A_1265[%dma_wait3A_1266, %dma_wait3A_1267] : memref<10000x128xf32, #tpu.memory_space<hbm>> -> memref<10000x128xf32, #tpu.memory_space<hbm>>
      tpu.wait_indirect_dma semaphore(%arg18 : memref<!tpu.dma_semaphore, #tpu.memory_space<semaphore_mem>>) src(%dma_wait3A_1268 : memref<10000x128xf32, #tpu.memory_space<hbm>>) dst(%arg11 : memref<125x128xf32, #tpu.memory_space<vmem>>)
      %dma_start3A_1269 = arith.constant 12 : i32
      %dma_start3A_1270 = arith.constant 0 : i32
      %dma_start3A_1271 = tpu.memref_slice %arg9[%dma_start3A_1269, %dma_start3A_1270] : memref<16x125xi32, #tpu.memory_space<vmem>> -> memref<1x125xi32, #tpu.memory_space<vmem>>
      %dma_start3A_1272 = tpu.memref_squeeze %dma_start3A_1271 : memref<1x125xi32, #tpu.memory_space<vmem>> -> memref<125xi32, #tpu.memory_space<vmem>>
      %dma_start3A_1273 = arith.constant 0 : i32
      %dma_start3A_1274 = arith.constant 0 : i32
      %dma_start3A_1275 = tpu.memref_slice %arg2[%add3A_3, %dma_start3A_1273, %dma_start3A_1274] : memref<4x10000x128xf32, #tpu.memory_space<hbm>> -> memref<1x10000x128xf32, #tpu.memory_space<hbm>>
      %dma_start3A_1276 = tpu.memref_squeeze %dma_start3A_1275 : memref<1x10000x128xf32, #tpu.memory_space<hbm>> -> memref<10000x128xf32, #tpu.memory_space<hbm>>
      %dma_start3A_1277 = arith.constant 0 : i32
      %dma_start3A_1278 = arith.constant 0 : i32
      %dma_start3A_1279 = tpu.memref_slice %dma_start3A_1276[%dma_start3A_1277, %dma_start3A_1278] : memref<10000x128xf32, #tpu.memory_space<hbm>> -> memref<10000x128xf32, #tpu.memory_space<hbm>>
      tpu.enqueue_indirect_dma source(%dma_start3A_1279 : memref<10000x128xf32, #tpu.memory_space<hbm>>) target(%arg11 : memref<125x128xf32, #tpu.memory_space<vmem>>) offsets(%dma_start3A_1272 : memref<125xi32, #tpu.memory_space<vmem>>) semaphore(%arg14 : memref<!tpu.dma_semaphore, #tpu.memory_space<semaphore_mem>>)
      %dma_start3A_1280 = arith.constant 11 : i32
      %dma_start3A_1281 = arith.constant 0 : i32
      %dma_start3A_1282 = tpu.memref_slice %arg10[%dma_start3A_1280, %dma_start3A_1281] : memref<16x125xi32, #tpu.memory_space<vmem>> -> memref<1x125xi32, #tpu.memory_space<vmem>>
      %dma_start3A_1283 = tpu.memref_squeeze %dma_start3A_1282 : memref<1x125xi32, #tpu.memory_space<vmem>> -> memref<125xi32, #tpu.memory_space<vmem>>
      %dma_start3A_1284 = arith.constant 0 : i32
      %dma_start3A_1285 = arith.constant 0 : i32
      %dma_start3A_1286 = tpu.memref_slice %arg13[%dma_start3A_1284, %dma_start3A_1285] : memref<10000x128xf32, #tpu.memory_space<vmem_shared>> -> memref<10000x128xf32, #tpu.memory_space<vmem_shared>>
      tpu.enqueue_indirect_dma source(%arg12 : memref<125x128xf32, #tpu.memory_space<vmem>>) target(%dma_start3A_1286 : memref<10000x128xf32, #tpu.memory_space<vmem_shared>>) offsets(%dma_start3A_1283 : memref<125xi32, #tpu.memory_space<vmem>>) semaphore(%arg19 : memref<!tpu.dma_semaphore, #tpu.memory_space<semaphore_mem>>) {add = true}
      %dma_wait3A_1287 = arith.constant 0 : i32
      %dma_wait3A_1288 = arith.constant 0 : i32
      %dma_wait3A_1289 = tpu.memref_slice %arg7[%dma_wait3A_1287, %dma_wait3A_1288] : memref<16x125xi32, #tpu.memory_space<vmem>> -> memref<1x125xi32, #tpu.memory_space<vmem>>
      %dma_wait3A_1290 = tpu.memref_squeeze %dma_wait3A_1289 : memref<1x125xi32, #tpu.memory_space<vmem>> -> memref<125xi32, #tpu.memory_space<vmem>>
      %dma_wait3A_1291 = arith.constant 0 : i32
      %dma_wait3A_1292 = arith.constant 0 : i32
      %dma_wait3A_1293 = tpu.memref_slice %arg2[%add3A_3, %dma_wait3A_1291, %dma_wait3A_1292] : memref<4x10000x128xf32, #tpu.memory_space<hbm>> -> memref<1x10000x128xf32, #tpu.memory_space<hbm>>
      %dma_wait3A_1294 = tpu.memref_squeeze %dma_wait3A_1293 : memref<1x10000x128xf32, #tpu.memory_space<hbm>> -> memref<10000x128xf32, #tpu.memory_space<hbm>>
      %dma_wait3A_1295 = arith.constant 0 : i32
      %dma_wait3A_1296 = arith.constant 0 : i32
      %dma_wait3A_1297 = tpu.memref_slice %dma_wait3A_1294[%dma_wait3A_1295, %dma_wait3A_1296] : memref<10000x128xf32, #tpu.memory_space<hbm>> -> memref<10000x128xf32, #tpu.memory_space<hbm>>
      tpu.wait_indirect_dma semaphore(%arg14 : memref<!tpu.dma_semaphore, #tpu.memory_space<semaphore_mem>>) src(%dma_wait3A_1297 : memref<10000x128xf32, #tpu.memory_space<hbm>>) dst(%arg11 : memref<125x128xf32, #tpu.memory_space<vmem>>)
      %dma_wait3A_1298 = arith.constant 0 : i32
      %dma_wait3A_1299 = arith.constant 0 : i32
      %dma_wait3A_1300 = tpu.memref_slice %arg7[%dma_wait3A_1298, %dma_wait3A_1299] : memref<16x125xi32, #tpu.memory_space<vmem>> -> memref<1x125xi32, #tpu.memory_space<vmem>>
      %dma_wait3A_1301 = tpu.memref_squeeze %dma_wait3A_1300 : memref<1x125xi32, #tpu.memory_space<vmem>> -> memref<125xi32, #tpu.memory_space<vmem>>
      %dma_wait3A_1302 = arith.constant 0 : i32
      %dma_wait3A_1303 = arith.constant 0 : i32
      %dma_wait3A_1304 = tpu.memref_slice %arg2[%add3A_3, %dma_wait3A_1302, %dma_wait3A_1303] : memref<4x10000x128xf32, #tpu.memory_space<hbm>> -> memref<1x10000x128xf32, #tpu.memory_space<hbm>>
      %dma_wait3A_1305 = tpu.memref_squeeze %dma_wait3A_1304 : memref<1x10000x128xf32, #tpu.memory_space<hbm>> -> memref<10000x128xf32, #tpu.memory_space<hbm>>
      %dma_wait3A_1306 = arith.constant 0 : i32
      %dma_wait3A_1307 = arith.constant 0 : i32
      %dma_wait3A_1308 = tpu.memref_slice %dma_wait3A_1305[%dma_wait3A_1306, %dma_wait3A_1307] : memref<10000x128xf32, #tpu.memory_space<hbm>> -> memref<10000x128xf32, #tpu.memory_space<hbm>>
      tpu.wait_indirect_dma semaphore(%arg19 : memref<!tpu.dma_semaphore, #tpu.memory_space<semaphore_mem>>) src(%dma_wait3A_1308 : memref<10000x128xf32, #tpu.memory_space<hbm>>) dst(%arg12 : memref<125x128xf32, #tpu.memory_space<vmem>>)
      %dma_start3A_1309 = arith.constant 13 : i32
      %dma_start3A_1310 = arith.constant 0 : i32
      %dma_start3A_1311 = tpu.memref_slice %arg9[%dma_start3A_1309, %dma_start3A_1310] : memref<16x125xi32, #tpu.memory_space<vmem>> -> memref<1x125xi32, #tpu.memory_space<vmem>>
      %dma_start3A_1312 = tpu.memref_squeeze %dma_start3A_1311 : memref<1x125xi32, #tpu.memory_space<vmem>> -> memref<125xi32, #tpu.memory_space<vmem>>
      %dma_start3A_1313 = arith.constant 0 : i32
      %dma_start3A_1314 = arith.constant 0 : i32
      %dma_start3A_1315 = tpu.memref_slice %arg2[%add3A_3, %dma_start3A_1313, %dma_start3A_1314] : memref<4x10000x128xf32, #tpu.memory_space<hbm>> -> memref<1x10000x128xf32, #tpu.memory_space<hbm>>
      %dma_start3A_1316 = tpu.memref_squeeze %dma_start3A_1315 : memref<1x10000x128xf32, #tpu.memory_space<hbm>> -> memref<10000x128xf32, #tpu.memory_space<hbm>>
      %dma_start3A_1317 = arith.constant 0 : i32
      %dma_start3A_1318 = arith.constant 0 : i32
      %dma_start3A_1319 = tpu.memref_slice %dma_start3A_1316[%dma_start3A_1317, %dma_start3A_1318] : memref<10000x128xf32, #tpu.memory_space<hbm>> -> memref<10000x128xf32, #tpu.memory_space<hbm>>
      tpu.enqueue_indirect_dma source(%dma_start3A_1319 : memref<10000x128xf32, #tpu.memory_space<hbm>>) target(%arg12 : memref<125x128xf32, #tpu.memory_space<vmem>>) offsets(%dma_start3A_1312 : memref<125xi32, #tpu.memory_space<vmem>>) semaphore(%arg15 : memref<!tpu.dma_semaphore, #tpu.memory_space<semaphore_mem>>)
      %dma_start3A_1320 = arith.constant 12 : i32
      %dma_start3A_1321 = arith.constant 0 : i32
      %dma_start3A_1322 = tpu.memref_slice %arg10[%dma_start3A_1320, %dma_start3A_1321] : memref<16x125xi32, #tpu.memory_space<vmem>> -> memref<1x125xi32, #tpu.memory_space<vmem>>
      %dma_start3A_1323 = tpu.memref_squeeze %dma_start3A_1322 : memref<1x125xi32, #tpu.memory_space<vmem>> -> memref<125xi32, #tpu.memory_space<vmem>>
      %dma_start3A_1324 = arith.constant 0 : i32
      %dma_start3A_1325 = arith.constant 0 : i32
      %dma_start3A_1326 = tpu.memref_slice %arg13[%dma_start3A_1324, %dma_start3A_1325] : memref<10000x128xf32, #tpu.memory_space<vmem_shared>> -> memref<10000x128xf32, #tpu.memory_space<vmem_shared>>
      tpu.enqueue_indirect_dma source(%arg11 : memref<125x128xf32, #tpu.memory_space<vmem>>) target(%dma_start3A_1326 : memref<10000x128xf32, #tpu.memory_space<vmem_shared>>) offsets(%dma_start3A_1323 : memref<125xi32, #tpu.memory_space<vmem>>) semaphore(%arg18 : memref<!tpu.dma_semaphore, #tpu.memory_space<semaphore_mem>>) {add = true}
      %dma_wait3A_1327 = arith.constant 0 : i32
      %dma_wait3A_1328 = arith.constant 0 : i32
      %dma_wait3A_1329 = tpu.memref_slice %arg7[%dma_wait3A_1327, %dma_wait3A_1328] : memref<16x125xi32, #tpu.memory_space<vmem>> -> memref<1x125xi32, #tpu.memory_space<vmem>>
      %dma_wait3A_1330 = tpu.memref_squeeze %dma_wait3A_1329 : memref<1x125xi32, #tpu.memory_space<vmem>> -> memref<125xi32, #tpu.memory_space<vmem>>
      %dma_wait3A_1331 = arith.constant 0 : i32
      %dma_wait3A_1332 = arith.constant 0 : i32
      %dma_wait3A_1333 = tpu.memref_slice %arg2[%add3A_3, %dma_wait3A_1331, %dma_wait3A_1332] : memref<4x10000x128xf32, #tpu.memory_space<hbm>> -> memref<1x10000x128xf32, #tpu.memory_space<hbm>>
      %dma_wait3A_1334 = tpu.memref_squeeze %dma_wait3A_1333 : memref<1x10000x128xf32, #tpu.memory_space<hbm>> -> memref<10000x128xf32, #tpu.memory_space<hbm>>
      %dma_wait3A_1335 = arith.constant 0 : i32
      %dma_wait3A_1336 = arith.constant 0 : i32
      %dma_wait3A_1337 = tpu.memref_slice %dma_wait3A_1334[%dma_wait3A_1335, %dma_wait3A_1336] : memref<10000x128xf32, #tpu.memory_space<hbm>> -> memref<10000x128xf32, #tpu.memory_space<hbm>>
      tpu.wait_indirect_dma semaphore(%arg15 : memref<!tpu.dma_semaphore, #tpu.memory_space<semaphore_mem>>) src(%dma_wait3A_1337 : memref<10000x128xf32, #tpu.memory_space<hbm>>) dst(%arg12 : memref<125x128xf32, #tpu.memory_space<vmem>>)
      %dma_wait3A_1338 = arith.constant 0 : i32
      %dma_wait3A_1339 = arith.constant 0 : i32
      %dma_wait3A_1340 = tpu.memref_slice %arg7[%dma_wait3A_1338, %dma_wait3A_1339] : memref<16x125xi32, #tpu.memory_space<vmem>> -> memref<1x125xi32, #tpu.memory_space<vmem>>
      %dma_wait3A_1341 = tpu.memref_squeeze %dma_wait3A_1340 : memref<1x125xi32, #tpu.memory_space<vmem>> -> memref<125xi32, #tpu.memory_space<vmem>>
      %dma_wait3A_1342 = arith.constant 0 : i32
      %dma_wait3A_1343 = arith.constant 0 : i32
      %dma_wait3A_1344 = tpu.memref_slice %arg2[%add3A_3, %dma_wait3A_1342, %dma_wait3A_1343] : memref<4x10000x128xf32, #tpu.memory_space<hbm>> -> memref<1x10000x128xf32, #tpu.memory_space<hbm>>
      %dma_wait3A_1345 = tpu.memref_squeeze %dma_wait3A_1344 : memref<1x10000x128xf32, #tpu.memory_space<hbm>> -> memref<10000x128xf32, #tpu.memory_space<hbm>>
      %dma_wait3A_1346 = arith.constant 0 : i32
      %dma_wait3A_1347 = arith.constant 0 : i32
      %dma_wait3A_1348 = tpu.memref_slice %dma_wait3A_1345[%dma_wait3A_1346, %dma_wait3A_1347] : memref<10000x128xf32, #tpu.memory_space<hbm>> -> memref<10000x128xf32, #tpu.memory_space<hbm>>
      tpu.wait_indirect_dma semaphore(%arg18 : memref<!tpu.dma_semaphore, #tpu.memory_space<semaphore_mem>>) src(%dma_wait3A_1348 : memref<10000x128xf32, #tpu.memory_space<hbm>>) dst(%arg11 : memref<125x128xf32, #tpu.memory_space<vmem>>)
      %dma_start3A_1349 = arith.constant 14 : i32
      %dma_start3A_1350 = arith.constant 0 : i32
      %dma_start3A_1351 = tpu.memref_slice %arg9[%dma_start3A_1349, %dma_start3A_1350] : memref<16x125xi32, #tpu.memory_space<vmem>> -> memref<1x125xi32, #tpu.memory_space<vmem>>
      %dma_start3A_1352 = tpu.memref_squeeze %dma_start3A_1351 : memref<1x125xi32, #tpu.memory_space<vmem>> -> memref<125xi32, #tpu.memory_space<vmem>>
      %dma_start3A_1353 = arith.constant 0 : i32
      %dma_start3A_1354 = arith.constant 0 : i32
      %dma_start3A_1355 = tpu.memref_slice %arg2[%add3A_3, %dma_start3A_1353, %dma_start3A_1354] : memref<4x10000x128xf32, #tpu.memory_space<hbm>> -> memref<1x10000x128xf32, #tpu.memory_space<hbm>>
      %dma_start3A_1356 = tpu.memref_squeeze %dma_start3A_1355 : memref<1x10000x128xf32, #tpu.memory_space<hbm>> -> memref<10000x128xf32, #tpu.memory_space<hbm>>
      %dma_start3A_1357 = arith.constant 0 : i32
      %dma_start3A_1358 = arith.constant 0 : i32
      %dma_start3A_1359 = tpu.memref_slice %dma_start3A_1356[%dma_start3A_1357, %dma_start3A_1358] : memref<10000x128xf32, #tpu.memory_space<hbm>> -> memref<10000x128xf32, #tpu.memory_space<hbm>>
      tpu.enqueue_indirect_dma source(%dma_start3A_1359 : memref<10000x128xf32, #tpu.memory_space<hbm>>) target(%arg11 : memref<125x128xf32, #tpu.memory_space<vmem>>) offsets(%dma_start3A_1352 : memref<125xi32, #tpu.memory_space<vmem>>) semaphore(%arg14 : memref<!tpu.dma_semaphore, #tpu.memory_space<semaphore_mem>>)
      %dma_start3A_1360 = arith.constant 13 : i32
      %dma_start3A_1361 = arith.constant 0 : i32
      %dma_start3A_1362 = tpu.memref_slice %arg10[%dma_start3A_1360, %dma_start3A_1361] : memref<16x125xi32, #tpu.memory_space<vmem>> -> memref<1x125xi32, #tpu.memory_space<vmem>>
      %dma_start3A_1363 = tpu.memref_squeeze %dma_start3A_1362 : memref<1x125xi32, #tpu.memory_space<vmem>> -> memref<125xi32, #tpu.memory_space<vmem>>
      %dma_start3A_1364 = arith.constant 0 : i32
      %dma_start3A_1365 = arith.constant 0 : i32
      %dma_start3A_1366 = tpu.memref_slice %arg13[%dma_start3A_1364, %dma_start3A_1365] : memref<10000x128xf32, #tpu.memory_space<vmem_shared>> -> memref<10000x128xf32, #tpu.memory_space<vmem_shared>>
      tpu.enqueue_indirect_dma source(%arg12 : memref<125x128xf32, #tpu.memory_space<vmem>>) target(%dma_start3A_1366 : memref<10000x128xf32, #tpu.memory_space<vmem_shared>>) offsets(%dma_start3A_1363 : memref<125xi32, #tpu.memory_space<vmem>>) semaphore(%arg19 : memref<!tpu.dma_semaphore, #tpu.memory_space<semaphore_mem>>) {add = true}
      %dma_wait3A_1367 = arith.constant 0 : i32
      %dma_wait3A_1368 = arith.constant 0 : i32
      %dma_wait3A_1369 = tpu.memref_slice %arg7[%dma_wait3A_1367, %dma_wait3A_1368] : memref<16x125xi32, #tpu.memory_space<vmem>> -> memref<1x125xi32, #tpu.memory_space<vmem>>
      %dma_wait3A_1370 = tpu.memref_squeeze %dma_wait3A_1369 : memref<1x125xi32, #tpu.memory_space<vmem>> -> memref<125xi32, #tpu.memory_space<vmem>>
      %dma_wait3A_1371 = arith.constant 0 : i32
      %dma_wait3A_1372 = arith.constant 0 : i32
      %dma_wait3A_1373 = tpu.memref_slice %arg2[%add3A_3, %dma_wait3A_1371, %dma_wait3A_1372] : memref<4x10000x128xf32, #tpu.memory_space<hbm>> -> memref<1x10000x128xf32, #tpu.memory_space<hbm>>
      %dma_wait3A_1374 = tpu.memref_squeeze %dma_wait3A_1373 : memref<1x10000x128xf32, #tpu.memory_space<hbm>> -> memref<10000x128xf32, #tpu.memory_space<hbm>>
      %dma_wait3A_1375 = arith.constant 0 : i32
      %dma_wait3A_1376 = arith.constant 0 : i32
      %dma_wait3A_1377 = tpu.memref_slice %dma_wait3A_1374[%dma_wait3A_1375, %dma_wait3A_1376] : memref<10000x128xf32, #tpu.memory_space<hbm>> -> memref<10000x128xf32, #tpu.memory_space<hbm>>
      tpu.wait_indirect_dma semaphore(%arg14 : memref<!tpu.dma_semaphore, #tpu.memory_space<semaphore_mem>>) src(%dma_wait3A_1377 : memref<10000x128xf32, #tpu.memory_space<hbm>>) dst(%arg11 : memref<125x128xf32, #tpu.memory_space<vmem>>)
      %dma_wait3A_1378 = arith.constant 0 : i32
      %dma_wait3A_1379 = arith.constant 0 : i32
      %dma_wait3A_1380 = tpu.memref_slice %arg7[%dma_wait3A_1378, %dma_wait3A_1379] : memref<16x125xi32, #tpu.memory_space<vmem>> -> memref<1x125xi32, #tpu.memory_space<vmem>>
      %dma_wait3A_1381 = tpu.memref_squeeze %dma_wait3A_1380 : memref<1x125xi32, #tpu.memory_space<vmem>> -> memref<125xi32, #tpu.memory_space<vmem>>
      %dma_wait3A_1382 = arith.constant 0 : i32
      %dma_wait3A_1383 = arith.constant 0 : i32
      %dma_wait3A_1384 = tpu.memref_slice %arg2[%add3A_3, %dma_wait3A_1382, %dma_wait3A_1383] : memref<4x10000x128xf32, #tpu.memory_space<hbm>> -> memref<1x10000x128xf32, #tpu.memory_space<hbm>>
      %dma_wait3A_1385 = tpu.memref_squeeze %dma_wait3A_1384 : memref<1x10000x128xf32, #tpu.memory_space<hbm>> -> memref<10000x128xf32, #tpu.memory_space<hbm>>
      %dma_wait3A_1386 = arith.constant 0 : i32
      %dma_wait3A_1387 = arith.constant 0 : i32
      %dma_wait3A_1388 = tpu.memref_slice %dma_wait3A_1385[%dma_wait3A_1386, %dma_wait3A_1387] : memref<10000x128xf32, #tpu.memory_space<hbm>> -> memref<10000x128xf32, #tpu.memory_space<hbm>>
      tpu.wait_indirect_dma semaphore(%arg19 : memref<!tpu.dma_semaphore, #tpu.memory_space<semaphore_mem>>) src(%dma_wait3A_1388 : memref<10000x128xf32, #tpu.memory_space<hbm>>) dst(%arg12 : memref<125x128xf32, #tpu.memory_space<vmem>>)
      %dma_start3A_1389 = arith.constant 15 : i32
      %dma_start3A_1390 = arith.constant 0 : i32
      %dma_start3A_1391 = tpu.memref_slice %arg9[%dma_start3A_1389, %dma_start3A_1390] : memref<16x125xi32, #tpu.memory_space<vmem>> -> memref<1x125xi32, #tpu.memory_space<vmem>>
      %dma_start3A_1392 = tpu.memref_squeeze %dma_start3A_1391 : memref<1x125xi32, #tpu.memory_space<vmem>> -> memref<125xi32, #tpu.memory_space<vmem>>
      %dma_start3A_1393 = arith.constant 0 : i32
      %dma_start3A_1394 = arith.constant 0 : i32
      %dma_start3A_1395 = tpu.memref_slice %arg2[%add3A_3, %dma_start3A_1393, %dma_start3A_1394] : memref<4x10000x128xf32, #tpu.memory_space<hbm>> -> memref<1x10000x128xf32, #tpu.memory_space<hbm>>
      %dma_start3A_1396 = tpu.memref_squeeze %dma_start3A_1395 : memref<1x10000x128xf32, #tpu.memory_space<hbm>> -> memref<10000x128xf32, #tpu.memory_space<hbm>>
      %dma_start3A_1397 = arith.constant 0 : i32
      %dma_start3A_1398 = arith.constant 0 : i32
      %dma_start3A_1399 = tpu.memref_slice %dma_start3A_1396[%dma_start3A_1397, %dma_start3A_1398] : memref<10000x128xf32, #tpu.memory_space<hbm>> -> memref<10000x128xf32, #tpu.memory_space<hbm>>
      tpu.enqueue_indirect_dma source(%dma_start3A_1399 : memref<10000x128xf32, #tpu.memory_space<hbm>>) target(%arg12 : memref<125x128xf32, #tpu.memory_space<vmem>>) offsets(%dma_start3A_1392 : memref<125xi32, #tpu.memory_space<vmem>>) semaphore(%arg15 : memref<!tpu.dma_semaphore, #tpu.memory_space<semaphore_mem>>)
      %dma_start3A_1400 = arith.constant 14 : i32
      %dma_start3A_1401 = arith.constant 0 : i32
      %dma_start3A_1402 = tpu.memref_slice %arg10[%dma_start3A_1400, %dma_start3A_1401] : memref<16x125xi32, #tpu.memory_space<vmem>> -> memref<1x125xi32, #tpu.memory_space<vmem>>
      %dma_start3A_1403 = tpu.memref_squeeze %dma_start3A_1402 : memref<1x125xi32, #tpu.memory_space<vmem>> -> memref<125xi32, #tpu.memory_space<vmem>>
      %dma_start3A_1404 = arith.constant 0 : i32
      %dma_start3A_1405 = arith.constant 0 : i32
      %dma_start3A_1406 = tpu.memref_slice %arg13[%dma_start3A_1404, %dma_start3A_1405] : memref<10000x128xf32, #tpu.memory_space<vmem_shared>> -> memref<10000x128xf32, #tpu.memory_space<vmem_shared>>
      tpu.enqueue_indirect_dma source(%arg11 : memref<125x128xf32, #tpu.memory_space<vmem>>) target(%dma_start3A_1406 : memref<10000x128xf32, #tpu.memory_space<vmem_shared>>) offsets(%dma_start3A_1403 : memref<125xi32, #tpu.memory_space<vmem>>) semaphore(%arg18 : memref<!tpu.dma_semaphore, #tpu.memory_space<semaphore_mem>>) {add = true}
      %dma_wait3A_1407 = arith.constant 0 : i32
      %dma_wait3A_1408 = arith.constant 0 : i32
      %dma_wait3A_1409 = tpu.memref_slice %arg7[%dma_wait3A_1407, %dma_wait3A_1408] : memref<16x125xi32, #tpu.memory_space<vmem>> -> memref<1x125xi32, #tpu.memory_space<vmem>>
      %dma_wait3A_1410 = tpu.memref_squeeze %dma_wait3A_1409 : memref<1x125xi32, #tpu.memory_space<vmem>> -> memref<125xi32, #tpu.memory_space<vmem>>
      %dma_wait3A_1411 = arith.constant 0 : i32
      %dma_wait3A_1412 = arith.constant 0 : i32
      %dma_wait3A_1413 = tpu.memref_slice %arg2[%add3A_3, %dma_wait3A_1411, %dma_wait3A_1412] : memref<4x10000x128xf32, #tpu.memory_space<hbm>> -> memref<1x10000x128xf32, #tpu.memory_space<hbm>>
      %dma_wait3A_1414 = tpu.memref_squeeze %dma_wait3A_1413 : memref<1x10000x128xf32, #tpu.memory_space<hbm>> -> memref<10000x128xf32, #tpu.memory_space<hbm>>
      %dma_wait3A_1415 = arith.constant 0 : i32
      %dma_wait3A_1416 = arith.constant 0 : i32
      %dma_wait3A_1417 = tpu.memref_slice %dma_wait3A_1414[%dma_wait3A_1415, %dma_wait3A_1416] : memref<10000x128xf32, #tpu.memory_space<hbm>> -> memref<10000x128xf32, #tpu.memory_space<hbm>>
      tpu.wait_indirect_dma semaphore(%arg15 : memref<!tpu.dma_semaphore, #tpu.memory_space<semaphore_mem>>) src(%dma_wait3A_1417 : memref<10000x128xf32, #tpu.memory_space<hbm>>) dst(%arg12 : memref<125x128xf32, #tpu.memory_space<vmem>>)
      %dma_wait3A_1418 = arith.constant 0 : i32
      %dma_wait3A_1419 = arith.constant 0 : i32
      %dma_wait3A_1420 = tpu.memref_slice %arg7[%dma_wait3A_1418, %dma_wait3A_1419] : memref<16x125xi32, #tpu.memory_space<vmem>> -> memref<1x125xi32, #tpu.memory_space<vmem>>
      %dma_wait3A_1421 = tpu.memref_squeeze %dma_wait3A_1420 : memref<1x125xi32, #tpu.memory_space<vmem>> -> memref<125xi32, #tpu.memory_space<vmem>>
      %dma_wait3A_1422 = arith.constant 0 : i32
      %dma_wait3A_1423 = arith.constant 0 : i32
      %dma_wait3A_1424 = tpu.memref_slice %arg2[%add3A_3, %dma_wait3A_1422, %dma_wait3A_1423] : memref<4x10000x128xf32, #tpu.memory_space<hbm>> -> memref<1x10000x128xf32, #tpu.memory_space<hbm>>
      %dma_wait3A_1425 = tpu.memref_squeeze %dma_wait3A_1424 : memref<1x10000x128xf32, #tpu.memory_space<hbm>> -> memref<10000x128xf32, #tpu.memory_space<hbm>>
      %dma_wait3A_1426 = arith.constant 0 : i32
      %dma_wait3A_1427 = arith.constant 0 : i32
      %dma_wait3A_1428 = tpu.memref_slice %dma_wait3A_1425[%dma_wait3A_1426, %dma_wait3A_1427] : memref<10000x128xf32, #tpu.memory_space<hbm>> -> memref<10000x128xf32, #tpu.memory_space<hbm>>
      tpu.wait_indirect_dma semaphore(%arg18 : memref<!tpu.dma_semaphore, #tpu.memory_space<semaphore_mem>>) src(%dma_wait3A_1428 : memref<10000x128xf32, #tpu.memory_space<hbm>>) dst(%arg11 : memref<125x128xf32, #tpu.memory_space<vmem>>)
      %convert_element_type3A_1429 = arith.extui %lt3A_806 : i1 to i32
      %cond3A_1430 = arith.constant 0 : i32
      %cond3A_1431 = arith.cmpi ne, %convert_element_type3A_1429, %cond3A_1430 : i32
      scf.if %cond3A_1431 {
        %dma_wait3A_1439 = arith.constant 0 : i32
        %dma_wait3A_1440 = arith.constant 0 : i32
        %dma_wait3A_1441 = tpu.memref_slice %arg3[%arg1, %dma_wait3A_1439, %dma_wait3A_1440] : memref<16x160x125xi32, #tpu.memory_space<hbm>> -> memref<1x160x125xi32, #tpu.memory_space<hbm>>
        %dma_wait3A_1442 = tpu.memref_squeeze %dma_wait3A_1441 : memref<1x160x125xi32, #tpu.memory_space<hbm>> -> memref<160x125xi32, #tpu.memory_space<hbm>>
        %dma_wait3A_1443 = arith.constant 0 : i32
        %dma_wait3A_1444 = arith.constant 0 : i32
        %dma_wait3A_1445 = tpu.memref_slice %dma_wait3A_1442[%dma_wait3A_1443, %dma_wait3A_1444] : memref<160x125xi32, #tpu.memory_space<hbm>> -> memref<16x125xi32, #tpu.memory_space<hbm>>
        %dma_wait3A_1446 = arith.constant 0 : i32
        %dma_wait3A_1447 = arith.constant 0 : i32
        %dma_wait3A_1448 = tpu.memref_slice %arg3[%arg1, %dma_wait3A_1446, %dma_wait3A_1447] : memref<16x160x125xi32, #tpu.memory_space<hbm>> -> memref<1x160x125xi32, #tpu.memory_space<hbm>>
        %dma_wait3A_1449 = tpu.memref_squeeze %dma_wait3A_1448 : memref<1x160x125xi32, #tpu.memory_space<hbm>> -> memref<160x125xi32, #tpu.memory_space<hbm>>
        %dma_wait3A_1450 = arith.constant 0 : i32
        %dma_wait3A_1451 = arith.constant 0 : i32
        %dma_wait3A_1452 = tpu.memref_slice %dma_wait3A_1449[%dma_wait3A_1450, %dma_wait3A_1451] : memref<160x125xi32, #tpu.memory_space<hbm>> -> memref<16x125xi32, #tpu.memory_space<hbm>>
        tpu.wait_dma2 semaphore(%arg16 : memref<!tpu.dma_semaphore, #tpu.memory_space<semaphore_mem>>) src(%dma_wait3A_1452 : memref<16x125xi32, #tpu.memory_space<hbm>>) dst(%arg7 : memref<16x125xi32, #tpu.memory_space<vmem>>)
        %dma_wait3A_1453 = arith.constant 0 : i32
        %dma_wait3A_1454 = arith.constant 0 : i32
        %dma_wait3A_1455 = tpu.memref_slice %arg3[%arg1, %dma_wait3A_1453, %dma_wait3A_1454] : memref<16x160x125xi32, #tpu.memory_space<hbm>> -> memref<1x160x125xi32, #tpu.memory_space<hbm>>
        %dma_wait3A_1456 = tpu.memref_squeeze %dma_wait3A_1455 : memref<1x160x125xi32, #tpu.memory_space<hbm>> -> memref<160x125xi32, #tpu.memory_space<hbm>>
        %dma_wait3A_1457 = arith.constant 0 : i32
        %dma_wait3A_1458 = arith.constant 0 : i32
        %dma_wait3A_1459 = tpu.memref_slice %dma_wait3A_1456[%dma_wait3A_1457, %dma_wait3A_1458] : memref<160x125xi32, #tpu.memory_space<hbm>> -> memref<16x125xi32, #tpu.memory_space<hbm>>
        %dma_wait3A_1460 = arith.constant 0 : i32
        %dma_wait3A_1461 = arith.constant 0 : i32
        %dma_wait3A_1462 = tpu.memref_slice %arg3[%arg1, %dma_wait3A_1460, %dma_wait3A_1461] : memref<16x160x125xi32, #tpu.memory_space<hbm>> -> memref<1x160x125xi32, #tpu.memory_space<hbm>>
        %dma_wait3A_1463 = tpu.memref_squeeze %dma_wait3A_1462 : memref<1x160x125xi32, #tpu.memory_space<hbm>> -> memref<160x125xi32, #tpu.memory_space<hbm>>
        %dma_wait3A_1464 = arith.constant 0 : i32
        %dma_wait3A_1465 = arith.constant 0 : i32
        %dma_wait3A_1466 = tpu.memref_slice %dma_wait3A_1463[%dma_wait3A_1464, %dma_wait3A_1465] : memref<160x125xi32, #tpu.memory_space<hbm>> -> memref<16x125xi32, #tpu.memory_space<hbm>>
        tpu.wait_dma2 semaphore(%arg16 : memref<!tpu.dma_semaphore, #tpu.memory_space<semaphore_mem>>) src(%dma_wait3A_1466 : memref<16x125xi32, #tpu.memory_space<hbm>>) dst(%arg7 : memref<16x125xi32, #tpu.memory_space<vmem>>)
        %dma_start3A_1467 = arith.constant 0 : i32
        %dma_start3A_1468 = arith.constant 0 : i32
        %dma_start3A_1469 = tpu.memref_slice %arg7[%dma_start3A_1467, %dma_start3A_1468] : memref<16x125xi32, #tpu.memory_space<vmem>> -> memref<1x125xi32, #tpu.memory_space<vmem>>
        %dma_start3A_1470 = tpu.memref_squeeze %dma_start3A_1469 : memref<1x125xi32, #tpu.memory_space<vmem>> -> memref<125xi32, #tpu.memory_space<vmem>>
        %dma_start3A_1471 = arith.constant 0 : i32
        %dma_start3A_1472 = arith.constant 0 : i32
        %dma_start3A_1473 = tpu.memref_slice %arg2[%add3A_3, %dma_start3A_1471, %dma_start3A_1472] : memref<4x10000x128xf32, #tpu.memory_space<hbm>> -> memref<1x10000x128xf32, #tpu.memory_space<hbm>>
        %dma_start3A_1474 = tpu.memref_squeeze %dma_start3A_1473 : memref<1x10000x128xf32, #tpu.memory_space<hbm>> -> memref<10000x128xf32, #tpu.memory_space<hbm>>
        %dma_start3A_1475 = arith.constant 0 : i32
        %dma_start3A_1476 = arith.constant 0 : i32
        %dma_start3A_1477 = tpu.memref_slice %dma_start3A_1474[%dma_start3A_1475, %dma_start3A_1476] : memref<10000x128xf32, #tpu.memory_space<hbm>> -> memref<10000x128xf32, #tpu.memory_space<hbm>>
        tpu.enqueue_indirect_dma source(%dma_start3A_1477 : memref<10000x128xf32, #tpu.memory_space<hbm>>) target(%arg11 : memref<125x128xf32, #tpu.memory_space<vmem>>) offsets(%dma_start3A_1470 : memref<125xi32, #tpu.memory_space<vmem>>) semaphore(%arg14 : memref<!tpu.dma_semaphore, #tpu.memory_space<semaphore_mem>>)
      } else {
      }
      %dma_start3A_1432 = arith.constant 15 : i32
      %dma_start3A_1433 = arith.constant 0 : i32
      %dma_start3A_1434 = tpu.memref_slice %arg10[%dma_start3A_1432, %dma_start3A_1433] : memref<16x125xi32, #tpu.memory_space<vmem>> -> memref<1x125xi32, #tpu.memory_space<vmem>>
      %dma_start3A_1435 = tpu.memref_squeeze %dma_start3A_1434 : memref<1x125xi32, #tpu.memory_space<vmem>> -> memref<125xi32, #tpu.memory_space<vmem>>
      %dma_start3A_1436 = arith.constant 0 : i32
      %dma_start3A_1437 = arith.constant 0 : i32
      %dma_start3A_1438 = tpu.memref_slice %arg13[%dma_start3A_1436, %dma_start3A_1437] : memref<10000x128xf32, #tpu.memory_space<vmem_shared>> -> memref<10000x128xf32, #tpu.memory_space<vmem_shared>>
      tpu.enqueue_indirect_dma source(%arg12 : memref<125x128xf32, #tpu.memory_space<vmem>>) target(%dma_start3A_1438 : memref<10000x128xf32, #tpu.memory_space<vmem_shared>>) offsets(%dma_start3A_1435 : memref<125xi32, #tpu.memory_space<vmem>>) semaphore(%arg19 : memref<!tpu.dma_semaphore, #tpu.memory_space<semaphore_mem>>) {add = true}
    }
    %scan3A_24 = arith.constant 5 : i32
    %dma_wait3A = arith.constant 0 : i32
    %dma_wait3A_25 = arith.constant 0 : i32
    %dma_wait3A_26 = tpu.memref_slice %arg7[%dma_wait3A, %dma_wait3A_25] : memref<16x125xi32, #tpu.memory_space<vmem>> -> memref<1x125xi32, #tpu.memory_space<vmem>>
    %dma_wait3A_27 = tpu.memref_squeeze %dma_wait3A_26 : memref<1x125xi32, #tpu.memory_space<vmem>> -> memref<125xi32, #tpu.memory_space<vmem>>
    %dma_wait3A_28 = arith.constant 0 : i32
    %dma_wait3A_29 = arith.constant 0 : i32
    %dma_wait3A_30 = tpu.memref_slice %arg2[%add3A_3, %dma_wait3A_28, %dma_wait3A_29] : memref<4x10000x128xf32, #tpu.memory_space<hbm>> -> memref<1x10000x128xf32, #tpu.memory_space<hbm>>
    %dma_wait3A_31 = tpu.memref_squeeze %dma_wait3A_30 : memref<1x10000x128xf32, #tpu.memory_space<hbm>> -> memref<10000x128xf32, #tpu.memory_space<hbm>>
    %dma_wait3A_32 = arith.constant 0 : i32
    %dma_wait3A_33 = arith.constant 0 : i32
    %dma_wait3A_34 = tpu.memref_slice %dma_wait3A_31[%dma_wait3A_32, %dma_wait3A_33] : memref<10000x128xf32, #tpu.memory_space<hbm>> -> memref<10000x128xf32, #tpu.memory_space<hbm>>
    tpu.wait_indirect_dma semaphore(%arg19 : memref<!tpu.dma_semaphore, #tpu.memory_space<semaphore_mem>>) src(%dma_wait3A_34 : memref<10000x128xf32, #tpu.memory_space<hbm>>) dst(%arg12 : memref<125x128xf32, #tpu.memory_space<vmem>>)
    %barrier3A_35 = arith.constant 0 : index
    tpu.barrier barrier_id(%barrier3A_35)
    %lt3A_36 = arith.constant 15 : i32
    %lt3A_37 = arith.cmpi slt, %arg1, %lt3A_36 : i32
    %convert_element_type3A_38 = arith.extui %lt3A_37 : i1 to i32
    %cond3A_39 = arith.constant 0 : i32
    %cond3A_40 = arith.cmpi ne, %convert_element_type3A_38, %cond3A_39 : i32
    scf.if %cond3A_40 {
      %mul3A_102 = arith.constant 10000 : i32
      %mul3A_103 = arith.muli %add3A_3, %mul3A_102 : i32
      %add3A_104 = arith.addi %mul3A_103, %mul3A_0 : i32
      "tpu.region"() ({
        %run_scoped3A = tpu.sem_alloc : memref<!tpu.dma_semaphore, #tpu.memory_space<semaphore_mem>>
        %dma_start3A_105 = arith.constant 0 : i32
        %dma_start3A_106 = tpu.memref_slice %arg6[%add3A_104, %dma_start3A_105] : memref<40000x128xf32, #tpu.memory_space<hbm>> -> memref<624x128xf32, #tpu.memory_space<hbm>>
        %dma_start3A_107 = arith.constant 0 : i32
        %dma_start3A_108 = tpu.memref_slice %arg13[%mul3A_0, %dma_start3A_107] : memref<10000x128xf32, #tpu.memory_space<vmem_shared>> -> memref<624x128xf32, #tpu.memory_space<vmem_shared>>
        tpu.enqueue_dma source(%dma_start3A_108 : memref<624x128xf32, #tpu.memory_space<vmem_shared>>) target(%dma_start3A_106 : memref<624x128xf32, #tpu.memory_space<hbm>>) target_semaphore(%run_scoped3A : memref<!tpu.dma_semaphore, #tpu.memory_space<semaphore_mem>>)
        %dma_wait3A_109 = arith.constant 0 : i32
        %dma_wait3A_110 = tpu.memref_slice %arg6[%add3A_104, %dma_wait3A_109] : memref<40000x128xf32, #tpu.memory_space<hbm>> -> memref<624x128xf32, #tpu.memory_space<hbm>>
        %dma_wait3A_111 = arith.constant 0 : i32
        %dma_wait3A_112 = tpu.memref_slice %arg13[%mul3A_0, %dma_wait3A_111] : memref<10000x128xf32, #tpu.memory_space<vmem_shared>> -> memref<624x128xf32, #tpu.memory_space<vmem_shared>>
        tpu.wait_dma2 semaphore(%run_scoped3A : memref<!tpu.dma_semaphore, #tpu.memory_space<semaphore_mem>>) src(%dma_wait3A_112 : memref<624x128xf32, #tpu.memory_space<vmem_shared>>) dst(%dma_wait3A_110 : memref<624x128xf32, #tpu.memory_space<hbm>>)
        tpu.yield
      }) : () -> ()
    } else {
    }
    %eq3A_41 = arith.constant 15 : i32
    %eq3A_42 = arith.cmpi eq, %arg1, %eq3A_41 : i32
    %convert_element_type3A_43 = arith.extui %eq3A_42 : i1 to i32
    %cond3A_44 = arith.constant 0 : i32
    %cond3A_45 = arith.cmpi ne, %convert_element_type3A_43, %cond3A_44 : i32
    scf.if %cond3A_45 {
      %mul3A_102 = arith.constant 10000 : i32
      %mul3A_103 = arith.muli %add3A_3, %mul3A_102 : i32
      %add3A_104 = arith.constant 9360 : i32
      %add3A_105 = arith.addi %mul3A_103, %add3A_104 : i32
      "tpu.region"() ({
        %run_scoped3A = tpu.sem_alloc : memref<!tpu.dma_semaphore, #tpu.memory_space<semaphore_mem>>
        %dma_start3A_106 = arith.constant 0 : i32
        %dma_start3A_107 = tpu.memref_slice %arg6[%add3A_105, %dma_start3A_106] : memref<40000x128xf32, #tpu.memory_space<hbm>> -> memref<640x128xf32, #tpu.memory_space<hbm>>
        %dma_start3A_108 = arith.constant 9360 : i32
        %dma_start3A_109 = arith.constant 0 : i32
        %dma_start3A_110 = tpu.memref_slice %arg13[%dma_start3A_108, %dma_start3A_109] : memref<10000x128xf32, #tpu.memory_space<vmem_shared>> -> memref<640x128xf32, #tpu.memory_space<vmem_shared>>
        tpu.enqueue_dma source(%dma_start3A_110 : memref<640x128xf32, #tpu.memory_space<vmem_shared>>) target(%dma_start3A_107 : memref<640x128xf32, #tpu.memory_space<hbm>>) target_semaphore(%run_scoped3A : memref<!tpu.dma_semaphore, #tpu.memory_space<semaphore_mem>>)
        %dma_wait3A_111 = arith.constant 0 : i32
        %dma_wait3A_112 = tpu.memref_slice %arg6[%add3A_105, %dma_wait3A_111] : memref<40000x128xf32, #tpu.memory_space<hbm>> -> memref<640x128xf32, #tpu.memory_space<hbm>>
        %dma_wait3A_113 = arith.constant 9360 : i32
        %dma_wait3A_114 = arith.constant 0 : i32
        %dma_wait3A_115 = tpu.memref_slice %arg13[%dma_wait3A_113, %dma_wait3A_114] : memref<10000x128xf32, #tpu.memory_space<vmem_shared>> -> memref<640x128xf32, #tpu.memory_space<vmem_shared>>
        tpu.wait_dma2 semaphore(%run_scoped3A : memref<!tpu.dma_semaphore, #tpu.memory_space<semaphore_mem>>) src(%dma_wait3A_115 : memref<640x128xf32, #tpu.memory_space<vmem_shared>>) dst(%dma_wait3A_112 : memref<640x128xf32, #tpu.memory_space<hbm>>)
        tpu.yield
      }) : () -> ()
    } else {
    }
    %barrier3A_46 = arith.constant 0 : index
    tpu.barrier barrier_id(%barrier3A_46)
    %mul3A_47 = arith.constant 2 : i32
    %mul3A_48 = arith.muli %mul3A_47, %arg0 : i32
    %add3A_49 = arith.constant 1 : i32
    %add3A_50 = arith.addi %mul3A_48, %add3A_49 : i32
    %lt3A_51 = arith.constant 15 : i32
    %lt3A_52 = arith.cmpi slt, %arg1, %lt3A_51 : i32
    %convert_element_type3A_53 = arith.extui %lt3A_52 : i1 to i32
    %cond3A_54 = arith.constant 0 : i32
    %cond3A_55 = arith.cmpi ne, %convert_element_type3A_53, %cond3A_54 : i32
    scf.if %cond3A_55 {
      "tpu.region"() ({
        %run_scoped3A = tpu.sem_alloc : memref<!tpu.dma_semaphore, #tpu.memory_space<semaphore_mem>>
        %dma_start3A_102 = arith.constant 0 : i32
        %dma_start3A_103 = tpu.memref_slice %arg13[%mul3A_0, %dma_start3A_102] : memref<10000x128xf32, #tpu.memory_space<vmem_shared>> -> memref<624x128xf32, #tpu.memory_space<vmem_shared>>
        %dma_start3A_104 = arith.constant 0 : i32
        %dma_start3A_105 = arith.constant 0 : i32
        %dma_start3A_106 = tpu.memref_slice %arg5[%dma_start3A_104, %dma_start3A_105] : memref<640x128xf32, #tpu.memory_space<hbm>> -> memref<624x128xf32, #tpu.memory_space<hbm>>
        tpu.enqueue_dma source(%dma_start3A_106 : memref<624x128xf32, #tpu.memory_space<hbm>>) target(%dma_start3A_103 : memref<624x128xf32, #tpu.memory_space<vmem_shared>>) target_semaphore(%run_scoped3A : memref<!tpu.dma_semaphore, #tpu.memory_space<semaphore_mem>>)
        %dma_wait3A_107 = arith.constant 0 : i32
        %dma_wait3A_108 = tpu.memref_slice %arg13[%mul3A_0, %dma_wait3A_107] : memref<10000x128xf32, #tpu.memory_space<vmem_shared>> -> memref<624x128xf32, #tpu.memory_space<vmem_shared>>
        %dma_wait3A_109 = arith.constant 0 : i32
        %dma_wait3A_110 = arith.constant 0 : i32
        %dma_wait3A_111 = tpu.memref_slice %arg5[%dma_wait3A_109, %dma_wait3A_110] : memref<640x128xf32, #tpu.memory_space<hbm>> -> memref<624x128xf32, #tpu.memory_space<hbm>>
        tpu.wait_dma2 semaphore(%run_scoped3A : memref<!tpu.dma_semaphore, #tpu.memory_space<semaphore_mem>>) src(%dma_wait3A_111 : memref<624x128xf32, #tpu.memory_space<hbm>>) dst(%dma_wait3A_108 : memref<624x128xf32, #tpu.memory_space<vmem_shared>>)
        tpu.yield
      }) : () -> ()
    } else {
    }
    %eq3A_56 = arith.constant 15 : i32
    %eq3A_57 = arith.cmpi eq, %arg1, %eq3A_56 : i32
    %convert_element_type3A_58 = arith.extui %eq3A_57 : i1 to i32
    %cond3A_59 = arith.constant 0 : i32
    %cond3A_60 = arith.cmpi ne, %convert_element_type3A_58, %cond3A_59 : i32
    scf.if %cond3A_60 {
      "tpu.region"() ({
        %run_scoped3A = tpu.sem_alloc : memref<!tpu.dma_semaphore, #tpu.memory_space<semaphore_mem>>
        %dma_start3A_102 = arith.constant 9360 : i32
        %dma_start3A_103 = arith.constant 0 : i32
        %dma_start3A_104 = tpu.memref_slice %arg13[%dma_start3A_102, %dma_start3A_103] : memref<10000x128xf32, #tpu.memory_space<vmem_shared>> -> memref<640x128xf32, #tpu.memory_space<vmem_shared>>
        tpu.enqueue_dma source(%arg5 : memref<640x128xf32, #tpu.memory_space<hbm>>) target(%dma_start3A_104 : memref<640x128xf32, #tpu.memory_space<vmem_shared>>) target_semaphore(%run_scoped3A : memref<!tpu.dma_semaphore, #tpu.memory_space<semaphore_mem>>)
        %dma_wait3A_105 = arith.constant 9360 : i32
        %dma_wait3A_106 = arith.constant 0 : i32
        %dma_wait3A_107 = tpu.memref_slice %arg13[%dma_wait3A_105, %dma_wait3A_106] : memref<10000x128xf32, #tpu.memory_space<vmem_shared>> -> memref<640x128xf32, #tpu.memory_space<vmem_shared>>
        tpu.wait_dma2 semaphore(%run_scoped3A : memref<!tpu.dma_semaphore, #tpu.memory_space<semaphore_mem>>) src(%arg5 : memref<640x128xf32, #tpu.memory_space<hbm>>) dst(%dma_wait3A_107 : memref<640x128xf32, #tpu.memory_space<vmem_shared>>)
        tpu.yield
      }) : () -> ()
    } else {
    }
    %barrier3A_61 = arith.constant 0 : index
    tpu.barrier barrier_id(%barrier3A_61)
    "tpu.region"() ({
      %run_scoped3A = tpu.sem_alloc : memref<!tpu.dma_semaphore, #tpu.memory_space<semaphore_mem>>
      %dma_start3A_102 = arith.constant 0 : i32
      %dma_start3A_103 = arith.constant 0 : i32
      %dma_start3A_104 = tpu.memref_slice %arg3[%arg1, %dma_start3A_102, %dma_start3A_103] : memref<16x160x125xi32, #tpu.memory_space<hbm>> -> memref<1x160x125xi32, #tpu.memory_space<hbm>>
      %dma_start3A_105 = tpu.memref_squeeze %dma_start3A_104 : memref<1x160x125xi32, #tpu.memory_space<hbm>> -> memref<160x125xi32, #tpu.memory_space<hbm>>
      %dma_start3A_106 = arith.constant 0 : i32
      %dma_start3A_107 = arith.constant 0 : i32
      %dma_start3A_108 = tpu.memref_slice %dma_start3A_105[%dma_start3A_106, %dma_start3A_107] : memref<160x125xi32, #tpu.memory_space<hbm>> -> memref<16x125xi32, #tpu.memory_space<hbm>>
      %dma_start3A_109 = arith.constant 0 : i32
      %dma_start3A_110 = arith.constant 0 : i32
      %dma_start3A_111 = tpu.memref_slice %arg3[%arg1, %dma_start3A_109, %dma_start3A_110] : memref<16x160x125xi32, #tpu.memory_space<hbm>> -> memref<1x160x125xi32, #tpu.memory_space<hbm>>
      %dma_start3A_112 = tpu.memref_squeeze %dma_start3A_111 : memref<1x160x125xi32, #tpu.memory_space<hbm>> -> memref<160x125xi32, #tpu.memory_space<hbm>>
      %dma_start3A_113 = arith.constant 0 : i32
      %dma_start3A_114 = arith.constant 0 : i32
      %dma_start3A_115 = tpu.memref_slice %dma_start3A_112[%dma_start3A_113, %dma_start3A_114] : memref<160x125xi32, #tpu.memory_space<hbm>> -> memref<16x125xi32, #tpu.memory_space<hbm>>
      tpu.enqueue_dma source(%dma_start3A_115 : memref<16x125xi32, #tpu.memory_space<hbm>>) target(%arg7 : memref<16x125xi32, #tpu.memory_space<vmem>>) target_semaphore(%run_scoped3A : memref<!tpu.dma_semaphore, #tpu.memory_space<semaphore_mem>>)
      %dma_wait3A_116 = arith.constant 0 : i32
      %dma_wait3A_117 = arith.constant 0 : i32
      %dma_wait3A_118 = tpu.memref_slice %arg3[%arg1, %dma_wait3A_116, %dma_wait3A_117] : memref<16x160x125xi32, #tpu.memory_space<hbm>> -> memref<1x160x125xi32, #tpu.memory_space<hbm>>
      %dma_wait3A_119 = tpu.memref_squeeze %dma_wait3A_118 : memref<1x160x125xi32, #tpu.memory_space<hbm>> -> memref<160x125xi32, #tpu.memory_space<hbm>>
      %dma_wait3A_120 = arith.constant 0 : i32
      %dma_wait3A_121 = arith.constant 0 : i32
      %dma_wait3A_122 = tpu.memref_slice %dma_wait3A_119[%dma_wait3A_120, %dma_wait3A_121] : memref<160x125xi32, #tpu.memory_space<hbm>> -> memref<16x125xi32, #tpu.memory_space<hbm>>
      %dma_wait3A_123 = arith.constant 0 : i32
      %dma_wait3A_124 = arith.constant 0 : i32
      %dma_wait3A_125 = tpu.memref_slice %arg3[%arg1, %dma_wait3A_123, %dma_wait3A_124] : memref<16x160x125xi32, #tpu.memory_space<hbm>> -> memref<1x160x125xi32, #tpu.memory_space<hbm>>
      %dma_wait3A_126 = tpu.memref_squeeze %dma_wait3A_125 : memref<1x160x125xi32, #tpu.memory_space<hbm>> -> memref<160x125xi32, #tpu.memory_space<hbm>>
      %dma_wait3A_127 = arith.constant 0 : i32
      %dma_wait3A_128 = arith.constant 0 : i32
      %dma_wait3A_129 = tpu.memref_slice %dma_wait3A_126[%dma_wait3A_127, %dma_wait3A_128] : memref<160x125xi32, #tpu.memory_space<hbm>> -> memref<16x125xi32, #tpu.memory_space<hbm>>
      tpu.wait_dma2 semaphore(%run_scoped3A : memref<!tpu.dma_semaphore, #tpu.memory_space<semaphore_mem>>) src(%dma_wait3A_129 : memref<16x125xi32, #tpu.memory_space<hbm>>) dst(%arg7 : memref<16x125xi32, #tpu.memory_space<vmem>>)
      tpu.yield
    }) : () -> ()
    "tpu.region"() ({
      %run_scoped3A = tpu.sem_alloc : memref<!tpu.dma_semaphore, #tpu.memory_space<semaphore_mem>>
      %dma_start3A_102 = arith.constant 0 : i32
      %dma_start3A_103 = arith.constant 0 : i32
      %dma_start3A_104 = tpu.memref_slice %arg4[%arg1, %dma_start3A_102, %dma_start3A_103] : memref<16x160x125xi32, #tpu.memory_space<hbm>> -> memref<1x160x125xi32, #tpu.memory_space<hbm>>
      %dma_start3A_105 = tpu.memref_squeeze %dma_start3A_104 : memref<1x160x125xi32, #tpu.memory_space<hbm>> -> memref<160x125xi32, #tpu.memory_space<hbm>>
      %dma_start3A_106 = arith.constant 0 : i32
      %dma_start3A_107 = arith.constant 0 : i32
      %dma_start3A_108 = tpu.memref_slice %dma_start3A_105[%dma_start3A_106, %dma_start3A_107] : memref<160x125xi32, #tpu.memory_space<hbm>> -> memref<16x125xi32, #tpu.memory_space<hbm>>
      %dma_start3A_109 = arith.constant 0 : i32
      %dma_start3A_110 = arith.constant 0 : i32
      %dma_start3A_111 = tpu.memref_slice %arg4[%arg1, %dma_start3A_109, %dma_start3A_110] : memref<16x160x125xi32, #tpu.memory_space<hbm>> -> memref<1x160x125xi32, #tpu.memory_space<hbm>>
      %dma_start3A_112 = tpu.memref_squeeze %dma_start3A_111 : memref<1x160x125xi32, #tpu.memory_space<hbm>> -> memref<160x125xi32, #tpu.memory_space<hbm>>
      %dma_start3A_113 = arith.constant 0 : i32
      %dma_start3A_114 = arith.constant 0 : i32
      %dma_start3A_115 = tpu.memref_slice %dma_start3A_112[%dma_start3A_113, %dma_start3A_114] : memref<160x125xi32, #tpu.memory_space<hbm>> -> memref<16x125xi32, #tpu.memory_space<hbm>>
      tpu.enqueue_dma source(%dma_start3A_115 : memref<16x125xi32, #tpu.memory_space<hbm>>) target(%arg8 : memref<16x125xi32, #tpu.memory_space<vmem>>) target_semaphore(%run_scoped3A : memref<!tpu.dma_semaphore, #tpu.memory_space<semaphore_mem>>)
      %dma_wait3A_116 = arith.constant 0 : i32
      %dma_wait3A_117 = arith.constant 0 : i32
      %dma_wait3A_118 = tpu.memref_slice %arg4[%arg1, %dma_wait3A_116, %dma_wait3A_117] : memref<16x160x125xi32, #tpu.memory_space<hbm>> -> memref<1x160x125xi32, #tpu.memory_space<hbm>>
      %dma_wait3A_119 = tpu.memref_squeeze %dma_wait3A_118 : memref<1x160x125xi32, #tpu.memory_space<hbm>> -> memref<160x125xi32, #tpu.memory_space<hbm>>
      %dma_wait3A_120 = arith.constant 0 : i32
      %dma_wait3A_121 = arith.constant 0 : i32
      %dma_wait3A_122 = tpu.memref_slice %dma_wait3A_119[%dma_wait3A_120, %dma_wait3A_121] : memref<160x125xi32, #tpu.memory_space<hbm>> -> memref<16x125xi32, #tpu.memory_space<hbm>>
      %dma_wait3A_123 = arith.constant 0 : i32
      %dma_wait3A_124 = arith.constant 0 : i32
      %dma_wait3A_125 = tpu.memref_slice %arg4[%arg1, %dma_wait3A_123, %dma_wait3A_124] : memref<16x160x125xi32, #tpu.memory_space<hbm>> -> memref<1x160x125xi32, #tpu.memory_space<hbm>>
      %dma_wait3A_126 = tpu.memref_squeeze %dma_wait3A_125 : memref<1x160x125xi32, #tpu.memory_space<hbm>> -> memref<160x125xi32, #tpu.memory_space<hbm>>
      %dma_wait3A_127 = arith.constant 0 : i32
      %dma_wait3A_128 = arith.constant 0 : i32
      %dma_wait3A_129 = tpu.memref_slice %dma_wait3A_126[%dma_wait3A_127, %dma_wait3A_128] : memref<160x125xi32, #tpu.memory_space<hbm>> -> memref<16x125xi32, #tpu.memory_space<hbm>>
      tpu.wait_dma2 semaphore(%run_scoped3A : memref<!tpu.dma_semaphore, #tpu.memory_space<semaphore_mem>>) src(%dma_wait3A_129 : memref<16x125xi32, #tpu.memory_space<hbm>>) dst(%arg8 : memref<16x125xi32, #tpu.memory_space<vmem>>)
      tpu.yield
    }) : () -> ()
    %dma_start3A_62 = arith.constant 0 : i32
    %dma_start3A_63 = arith.constant 0 : i32
    %dma_start3A_64 = tpu.memref_slice %arg7[%dma_start3A_62, %dma_start3A_63] : memref<16x125xi32, #tpu.memory_space<vmem>> -> memref<1x125xi32, #tpu.memory_space<vmem>>
    %dma_start3A_65 = tpu.memref_squeeze %dma_start3A_64 : memref<1x125xi32, #tpu.memory_space<vmem>> -> memref<125xi32, #tpu.memory_space<vmem>>
    %dma_start3A_66 = arith.constant 0 : i32
    %dma_start3A_67 = arith.constant 0 : i32
    %dma_start3A_68 = tpu.memref_slice %arg2[%add3A_50, %dma_start3A_66, %dma_start3A_67] : memref<4x10000x128xf32, #tpu.memory_space<hbm>> -> memref<1x10000x128xf32, #tpu.memory_space<hbm>>
    %dma_start3A_69 = tpu.memref_squeeze %dma_start3A_68 : memref<1x10000x128xf32, #tpu.memory_space<hbm>> -> memref<10000x128xf32, #tpu.memory_space<hbm>>
    %dma_start3A_70 = arith.constant 0 : i32
    %dma_start3A_71 = arith.constant 0 : i32
    %dma_start3A_72 = tpu.memref_slice %dma_start3A_69[%dma_start3A_70, %dma_start3A_71] : memref<10000x128xf32, #tpu.memory_space<hbm>> -> memref<10000x128xf32, #tpu.memory_space<hbm>>
    tpu.enqueue_indirect_dma source(%dma_start3A_72 : memref<10000x128xf32, #tpu.memory_space<hbm>>) target(%arg11 : memref<125x128xf32, #tpu.memory_space<vmem>>) offsets(%dma_start3A_65 : memref<125xi32, #tpu.memory_space<vmem>>) semaphore(%arg14 : memref<!tpu.dma_semaphore, #tpu.memory_space<semaphore_mem>>)
    %scan3A_73 = arith.constant 0 : i32
    %scan3A_74 = arith.constant 0 : i32
    %scan3A_75 = arith.constant 5 : i32
    %scan3A_76 = arith.addi %scan3A_74, %scan3A_75 : i32
    %scan3A_77 = arith.constant 1 : i32
    scf.for %scan3A_102 = %scan3A_74 to %scan3A_76 step %scan3A_77  : i32 {
      %mul3A_103 = arith.constant 2 : i32
      %mul3A_104 = arith.muli %mul3A_103, %scan3A_102 : i32
      %add3A_105 = arith.constant 1 : i32
      %add3A_106 = arith.addi %mul3A_104, %add3A_105 : i32
      %mul3A_107 = arith.constant 16 : i32
      %mul3A_108 = arith.muli %add3A_106, %mul3A_107 : i32
      %dma_start3A_109 = arith.constant 0 : i32
      %dma_start3A_110 = arith.constant 0 : i32
      %dma_start3A_111 = tpu.memref_slice %arg3[%arg1, %dma_start3A_109, %dma_start3A_110] : memref<16x160x125xi32, #tpu.memory_space<hbm>> -> memref<1x160x125xi32, #tpu.memory_space<hbm>>
      %dma_start3A_112 = tpu.memref_squeeze %dma_start3A_111 : memref<1x160x125xi32, #tpu.memory_space<hbm>> -> memref<160x125xi32, #tpu.memory_space<hbm>>
      %dma_start3A_113 = arith.constant 0 : i32
      %dma_start3A_114 = tpu.memref_slice %dma_start3A_112[%mul3A_108, %dma_start3A_113] : memref<160x125xi32, #tpu.memory_space<hbm>> -> memref<16x125xi32, #tpu.memory_space<hbm>>
      %dma_start3A_115 = arith.constant 0 : i32
      %dma_start3A_116 = arith.constant 0 : i32
      %dma_start3A_117 = tpu.memref_slice %arg3[%arg1, %dma_start3A_115, %dma_start3A_116] : memref<16x160x125xi32, #tpu.memory_space<hbm>> -> memref<1x160x125xi32, #tpu.memory_space<hbm>>
      %dma_start3A_118 = tpu.memref_squeeze %dma_start3A_117 : memref<1x160x125xi32, #tpu.memory_space<hbm>> -> memref<160x125xi32, #tpu.memory_space<hbm>>
      %dma_start3A_119 = arith.constant 0 : i32
      %dma_start3A_120 = tpu.memref_slice %dma_start3A_118[%mul3A_108, %dma_start3A_119] : memref<160x125xi32, #tpu.memory_space<hbm>> -> memref<16x125xi32, #tpu.memory_space<hbm>>
      tpu.enqueue_dma source(%dma_start3A_120 : memref<16x125xi32, #tpu.memory_space<hbm>>) target(%arg9 : memref<16x125xi32, #tpu.memory_space<vmem>>) target_semaphore(%arg17 : memref<!tpu.dma_semaphore, #tpu.memory_space<semaphore_mem>>)
      %mul3A_121 = arith.constant 16 : i32
      %mul3A_122 = arith.muli %add3A_106, %mul3A_121 : i32
      %dma_start3A_123 = arith.constant 0 : i32
      %dma_start3A_124 = arith.constant 0 : i32
      %dma_start3A_125 = tpu.memref_slice %arg4[%arg1, %dma_start3A_123, %dma_start3A_124] : memref<16x160x125xi32, #tpu.memory_space<hbm>> -> memref<1x160x125xi32, #tpu.memory_space<hbm>>
      %dma_start3A_126 = tpu.memref_squeeze %dma_start3A_125 : memref<1x160x125xi32, #tpu.memory_space<hbm>> -> memref<160x125xi32, #tpu.memory_space<hbm>>
      %dma_start3A_127 = arith.constant 0 : i32
      %dma_start3A_128 = tpu.memref_slice %dma_start3A_126[%mul3A_122, %dma_start3A_127] : memref<160x125xi32, #tpu.memory_space<hbm>> -> memref<16x125xi32, #tpu.memory_space<hbm>>
      %dma_start3A_129 = arith.constant 0 : i32
      %dma_start3A_130 = arith.constant 0 : i32
      %dma_start3A_131 = tpu.memref_slice %arg4[%arg1, %dma_start3A_129, %dma_start3A_130] : memref<16x160x125xi32, #tpu.memory_space<hbm>> -> memref<1x160x125xi32, #tpu.memory_space<hbm>>
      %dma_start3A_132 = tpu.memref_squeeze %dma_start3A_131 : memref<1x160x125xi32, #tpu.memory_space<hbm>> -> memref<160x125xi32, #tpu.memory_space<hbm>>
      %dma_start3A_133 = arith.constant 0 : i32
      %dma_start3A_134 = tpu.memref_slice %dma_start3A_132[%mul3A_122, %dma_start3A_133] : memref<160x125xi32, #tpu.memory_space<hbm>> -> memref<16x125xi32, #tpu.memory_space<hbm>>
      tpu.enqueue_dma source(%dma_start3A_134 : memref<16x125xi32, #tpu.memory_space<hbm>>) target(%arg10 : memref<16x125xi32, #tpu.memory_space<vmem>>) target_semaphore(%arg17 : memref<!tpu.dma_semaphore, #tpu.memory_space<semaphore_mem>>)
      %gt3A = arith.constant 0 : i32
      %gt3A_135 = arith.cmpi sgt, %scan3A_102, %gt3A : i32
      %dma_wait3A_136 = arith.constant 0 : i32
      %dma_wait3A_137 = arith.constant 0 : i32
      %dma_wait3A_138 = tpu.memref_slice %arg7[%dma_wait3A_136, %dma_wait3A_137] : memref<16x125xi32, #tpu.memory_space<vmem>> -> memref<1x125xi32, #tpu.memory_space<vmem>>
      %dma_wait3A_139 = tpu.memref_squeeze %dma_wait3A_138 : memref<1x125xi32, #tpu.memory_space<vmem>> -> memref<125xi32, #tpu.memory_space<vmem>>
      %dma_wait3A_140 = arith.constant 0 : i32
      %dma_wait3A_141 = arith.constant 0 : i32
      %dma_wait3A_142 = tpu.memref_slice %arg2[%add3A_50, %dma_wait3A_140, %dma_wait3A_141] : memref<4x10000x128xf32, #tpu.memory_space<hbm>> -> memref<1x10000x128xf32, #tpu.memory_space<hbm>>
      %dma_wait3A_143 = tpu.memref_squeeze %dma_wait3A_142 : memref<1x10000x128xf32, #tpu.memory_space<hbm>> -> memref<10000x128xf32, #tpu.memory_space<hbm>>
      %dma_wait3A_144 = arith.constant 0 : i32
      %dma_wait3A_145 = arith.constant 0 : i32
      %dma_wait3A_146 = tpu.memref_slice %dma_wait3A_143[%dma_wait3A_144, %dma_wait3A_145] : memref<10000x128xf32, #tpu.memory_space<hbm>> -> memref<10000x128xf32, #tpu.memory_space<hbm>>
      tpu.wait_indirect_dma semaphore(%arg14 : memref<!tpu.dma_semaphore, #tpu.memory_space<semaphore_mem>>) src(%dma_wait3A_146 : memref<10000x128xf32, #tpu.memory_space<hbm>>) dst(%arg11 : memref<125x128xf32, #tpu.memory_space<vmem>>)
      %convert_element_type3A_147 = arith.extui %gt3A_135 : i1 to i32
      %cond3A_148 = arith.constant 0 : i32
      %cond3A_149 = arith.cmpi ne, %convert_element_type3A_147, %cond3A_148 : i32
      scf.if %cond3A_149 {
        %dma_wait3A_1439 = arith.constant 0 : i32
        %dma_wait3A_1440 = arith.constant 0 : i32
        %dma_wait3A_1441 = tpu.memref_slice %arg7[%dma_wait3A_1439, %dma_wait3A_1440] : memref<16x125xi32, #tpu.memory_space<vmem>> -> memref<1x125xi32, #tpu.memory_space<vmem>>
        %dma_wait3A_1442 = tpu.memref_squeeze %dma_wait3A_1441 : memref<1x125xi32, #tpu.memory_space<vmem>> -> memref<125xi32, #tpu.memory_space<vmem>>
        %dma_wait3A_1443 = arith.constant 0 : i32
        %dma_wait3A_1444 = arith.constant 0 : i32
        %dma_wait3A_1445 = tpu.memref_slice %arg2[%add3A_50, %dma_wait3A_1443, %dma_wait3A_1444] : memref<4x10000x128xf32, #tpu.memory_space<hbm>> -> memref<1x10000x128xf32, #tpu.memory_space<hbm>>
        %dma_wait3A_1446 = tpu.memref_squeeze %dma_wait3A_1445 : memref<1x10000x128xf32, #tpu.memory_space<hbm>> -> memref<10000x128xf32, #tpu.memory_space<hbm>>
        %dma_wait3A_1447 = arith.constant 0 : i32
        %dma_wait3A_1448 = arith.constant 0 : i32
        %dma_wait3A_1449 = tpu.memref_slice %dma_wait3A_1446[%dma_wait3A_1447, %dma_wait3A_1448] : memref<10000x128xf32, #tpu.memory_space<hbm>> -> memref<10000x128xf32, #tpu.memory_space<hbm>>
        tpu.wait_indirect_dma semaphore(%arg19 : memref<!tpu.dma_semaphore, #tpu.memory_space<semaphore_mem>>) src(%dma_wait3A_1449 : memref<10000x128xf32, #tpu.memory_space<hbm>>) dst(%arg12 : memref<125x128xf32, #tpu.memory_space<vmem>>)
      } else {
      }
      %dma_start3A_150 = arith.constant 1 : i32
      %dma_start3A_151 = arith.constant 0 : i32
      %dma_start3A_152 = tpu.memref_slice %arg7[%dma_start3A_150, %dma_start3A_151] : memref<16x125xi32, #tpu.memory_space<vmem>> -> memref<1x125xi32, #tpu.memory_space<vmem>>
      %dma_start3A_153 = tpu.memref_squeeze %dma_start3A_152 : memref<1x125xi32, #tpu.memory_space<vmem>> -> memref<125xi32, #tpu.memory_space<vmem>>
      %dma_start3A_154 = arith.constant 0 : i32
      %dma_start3A_155 = arith.constant 0 : i32
      %dma_start3A_156 = tpu.memref_slice %arg2[%add3A_50, %dma_start3A_154, %dma_start3A_155] : memref<4x10000x128xf32, #tpu.memory_space<hbm>> -> memref<1x10000x128xf32, #tpu.memory_space<hbm>>
      %dma_start3A_157 = tpu.memref_squeeze %dma_start3A_156 : memref<1x10000x128xf32, #tpu.memory_space<hbm>> -> memref<10000x128xf32, #tpu.memory_space<hbm>>
      %dma_start3A_158 = arith.constant 0 : i32
      %dma_start3A_159 = arith.constant 0 : i32
      %dma_start3A_160 = tpu.memref_slice %dma_start3A_157[%dma_start3A_158, %dma_start3A_159] : memref<10000x128xf32, #tpu.memory_space<hbm>> -> memref<10000x128xf32, #tpu.memory_space<hbm>>
      tpu.enqueue_indirect_dma source(%dma_start3A_160 : memref<10000x128xf32, #tpu.memory_space<hbm>>) target(%arg12 : memref<125x128xf32, #tpu.memory_space<vmem>>) offsets(%dma_start3A_153 : memref<125xi32, #tpu.memory_space<vmem>>) semaphore(%arg15 : memref<!tpu.dma_semaphore, #tpu.memory_space<semaphore_mem>>)
      %dma_start3A_161 = arith.constant 0 : i32
      %dma_start3A_162 = arith.constant 0 : i32
      %dma_start3A_163 = tpu.memref_slice %arg8[%dma_start3A_161, %dma_start3A_162] : memref<16x125xi32, #tpu.memory_space<vmem>> -> memref<1x125xi32, #tpu.memory_space<vmem>>
      %dma_start3A_164 = tpu.memref_squeeze %dma_start3A_163 : memref<1x125xi32, #tpu.memory_space<vmem>> -> memref<125xi32, #tpu.memory_space<vmem>>
      %dma_start3A_165 = arith.constant 0 : i32
      %dma_start3A_166 = arith.constant 0 : i32
      %dma_start3A_167 = tpu.memref_slice %arg13[%dma_start3A_165, %dma_start3A_166] : memref<10000x128xf32, #tpu.memory_space<vmem_shared>> -> memref<10000x128xf32, #tpu.memory_space<vmem_shared>>
      tpu.enqueue_indirect_dma source(%arg11 : memref<125x128xf32, #tpu.memory_space<vmem>>) target(%dma_start3A_167 : memref<10000x128xf32, #tpu.memory_space<vmem_shared>>) offsets(%dma_start3A_164 : memref<125xi32, #tpu.memory_space<vmem>>) semaphore(%arg18 : memref<!tpu.dma_semaphore, #tpu.memory_space<semaphore_mem>>) {add = true}
      %dma_wait3A_168 = arith.constant 0 : i32
      %dma_wait3A_169 = arith.constant 0 : i32
      %dma_wait3A_170 = tpu.memref_slice %arg7[%dma_wait3A_168, %dma_wait3A_169] : memref<16x125xi32, #tpu.memory_space<vmem>> -> memref<1x125xi32, #tpu.memory_space<vmem>>
      %dma_wait3A_171 = tpu.memref_squeeze %dma_wait3A_170 : memref<1x125xi32, #tpu.memory_space<vmem>> -> memref<125xi32, #tpu.memory_space<vmem>>
      %dma_wait3A_172 = arith.constant 0 : i32
      %dma_wait3A_173 = arith.constant 0 : i32
      %dma_wait3A_174 = tpu.memref_slice %arg2[%add3A_50, %dma_wait3A_172, %dma_wait3A_173] : memref<4x10000x128xf32, #tpu.memory_space<hbm>> -> memref<1x10000x128xf32, #tpu.memory_space<hbm>>
      %dma_wait3A_175 = tpu.memref_squeeze %dma_wait3A_174 : memref<1x10000x128xf32, #tpu.memory_space<hbm>> -> memref<10000x128xf32, #tpu.memory_space<hbm>>
      %dma_wait3A_176 = arith.constant 0 : i32
      %dma_wait3A_177 = arith.constant 0 : i32
      %dma_wait3A_178 = tpu.memref_slice %dma_wait3A_175[%dma_wait3A_176, %dma_wait3A_177] : memref<10000x128xf32, #tpu.memory_space<hbm>> -> memref<10000x128xf32, #tpu.memory_space<hbm>>
      tpu.wait_indirect_dma semaphore(%arg15 : memref<!tpu.dma_semaphore, #tpu.memory_space<semaphore_mem>>) src(%dma_wait3A_178 : memref<10000x128xf32, #tpu.memory_space<hbm>>) dst(%arg12 : memref<125x128xf32, #tpu.memory_space<vmem>>)
      %dma_wait3A_179 = arith.constant 0 : i32
      %dma_wait3A_180 = arith.constant 0 : i32
      %dma_wait3A_181 = tpu.memref_slice %arg7[%dma_wait3A_179, %dma_wait3A_180] : memref<16x125xi32, #tpu.memory_space<vmem>> -> memref<1x125xi32, #tpu.memory_space<vmem>>
      %dma_wait3A_182 = tpu.memref_squeeze %dma_wait3A_181 : memref<1x125xi32, #tpu.memory_space<vmem>> -> memref<125xi32, #tpu.memory_space<vmem>>
      %dma_wait3A_183 = arith.constant 0 : i32
      %dma_wait3A_184 = arith.constant 0 : i32
      %dma_wait3A_185 = tpu.memref_slice %arg2[%add3A_50, %dma_wait3A_183, %dma_wait3A_184] : memref<4x10000x128xf32, #tpu.memory_space<hbm>> -> memref<1x10000x128xf32, #tpu.memory_space<hbm>>
      %dma_wait3A_186 = tpu.memref_squeeze %dma_wait3A_185 : memref<1x10000x128xf32, #tpu.memory_space<hbm>> -> memref<10000x128xf32, #tpu.memory_space<hbm>>
      %dma_wait3A_187 = arith.constant 0 : i32
      %dma_wait3A_188 = arith.constant 0 : i32
      %dma_wait3A_189 = tpu.memref_slice %dma_wait3A_186[%dma_wait3A_187, %dma_wait3A_188] : memref<10000x128xf32, #tpu.memory_space<hbm>> -> memref<10000x128xf32, #tpu.memory_space<hbm>>
      tpu.wait_indirect_dma semaphore(%arg18 : memref<!tpu.dma_semaphore, #tpu.memory_space<semaphore_mem>>) src(%dma_wait3A_189 : memref<10000x128xf32, #tpu.memory_space<hbm>>) dst(%arg11 : memref<125x128xf32, #tpu.memory_space<vmem>>)
      %dma_start3A_190 = arith.constant 2 : i32
      %dma_start3A_191 = arith.constant 0 : i32
      %dma_start3A_192 = tpu.memref_slice %arg7[%dma_start3A_190, %dma_start3A_191] : memref<16x125xi32, #tpu.memory_space<vmem>> -> memref<1x125xi32, #tpu.memory_space<vmem>>
      %dma_start3A_193 = tpu.memref_squeeze %dma_start3A_192 : memref<1x125xi32, #tpu.memory_space<vmem>> -> memref<125xi32, #tpu.memory_space<vmem>>
      %dma_start3A_194 = arith.constant 0 : i32
      %dma_start3A_195 = arith.constant 0 : i32
      %dma_start3A_196 = tpu.memref_slice %arg2[%add3A_50, %dma_start3A_194, %dma_start3A_195] : memref<4x10000x128xf32, #tpu.memory_space<hbm>> -> memref<1x10000x128xf32, #tpu.memory_space<hbm>>
      %dma_start3A_197 = tpu.memref_squeeze %dma_start3A_196 : memref<1x10000x128xf32, #tpu.memory_space<hbm>> -> memref<10000x128xf32, #tpu.memory_space<hbm>>
      %dma_start3A_198 = arith.constant 0 : i32
      %dma_start3A_199 = arith.constant 0 : i32
      %dma_start3A_200 = tpu.memref_slice %dma_start3A_197[%dma_start3A_198, %dma_start3A_199] : memref<10000x128xf32, #tpu.memory_space<hbm>> -> memref<10000x128xf32, #tpu.memory_space<hbm>>
      tpu.enqueue_indirect_dma source(%dma_start3A_200 : memref<10000x128xf32, #tpu.memory_space<hbm>>) target(%arg11 : memref<125x128xf32, #tpu.memory_space<vmem>>) offsets(%dma_start3A_193 : memref<125xi32, #tpu.memory_space<vmem>>) semaphore(%arg14 : memref<!tpu.dma_semaphore, #tpu.memory_space<semaphore_mem>>)
      %dma_start3A_201 = arith.constant 1 : i32
      %dma_start3A_202 = arith.constant 0 : i32
      %dma_start3A_203 = tpu.memref_slice %arg8[%dma_start3A_201, %dma_start3A_202] : memref<16x125xi32, #tpu.memory_space<vmem>> -> memref<1x125xi32, #tpu.memory_space<vmem>>
      %dma_start3A_204 = tpu.memref_squeeze %dma_start3A_203 : memref<1x125xi32, #tpu.memory_space<vmem>> -> memref<125xi32, #tpu.memory_space<vmem>>
      %dma_start3A_205 = arith.constant 0 : i32
      %dma_start3A_206 = arith.constant 0 : i32
      %dma_start3A_207 = tpu.memref_slice %arg13[%dma_start3A_205, %dma_start3A_206] : memref<10000x128xf32, #tpu.memory_space<vmem_shared>> -> memref<10000x128xf32, #tpu.memory_space<vmem_shared>>
      tpu.enqueue_indirect_dma source(%arg12 : memref<125x128xf32, #tpu.memory_space<vmem>>) target(%dma_start3A_207 : memref<10000x128xf32, #tpu.memory_space<vmem_shared>>) offsets(%dma_start3A_204 : memref<125xi32, #tpu.memory_space<vmem>>) semaphore(%arg19 : memref<!tpu.dma_semaphore, #tpu.memory_space<semaphore_mem>>) {add = true}
      %dma_wait3A_208 = arith.constant 0 : i32
      %dma_wait3A_209 = arith.constant 0 : i32
      %dma_wait3A_210 = tpu.memref_slice %arg7[%dma_wait3A_208, %dma_wait3A_209] : memref<16x125xi32, #tpu.memory_space<vmem>> -> memref<1x125xi32, #tpu.memory_space<vmem>>
      %dma_wait3A_211 = tpu.memref_squeeze %dma_wait3A_210 : memref<1x125xi32, #tpu.memory_space<vmem>> -> memref<125xi32, #tpu.memory_space<vmem>>
      %dma_wait3A_212 = arith.constant 0 : i32
      %dma_wait3A_213 = arith.constant 0 : i32
      %dma_wait3A_214 = tpu.memref_slice %arg2[%add3A_50, %dma_wait3A_212, %dma_wait3A_213] : memref<4x10000x128xf32, #tpu.memory_space<hbm>> -> memref<1x10000x128xf32, #tpu.memory_space<hbm>>
      %dma_wait3A_215 = tpu.memref_squeeze %dma_wait3A_214 : memref<1x10000x128xf32, #tpu.memory_space<hbm>> -> memref<10000x128xf32, #tpu.memory_space<hbm>>
      %dma_wait3A_216 = arith.constant 0 : i32
      %dma_wait3A_217 = arith.constant 0 : i32
      %dma_wait3A_218 = tpu.memref_slice %dma_wait3A_215[%dma_wait3A_216, %dma_wait3A_217] : memref<10000x128xf32, #tpu.memory_space<hbm>> -> memref<10000x128xf32, #tpu.memory_space<hbm>>
      tpu.wait_indirect_dma semaphore(%arg14 : memref<!tpu.dma_semaphore, #tpu.memory_space<semaphore_mem>>) src(%dma_wait3A_218 : memref<10000x128xf32, #tpu.memory_space<hbm>>) dst(%arg11 : memref<125x128xf32, #tpu.memory_space<vmem>>)
      %dma_wait3A_219 = arith.constant 0 : i32
      %dma_wait3A_220 = arith.constant 0 : i32
      %dma_wait3A_221 = tpu.memref_slice %arg7[%dma_wait3A_219, %dma_wait3A_220] : memref<16x125xi32, #tpu.memory_space<vmem>> -> memref<1x125xi32, #tpu.memory_space<vmem>>
      %dma_wait3A_222 = tpu.memref_squeeze %dma_wait3A_221 : memref<1x125xi32, #tpu.memory_space<vmem>> -> memref<125xi32, #tpu.memory_space<vmem>>
      %dma_wait3A_223 = arith.constant 0 : i32
      %dma_wait3A_224 = arith.constant 0 : i32
      %dma_wait3A_225 = tpu.memref_slice %arg2[%add3A_50, %dma_wait3A_223, %dma_wait3A_224] : memref<4x10000x128xf32, #tpu.memory_space<hbm>> -> memref<1x10000x128xf32, #tpu.memory_space<hbm>>
      %dma_wait3A_226 = tpu.memref_squeeze %dma_wait3A_225 : memref<1x10000x128xf32, #tpu.memory_space<hbm>> -> memref<10000x128xf32, #tpu.memory_space<hbm>>
      %dma_wait3A_227 = arith.constant 0 : i32
      %dma_wait3A_228 = arith.constant 0 : i32
      %dma_wait3A_229 = tpu.memref_slice %dma_wait3A_226[%dma_wait3A_227, %dma_wait3A_228] : memref<10000x128xf32, #tpu.memory_space<hbm>> -> memref<10000x128xf32, #tpu.memory_space<hbm>>
      tpu.wait_indirect_dma semaphore(%arg19 : memref<!tpu.dma_semaphore, #tpu.memory_space<semaphore_mem>>) src(%dma_wait3A_229 : memref<10000x128xf32, #tpu.memory_space<hbm>>) dst(%arg12 : memref<125x128xf32, #tpu.memory_space<vmem>>)
      %dma_start3A_230 = arith.constant 3 : i32
      %dma_start3A_231 = arith.constant 0 : i32
      %dma_start3A_232 = tpu.memref_slice %arg7[%dma_start3A_230, %dma_start3A_231] : memref<16x125xi32, #tpu.memory_space<vmem>> -> memref<1x125xi32, #tpu.memory_space<vmem>>
      %dma_start3A_233 = tpu.memref_squeeze %dma_start3A_232 : memref<1x125xi32, #tpu.memory_space<vmem>> -> memref<125xi32, #tpu.memory_space<vmem>>
      %dma_start3A_234 = arith.constant 0 : i32
      %dma_start3A_235 = arith.constant 0 : i32
      %dma_start3A_236 = tpu.memref_slice %arg2[%add3A_50, %dma_start3A_234, %dma_start3A_235] : memref<4x10000x128xf32, #tpu.memory_space<hbm>> -> memref<1x10000x128xf32, #tpu.memory_space<hbm>>
      %dma_start3A_237 = tpu.memref_squeeze %dma_start3A_236 : memref<1x10000x128xf32, #tpu.memory_space<hbm>> -> memref<10000x128xf32, #tpu.memory_space<hbm>>
      %dma_start3A_238 = arith.constant 0 : i32
      %dma_start3A_239 = arith.constant 0 : i32
      %dma_start3A_240 = tpu.memref_slice %dma_start3A_237[%dma_start3A_238, %dma_start3A_239] : memref<10000x128xf32, #tpu.memory_space<hbm>> -> memref<10000x128xf32, #tpu.memory_space<hbm>>
      tpu.enqueue_indirect_dma source(%dma_start3A_240 : memref<10000x128xf32, #tpu.memory_space<hbm>>) target(%arg12 : memref<125x128xf32, #tpu.memory_space<vmem>>) offsets(%dma_start3A_233 : memref<125xi32, #tpu.memory_space<vmem>>) semaphore(%arg15 : memref<!tpu.dma_semaphore, #tpu.memory_space<semaphore_mem>>)
      %dma_start3A_241 = arith.constant 2 : i32
      %dma_start3A_242 = arith.constant 0 : i32
      %dma_start3A_243 = tpu.memref_slice %arg8[%dma_start3A_241, %dma_start3A_242] : memref<16x125xi32, #tpu.memory_space<vmem>> -> memref<1x125xi32, #tpu.memory_space<vmem>>
      %dma_start3A_244 = tpu.memref_squeeze %dma_start3A_243 : memref<1x125xi32, #tpu.memory_space<vmem>> -> memref<125xi32, #tpu.memory_space<vmem>>
      %dma_start3A_245 = arith.constant 0 : i32
      %dma_start3A_246 = arith.constant 0 : i32
      %dma_start3A_247 = tpu.memref_slice %arg13[%dma_start3A_245, %dma_start3A_246] : memref<10000x128xf32, #tpu.memory_space<vmem_shared>> -> memref<10000x128xf32, #tpu.memory_space<vmem_shared>>
      tpu.enqueue_indirect_dma source(%arg11 : memref<125x128xf32, #tpu.memory_space<vmem>>) target(%dma_start3A_247 : memref<10000x128xf32, #tpu.memory_space<vmem_shared>>) offsets(%dma_start3A_244 : memref<125xi32, #tpu.memory_space<vmem>>) semaphore(%arg18 : memref<!tpu.dma_semaphore, #tpu.memory_space<semaphore_mem>>) {add = true}
      %dma_wait3A_248 = arith.constant 0 : i32
      %dma_wait3A_249 = arith.constant 0 : i32
      %dma_wait3A_250 = tpu.memref_slice %arg7[%dma_wait3A_248, %dma_wait3A_249] : memref<16x125xi32, #tpu.memory_space<vmem>> -> memref<1x125xi32, #tpu.memory_space<vmem>>
      %dma_wait3A_251 = tpu.memref_squeeze %dma_wait3A_250 : memref<1x125xi32, #tpu.memory_space<vmem>> -> memref<125xi32, #tpu.memory_space<vmem>>
      %dma_wait3A_252 = arith.constant 0 : i32
      %dma_wait3A_253 = arith.constant 0 : i32
      %dma_wait3A_254 = tpu.memref_slice %arg2[%add3A_50, %dma_wait3A_252, %dma_wait3A_253] : memref<4x10000x128xf32, #tpu.memory_space<hbm>> -> memref<1x10000x128xf32, #tpu.memory_space<hbm>>
      %dma_wait3A_255 = tpu.memref_squeeze %dma_wait3A_254 : memref<1x10000x128xf32, #tpu.memory_space<hbm>> -> memref<10000x128xf32, #tpu.memory_space<hbm>>
      %dma_wait3A_256 = arith.constant 0 : i32
      %dma_wait3A_257 = arith.constant 0 : i32
      %dma_wait3A_258 = tpu.memref_slice %dma_wait3A_255[%dma_wait3A_256, %dma_wait3A_257] : memref<10000x128xf32, #tpu.memory_space<hbm>> -> memref<10000x128xf32, #tpu.memory_space<hbm>>
      tpu.wait_indirect_dma semaphore(%arg15 : memref<!tpu.dma_semaphore, #tpu.memory_space<semaphore_mem>>) src(%dma_wait3A_258 : memref<10000x128xf32, #tpu.memory_space<hbm>>) dst(%arg12 : memref<125x128xf32, #tpu.memory_space<vmem>>)
      %dma_wait3A_259 = arith.constant 0 : i32
      %dma_wait3A_260 = arith.constant 0 : i32
      %dma_wait3A_261 = tpu.memref_slice %arg7[%dma_wait3A_259, %dma_wait3A_260] : memref<16x125xi32, #tpu.memory_space<vmem>> -> memref<1x125xi32, #tpu.memory_space<vmem>>
      %dma_wait3A_262 = tpu.memref_squeeze %dma_wait3A_261 : memref<1x125xi32, #tpu.memory_space<vmem>> -> memref<125xi32, #tpu.memory_space<vmem>>
      %dma_wait3A_263 = arith.constant 0 : i32
      %dma_wait3A_264 = arith.constant 0 : i32
      %dma_wait3A_265 = tpu.memref_slice %arg2[%add3A_50, %dma_wait3A_263, %dma_wait3A_264] : memref<4x10000x128xf32, #tpu.memory_space<hbm>> -> memref<1x10000x128xf32, #tpu.memory_space<hbm>>
      %dma_wait3A_266 = tpu.memref_squeeze %dma_wait3A_265 : memref<1x10000x128xf32, #tpu.memory_space<hbm>> -> memref<10000x128xf32, #tpu.memory_space<hbm>>
      %dma_wait3A_267 = arith.constant 0 : i32
      %dma_wait3A_268 = arith.constant 0 : i32
      %dma_wait3A_269 = tpu.memref_slice %dma_wait3A_266[%dma_wait3A_267, %dma_wait3A_268] : memref<10000x128xf32, #tpu.memory_space<hbm>> -> memref<10000x128xf32, #tpu.memory_space<hbm>>
      tpu.wait_indirect_dma semaphore(%arg18 : memref<!tpu.dma_semaphore, #tpu.memory_space<semaphore_mem>>) src(%dma_wait3A_269 : memref<10000x128xf32, #tpu.memory_space<hbm>>) dst(%arg11 : memref<125x128xf32, #tpu.memory_space<vmem>>)
      %dma_start3A_270 = arith.constant 4 : i32
      %dma_start3A_271 = arith.constant 0 : i32
      %dma_start3A_272 = tpu.memref_slice %arg7[%dma_start3A_270, %dma_start3A_271] : memref<16x125xi32, #tpu.memory_space<vmem>> -> memref<1x125xi32, #tpu.memory_space<vmem>>
      %dma_start3A_273 = tpu.memref_squeeze %dma_start3A_272 : memref<1x125xi32, #tpu.memory_space<vmem>> -> memref<125xi32, #tpu.memory_space<vmem>>
      %dma_start3A_274 = arith.constant 0 : i32
      %dma_start3A_275 = arith.constant 0 : i32
      %dma_start3A_276 = tpu.memref_slice %arg2[%add3A_50, %dma_start3A_274, %dma_start3A_275] : memref<4x10000x128xf32, #tpu.memory_space<hbm>> -> memref<1x10000x128xf32, #tpu.memory_space<hbm>>
      %dma_start3A_277 = tpu.memref_squeeze %dma_start3A_276 : memref<1x10000x128xf32, #tpu.memory_space<hbm>> -> memref<10000x128xf32, #tpu.memory_space<hbm>>
      %dma_start3A_278 = arith.constant 0 : i32
      %dma_start3A_279 = arith.constant 0 : i32
      %dma_start3A_280 = tpu.memref_slice %dma_start3A_277[%dma_start3A_278, %dma_start3A_279] : memref<10000x128xf32, #tpu.memory_space<hbm>> -> memref<10000x128xf32, #tpu.memory_space<hbm>>
      tpu.enqueue_indirect_dma source(%dma_start3A_280 : memref<10000x128xf32, #tpu.memory_space<hbm>>) target(%arg11 : memref<125x128xf32, #tpu.memory_space<vmem>>) offsets(%dma_start3A_273 : memref<125xi32, #tpu.memory_space<vmem>>) semaphore(%arg14 : memref<!tpu.dma_semaphore, #tpu.memory_space<semaphore_mem>>)
      %dma_start3A_281 = arith.constant 3 : i32
      %dma_start3A_282 = arith.constant 0 : i32
      %dma_start3A_283 = tpu.memref_slice %arg8[%dma_start3A_281, %dma_start3A_282] : memref<16x125xi32, #tpu.memory_space<vmem>> -> memref<1x125xi32, #tpu.memory_space<vmem>>
      %dma_start3A_284 = tpu.memref_squeeze %dma_start3A_283 : memref<1x125xi32, #tpu.memory_space<vmem>> -> memref<125xi32, #tpu.memory_space<vmem>>
      %dma_start3A_285 = arith.constant 0 : i32
      %dma_start3A_286 = arith.constant 0 : i32
      %dma_start3A_287 = tpu.memref_slice %arg13[%dma_start3A_285, %dma_start3A_286] : memref<10000x128xf32, #tpu.memory_space<vmem_shared>> -> memref<10000x128xf32, #tpu.memory_space<vmem_shared>>
      tpu.enqueue_indirect_dma source(%arg12 : memref<125x128xf32, #tpu.memory_space<vmem>>) target(%dma_start3A_287 : memref<10000x128xf32, #tpu.memory_space<vmem_shared>>) offsets(%dma_start3A_284 : memref<125xi32, #tpu.memory_space<vmem>>) semaphore(%arg19 : memref<!tpu.dma_semaphore, #tpu.memory_space<semaphore_mem>>) {add = true}
      %dma_wait3A_288 = arith.constant 0 : i32
      %dma_wait3A_289 = arith.constant 0 : i32
      %dma_wait3A_290 = tpu.memref_slice %arg7[%dma_wait3A_288, %dma_wait3A_289] : memref<16x125xi32, #tpu.memory_space<vmem>> -> memref<1x125xi32, #tpu.memory_space<vmem>>
      %dma_wait3A_291 = tpu.memref_squeeze %dma_wait3A_290 : memref<1x125xi32, #tpu.memory_space<vmem>> -> memref<125xi32, #tpu.memory_space<vmem>>
      %dma_wait3A_292 = arith.constant 0 : i32
      %dma_wait3A_293 = arith.constant 0 : i32
      %dma_wait3A_294 = tpu.memref_slice %arg2[%add3A_50, %dma_wait3A_292, %dma_wait3A_293] : memref<4x10000x128xf32, #tpu.memory_space<hbm>> -> memref<1x10000x128xf32, #tpu.memory_space<hbm>>
      %dma_wait3A_295 = tpu.memref_squeeze %dma_wait3A_294 : memref<1x10000x128xf32, #tpu.memory_space<hbm>> -> memref<10000x128xf32, #tpu.memory_space<hbm>>
      %dma_wait3A_296 = arith.constant 0 : i32
      %dma_wait3A_297 = arith.constant 0 : i32
      %dma_wait3A_298 = tpu.memref_slice %dma_wait3A_295[%dma_wait3A_296, %dma_wait3A_297] : memref<10000x128xf32, #tpu.memory_space<hbm>> -> memref<10000x128xf32, #tpu.memory_space<hbm>>
      tpu.wait_indirect_dma semaphore(%arg14 : memref<!tpu.dma_semaphore, #tpu.memory_space<semaphore_mem>>) src(%dma_wait3A_298 : memref<10000x128xf32, #tpu.memory_space<hbm>>) dst(%arg11 : memref<125x128xf32, #tpu.memory_space<vmem>>)
      %dma_wait3A_299 = arith.constant 0 : i32
      %dma_wait3A_300 = arith.constant 0 : i32
      %dma_wait3A_301 = tpu.memref_slice %arg7[%dma_wait3A_299, %dma_wait3A_300] : memref<16x125xi32, #tpu.memory_space<vmem>> -> memref<1x125xi32, #tpu.memory_space<vmem>>
      %dma_wait3A_302 = tpu.memref_squeeze %dma_wait3A_301 : memref<1x125xi32, #tpu.memory_space<vmem>> -> memref<125xi32, #tpu.memory_space<vmem>>
      %dma_wait3A_303 = arith.constant 0 : i32
      %dma_wait3A_304 = arith.constant 0 : i32
      %dma_wait3A_305 = tpu.memref_slice %arg2[%add3A_50, %dma_wait3A_303, %dma_wait3A_304] : memref<4x10000x128xf32, #tpu.memory_space<hbm>> -> memref<1x10000x128xf32, #tpu.memory_space<hbm>>
      %dma_wait3A_306 = tpu.memref_squeeze %dma_wait3A_305 : memref<1x10000x128xf32, #tpu.memory_space<hbm>> -> memref<10000x128xf32, #tpu.memory_space<hbm>>
      %dma_wait3A_307 = arith.constant 0 : i32
      %dma_wait3A_308 = arith.constant 0 : i32
      %dma_wait3A_309 = tpu.memref_slice %dma_wait3A_306[%dma_wait3A_307, %dma_wait3A_308] : memref<10000x128xf32, #tpu.memory_space<hbm>> -> memref<10000x128xf32, #tpu.memory_space<hbm>>
      tpu.wait_indirect_dma semaphore(%arg19 : memref<!tpu.dma_semaphore, #tpu.memory_space<semaphore_mem>>) src(%dma_wait3A_309 : memref<10000x128xf32, #tpu.memory_space<hbm>>) dst(%arg12 : memref<125x128xf32, #tpu.memory_space<vmem>>)
      %dma_start3A_310 = arith.constant 5 : i32
      %dma_start3A_311 = arith.constant 0 : i32
      %dma_start3A_312 = tpu.memref_slice %arg7[%dma_start3A_310, %dma_start3A_311] : memref<16x125xi32, #tpu.memory_space<vmem>> -> memref<1x125xi32, #tpu.memory_space<vmem>>
      %dma_start3A_313 = tpu.memref_squeeze %dma_start3A_312 : memref<1x125xi32, #tpu.memory_space<vmem>> -> memref<125xi32, #tpu.memory_space<vmem>>
      %dma_start3A_314 = arith.constant 0 : i32
      %dma_start3A_315 = arith.constant 0 : i32
      %dma_start3A_316 = tpu.memref_slice %arg2[%add3A_50, %dma_start3A_314, %dma_start3A_315] : memref<4x10000x128xf32, #tpu.memory_space<hbm>> -> memref<1x10000x128xf32, #tpu.memory_space<hbm>>
      %dma_start3A_317 = tpu.memref_squeeze %dma_start3A_316 : memref<1x10000x128xf32, #tpu.memory_space<hbm>> -> memref<10000x128xf32, #tpu.memory_space<hbm>>
      %dma_start3A_318 = arith.constant 0 : i32
      %dma_start3A_319 = arith.constant 0 : i32
      %dma_start3A_320 = tpu.memref_slice %dma_start3A_317[%dma_start3A_318, %dma_start3A_319] : memref<10000x128xf32, #tpu.memory_space<hbm>> -> memref<10000x128xf32, #tpu.memory_space<hbm>>
      tpu.enqueue_indirect_dma source(%dma_start3A_320 : memref<10000x128xf32, #tpu.memory_space<hbm>>) target(%arg12 : memref<125x128xf32, #tpu.memory_space<vmem>>) offsets(%dma_start3A_313 : memref<125xi32, #tpu.memory_space<vmem>>) semaphore(%arg15 : memref<!tpu.dma_semaphore, #tpu.memory_space<semaphore_mem>>)
      %dma_start3A_321 = arith.constant 4 : i32
      %dma_start3A_322 = arith.constant 0 : i32
      %dma_start3A_323 = tpu.memref_slice %arg8[%dma_start3A_321, %dma_start3A_322] : memref<16x125xi32, #tpu.memory_space<vmem>> -> memref<1x125xi32, #tpu.memory_space<vmem>>
      %dma_start3A_324 = tpu.memref_squeeze %dma_start3A_323 : memref<1x125xi32, #tpu.memory_space<vmem>> -> memref<125xi32, #tpu.memory_space<vmem>>
      %dma_start3A_325 = arith.constant 0 : i32
      %dma_start3A_326 = arith.constant 0 : i32
      %dma_start3A_327 = tpu.memref_slice %arg13[%dma_start3A_325, %dma_start3A_326] : memref<10000x128xf32, #tpu.memory_space<vmem_shared>> -> memref<10000x128xf32, #tpu.memory_space<vmem_shared>>
      tpu.enqueue_indirect_dma source(%arg11 : memref<125x128xf32, #tpu.memory_space<vmem>>) target(%dma_start3A_327 : memref<10000x128xf32, #tpu.memory_space<vmem_shared>>) offsets(%dma_start3A_324 : memref<125xi32, #tpu.memory_space<vmem>>) semaphore(%arg18 : memref<!tpu.dma_semaphore, #tpu.memory_space<semaphore_mem>>) {add = true}
      %dma_wait3A_328 = arith.constant 0 : i32
      %dma_wait3A_329 = arith.constant 0 : i32
      %dma_wait3A_330 = tpu.memref_slice %arg7[%dma_wait3A_328, %dma_wait3A_329] : memref<16x125xi32, #tpu.memory_space<vmem>> -> memref<1x125xi32, #tpu.memory_space<vmem>>
      %dma_wait3A_331 = tpu.memref_squeeze %dma_wait3A_330 : memref<1x125xi32, #tpu.memory_space<vmem>> -> memref<125xi32, #tpu.memory_space<vmem>>
      %dma_wait3A_332 = arith.constant 0 : i32
      %dma_wait3A_333 = arith.constant 0 : i32
      %dma_wait3A_334 = tpu.memref_slice %arg2[%add3A_50, %dma_wait3A_332, %dma_wait3A_333] : memref<4x10000x128xf32, #tpu.memory_space<hbm>> -> memref<1x10000x128xf32, #tpu.memory_space<hbm>>
      %dma_wait3A_335 = tpu.memref_squeeze %dma_wait3A_334 : memref<1x10000x128xf32, #tpu.memory_space<hbm>> -> memref<10000x128xf32, #tpu.memory_space<hbm>>
      %dma_wait3A_336 = arith.constant 0 : i32
      %dma_wait3A_337 = arith.constant 0 : i32
      %dma_wait3A_338 = tpu.memref_slice %dma_wait3A_335[%dma_wait3A_336, %dma_wait3A_337] : memref<10000x128xf32, #tpu.memory_space<hbm>> -> memref<10000x128xf32, #tpu.memory_space<hbm>>
      tpu.wait_indirect_dma semaphore(%arg15 : memref<!tpu.dma_semaphore, #tpu.memory_space<semaphore_mem>>) src(%dma_wait3A_338 : memref<10000x128xf32, #tpu.memory_space<hbm>>) dst(%arg12 : memref<125x128xf32, #tpu.memory_space<vmem>>)
      %dma_wait3A_339 = arith.constant 0 : i32
      %dma_wait3A_340 = arith.constant 0 : i32
      %dma_wait3A_341 = tpu.memref_slice %arg7[%dma_wait3A_339, %dma_wait3A_340] : memref<16x125xi32, #tpu.memory_space<vmem>> -> memref<1x125xi32, #tpu.memory_space<vmem>>
      %dma_wait3A_342 = tpu.memref_squeeze %dma_wait3A_341 : memref<1x125xi32, #tpu.memory_space<vmem>> -> memref<125xi32, #tpu.memory_space<vmem>>
      %dma_wait3A_343 = arith.constant 0 : i32
      %dma_wait3A_344 = arith.constant 0 : i32
      %dma_wait3A_345 = tpu.memref_slice %arg2[%add3A_50, %dma_wait3A_343, %dma_wait3A_344] : memref<4x10000x128xf32, #tpu.memory_space<hbm>> -> memref<1x10000x128xf32, #tpu.memory_space<hbm>>
      %dma_wait3A_346 = tpu.memref_squeeze %dma_wait3A_345 : memref<1x10000x128xf32, #tpu.memory_space<hbm>> -> memref<10000x128xf32, #tpu.memory_space<hbm>>
      %dma_wait3A_347 = arith.constant 0 : i32
      %dma_wait3A_348 = arith.constant 0 : i32
      %dma_wait3A_349 = tpu.memref_slice %dma_wait3A_346[%dma_wait3A_347, %dma_wait3A_348] : memref<10000x128xf32, #tpu.memory_space<hbm>> -> memref<10000x128xf32, #tpu.memory_space<hbm>>
      tpu.wait_indirect_dma semaphore(%arg18 : memref<!tpu.dma_semaphore, #tpu.memory_space<semaphore_mem>>) src(%dma_wait3A_349 : memref<10000x128xf32, #tpu.memory_space<hbm>>) dst(%arg11 : memref<125x128xf32, #tpu.memory_space<vmem>>)
      %dma_start3A_350 = arith.constant 6 : i32
      %dma_start3A_351 = arith.constant 0 : i32
      %dma_start3A_352 = tpu.memref_slice %arg7[%dma_start3A_350, %dma_start3A_351] : memref<16x125xi32, #tpu.memory_space<vmem>> -> memref<1x125xi32, #tpu.memory_space<vmem>>
      %dma_start3A_353 = tpu.memref_squeeze %dma_start3A_352 : memref<1x125xi32, #tpu.memory_space<vmem>> -> memref<125xi32, #tpu.memory_space<vmem>>
      %dma_start3A_354 = arith.constant 0 : i32
      %dma_start3A_355 = arith.constant 0 : i32
      %dma_start3A_356 = tpu.memref_slice %arg2[%add3A_50, %dma_start3A_354, %dma_start3A_355] : memref<4x10000x128xf32, #tpu.memory_space<hbm>> -> memref<1x10000x128xf32, #tpu.memory_space<hbm>>
      %dma_start3A_357 = tpu.memref_squeeze %dma_start3A_356 : memref<1x10000x128xf32, #tpu.memory_space<hbm>> -> memref<10000x128xf32, #tpu.memory_space<hbm>>
      %dma_start3A_358 = arith.constant 0 : i32
      %dma_start3A_359 = arith.constant 0 : i32
      %dma_start3A_360 = tpu.memref_slice %dma_start3A_357[%dma_start3A_358, %dma_start3A_359] : memref<10000x128xf32, #tpu.memory_space<hbm>> -> memref<10000x128xf32, #tpu.memory_space<hbm>>
      tpu.enqueue_indirect_dma source(%dma_start3A_360 : memref<10000x128xf32, #tpu.memory_space<hbm>>) target(%arg11 : memref<125x128xf32, #tpu.memory_space<vmem>>) offsets(%dma_start3A_353 : memref<125xi32, #tpu.memory_space<vmem>>) semaphore(%arg14 : memref<!tpu.dma_semaphore, #tpu.memory_space<semaphore_mem>>)
      %dma_start3A_361 = arith.constant 5 : i32
      %dma_start3A_362 = arith.constant 0 : i32
      %dma_start3A_363 = tpu.memref_slice %arg8[%dma_start3A_361, %dma_start3A_362] : memref<16x125xi32, #tpu.memory_space<vmem>> -> memref<1x125xi32, #tpu.memory_space<vmem>>
      %dma_start3A_364 = tpu.memref_squeeze %dma_start3A_363 : memref<1x125xi32, #tpu.memory_space<vmem>> -> memref<125xi32, #tpu.memory_space<vmem>>
      %dma_start3A_365 = arith.constant 0 : i32
      %dma_start3A_366 = arith.constant 0 : i32
      %dma_start3A_367 = tpu.memref_slice %arg13[%dma_start3A_365, %dma_start3A_366] : memref<10000x128xf32, #tpu.memory_space<vmem_shared>> -> memref<10000x128xf32, #tpu.memory_space<vmem_shared>>
      tpu.enqueue_indirect_dma source(%arg12 : memref<125x128xf32, #tpu.memory_space<vmem>>) target(%dma_start3A_367 : memref<10000x128xf32, #tpu.memory_space<vmem_shared>>) offsets(%dma_start3A_364 : memref<125xi32, #tpu.memory_space<vmem>>) semaphore(%arg19 : memref<!tpu.dma_semaphore, #tpu.memory_space<semaphore_mem>>) {add = true}
      %dma_wait3A_368 = arith.constant 0 : i32
      %dma_wait3A_369 = arith.constant 0 : i32
      %dma_wait3A_370 = tpu.memref_slice %arg7[%dma_wait3A_368, %dma_wait3A_369] : memref<16x125xi32, #tpu.memory_space<vmem>> -> memref<1x125xi32, #tpu.memory_space<vmem>>
      %dma_wait3A_371 = tpu.memref_squeeze %dma_wait3A_370 : memref<1x125xi32, #tpu.memory_space<vmem>> -> memref<125xi32, #tpu.memory_space<vmem>>
      %dma_wait3A_372 = arith.constant 0 : i32
      %dma_wait3A_373 = arith.constant 0 : i32
      %dma_wait3A_374 = tpu.memref_slice %arg2[%add3A_50, %dma_wait3A_372, %dma_wait3A_373] : memref<4x10000x128xf32, #tpu.memory_space<hbm>> -> memref<1x10000x128xf32, #tpu.memory_space<hbm>>
      %dma_wait3A_375 = tpu.memref_squeeze %dma_wait3A_374 : memref<1x10000x128xf32, #tpu.memory_space<hbm>> -> memref<10000x128xf32, #tpu.memory_space<hbm>>
      %dma_wait3A_376 = arith.constant 0 : i32
      %dma_wait3A_377 = arith.constant 0 : i32
      %dma_wait3A_378 = tpu.memref_slice %dma_wait3A_375[%dma_wait3A_376, %dma_wait3A_377] : memref<10000x128xf32, #tpu.memory_space<hbm>> -> memref<10000x128xf32, #tpu.memory_space<hbm>>
      tpu.wait_indirect_dma semaphore(%arg14 : memref<!tpu.dma_semaphore, #tpu.memory_space<semaphore_mem>>) src(%dma_wait3A_378 : memref<10000x128xf32, #tpu.memory_space<hbm>>) dst(%arg11 : memref<125x128xf32, #tpu.memory_space<vmem>>)
      %dma_wait3A_379 = arith.constant 0 : i32
      %dma_wait3A_380 = arith.constant 0 : i32
      %dma_wait3A_381 = tpu.memref_slice %arg7[%dma_wait3A_379, %dma_wait3A_380] : memref<16x125xi32, #tpu.memory_space<vmem>> -> memref<1x125xi32, #tpu.memory_space<vmem>>
      %dma_wait3A_382 = tpu.memref_squeeze %dma_wait3A_381 : memref<1x125xi32, #tpu.memory_space<vmem>> -> memref<125xi32, #tpu.memory_space<vmem>>
      %dma_wait3A_383 = arith.constant 0 : i32
      %dma_wait3A_384 = arith.constant 0 : i32
      %dma_wait3A_385 = tpu.memref_slice %arg2[%add3A_50, %dma_wait3A_383, %dma_wait3A_384] : memref<4x10000x128xf32, #tpu.memory_space<hbm>> -> memref<1x10000x128xf32, #tpu.memory_space<hbm>>
      %dma_wait3A_386 = tpu.memref_squeeze %dma_wait3A_385 : memref<1x10000x128xf32, #tpu.memory_space<hbm>> -> memref<10000x128xf32, #tpu.memory_space<hbm>>
      %dma_wait3A_387 = arith.constant 0 : i32
      %dma_wait3A_388 = arith.constant 0 : i32
      %dma_wait3A_389 = tpu.memref_slice %dma_wait3A_386[%dma_wait3A_387, %dma_wait3A_388] : memref<10000x128xf32, #tpu.memory_space<hbm>> -> memref<10000x128xf32, #tpu.memory_space<hbm>>
      tpu.wait_indirect_dma semaphore(%arg19 : memref<!tpu.dma_semaphore, #tpu.memory_space<semaphore_mem>>) src(%dma_wait3A_389 : memref<10000x128xf32, #tpu.memory_space<hbm>>) dst(%arg12 : memref<125x128xf32, #tpu.memory_space<vmem>>)
      %dma_start3A_390 = arith.constant 7 : i32
      %dma_start3A_391 = arith.constant 0 : i32
      %dma_start3A_392 = tpu.memref_slice %arg7[%dma_start3A_390, %dma_start3A_391] : memref<16x125xi32, #tpu.memory_space<vmem>> -> memref<1x125xi32, #tpu.memory_space<vmem>>
      %dma_start3A_393 = tpu.memref_squeeze %dma_start3A_392 : memref<1x125xi32, #tpu.memory_space<vmem>> -> memref<125xi32, #tpu.memory_space<vmem>>
      %dma_start3A_394 = arith.constant 0 : i32
      %dma_start3A_395 = arith.constant 0 : i32
      %dma_start3A_396 = tpu.memref_slice %arg2[%add3A_50, %dma_start3A_394, %dma_start3A_395] : memref<4x10000x128xf32, #tpu.memory_space<hbm>> -> memref<1x10000x128xf32, #tpu.memory_space<hbm>>
      %dma_start3A_397 = tpu.memref_squeeze %dma_start3A_396 : memref<1x10000x128xf32, #tpu.memory_space<hbm>> -> memref<10000x128xf32, #tpu.memory_space<hbm>>
      %dma_start3A_398 = arith.constant 0 : i32
      %dma_start3A_399 = arith.constant 0 : i32
      %dma_start3A_400 = tpu.memref_slice %dma_start3A_397[%dma_start3A_398, %dma_start3A_399] : memref<10000x128xf32, #tpu.memory_space<hbm>> -> memref<10000x128xf32, #tpu.memory_space<hbm>>
      tpu.enqueue_indirect_dma source(%dma_start3A_400 : memref<10000x128xf32, #tpu.memory_space<hbm>>) target(%arg12 : memref<125x128xf32, #tpu.memory_space<vmem>>) offsets(%dma_start3A_393 : memref<125xi32, #tpu.memory_space<vmem>>) semaphore(%arg15 : memref<!tpu.dma_semaphore, #tpu.memory_space<semaphore_mem>>)
      %dma_start3A_401 = arith.constant 6 : i32
      %dma_start3A_402 = arith.constant 0 : i32
      %dma_start3A_403 = tpu.memref_slice %arg8[%dma_start3A_401, %dma_start3A_402] : memref<16x125xi32, #tpu.memory_space<vmem>> -> memref<1x125xi32, #tpu.memory_space<vmem>>
      %dma_start3A_404 = tpu.memref_squeeze %dma_start3A_403 : memref<1x125xi32, #tpu.memory_space<vmem>> -> memref<125xi32, #tpu.memory_space<vmem>>
      %dma_start3A_405 = arith.constant 0 : i32
      %dma_start3A_406 = arith.constant 0 : i32
      %dma_start3A_407 = tpu.memref_slice %arg13[%dma_start3A_405, %dma_start3A_406] : memref<10000x128xf32, #tpu.memory_space<vmem_shared>> -> memref<10000x128xf32, #tpu.memory_space<vmem_shared>>
      tpu.enqueue_indirect_dma source(%arg11 : memref<125x128xf32, #tpu.memory_space<vmem>>) target(%dma_start3A_407 : memref<10000x128xf32, #tpu.memory_space<vmem_shared>>) offsets(%dma_start3A_404 : memref<125xi32, #tpu.memory_space<vmem>>) semaphore(%arg18 : memref<!tpu.dma_semaphore, #tpu.memory_space<semaphore_mem>>) {add = true}
      %dma_wait3A_408 = arith.constant 0 : i32
      %dma_wait3A_409 = arith.constant 0 : i32
      %dma_wait3A_410 = tpu.memref_slice %arg7[%dma_wait3A_408, %dma_wait3A_409] : memref<16x125xi32, #tpu.memory_space<vmem>> -> memref<1x125xi32, #tpu.memory_space<vmem>>
      %dma_wait3A_411 = tpu.memref_squeeze %dma_wait3A_410 : memref<1x125xi32, #tpu.memory_space<vmem>> -> memref<125xi32, #tpu.memory_space<vmem>>
      %dma_wait3A_412 = arith.constant 0 : i32
      %dma_wait3A_413 = arith.constant 0 : i32
      %dma_wait3A_414 = tpu.memref_slice %arg2[%add3A_50, %dma_wait3A_412, %dma_wait3A_413] : memref<4x10000x128xf32, #tpu.memory_space<hbm>> -> memref<1x10000x128xf32, #tpu.memory_space<hbm>>
      %dma_wait3A_415 = tpu.memref_squeeze %dma_wait3A_414 : memref<1x10000x128xf32, #tpu.memory_space<hbm>> -> memref<10000x128xf32, #tpu.memory_space<hbm>>
      %dma_wait3A_416 = arith.constant 0 : i32
      %dma_wait3A_417 = arith.constant 0 : i32
      %dma_wait3A_418 = tpu.memref_slice %dma_wait3A_415[%dma_wait3A_416, %dma_wait3A_417] : memref<10000x128xf32, #tpu.memory_space<hbm>> -> memref<10000x128xf32, #tpu.memory_space<hbm>>
      tpu.wait_indirect_dma semaphore(%arg15 : memref<!tpu.dma_semaphore, #tpu.memory_space<semaphore_mem>>) src(%dma_wait3A_418 : memref<10000x128xf32, #tpu.memory_space<hbm>>) dst(%arg12 : memref<125x128xf32, #tpu.memory_space<vmem>>)
      %dma_wait3A_419 = arith.constant 0 : i32
      %dma_wait3A_420 = arith.constant 0 : i32
      %dma_wait3A_421 = tpu.memref_slice %arg7[%dma_wait3A_419, %dma_wait3A_420] : memref<16x125xi32, #tpu.memory_space<vmem>> -> memref<1x125xi32, #tpu.memory_space<vmem>>
      %dma_wait3A_422 = tpu.memref_squeeze %dma_wait3A_421 : memref<1x125xi32, #tpu.memory_space<vmem>> -> memref<125xi32, #tpu.memory_space<vmem>>
      %dma_wait3A_423 = arith.constant 0 : i32
      %dma_wait3A_424 = arith.constant 0 : i32
      %dma_wait3A_425 = tpu.memref_slice %arg2[%add3A_50, %dma_wait3A_423, %dma_wait3A_424] : memref<4x10000x128xf32, #tpu.memory_space<hbm>> -> memref<1x10000x128xf32, #tpu.memory_space<hbm>>
      %dma_wait3A_426 = tpu.memref_squeeze %dma_wait3A_425 : memref<1x10000x128xf32, #tpu.memory_space<hbm>> -> memref<10000x128xf32, #tpu.memory_space<hbm>>
      %dma_wait3A_427 = arith.constant 0 : i32
      %dma_wait3A_428 = arith.constant 0 : i32
      %dma_wait3A_429 = tpu.memref_slice %dma_wait3A_426[%dma_wait3A_427, %dma_wait3A_428] : memref<10000x128xf32, #tpu.memory_space<hbm>> -> memref<10000x128xf32, #tpu.memory_space<hbm>>
      tpu.wait_indirect_dma semaphore(%arg18 : memref<!tpu.dma_semaphore, #tpu.memory_space<semaphore_mem>>) src(%dma_wait3A_429 : memref<10000x128xf32, #tpu.memory_space<hbm>>) dst(%arg11 : memref<125x128xf32, #tpu.memory_space<vmem>>)
      %dma_start3A_430 = arith.constant 8 : i32
      %dma_start3A_431 = arith.constant 0 : i32
      %dma_start3A_432 = tpu.memref_slice %arg7[%dma_start3A_430, %dma_start3A_431] : memref<16x125xi32, #tpu.memory_space<vmem>> -> memref<1x125xi32, #tpu.memory_space<vmem>>
      %dma_start3A_433 = tpu.memref_squeeze %dma_start3A_432 : memref<1x125xi32, #tpu.memory_space<vmem>> -> memref<125xi32, #tpu.memory_space<vmem>>
      %dma_start3A_434 = arith.constant 0 : i32
      %dma_start3A_435 = arith.constant 0 : i32
      %dma_start3A_436 = tpu.memref_slice %arg2[%add3A_50, %dma_start3A_434, %dma_start3A_435] : memref<4x10000x128xf32, #tpu.memory_space<hbm>> -> memref<1x10000x128xf32, #tpu.memory_space<hbm>>
      %dma_start3A_437 = tpu.memref_squeeze %dma_start3A_436 : memref<1x10000x128xf32, #tpu.memory_space<hbm>> -> memref<10000x128xf32, #tpu.memory_space<hbm>>
      %dma_start3A_438 = arith.constant 0 : i32
      %dma_start3A_439 = arith.constant 0 : i32
      %dma_start3A_440 = tpu.memref_slice %dma_start3A_437[%dma_start3A_438, %dma_start3A_439] : memref<10000x128xf32, #tpu.memory_space<hbm>> -> memref<10000x128xf32, #tpu.memory_space<hbm>>
      tpu.enqueue_indirect_dma source(%dma_start3A_440 : memref<10000x128xf32, #tpu.memory_space<hbm>>) target(%arg11 : memref<125x128xf32, #tpu.memory_space<vmem>>) offsets(%dma_start3A_433 : memref<125xi32, #tpu.memory_space<vmem>>) semaphore(%arg14 : memref<!tpu.dma_semaphore, #tpu.memory_space<semaphore_mem>>)
      %dma_start3A_441 = arith.constant 7 : i32
      %dma_start3A_442 = arith.constant 0 : i32
      %dma_start3A_443 = tpu.memref_slice %arg8[%dma_start3A_441, %dma_start3A_442] : memref<16x125xi32, #tpu.memory_space<vmem>> -> memref<1x125xi32, #tpu.memory_space<vmem>>
      %dma_start3A_444 = tpu.memref_squeeze %dma_start3A_443 : memref<1x125xi32, #tpu.memory_space<vmem>> -> memref<125xi32, #tpu.memory_space<vmem>>
      %dma_start3A_445 = arith.constant 0 : i32
      %dma_start3A_446 = arith.constant 0 : i32
      %dma_start3A_447 = tpu.memref_slice %arg13[%dma_start3A_445, %dma_start3A_446] : memref<10000x128xf32, #tpu.memory_space<vmem_shared>> -> memref<10000x128xf32, #tpu.memory_space<vmem_shared>>
      tpu.enqueue_indirect_dma source(%arg12 : memref<125x128xf32, #tpu.memory_space<vmem>>) target(%dma_start3A_447 : memref<10000x128xf32, #tpu.memory_space<vmem_shared>>) offsets(%dma_start3A_444 : memref<125xi32, #tpu.memory_space<vmem>>) semaphore(%arg19 : memref<!tpu.dma_semaphore, #tpu.memory_space<semaphore_mem>>) {add = true}
      %dma_wait3A_448 = arith.constant 0 : i32
      %dma_wait3A_449 = arith.constant 0 : i32
      %dma_wait3A_450 = tpu.memref_slice %arg7[%dma_wait3A_448, %dma_wait3A_449] : memref<16x125xi32, #tpu.memory_space<vmem>> -> memref<1x125xi32, #tpu.memory_space<vmem>>
      %dma_wait3A_451 = tpu.memref_squeeze %dma_wait3A_450 : memref<1x125xi32, #tpu.memory_space<vmem>> -> memref<125xi32, #tpu.memory_space<vmem>>
      %dma_wait3A_452 = arith.constant 0 : i32
      %dma_wait3A_453 = arith.constant 0 : i32
      %dma_wait3A_454 = tpu.memref_slice %arg2[%add3A_50, %dma_wait3A_452, %dma_wait3A_453] : memref<4x10000x128xf32, #tpu.memory_space<hbm>> -> memref<1x10000x128xf32, #tpu.memory_space<hbm>>
      %dma_wait3A_455 = tpu.memref_squeeze %dma_wait3A_454 : memref<1x10000x128xf32, #tpu.memory_space<hbm>> -> memref<10000x128xf32, #tpu.memory_space<hbm>>
      %dma_wait3A_456 = arith.constant 0 : i32
      %dma_wait3A_457 = arith.constant 0 : i32
      %dma_wait3A_458 = tpu.memref_slice %dma_wait3A_455[%dma_wait3A_456, %dma_wait3A_457] : memref<10000x128xf32, #tpu.memory_space<hbm>> -> memref<10000x128xf32, #tpu.memory_space<hbm>>
      tpu.wait_indirect_dma semaphore(%arg14 : memref<!tpu.dma_semaphore, #tpu.memory_space<semaphore_mem>>) src(%dma_wait3A_458 : memref<10000x128xf32, #tpu.memory_space<hbm>>) dst(%arg11 : memref<125x128xf32, #tpu.memory_space<vmem>>)
      %dma_wait3A_459 = arith.constant 0 : i32
      %dma_wait3A_460 = arith.constant 0 : i32
      %dma_wait3A_461 = tpu.memref_slice %arg7[%dma_wait3A_459, %dma_wait3A_460] : memref<16x125xi32, #tpu.memory_space<vmem>> -> memref<1x125xi32, #tpu.memory_space<vmem>>
      %dma_wait3A_462 = tpu.memref_squeeze %dma_wait3A_461 : memref<1x125xi32, #tpu.memory_space<vmem>> -> memref<125xi32, #tpu.memory_space<vmem>>
      %dma_wait3A_463 = arith.constant 0 : i32
      %dma_wait3A_464 = arith.constant 0 : i32
      %dma_wait3A_465 = tpu.memref_slice %arg2[%add3A_50, %dma_wait3A_463, %dma_wait3A_464] : memref<4x10000x128xf32, #tpu.memory_space<hbm>> -> memref<1x10000x128xf32, #tpu.memory_space<hbm>>
      %dma_wait3A_466 = tpu.memref_squeeze %dma_wait3A_465 : memref<1x10000x128xf32, #tpu.memory_space<hbm>> -> memref<10000x128xf32, #tpu.memory_space<hbm>>
      %dma_wait3A_467 = arith.constant 0 : i32
      %dma_wait3A_468 = arith.constant 0 : i32
      %dma_wait3A_469 = tpu.memref_slice %dma_wait3A_466[%dma_wait3A_467, %dma_wait3A_468] : memref<10000x128xf32, #tpu.memory_space<hbm>> -> memref<10000x128xf32, #tpu.memory_space<hbm>>
      tpu.wait_indirect_dma semaphore(%arg19 : memref<!tpu.dma_semaphore, #tpu.memory_space<semaphore_mem>>) src(%dma_wait3A_469 : memref<10000x128xf32, #tpu.memory_space<hbm>>) dst(%arg12 : memref<125x128xf32, #tpu.memory_space<vmem>>)
      %dma_start3A_470 = arith.constant 9 : i32
      %dma_start3A_471 = arith.constant 0 : i32
      %dma_start3A_472 = tpu.memref_slice %arg7[%dma_start3A_470, %dma_start3A_471] : memref<16x125xi32, #tpu.memory_space<vmem>> -> memref<1x125xi32, #tpu.memory_space<vmem>>
      %dma_start3A_473 = tpu.memref_squeeze %dma_start3A_472 : memref<1x125xi32, #tpu.memory_space<vmem>> -> memref<125xi32, #tpu.memory_space<vmem>>
      %dma_start3A_474 = arith.constant 0 : i32
      %dma_start3A_475 = arith.constant 0 : i32
      %dma_start3A_476 = tpu.memref_slice %arg2[%add3A_50, %dma_start3A_474, %dma_start3A_475] : memref<4x10000x128xf32, #tpu.memory_space<hbm>> -> memref<1x10000x128xf32, #tpu.memory_space<hbm>>
      %dma_start3A_477 = tpu.memref_squeeze %dma_start3A_476 : memref<1x10000x128xf32, #tpu.memory_space<hbm>> -> memref<10000x128xf32, #tpu.memory_space<hbm>>
      %dma_start3A_478 = arith.constant 0 : i32
      %dma_start3A_479 = arith.constant 0 : i32
      %dma_start3A_480 = tpu.memref_slice %dma_start3A_477[%dma_start3A_478, %dma_start3A_479] : memref<10000x128xf32, #tpu.memory_space<hbm>> -> memref<10000x128xf32, #tpu.memory_space<hbm>>
      tpu.enqueue_indirect_dma source(%dma_start3A_480 : memref<10000x128xf32, #tpu.memory_space<hbm>>) target(%arg12 : memref<125x128xf32, #tpu.memory_space<vmem>>) offsets(%dma_start3A_473 : memref<125xi32, #tpu.memory_space<vmem>>) semaphore(%arg15 : memref<!tpu.dma_semaphore, #tpu.memory_space<semaphore_mem>>)
      %dma_start3A_481 = arith.constant 8 : i32
      %dma_start3A_482 = arith.constant 0 : i32
      %dma_start3A_483 = tpu.memref_slice %arg8[%dma_start3A_481, %dma_start3A_482] : memref<16x125xi32, #tpu.memory_space<vmem>> -> memref<1x125xi32, #tpu.memory_space<vmem>>
      %dma_start3A_484 = tpu.memref_squeeze %dma_start3A_483 : memref<1x125xi32, #tpu.memory_space<vmem>> -> memref<125xi32, #tpu.memory_space<vmem>>
      %dma_start3A_485 = arith.constant 0 : i32
      %dma_start3A_486 = arith.constant 0 : i32
      %dma_start3A_487 = tpu.memref_slice %arg13[%dma_start3A_485, %dma_start3A_486] : memref<10000x128xf32, #tpu.memory_space<vmem_shared>> -> memref<10000x128xf32, #tpu.memory_space<vmem_shared>>
      tpu.enqueue_indirect_dma source(%arg11 : memref<125x128xf32, #tpu.memory_space<vmem>>) target(%dma_start3A_487 : memref<10000x128xf32, #tpu.memory_space<vmem_shared>>) offsets(%dma_start3A_484 : memref<125xi32, #tpu.memory_space<vmem>>) semaphore(%arg18 : memref<!tpu.dma_semaphore, #tpu.memory_space<semaphore_mem>>) {add = true}
      %dma_wait3A_488 = arith.constant 0 : i32
      %dma_wait3A_489 = arith.constant 0 : i32
      %dma_wait3A_490 = tpu.memref_slice %arg7[%dma_wait3A_488, %dma_wait3A_489] : memref<16x125xi32, #tpu.memory_space<vmem>> -> memref<1x125xi32, #tpu.memory_space<vmem>>
      %dma_wait3A_491 = tpu.memref_squeeze %dma_wait3A_490 : memref<1x125xi32, #tpu.memory_space<vmem>> -> memref<125xi32, #tpu.memory_space<vmem>>
      %dma_wait3A_492 = arith.constant 0 : i32
      %dma_wait3A_493 = arith.constant 0 : i32
      %dma_wait3A_494 = tpu.memref_slice %arg2[%add3A_50, %dma_wait3A_492, %dma_wait3A_493] : memref<4x10000x128xf32, #tpu.memory_space<hbm>> -> memref<1x10000x128xf32, #tpu.memory_space<hbm>>
      %dma_wait3A_495 = tpu.memref_squeeze %dma_wait3A_494 : memref<1x10000x128xf32, #tpu.memory_space<hbm>> -> memref<10000x128xf32, #tpu.memory_space<hbm>>
      %dma_wait3A_496 = arith.constant 0 : i32
      %dma_wait3A_497 = arith.constant 0 : i32
      %dma_wait3A_498 = tpu.memref_slice %dma_wait3A_495[%dma_wait3A_496, %dma_wait3A_497] : memref<10000x128xf32, #tpu.memory_space<hbm>> -> memref<10000x128xf32, #tpu.memory_space<hbm>>
      tpu.wait_indirect_dma semaphore(%arg15 : memref<!tpu.dma_semaphore, #tpu.memory_space<semaphore_mem>>) src(%dma_wait3A_498 : memref<10000x128xf32, #tpu.memory_space<hbm>>) dst(%arg12 : memref<125x128xf32, #tpu.memory_space<vmem>>)
      %dma_wait3A_499 = arith.constant 0 : i32
      %dma_wait3A_500 = arith.constant 0 : i32
      %dma_wait3A_501 = tpu.memref_slice %arg7[%dma_wait3A_499, %dma_wait3A_500] : memref<16x125xi32, #tpu.memory_space<vmem>> -> memref<1x125xi32, #tpu.memory_space<vmem>>
      %dma_wait3A_502 = tpu.memref_squeeze %dma_wait3A_501 : memref<1x125xi32, #tpu.memory_space<vmem>> -> memref<125xi32, #tpu.memory_space<vmem>>
      %dma_wait3A_503 = arith.constant 0 : i32
      %dma_wait3A_504 = arith.constant 0 : i32
      %dma_wait3A_505 = tpu.memref_slice %arg2[%add3A_50, %dma_wait3A_503, %dma_wait3A_504] : memref<4x10000x128xf32, #tpu.memory_space<hbm>> -> memref<1x10000x128xf32, #tpu.memory_space<hbm>>
      %dma_wait3A_506 = tpu.memref_squeeze %dma_wait3A_505 : memref<1x10000x128xf32, #tpu.memory_space<hbm>> -> memref<10000x128xf32, #tpu.memory_space<hbm>>
      %dma_wait3A_507 = arith.constant 0 : i32
      %dma_wait3A_508 = arith.constant 0 : i32
      %dma_wait3A_509 = tpu.memref_slice %dma_wait3A_506[%dma_wait3A_507, %dma_wait3A_508] : memref<10000x128xf32, #tpu.memory_space<hbm>> -> memref<10000x128xf32, #tpu.memory_space<hbm>>
      tpu.wait_indirect_dma semaphore(%arg18 : memref<!tpu.dma_semaphore, #tpu.memory_space<semaphore_mem>>) src(%dma_wait3A_509 : memref<10000x128xf32, #tpu.memory_space<hbm>>) dst(%arg11 : memref<125x128xf32, #tpu.memory_space<vmem>>)
      %dma_start3A_510 = arith.constant 10 : i32
      %dma_start3A_511 = arith.constant 0 : i32
      %dma_start3A_512 = tpu.memref_slice %arg7[%dma_start3A_510, %dma_start3A_511] : memref<16x125xi32, #tpu.memory_space<vmem>> -> memref<1x125xi32, #tpu.memory_space<vmem>>
      %dma_start3A_513 = tpu.memref_squeeze %dma_start3A_512 : memref<1x125xi32, #tpu.memory_space<vmem>> -> memref<125xi32, #tpu.memory_space<vmem>>
      %dma_start3A_514 = arith.constant 0 : i32
      %dma_start3A_515 = arith.constant 0 : i32
      %dma_start3A_516 = tpu.memref_slice %arg2[%add3A_50, %dma_start3A_514, %dma_start3A_515] : memref<4x10000x128xf32, #tpu.memory_space<hbm>> -> memref<1x10000x128xf32, #tpu.memory_space<hbm>>
      %dma_start3A_517 = tpu.memref_squeeze %dma_start3A_516 : memref<1x10000x128xf32, #tpu.memory_space<hbm>> -> memref<10000x128xf32, #tpu.memory_space<hbm>>
      %dma_start3A_518 = arith.constant 0 : i32
      %dma_start3A_519 = arith.constant 0 : i32
      %dma_start3A_520 = tpu.memref_slice %dma_start3A_517[%dma_start3A_518, %dma_start3A_519] : memref<10000x128xf32, #tpu.memory_space<hbm>> -> memref<10000x128xf32, #tpu.memory_space<hbm>>
      tpu.enqueue_indirect_dma source(%dma_start3A_520 : memref<10000x128xf32, #tpu.memory_space<hbm>>) target(%arg11 : memref<125x128xf32, #tpu.memory_space<vmem>>) offsets(%dma_start3A_513 : memref<125xi32, #tpu.memory_space<vmem>>) semaphore(%arg14 : memref<!tpu.dma_semaphore, #tpu.memory_space<semaphore_mem>>)
      %dma_start3A_521 = arith.constant 9 : i32
      %dma_start3A_522 = arith.constant 0 : i32
      %dma_start3A_523 = tpu.memref_slice %arg8[%dma_start3A_521, %dma_start3A_522] : memref<16x125xi32, #tpu.memory_space<vmem>> -> memref<1x125xi32, #tpu.memory_space<vmem>>
      %dma_start3A_524 = tpu.memref_squeeze %dma_start3A_523 : memref<1x125xi32, #tpu.memory_space<vmem>> -> memref<125xi32, #tpu.memory_space<vmem>>
      %dma_start3A_525 = arith.constant 0 : i32
      %dma_start3A_526 = arith.constant 0 : i32
      %dma_start3A_527 = tpu.memref_slice %arg13[%dma_start3A_525, %dma_start3A_526] : memref<10000x128xf32, #tpu.memory_space<vmem_shared>> -> memref<10000x128xf32, #tpu.memory_space<vmem_shared>>
      tpu.enqueue_indirect_dma source(%arg12 : memref<125x128xf32, #tpu.memory_space<vmem>>) target(%dma_start3A_527 : memref<10000x128xf32, #tpu.memory_space<vmem_shared>>) offsets(%dma_start3A_524 : memref<125xi32, #tpu.memory_space<vmem>>) semaphore(%arg19 : memref<!tpu.dma_semaphore, #tpu.memory_space<semaphore_mem>>) {add = true}
      %dma_wait3A_528 = arith.constant 0 : i32
      %dma_wait3A_529 = arith.constant 0 : i32
      %dma_wait3A_530 = tpu.memref_slice %arg7[%dma_wait3A_528, %dma_wait3A_529] : memref<16x125xi32, #tpu.memory_space<vmem>> -> memref<1x125xi32, #tpu.memory_space<vmem>>
      %dma_wait3A_531 = tpu.memref_squeeze %dma_wait3A_530 : memref<1x125xi32, #tpu.memory_space<vmem>> -> memref<125xi32, #tpu.memory_space<vmem>>
      %dma_wait3A_532 = arith.constant 0 : i32
      %dma_wait3A_533 = arith.constant 0 : i32
      %dma_wait3A_534 = tpu.memref_slice %arg2[%add3A_50, %dma_wait3A_532, %dma_wait3A_533] : memref<4x10000x128xf32, #tpu.memory_space<hbm>> -> memref<1x10000x128xf32, #tpu.memory_space<hbm>>
      %dma_wait3A_535 = tpu.memref_squeeze %dma_wait3A_534 : memref<1x10000x128xf32, #tpu.memory_space<hbm>> -> memref<10000x128xf32, #tpu.memory_space<hbm>>
      %dma_wait3A_536 = arith.constant 0 : i32
      %dma_wait3A_537 = arith.constant 0 : i32
      %dma_wait3A_538 = tpu.memref_slice %dma_wait3A_535[%dma_wait3A_536, %dma_wait3A_537] : memref<10000x128xf32, #tpu.memory_space<hbm>> -> memref<10000x128xf32, #tpu.memory_space<hbm>>
      tpu.wait_indirect_dma semaphore(%arg14 : memref<!tpu.dma_semaphore, #tpu.memory_space<semaphore_mem>>) src(%dma_wait3A_538 : memref<10000x128xf32, #tpu.memory_space<hbm>>) dst(%arg11 : memref<125x128xf32, #tpu.memory_space<vmem>>)
      %dma_wait3A_539 = arith.constant 0 : i32
      %dma_wait3A_540 = arith.constant 0 : i32
      %dma_wait3A_541 = tpu.memref_slice %arg7[%dma_wait3A_539, %dma_wait3A_540] : memref<16x125xi32, #tpu.memory_space<vmem>> -> memref<1x125xi32, #tpu.memory_space<vmem>>
      %dma_wait3A_542 = tpu.memref_squeeze %dma_wait3A_541 : memref<1x125xi32, #tpu.memory_space<vmem>> -> memref<125xi32, #tpu.memory_space<vmem>>
      %dma_wait3A_543 = arith.constant 0 : i32
      %dma_wait3A_544 = arith.constant 0 : i32
      %dma_wait3A_545 = tpu.memref_slice %arg2[%add3A_50, %dma_wait3A_543, %dma_wait3A_544] : memref<4x10000x128xf32, #tpu.memory_space<hbm>> -> memref<1x10000x128xf32, #tpu.memory_space<hbm>>
      %dma_wait3A_546 = tpu.memref_squeeze %dma_wait3A_545 : memref<1x10000x128xf32, #tpu.memory_space<hbm>> -> memref<10000x128xf32, #tpu.memory_space<hbm>>
      %dma_wait3A_547 = arith.constant 0 : i32
      %dma_wait3A_548 = arith.constant 0 : i32
      %dma_wait3A_549 = tpu.memref_slice %dma_wait3A_546[%dma_wait3A_547, %dma_wait3A_548] : memref<10000x128xf32, #tpu.memory_space<hbm>> -> memref<10000x128xf32, #tpu.memory_space<hbm>>
      tpu.wait_indirect_dma semaphore(%arg19 : memref<!tpu.dma_semaphore, #tpu.memory_space<semaphore_mem>>) src(%dma_wait3A_549 : memref<10000x128xf32, #tpu.memory_space<hbm>>) dst(%arg12 : memref<125x128xf32, #tpu.memory_space<vmem>>)
      %dma_start3A_550 = arith.constant 11 : i32
      %dma_start3A_551 = arith.constant 0 : i32
      %dma_start3A_552 = tpu.memref_slice %arg7[%dma_start3A_550, %dma_start3A_551] : memref<16x125xi32, #tpu.memory_space<vmem>> -> memref<1x125xi32, #tpu.memory_space<vmem>>
      %dma_start3A_553 = tpu.memref_squeeze %dma_start3A_552 : memref<1x125xi32, #tpu.memory_space<vmem>> -> memref<125xi32, #tpu.memory_space<vmem>>
      %dma_start3A_554 = arith.constant 0 : i32
      %dma_start3A_555 = arith.constant 0 : i32
      %dma_start3A_556 = tpu.memref_slice %arg2[%add3A_50, %dma_start3A_554, %dma_start3A_555] : memref<4x10000x128xf32, #tpu.memory_space<hbm>> -> memref<1x10000x128xf32, #tpu.memory_space<hbm>>
      %dma_start3A_557 = tpu.memref_squeeze %dma_start3A_556 : memref<1x10000x128xf32, #tpu.memory_space<hbm>> -> memref<10000x128xf32, #tpu.memory_space<hbm>>
      %dma_start3A_558 = arith.constant 0 : i32
      %dma_start3A_559 = arith.constant 0 : i32
      %dma_start3A_560 = tpu.memref_slice %dma_start3A_557[%dma_start3A_558, %dma_start3A_559] : memref<10000x128xf32, #tpu.memory_space<hbm>> -> memref<10000x128xf32, #tpu.memory_space<hbm>>
      tpu.enqueue_indirect_dma source(%dma_start3A_560 : memref<10000x128xf32, #tpu.memory_space<hbm>>) target(%arg12 : memref<125x128xf32, #tpu.memory_space<vmem>>) offsets(%dma_start3A_553 : memref<125xi32, #tpu.memory_space<vmem>>) semaphore(%arg15 : memref<!tpu.dma_semaphore, #tpu.memory_space<semaphore_mem>>)
      %dma_start3A_561 = arith.constant 10 : i32
      %dma_start3A_562 = arith.constant 0 : i32
      %dma_start3A_563 = tpu.memref_slice %arg8[%dma_start3A_561, %dma_start3A_562] : memref<16x125xi32, #tpu.memory_space<vmem>> -> memref<1x125xi32, #tpu.memory_space<vmem>>
      %dma_start3A_564 = tpu.memref_squeeze %dma_start3A_563 : memref<1x125xi32, #tpu.memory_space<vmem>> -> memref<125xi32, #tpu.memory_space<vmem>>
      %dma_start3A_565 = arith.constant 0 : i32
      %dma_start3A_566 = arith.constant 0 : i32
      %dma_start3A_567 = tpu.memref_slice %arg13[%dma_start3A_565, %dma_start3A_566] : memref<10000x128xf32, #tpu.memory_space<vmem_shared>> -> memref<10000x128xf32, #tpu.memory_space<vmem_shared>>
      tpu.enqueue_indirect_dma source(%arg11 : memref<125x128xf32, #tpu.memory_space<vmem>>) target(%dma_start3A_567 : memref<10000x128xf32, #tpu.memory_space<vmem_shared>>) offsets(%dma_start3A_564 : memref<125xi32, #tpu.memory_space<vmem>>) semaphore(%arg18 : memref<!tpu.dma_semaphore, #tpu.memory_space<semaphore_mem>>) {add = true}
      %dma_wait3A_568 = arith.constant 0 : i32
      %dma_wait3A_569 = arith.constant 0 : i32
      %dma_wait3A_570 = tpu.memref_slice %arg7[%dma_wait3A_568, %dma_wait3A_569] : memref<16x125xi32, #tpu.memory_space<vmem>> -> memref<1x125xi32, #tpu.memory_space<vmem>>
      %dma_wait3A_571 = tpu.memref_squeeze %dma_wait3A_570 : memref<1x125xi32, #tpu.memory_space<vmem>> -> memref<125xi32, #tpu.memory_space<vmem>>
      %dma_wait3A_572 = arith.constant 0 : i32
      %dma_wait3A_573 = arith.constant 0 : i32
      %dma_wait3A_574 = tpu.memref_slice %arg2[%add3A_50, %dma_wait3A_572, %dma_wait3A_573] : memref<4x10000x128xf32, #tpu.memory_space<hbm>> -> memref<1x10000x128xf32, #tpu.memory_space<hbm>>
      %dma_wait3A_575 = tpu.memref_squeeze %dma_wait3A_574 : memref<1x10000x128xf32, #tpu.memory_space<hbm>> -> memref<10000x128xf32, #tpu.memory_space<hbm>>
      %dma_wait3A_576 = arith.constant 0 : i32
      %dma_wait3A_577 = arith.constant 0 : i32
      %dma_wait3A_578 = tpu.memref_slice %dma_wait3A_575[%dma_wait3A_576, %dma_wait3A_577] : memref<10000x128xf32, #tpu.memory_space<hbm>> -> memref<10000x128xf32, #tpu.memory_space<hbm>>
      tpu.wait_indirect_dma semaphore(%arg15 : memref<!tpu.dma_semaphore, #tpu.memory_space<semaphore_mem>>) src(%dma_wait3A_578 : memref<10000x128xf32, #tpu.memory_space<hbm>>) dst(%arg12 : memref<125x128xf32, #tpu.memory_space<vmem>>)
      %dma_wait3A_579 = arith.constant 0 : i32
      %dma_wait3A_580 = arith.constant 0 : i32
      %dma_wait3A_581 = tpu.memref_slice %arg7[%dma_wait3A_579, %dma_wait3A_580] : memref<16x125xi32, #tpu.memory_space<vmem>> -> memref<1x125xi32, #tpu.memory_space<vmem>>
      %dma_wait3A_582 = tpu.memref_squeeze %dma_wait3A_581 : memref<1x125xi32, #tpu.memory_space<vmem>> -> memref<125xi32, #tpu.memory_space<vmem>>
      %dma_wait3A_583 = arith.constant 0 : i32
      %dma_wait3A_584 = arith.constant 0 : i32
      %dma_wait3A_585 = tpu.memref_slice %arg2[%add3A_50, %dma_wait3A_583, %dma_wait3A_584] : memref<4x10000x128xf32, #tpu.memory_space<hbm>> -> memref<1x10000x128xf32, #tpu.memory_space<hbm>>
      %dma_wait3A_586 = tpu.memref_squeeze %dma_wait3A_585 : memref<1x10000x128xf32, #tpu.memory_space<hbm>> -> memref<10000x128xf32, #tpu.memory_space<hbm>>
      %dma_wait3A_587 = arith.constant 0 : i32
      %dma_wait3A_588 = arith.constant 0 : i32
      %dma_wait3A_589 = tpu.memref_slice %dma_wait3A_586[%dma_wait3A_587, %dma_wait3A_588] : memref<10000x128xf32, #tpu.memory_space<hbm>> -> memref<10000x128xf32, #tpu.memory_space<hbm>>
      tpu.wait_indirect_dma semaphore(%arg18 : memref<!tpu.dma_semaphore, #tpu.memory_space<semaphore_mem>>) src(%dma_wait3A_589 : memref<10000x128xf32, #tpu.memory_space<hbm>>) dst(%arg11 : memref<125x128xf32, #tpu.memory_space<vmem>>)
      %dma_start3A_590 = arith.constant 12 : i32
      %dma_start3A_591 = arith.constant 0 : i32
      %dma_start3A_592 = tpu.memref_slice %arg7[%dma_start3A_590, %dma_start3A_591] : memref<16x125xi32, #tpu.memory_space<vmem>> -> memref<1x125xi32, #tpu.memory_space<vmem>>
      %dma_start3A_593 = tpu.memref_squeeze %dma_start3A_592 : memref<1x125xi32, #tpu.memory_space<vmem>> -> memref<125xi32, #tpu.memory_space<vmem>>
      %dma_start3A_594 = arith.constant 0 : i32
      %dma_start3A_595 = arith.constant 0 : i32
      %dma_start3A_596 = tpu.memref_slice %arg2[%add3A_50, %dma_start3A_594, %dma_start3A_595] : memref<4x10000x128xf32, #tpu.memory_space<hbm>> -> memref<1x10000x128xf32, #tpu.memory_space<hbm>>
      %dma_start3A_597 = tpu.memref_squeeze %dma_start3A_596 : memref<1x10000x128xf32, #tpu.memory_space<hbm>> -> memref<10000x128xf32, #tpu.memory_space<hbm>>
      %dma_start3A_598 = arith.constant 0 : i32
      %dma_start3A_599 = arith.constant 0 : i32
      %dma_start3A_600 = tpu.memref_slice %dma_start3A_597[%dma_start3A_598, %dma_start3A_599] : memref<10000x128xf32, #tpu.memory_space<hbm>> -> memref<10000x128xf32, #tpu.memory_space<hbm>>
      tpu.enqueue_indirect_dma source(%dma_start3A_600 : memref<10000x128xf32, #tpu.memory_space<hbm>>) target(%arg11 : memref<125x128xf32, #tpu.memory_space<vmem>>) offsets(%dma_start3A_593 : memref<125xi32, #tpu.memory_space<vmem>>) semaphore(%arg14 : memref<!tpu.dma_semaphore, #tpu.memory_space<semaphore_mem>>)
      %dma_start3A_601 = arith.constant 11 : i32
      %dma_start3A_602 = arith.constant 0 : i32
      %dma_start3A_603 = tpu.memref_slice %arg8[%dma_start3A_601, %dma_start3A_602] : memref<16x125xi32, #tpu.memory_space<vmem>> -> memref<1x125xi32, #tpu.memory_space<vmem>>
      %dma_start3A_604 = tpu.memref_squeeze %dma_start3A_603 : memref<1x125xi32, #tpu.memory_space<vmem>> -> memref<125xi32, #tpu.memory_space<vmem>>
      %dma_start3A_605 = arith.constant 0 : i32
      %dma_start3A_606 = arith.constant 0 : i32
      %dma_start3A_607 = tpu.memref_slice %arg13[%dma_start3A_605, %dma_start3A_606] : memref<10000x128xf32, #tpu.memory_space<vmem_shared>> -> memref<10000x128xf32, #tpu.memory_space<vmem_shared>>
      tpu.enqueue_indirect_dma source(%arg12 : memref<125x128xf32, #tpu.memory_space<vmem>>) target(%dma_start3A_607 : memref<10000x128xf32, #tpu.memory_space<vmem_shared>>) offsets(%dma_start3A_604 : memref<125xi32, #tpu.memory_space<vmem>>) semaphore(%arg19 : memref<!tpu.dma_semaphore, #tpu.memory_space<semaphore_mem>>) {add = true}
      %dma_wait3A_608 = arith.constant 0 : i32
      %dma_wait3A_609 = arith.constant 0 : i32
      %dma_wait3A_610 = tpu.memref_slice %arg7[%dma_wait3A_608, %dma_wait3A_609] : memref<16x125xi32, #tpu.memory_space<vmem>> -> memref<1x125xi32, #tpu.memory_space<vmem>>
      %dma_wait3A_611 = tpu.memref_squeeze %dma_wait3A_610 : memref<1x125xi32, #tpu.memory_space<vmem>> -> memref<125xi32, #tpu.memory_space<vmem>>
      %dma_wait3A_612 = arith.constant 0 : i32
      %dma_wait3A_613 = arith.constant 0 : i32
      %dma_wait3A_614 = tpu.memref_slice %arg2[%add3A_50, %dma_wait3A_612, %dma_wait3A_613] : memref<4x10000x128xf32, #tpu.memory_space<hbm>> -> memref<1x10000x128xf32, #tpu.memory_space<hbm>>
      %dma_wait3A_615 = tpu.memref_squeeze %dma_wait3A_614 : memref<1x10000x128xf32, #tpu.memory_space<hbm>> -> memref<10000x128xf32, #tpu.memory_space<hbm>>
      %dma_wait3A_616 = arith.constant 0 : i32
      %dma_wait3A_617 = arith.constant 0 : i32
      %dma_wait3A_618 = tpu.memref_slice %dma_wait3A_615[%dma_wait3A_616, %dma_wait3A_617] : memref<10000x128xf32, #tpu.memory_space<hbm>> -> memref<10000x128xf32, #tpu.memory_space<hbm>>
      tpu.wait_indirect_dma semaphore(%arg14 : memref<!tpu.dma_semaphore, #tpu.memory_space<semaphore_mem>>) src(%dma_wait3A_618 : memref<10000x128xf32, #tpu.memory_space<hbm>>) dst(%arg11 : memref<125x128xf32, #tpu.memory_space<vmem>>)
      %dma_wait3A_619 = arith.constant 0 : i32
      %dma_wait3A_620 = arith.constant 0 : i32
      %dma_wait3A_621 = tpu.memref_slice %arg7[%dma_wait3A_619, %dma_wait3A_620] : memref<16x125xi32, #tpu.memory_space<vmem>> -> memref<1x125xi32, #tpu.memory_space<vmem>>
      %dma_wait3A_622 = tpu.memref_squeeze %dma_wait3A_621 : memref<1x125xi32, #tpu.memory_space<vmem>> -> memref<125xi32, #tpu.memory_space<vmem>>
      %dma_wait3A_623 = arith.constant 0 : i32
      %dma_wait3A_624 = arith.constant 0 : i32
      %dma_wait3A_625 = tpu.memref_slice %arg2[%add3A_50, %dma_wait3A_623, %dma_wait3A_624] : memref<4x10000x128xf32, #tpu.memory_space<hbm>> -> memref<1x10000x128xf32, #tpu.memory_space<hbm>>
      %dma_wait3A_626 = tpu.memref_squeeze %dma_wait3A_625 : memref<1x10000x128xf32, #tpu.memory_space<hbm>> -> memref<10000x128xf32, #tpu.memory_space<hbm>>
      %dma_wait3A_627 = arith.constant 0 : i32
      %dma_wait3A_628 = arith.constant 0 : i32
      %dma_wait3A_629 = tpu.memref_slice %dma_wait3A_626[%dma_wait3A_627, %dma_wait3A_628] : memref<10000x128xf32, #tpu.memory_space<hbm>> -> memref<10000x128xf32, #tpu.memory_space<hbm>>
      tpu.wait_indirect_dma semaphore(%arg19 : memref<!tpu.dma_semaphore, #tpu.memory_space<semaphore_mem>>) src(%dma_wait3A_629 : memref<10000x128xf32, #tpu.memory_space<hbm>>) dst(%arg12 : memref<125x128xf32, #tpu.memory_space<vmem>>)
      %dma_start3A_630 = arith.constant 13 : i32
      %dma_start3A_631 = arith.constant 0 : i32
      %dma_start3A_632 = tpu.memref_slice %arg7[%dma_start3A_630, %dma_start3A_631] : memref<16x125xi32, #tpu.memory_space<vmem>> -> memref<1x125xi32, #tpu.memory_space<vmem>>
      %dma_start3A_633 = tpu.memref_squeeze %dma_start3A_632 : memref<1x125xi32, #tpu.memory_space<vmem>> -> memref<125xi32, #tpu.memory_space<vmem>>
      %dma_start3A_634 = arith.constant 0 : i32
      %dma_start3A_635 = arith.constant 0 : i32
      %dma_start3A_636 = tpu.memref_slice %arg2[%add3A_50, %dma_start3A_634, %dma_start3A_635] : memref<4x10000x128xf32, #tpu.memory_space<hbm>> -> memref<1x10000x128xf32, #tpu.memory_space<hbm>>
      %dma_start3A_637 = tpu.memref_squeeze %dma_start3A_636 : memref<1x10000x128xf32, #tpu.memory_space<hbm>> -> memref<10000x128xf32, #tpu.memory_space<hbm>>
      %dma_start3A_638 = arith.constant 0 : i32
      %dma_start3A_639 = arith.constant 0 : i32
      %dma_start3A_640 = tpu.memref_slice %dma_start3A_637[%dma_start3A_638, %dma_start3A_639] : memref<10000x128xf32, #tpu.memory_space<hbm>> -> memref<10000x128xf32, #tpu.memory_space<hbm>>
      tpu.enqueue_indirect_dma source(%dma_start3A_640 : memref<10000x128xf32, #tpu.memory_space<hbm>>) target(%arg12 : memref<125x128xf32, #tpu.memory_space<vmem>>) offsets(%dma_start3A_633 : memref<125xi32, #tpu.memory_space<vmem>>) semaphore(%arg15 : memref<!tpu.dma_semaphore, #tpu.memory_space<semaphore_mem>>)
      %dma_start3A_641 = arith.constant 12 : i32
      %dma_start3A_642 = arith.constant 0 : i32
      %dma_start3A_643 = tpu.memref_slice %arg8[%dma_start3A_641, %dma_start3A_642] : memref<16x125xi32, #tpu.memory_space<vmem>> -> memref<1x125xi32, #tpu.memory_space<vmem>>
      %dma_start3A_644 = tpu.memref_squeeze %dma_start3A_643 : memref<1x125xi32, #tpu.memory_space<vmem>> -> memref<125xi32, #tpu.memory_space<vmem>>
      %dma_start3A_645 = arith.constant 0 : i32
      %dma_start3A_646 = arith.constant 0 : i32
      %dma_start3A_647 = tpu.memref_slice %arg13[%dma_start3A_645, %dma_start3A_646] : memref<10000x128xf32, #tpu.memory_space<vmem_shared>> -> memref<10000x128xf32, #tpu.memory_space<vmem_shared>>
      tpu.enqueue_indirect_dma source(%arg11 : memref<125x128xf32, #tpu.memory_space<vmem>>) target(%dma_start3A_647 : memref<10000x128xf32, #tpu.memory_space<vmem_shared>>) offsets(%dma_start3A_644 : memref<125xi32, #tpu.memory_space<vmem>>) semaphore(%arg18 : memref<!tpu.dma_semaphore, #tpu.memory_space<semaphore_mem>>) {add = true}
      %dma_wait3A_648 = arith.constant 0 : i32
      %dma_wait3A_649 = arith.constant 0 : i32
      %dma_wait3A_650 = tpu.memref_slice %arg7[%dma_wait3A_648, %dma_wait3A_649] : memref<16x125xi32, #tpu.memory_space<vmem>> -> memref<1x125xi32, #tpu.memory_space<vmem>>
      %dma_wait3A_651 = tpu.memref_squeeze %dma_wait3A_650 : memref<1x125xi32, #tpu.memory_space<vmem>> -> memref<125xi32, #tpu.memory_space<vmem>>
      %dma_wait3A_652 = arith.constant 0 : i32
      %dma_wait3A_653 = arith.constant 0 : i32
      %dma_wait3A_654 = tpu.memref_slice %arg2[%add3A_50, %dma_wait3A_652, %dma_wait3A_653] : memref<4x10000x128xf32, #tpu.memory_space<hbm>> -> memref<1x10000x128xf32, #tpu.memory_space<hbm>>
      %dma_wait3A_655 = tpu.memref_squeeze %dma_wait3A_654 : memref<1x10000x128xf32, #tpu.memory_space<hbm>> -> memref<10000x128xf32, #tpu.memory_space<hbm>>
      %dma_wait3A_656 = arith.constant 0 : i32
      %dma_wait3A_657 = arith.constant 0 : i32
      %dma_wait3A_658 = tpu.memref_slice %dma_wait3A_655[%dma_wait3A_656, %dma_wait3A_657] : memref<10000x128xf32, #tpu.memory_space<hbm>> -> memref<10000x128xf32, #tpu.memory_space<hbm>>
      tpu.wait_indirect_dma semaphore(%arg15 : memref<!tpu.dma_semaphore, #tpu.memory_space<semaphore_mem>>) src(%dma_wait3A_658 : memref<10000x128xf32, #tpu.memory_space<hbm>>) dst(%arg12 : memref<125x128xf32, #tpu.memory_space<vmem>>)
      %dma_wait3A_659 = arith.constant 0 : i32
      %dma_wait3A_660 = arith.constant 0 : i32
      %dma_wait3A_661 = tpu.memref_slice %arg7[%dma_wait3A_659, %dma_wait3A_660] : memref<16x125xi32, #tpu.memory_space<vmem>> -> memref<1x125xi32, #tpu.memory_space<vmem>>
      %dma_wait3A_662 = tpu.memref_squeeze %dma_wait3A_661 : memref<1x125xi32, #tpu.memory_space<vmem>> -> memref<125xi32, #tpu.memory_space<vmem>>
      %dma_wait3A_663 = arith.constant 0 : i32
      %dma_wait3A_664 = arith.constant 0 : i32
      %dma_wait3A_665 = tpu.memref_slice %arg2[%add3A_50, %dma_wait3A_663, %dma_wait3A_664] : memref<4x10000x128xf32, #tpu.memory_space<hbm>> -> memref<1x10000x128xf32, #tpu.memory_space<hbm>>
      %dma_wait3A_666 = tpu.memref_squeeze %dma_wait3A_665 : memref<1x10000x128xf32, #tpu.memory_space<hbm>> -> memref<10000x128xf32, #tpu.memory_space<hbm>>
      %dma_wait3A_667 = arith.constant 0 : i32
      %dma_wait3A_668 = arith.constant 0 : i32
      %dma_wait3A_669 = tpu.memref_slice %dma_wait3A_666[%dma_wait3A_667, %dma_wait3A_668] : memref<10000x128xf32, #tpu.memory_space<hbm>> -> memref<10000x128xf32, #tpu.memory_space<hbm>>
      tpu.wait_indirect_dma semaphore(%arg18 : memref<!tpu.dma_semaphore, #tpu.memory_space<semaphore_mem>>) src(%dma_wait3A_669 : memref<10000x128xf32, #tpu.memory_space<hbm>>) dst(%arg11 : memref<125x128xf32, #tpu.memory_space<vmem>>)
      %dma_start3A_670 = arith.constant 14 : i32
      %dma_start3A_671 = arith.constant 0 : i32
      %dma_start3A_672 = tpu.memref_slice %arg7[%dma_start3A_670, %dma_start3A_671] : memref<16x125xi32, #tpu.memory_space<vmem>> -> memref<1x125xi32, #tpu.memory_space<vmem>>
      %dma_start3A_673 = tpu.memref_squeeze %dma_start3A_672 : memref<1x125xi32, #tpu.memory_space<vmem>> -> memref<125xi32, #tpu.memory_space<vmem>>
      %dma_start3A_674 = arith.constant 0 : i32
      %dma_start3A_675 = arith.constant 0 : i32
      %dma_start3A_676 = tpu.memref_slice %arg2[%add3A_50, %dma_start3A_674, %dma_start3A_675] : memref<4x10000x128xf32, #tpu.memory_space<hbm>> -> memref<1x10000x128xf32, #tpu.memory_space<hbm>>
      %dma_start3A_677 = tpu.memref_squeeze %dma_start3A_676 : memref<1x10000x128xf32, #tpu.memory_space<hbm>> -> memref<10000x128xf32, #tpu.memory_space<hbm>>
      %dma_start3A_678 = arith.constant 0 : i32
      %dma_start3A_679 = arith.constant 0 : i32
      %dma_start3A_680 = tpu.memref_slice %dma_start3A_677[%dma_start3A_678, %dma_start3A_679] : memref<10000x128xf32, #tpu.memory_space<hbm>> -> memref<10000x128xf32, #tpu.memory_space<hbm>>
      tpu.enqueue_indirect_dma source(%dma_start3A_680 : memref<10000x128xf32, #tpu.memory_space<hbm>>) target(%arg11 : memref<125x128xf32, #tpu.memory_space<vmem>>) offsets(%dma_start3A_673 : memref<125xi32, #tpu.memory_space<vmem>>) semaphore(%arg14 : memref<!tpu.dma_semaphore, #tpu.memory_space<semaphore_mem>>)
      %dma_start3A_681 = arith.constant 13 : i32
      %dma_start3A_682 = arith.constant 0 : i32
      %dma_start3A_683 = tpu.memref_slice %arg8[%dma_start3A_681, %dma_start3A_682] : memref<16x125xi32, #tpu.memory_space<vmem>> -> memref<1x125xi32, #tpu.memory_space<vmem>>
      %dma_start3A_684 = tpu.memref_squeeze %dma_start3A_683 : memref<1x125xi32, #tpu.memory_space<vmem>> -> memref<125xi32, #tpu.memory_space<vmem>>
      %dma_start3A_685 = arith.constant 0 : i32
      %dma_start3A_686 = arith.constant 0 : i32
      %dma_start3A_687 = tpu.memref_slice %arg13[%dma_start3A_685, %dma_start3A_686] : memref<10000x128xf32, #tpu.memory_space<vmem_shared>> -> memref<10000x128xf32, #tpu.memory_space<vmem_shared>>
      tpu.enqueue_indirect_dma source(%arg12 : memref<125x128xf32, #tpu.memory_space<vmem>>) target(%dma_start3A_687 : memref<10000x128xf32, #tpu.memory_space<vmem_shared>>) offsets(%dma_start3A_684 : memref<125xi32, #tpu.memory_space<vmem>>) semaphore(%arg19 : memref<!tpu.dma_semaphore, #tpu.memory_space<semaphore_mem>>) {add = true}
      %dma_wait3A_688 = arith.constant 0 : i32
      %dma_wait3A_689 = arith.constant 0 : i32
      %dma_wait3A_690 = tpu.memref_slice %arg7[%dma_wait3A_688, %dma_wait3A_689] : memref<16x125xi32, #tpu.memory_space<vmem>> -> memref<1x125xi32, #tpu.memory_space<vmem>>
      %dma_wait3A_691 = tpu.memref_squeeze %dma_wait3A_690 : memref<1x125xi32, #tpu.memory_space<vmem>> -> memref<125xi32, #tpu.memory_space<vmem>>
      %dma_wait3A_692 = arith.constant 0 : i32
      %dma_wait3A_693 = arith.constant 0 : i32
      %dma_wait3A_694 = tpu.memref_slice %arg2[%add3A_50, %dma_wait3A_692, %dma_wait3A_693] : memref<4x10000x128xf32, #tpu.memory_space<hbm>> -> memref<1x10000x128xf32, #tpu.memory_space<hbm>>
      %dma_wait3A_695 = tpu.memref_squeeze %dma_wait3A_694 : memref<1x10000x128xf32, #tpu.memory_space<hbm>> -> memref<10000x128xf32, #tpu.memory_space<hbm>>
      %dma_wait3A_696 = arith.constant 0 : i32
      %dma_wait3A_697 = arith.constant 0 : i32
      %dma_wait3A_698 = tpu.memref_slice %dma_wait3A_695[%dma_wait3A_696, %dma_wait3A_697] : memref<10000x128xf32, #tpu.memory_space<hbm>> -> memref<10000x128xf32, #tpu.memory_space<hbm>>
      tpu.wait_indirect_dma semaphore(%arg14 : memref<!tpu.dma_semaphore, #tpu.memory_space<semaphore_mem>>) src(%dma_wait3A_698 : memref<10000x128xf32, #tpu.memory_space<hbm>>) dst(%arg11 : memref<125x128xf32, #tpu.memory_space<vmem>>)
      %dma_wait3A_699 = arith.constant 0 : i32
      %dma_wait3A_700 = arith.constant 0 : i32
      %dma_wait3A_701 = tpu.memref_slice %arg7[%dma_wait3A_699, %dma_wait3A_700] : memref<16x125xi32, #tpu.memory_space<vmem>> -> memref<1x125xi32, #tpu.memory_space<vmem>>
      %dma_wait3A_702 = tpu.memref_squeeze %dma_wait3A_701 : memref<1x125xi32, #tpu.memory_space<vmem>> -> memref<125xi32, #tpu.memory_space<vmem>>
      %dma_wait3A_703 = arith.constant 0 : i32
      %dma_wait3A_704 = arith.constant 0 : i32
      %dma_wait3A_705 = tpu.memref_slice %arg2[%add3A_50, %dma_wait3A_703, %dma_wait3A_704] : memref<4x10000x128xf32, #tpu.memory_space<hbm>> -> memref<1x10000x128xf32, #tpu.memory_space<hbm>>
      %dma_wait3A_706 = tpu.memref_squeeze %dma_wait3A_705 : memref<1x10000x128xf32, #tpu.memory_space<hbm>> -> memref<10000x128xf32, #tpu.memory_space<hbm>>
      %dma_wait3A_707 = arith.constant 0 : i32
      %dma_wait3A_708 = arith.constant 0 : i32
      %dma_wait3A_709 = tpu.memref_slice %dma_wait3A_706[%dma_wait3A_707, %dma_wait3A_708] : memref<10000x128xf32, #tpu.memory_space<hbm>> -> memref<10000x128xf32, #tpu.memory_space<hbm>>
      tpu.wait_indirect_dma semaphore(%arg19 : memref<!tpu.dma_semaphore, #tpu.memory_space<semaphore_mem>>) src(%dma_wait3A_709 : memref<10000x128xf32, #tpu.memory_space<hbm>>) dst(%arg12 : memref<125x128xf32, #tpu.memory_space<vmem>>)
      %dma_start3A_710 = arith.constant 15 : i32
      %dma_start3A_711 = arith.constant 0 : i32
      %dma_start3A_712 = tpu.memref_slice %arg7[%dma_start3A_710, %dma_start3A_711] : memref<16x125xi32, #tpu.memory_space<vmem>> -> memref<1x125xi32, #tpu.memory_space<vmem>>
      %dma_start3A_713 = tpu.memref_squeeze %dma_start3A_712 : memref<1x125xi32, #tpu.memory_space<vmem>> -> memref<125xi32, #tpu.memory_space<vmem>>
      %dma_start3A_714 = arith.constant 0 : i32
      %dma_start3A_715 = arith.constant 0 : i32
      %dma_start3A_716 = tpu.memref_slice %arg2[%add3A_50, %dma_start3A_714, %dma_start3A_715] : memref<4x10000x128xf32, #tpu.memory_space<hbm>> -> memref<1x10000x128xf32, #tpu.memory_space<hbm>>
      %dma_start3A_717 = tpu.memref_squeeze %dma_start3A_716 : memref<1x10000x128xf32, #tpu.memory_space<hbm>> -> memref<10000x128xf32, #tpu.memory_space<hbm>>
      %dma_start3A_718 = arith.constant 0 : i32
      %dma_start3A_719 = arith.constant 0 : i32
      %dma_start3A_720 = tpu.memref_slice %dma_start3A_717[%dma_start3A_718, %dma_start3A_719] : memref<10000x128xf32, #tpu.memory_space<hbm>> -> memref<10000x128xf32, #tpu.memory_space<hbm>>
      tpu.enqueue_indirect_dma source(%dma_start3A_720 : memref<10000x128xf32, #tpu.memory_space<hbm>>) target(%arg12 : memref<125x128xf32, #tpu.memory_space<vmem>>) offsets(%dma_start3A_713 : memref<125xi32, #tpu.memory_space<vmem>>) semaphore(%arg15 : memref<!tpu.dma_semaphore, #tpu.memory_space<semaphore_mem>>)
      %dma_start3A_721 = arith.constant 14 : i32
      %dma_start3A_722 = arith.constant 0 : i32
      %dma_start3A_723 = tpu.memref_slice %arg8[%dma_start3A_721, %dma_start3A_722] : memref<16x125xi32, #tpu.memory_space<vmem>> -> memref<1x125xi32, #tpu.memory_space<vmem>>
      %dma_start3A_724 = tpu.memref_squeeze %dma_start3A_723 : memref<1x125xi32, #tpu.memory_space<vmem>> -> memref<125xi32, #tpu.memory_space<vmem>>
      %dma_start3A_725 = arith.constant 0 : i32
      %dma_start3A_726 = arith.constant 0 : i32
      %dma_start3A_727 = tpu.memref_slice %arg13[%dma_start3A_725, %dma_start3A_726] : memref<10000x128xf32, #tpu.memory_space<vmem_shared>> -> memref<10000x128xf32, #tpu.memory_space<vmem_shared>>
      tpu.enqueue_indirect_dma source(%arg11 : memref<125x128xf32, #tpu.memory_space<vmem>>) target(%dma_start3A_727 : memref<10000x128xf32, #tpu.memory_space<vmem_shared>>) offsets(%dma_start3A_724 : memref<125xi32, #tpu.memory_space<vmem>>) semaphore(%arg18 : memref<!tpu.dma_semaphore, #tpu.memory_space<semaphore_mem>>) {add = true}
      %dma_wait3A_728 = arith.constant 0 : i32
      %dma_wait3A_729 = arith.constant 0 : i32
      %dma_wait3A_730 = tpu.memref_slice %arg7[%dma_wait3A_728, %dma_wait3A_729] : memref<16x125xi32, #tpu.memory_space<vmem>> -> memref<1x125xi32, #tpu.memory_space<vmem>>
      %dma_wait3A_731 = tpu.memref_squeeze %dma_wait3A_730 : memref<1x125xi32, #tpu.memory_space<vmem>> -> memref<125xi32, #tpu.memory_space<vmem>>
      %dma_wait3A_732 = arith.constant 0 : i32
      %dma_wait3A_733 = arith.constant 0 : i32
      %dma_wait3A_734 = tpu.memref_slice %arg2[%add3A_50, %dma_wait3A_732, %dma_wait3A_733] : memref<4x10000x128xf32, #tpu.memory_space<hbm>> -> memref<1x10000x128xf32, #tpu.memory_space<hbm>>
      %dma_wait3A_735 = tpu.memref_squeeze %dma_wait3A_734 : memref<1x10000x128xf32, #tpu.memory_space<hbm>> -> memref<10000x128xf32, #tpu.memory_space<hbm>>
      %dma_wait3A_736 = arith.constant 0 : i32
      %dma_wait3A_737 = arith.constant 0 : i32
      %dma_wait3A_738 = tpu.memref_slice %dma_wait3A_735[%dma_wait3A_736, %dma_wait3A_737] : memref<10000x128xf32, #tpu.memory_space<hbm>> -> memref<10000x128xf32, #tpu.memory_space<hbm>>
      tpu.wait_indirect_dma semaphore(%arg15 : memref<!tpu.dma_semaphore, #tpu.memory_space<semaphore_mem>>) src(%dma_wait3A_738 : memref<10000x128xf32, #tpu.memory_space<hbm>>) dst(%arg12 : memref<125x128xf32, #tpu.memory_space<vmem>>)
      %dma_wait3A_739 = arith.constant 0 : i32
      %dma_wait3A_740 = arith.constant 0 : i32
      %dma_wait3A_741 = tpu.memref_slice %arg7[%dma_wait3A_739, %dma_wait3A_740] : memref<16x125xi32, #tpu.memory_space<vmem>> -> memref<1x125xi32, #tpu.memory_space<vmem>>
      %dma_wait3A_742 = tpu.memref_squeeze %dma_wait3A_741 : memref<1x125xi32, #tpu.memory_space<vmem>> -> memref<125xi32, #tpu.memory_space<vmem>>
      %dma_wait3A_743 = arith.constant 0 : i32
      %dma_wait3A_744 = arith.constant 0 : i32
      %dma_wait3A_745 = tpu.memref_slice %arg2[%add3A_50, %dma_wait3A_743, %dma_wait3A_744] : memref<4x10000x128xf32, #tpu.memory_space<hbm>> -> memref<1x10000x128xf32, #tpu.memory_space<hbm>>
      %dma_wait3A_746 = tpu.memref_squeeze %dma_wait3A_745 : memref<1x10000x128xf32, #tpu.memory_space<hbm>> -> memref<10000x128xf32, #tpu.memory_space<hbm>>
      %dma_wait3A_747 = arith.constant 0 : i32
      %dma_wait3A_748 = arith.constant 0 : i32
      %dma_wait3A_749 = tpu.memref_slice %dma_wait3A_746[%dma_wait3A_747, %dma_wait3A_748] : memref<10000x128xf32, #tpu.memory_space<hbm>> -> memref<10000x128xf32, #tpu.memory_space<hbm>>
      tpu.wait_indirect_dma semaphore(%arg18 : memref<!tpu.dma_semaphore, #tpu.memory_space<semaphore_mem>>) src(%dma_wait3A_749 : memref<10000x128xf32, #tpu.memory_space<hbm>>) dst(%arg11 : memref<125x128xf32, #tpu.memory_space<vmem>>)
      %dma_wait3A_750 = arith.constant 0 : i32
      %dma_wait3A_751 = arith.constant 0 : i32
      %dma_wait3A_752 = tpu.memref_slice %arg3[%arg1, %dma_wait3A_750, %dma_wait3A_751] : memref<16x160x125xi32, #tpu.memory_space<hbm>> -> memref<1x160x125xi32, #tpu.memory_space<hbm>>
      %dma_wait3A_753 = tpu.memref_squeeze %dma_wait3A_752 : memref<1x160x125xi32, #tpu.memory_space<hbm>> -> memref<160x125xi32, #tpu.memory_space<hbm>>
      %dma_wait3A_754 = arith.constant 0 : i32
      %dma_wait3A_755 = arith.constant 0 : i32
      %dma_wait3A_756 = tpu.memref_slice %dma_wait3A_753[%dma_wait3A_754, %dma_wait3A_755] : memref<160x125xi32, #tpu.memory_space<hbm>> -> memref<16x125xi32, #tpu.memory_space<hbm>>
      %dma_wait3A_757 = arith.constant 0 : i32
      %dma_wait3A_758 = arith.constant 0 : i32
      %dma_wait3A_759 = tpu.memref_slice %arg3[%arg1, %dma_wait3A_757, %dma_wait3A_758] : memref<16x160x125xi32, #tpu.memory_space<hbm>> -> memref<1x160x125xi32, #tpu.memory_space<hbm>>
      %dma_wait3A_760 = tpu.memref_squeeze %dma_wait3A_759 : memref<1x160x125xi32, #tpu.memory_space<hbm>> -> memref<160x125xi32, #tpu.memory_space<hbm>>
      %dma_wait3A_761 = arith.constant 0 : i32
      %dma_wait3A_762 = arith.constant 0 : i32
      %dma_wait3A_763 = tpu.memref_slice %dma_wait3A_760[%dma_wait3A_761, %dma_wait3A_762] : memref<160x125xi32, #tpu.memory_space<hbm>> -> memref<16x125xi32, #tpu.memory_space<hbm>>
      tpu.wait_dma2 semaphore(%arg17 : memref<!tpu.dma_semaphore, #tpu.memory_space<semaphore_mem>>) src(%dma_wait3A_763 : memref<16x125xi32, #tpu.memory_space<hbm>>) dst(%arg9 : memref<16x125xi32, #tpu.memory_space<vmem>>)
      %dma_wait3A_764 = arith.constant 0 : i32
      %dma_wait3A_765 = arith.constant 0 : i32
      %dma_wait3A_766 = tpu.memref_slice %arg3[%arg1, %dma_wait3A_764, %dma_wait3A_765] : memref<16x160x125xi32, #tpu.memory_space<hbm>> -> memref<1x160x125xi32, #tpu.memory_space<hbm>>
      %dma_wait3A_767 = tpu.memref_squeeze %dma_wait3A_766 : memref<1x160x125xi32, #tpu.memory_space<hbm>> -> memref<160x125xi32, #tpu.memory_space<hbm>>
      %dma_wait3A_768 = arith.constant 0 : i32
      %dma_wait3A_769 = arith.constant 0 : i32
      %dma_wait3A_770 = tpu.memref_slice %dma_wait3A_767[%dma_wait3A_768, %dma_wait3A_769] : memref<160x125xi32, #tpu.memory_space<hbm>> -> memref<16x125xi32, #tpu.memory_space<hbm>>
      %dma_wait3A_771 = arith.constant 0 : i32
      %dma_wait3A_772 = arith.constant 0 : i32
      %dma_wait3A_773 = tpu.memref_slice %arg3[%arg1, %dma_wait3A_771, %dma_wait3A_772] : memref<16x160x125xi32, #tpu.memory_space<hbm>> -> memref<1x160x125xi32, #tpu.memory_space<hbm>>
      %dma_wait3A_774 = tpu.memref_squeeze %dma_wait3A_773 : memref<1x160x125xi32, #tpu.memory_space<hbm>> -> memref<160x125xi32, #tpu.memory_space<hbm>>
      %dma_wait3A_775 = arith.constant 0 : i32
      %dma_wait3A_776 = arith.constant 0 : i32
      %dma_wait3A_777 = tpu.memref_slice %dma_wait3A_774[%dma_wait3A_775, %dma_wait3A_776] : memref<160x125xi32, #tpu.memory_space<hbm>> -> memref<16x125xi32, #tpu.memory_space<hbm>>
      tpu.wait_dma2 semaphore(%arg17 : memref<!tpu.dma_semaphore, #tpu.memory_space<semaphore_mem>>) src(%dma_wait3A_777 : memref<16x125xi32, #tpu.memory_space<hbm>>) dst(%arg9 : memref<16x125xi32, #tpu.memory_space<vmem>>)
      %dma_start3A_778 = arith.constant 0 : i32
      %dma_start3A_779 = arith.constant 0 : i32
      %dma_start3A_780 = tpu.memref_slice %arg9[%dma_start3A_778, %dma_start3A_779] : memref<16x125xi32, #tpu.memory_space<vmem>> -> memref<1x125xi32, #tpu.memory_space<vmem>>
      %dma_start3A_781 = tpu.memref_squeeze %dma_start3A_780 : memref<1x125xi32, #tpu.memory_space<vmem>> -> memref<125xi32, #tpu.memory_space<vmem>>
      %dma_start3A_782 = arith.constant 0 : i32
      %dma_start3A_783 = arith.constant 0 : i32
      %dma_start3A_784 = tpu.memref_slice %arg2[%add3A_50, %dma_start3A_782, %dma_start3A_783] : memref<4x10000x128xf32, #tpu.memory_space<hbm>> -> memref<1x10000x128xf32, #tpu.memory_space<hbm>>
      %dma_start3A_785 = tpu.memref_squeeze %dma_start3A_784 : memref<1x10000x128xf32, #tpu.memory_space<hbm>> -> memref<10000x128xf32, #tpu.memory_space<hbm>>
      %dma_start3A_786 = arith.constant 0 : i32
      %dma_start3A_787 = arith.constant 0 : i32
      %dma_start3A_788 = tpu.memref_slice %dma_start3A_785[%dma_start3A_786, %dma_start3A_787] : memref<10000x128xf32, #tpu.memory_space<hbm>> -> memref<10000x128xf32, #tpu.memory_space<hbm>>
      tpu.enqueue_indirect_dma source(%dma_start3A_788 : memref<10000x128xf32, #tpu.memory_space<hbm>>) target(%arg11 : memref<125x128xf32, #tpu.memory_space<vmem>>) offsets(%dma_start3A_781 : memref<125xi32, #tpu.memory_space<vmem>>) semaphore(%arg14 : memref<!tpu.dma_semaphore, #tpu.memory_space<semaphore_mem>>)
      %dma_start3A_789 = arith.constant 15 : i32
      %dma_start3A_790 = arith.constant 0 : i32
      %dma_start3A_791 = tpu.memref_slice %arg8[%dma_start3A_789, %dma_start3A_790] : memref<16x125xi32, #tpu.memory_space<vmem>> -> memref<1x125xi32, #tpu.memory_space<vmem>>
      %dma_start3A_792 = tpu.memref_squeeze %dma_start3A_791 : memref<1x125xi32, #tpu.memory_space<vmem>> -> memref<125xi32, #tpu.memory_space<vmem>>
      %dma_start3A_793 = arith.constant 0 : i32
      %dma_start3A_794 = arith.constant 0 : i32
      %dma_start3A_795 = tpu.memref_slice %arg13[%dma_start3A_793, %dma_start3A_794] : memref<10000x128xf32, #tpu.memory_space<vmem_shared>> -> memref<10000x128xf32, #tpu.memory_space<vmem_shared>>
      tpu.enqueue_indirect_dma source(%arg12 : memref<125x128xf32, #tpu.memory_space<vmem>>) target(%dma_start3A_795 : memref<10000x128xf32, #tpu.memory_space<vmem_shared>>) offsets(%dma_start3A_792 : memref<125xi32, #tpu.memory_space<vmem>>) semaphore(%arg19 : memref<!tpu.dma_semaphore, #tpu.memory_space<semaphore_mem>>) {add = true}
      %mul3A_796 = arith.constant 2 : i32
      %mul3A_797 = arith.muli %mul3A_796, %scan3A_102 : i32
      %add3A_798 = arith.constant 2 : i32
      %add3A_799 = arith.addi %mul3A_797, %add3A_798 : i32
      %lt3A_800 = arith.constant 10 : i32
      %lt3A_801 = arith.cmpi slt, %add3A_799, %lt3A_800 : i32
      %convert_element_type3A_802 = arith.extui %lt3A_801 : i1 to i32
      %cond3A_803 = arith.constant 0 : i32
      %cond3A_804 = arith.cmpi ne, %convert_element_type3A_802, %cond3A_803 : i32
      scf.if %cond3A_804 {
        %mul3A_1439 = arith.constant 16 : i32
        %mul3A_1440 = arith.muli %add3A_799, %mul3A_1439 : i32
        %dma_start3A_1441 = arith.constant 0 : i32
        %dma_start3A_1442 = arith.constant 0 : i32
        %dma_start3A_1443 = tpu.memref_slice %arg3[%arg1, %dma_start3A_1441, %dma_start3A_1442] : memref<16x160x125xi32, #tpu.memory_space<hbm>> -> memref<1x160x125xi32, #tpu.memory_space<hbm>>
        %dma_start3A_1444 = tpu.memref_squeeze %dma_start3A_1443 : memref<1x160x125xi32, #tpu.memory_space<hbm>> -> memref<160x125xi32, #tpu.memory_space<hbm>>
        %dma_start3A_1445 = arith.constant 0 : i32
        %dma_start3A_1446 = tpu.memref_slice %dma_start3A_1444[%mul3A_1440, %dma_start3A_1445] : memref<160x125xi32, #tpu.memory_space<hbm>> -> memref<16x125xi32, #tpu.memory_space<hbm>>
        %dma_start3A_1447 = arith.constant 0 : i32
        %dma_start3A_1448 = arith.constant 0 : i32
        %dma_start3A_1449 = tpu.memref_slice %arg3[%arg1, %dma_start3A_1447, %dma_start3A_1448] : memref<16x160x125xi32, #tpu.memory_space<hbm>> -> memref<1x160x125xi32, #tpu.memory_space<hbm>>
        %dma_start3A_1450 = tpu.memref_squeeze %dma_start3A_1449 : memref<1x160x125xi32, #tpu.memory_space<hbm>> -> memref<160x125xi32, #tpu.memory_space<hbm>>
        %dma_start3A_1451 = arith.constant 0 : i32
        %dma_start3A_1452 = tpu.memref_slice %dma_start3A_1450[%mul3A_1440, %dma_start3A_1451] : memref<160x125xi32, #tpu.memory_space<hbm>> -> memref<16x125xi32, #tpu.memory_space<hbm>>
        tpu.enqueue_dma source(%dma_start3A_1452 : memref<16x125xi32, #tpu.memory_space<hbm>>) target(%arg7 : memref<16x125xi32, #tpu.memory_space<vmem>>) target_semaphore(%arg16 : memref<!tpu.dma_semaphore, #tpu.memory_space<semaphore_mem>>)
        %mul3A_1453 = arith.constant 16 : i32
        %mul3A_1454 = arith.muli %add3A_799, %mul3A_1453 : i32
        %dma_start3A_1455 = arith.constant 0 : i32
        %dma_start3A_1456 = arith.constant 0 : i32
        %dma_start3A_1457 = tpu.memref_slice %arg4[%arg1, %dma_start3A_1455, %dma_start3A_1456] : memref<16x160x125xi32, #tpu.memory_space<hbm>> -> memref<1x160x125xi32, #tpu.memory_space<hbm>>
        %dma_start3A_1458 = tpu.memref_squeeze %dma_start3A_1457 : memref<1x160x125xi32, #tpu.memory_space<hbm>> -> memref<160x125xi32, #tpu.memory_space<hbm>>
        %dma_start3A_1459 = arith.constant 0 : i32
        %dma_start3A_1460 = tpu.memref_slice %dma_start3A_1458[%mul3A_1454, %dma_start3A_1459] : memref<160x125xi32, #tpu.memory_space<hbm>> -> memref<16x125xi32, #tpu.memory_space<hbm>>
        %dma_start3A_1461 = arith.constant 0 : i32
        %dma_start3A_1462 = arith.constant 0 : i32
        %dma_start3A_1463 = tpu.memref_slice %arg4[%arg1, %dma_start3A_1461, %dma_start3A_1462] : memref<16x160x125xi32, #tpu.memory_space<hbm>> -> memref<1x160x125xi32, #tpu.memory_space<hbm>>
        %dma_start3A_1464 = tpu.memref_squeeze %dma_start3A_1463 : memref<1x160x125xi32, #tpu.memory_space<hbm>> -> memref<160x125xi32, #tpu.memory_space<hbm>>
        %dma_start3A_1465 = arith.constant 0 : i32
        %dma_start3A_1466 = tpu.memref_slice %dma_start3A_1464[%mul3A_1454, %dma_start3A_1465] : memref<160x125xi32, #tpu.memory_space<hbm>> -> memref<16x125xi32, #tpu.memory_space<hbm>>
        tpu.enqueue_dma source(%dma_start3A_1466 : memref<16x125xi32, #tpu.memory_space<hbm>>) target(%arg8 : memref<16x125xi32, #tpu.memory_space<vmem>>) target_semaphore(%arg16 : memref<!tpu.dma_semaphore, #tpu.memory_space<semaphore_mem>>)
      } else {
      }
      %lt3A_805 = arith.constant 4 : i32
      %lt3A_806 = arith.cmpi slt, %scan3A_102, %lt3A_805 : i32
      %dma_wait3A_807 = arith.constant 0 : i32
      %dma_wait3A_808 = arith.constant 0 : i32
      %dma_wait3A_809 = tpu.memref_slice %arg7[%dma_wait3A_807, %dma_wait3A_808] : memref<16x125xi32, #tpu.memory_space<vmem>> -> memref<1x125xi32, #tpu.memory_space<vmem>>
      %dma_wait3A_810 = tpu.memref_squeeze %dma_wait3A_809 : memref<1x125xi32, #tpu.memory_space<vmem>> -> memref<125xi32, #tpu.memory_space<vmem>>
      %dma_wait3A_811 = arith.constant 0 : i32
      %dma_wait3A_812 = arith.constant 0 : i32
      %dma_wait3A_813 = tpu.memref_slice %arg2[%add3A_50, %dma_wait3A_811, %dma_wait3A_812] : memref<4x10000x128xf32, #tpu.memory_space<hbm>> -> memref<1x10000x128xf32, #tpu.memory_space<hbm>>
      %dma_wait3A_814 = tpu.memref_squeeze %dma_wait3A_813 : memref<1x10000x128xf32, #tpu.memory_space<hbm>> -> memref<10000x128xf32, #tpu.memory_space<hbm>>
      %dma_wait3A_815 = arith.constant 0 : i32
      %dma_wait3A_816 = arith.constant 0 : i32
      %dma_wait3A_817 = tpu.memref_slice %dma_wait3A_814[%dma_wait3A_815, %dma_wait3A_816] : memref<10000x128xf32, #tpu.memory_space<hbm>> -> memref<10000x128xf32, #tpu.memory_space<hbm>>
      tpu.wait_indirect_dma semaphore(%arg14 : memref<!tpu.dma_semaphore, #tpu.memory_space<semaphore_mem>>) src(%dma_wait3A_817 : memref<10000x128xf32, #tpu.memory_space<hbm>>) dst(%arg11 : memref<125x128xf32, #tpu.memory_space<vmem>>)
      %dma_wait3A_818 = arith.constant 0 : i32
      %dma_wait3A_819 = arith.constant 0 : i32
      %dma_wait3A_820 = tpu.memref_slice %arg7[%dma_wait3A_818, %dma_wait3A_819] : memref<16x125xi32, #tpu.memory_space<vmem>> -> memref<1x125xi32, #tpu.memory_space<vmem>>
      %dma_wait3A_821 = tpu.memref_squeeze %dma_wait3A_820 : memref<1x125xi32, #tpu.memory_space<vmem>> -> memref<125xi32, #tpu.memory_space<vmem>>
      %dma_wait3A_822 = arith.constant 0 : i32
      %dma_wait3A_823 = arith.constant 0 : i32
      %dma_wait3A_824 = tpu.memref_slice %arg2[%add3A_50, %dma_wait3A_822, %dma_wait3A_823] : memref<4x10000x128xf32, #tpu.memory_space<hbm>> -> memref<1x10000x128xf32, #tpu.memory_space<hbm>>
      %dma_wait3A_825 = tpu.memref_squeeze %dma_wait3A_824 : memref<1x10000x128xf32, #tpu.memory_space<hbm>> -> memref<10000x128xf32, #tpu.memory_space<hbm>>
      %dma_wait3A_826 = arith.constant 0 : i32
      %dma_wait3A_827 = arith.constant 0 : i32
      %dma_wait3A_828 = tpu.memref_slice %dma_wait3A_825[%dma_wait3A_826, %dma_wait3A_827] : memref<10000x128xf32, #tpu.memory_space<hbm>> -> memref<10000x128xf32, #tpu.memory_space<hbm>>
      tpu.wait_indirect_dma semaphore(%arg19 : memref<!tpu.dma_semaphore, #tpu.memory_space<semaphore_mem>>) src(%dma_wait3A_828 : memref<10000x128xf32, #tpu.memory_space<hbm>>) dst(%arg12 : memref<125x128xf32, #tpu.memory_space<vmem>>)
      %dma_start3A_829 = arith.constant 1 : i32
      %dma_start3A_830 = arith.constant 0 : i32
      %dma_start3A_831 = tpu.memref_slice %arg9[%dma_start3A_829, %dma_start3A_830] : memref<16x125xi32, #tpu.memory_space<vmem>> -> memref<1x125xi32, #tpu.memory_space<vmem>>
      %dma_start3A_832 = tpu.memref_squeeze %dma_start3A_831 : memref<1x125xi32, #tpu.memory_space<vmem>> -> memref<125xi32, #tpu.memory_space<vmem>>
      %dma_start3A_833 = arith.constant 0 : i32
      %dma_start3A_834 = arith.constant 0 : i32
      %dma_start3A_835 = tpu.memref_slice %arg2[%add3A_50, %dma_start3A_833, %dma_start3A_834] : memref<4x10000x128xf32, #tpu.memory_space<hbm>> -> memref<1x10000x128xf32, #tpu.memory_space<hbm>>
      %dma_start3A_836 = tpu.memref_squeeze %dma_start3A_835 : memref<1x10000x128xf32, #tpu.memory_space<hbm>> -> memref<10000x128xf32, #tpu.memory_space<hbm>>
      %dma_start3A_837 = arith.constant 0 : i32
      %dma_start3A_838 = arith.constant 0 : i32
      %dma_start3A_839 = tpu.memref_slice %dma_start3A_836[%dma_start3A_837, %dma_start3A_838] : memref<10000x128xf32, #tpu.memory_space<hbm>> -> memref<10000x128xf32, #tpu.memory_space<hbm>>
      tpu.enqueue_indirect_dma source(%dma_start3A_839 : memref<10000x128xf32, #tpu.memory_space<hbm>>) target(%arg12 : memref<125x128xf32, #tpu.memory_space<vmem>>) offsets(%dma_start3A_832 : memref<125xi32, #tpu.memory_space<vmem>>) semaphore(%arg15 : memref<!tpu.dma_semaphore, #tpu.memory_space<semaphore_mem>>)
      %dma_start3A_840 = arith.constant 0 : i32
      %dma_start3A_841 = arith.constant 0 : i32
      %dma_start3A_842 = tpu.memref_slice %arg10[%dma_start3A_840, %dma_start3A_841] : memref<16x125xi32, #tpu.memory_space<vmem>> -> memref<1x125xi32, #tpu.memory_space<vmem>>
      %dma_start3A_843 = tpu.memref_squeeze %dma_start3A_842 : memref<1x125xi32, #tpu.memory_space<vmem>> -> memref<125xi32, #tpu.memory_space<vmem>>
      %dma_start3A_844 = arith.constant 0 : i32
      %dma_start3A_845 = arith.constant 0 : i32
      %dma_start3A_846 = tpu.memref_slice %arg13[%dma_start3A_844, %dma_start3A_845] : memref<10000x128xf32, #tpu.memory_space<vmem_shared>> -> memref<10000x128xf32, #tpu.memory_space<vmem_shared>>
      tpu.enqueue_indirect_dma source(%arg11 : memref<125x128xf32, #tpu.memory_space<vmem>>) target(%dma_start3A_846 : memref<10000x128xf32, #tpu.memory_space<vmem_shared>>) offsets(%dma_start3A_843 : memref<125xi32, #tpu.memory_space<vmem>>) semaphore(%arg18 : memref<!tpu.dma_semaphore, #tpu.memory_space<semaphore_mem>>) {add = true}
      %dma_wait3A_847 = arith.constant 0 : i32
      %dma_wait3A_848 = arith.constant 0 : i32
      %dma_wait3A_849 = tpu.memref_slice %arg7[%dma_wait3A_847, %dma_wait3A_848] : memref<16x125xi32, #tpu.memory_space<vmem>> -> memref<1x125xi32, #tpu.memory_space<vmem>>
      %dma_wait3A_850 = tpu.memref_squeeze %dma_wait3A_849 : memref<1x125xi32, #tpu.memory_space<vmem>> -> memref<125xi32, #tpu.memory_space<vmem>>
      %dma_wait3A_851 = arith.constant 0 : i32
      %dma_wait3A_852 = arith.constant 0 : i32
      %dma_wait3A_853 = tpu.memref_slice %arg2[%add3A_50, %dma_wait3A_851, %dma_wait3A_852] : memref<4x10000x128xf32, #tpu.memory_space<hbm>> -> memref<1x10000x128xf32, #tpu.memory_space<hbm>>
      %dma_wait3A_854 = tpu.memref_squeeze %dma_wait3A_853 : memref<1x10000x128xf32, #tpu.memory_space<hbm>> -> memref<10000x128xf32, #tpu.memory_space<hbm>>
      %dma_wait3A_855 = arith.constant 0 : i32
      %dma_wait3A_856 = arith.constant 0 : i32
      %dma_wait3A_857 = tpu.memref_slice %dma_wait3A_854[%dma_wait3A_855, %dma_wait3A_856] : memref<10000x128xf32, #tpu.memory_space<hbm>> -> memref<10000x128xf32, #tpu.memory_space<hbm>>
      tpu.wait_indirect_dma semaphore(%arg15 : memref<!tpu.dma_semaphore, #tpu.memory_space<semaphore_mem>>) src(%dma_wait3A_857 : memref<10000x128xf32, #tpu.memory_space<hbm>>) dst(%arg12 : memref<125x128xf32, #tpu.memory_space<vmem>>)
      %dma_wait3A_858 = arith.constant 0 : i32
      %dma_wait3A_859 = arith.constant 0 : i32
      %dma_wait3A_860 = tpu.memref_slice %arg7[%dma_wait3A_858, %dma_wait3A_859] : memref<16x125xi32, #tpu.memory_space<vmem>> -> memref<1x125xi32, #tpu.memory_space<vmem>>
      %dma_wait3A_861 = tpu.memref_squeeze %dma_wait3A_860 : memref<1x125xi32, #tpu.memory_space<vmem>> -> memref<125xi32, #tpu.memory_space<vmem>>
      %dma_wait3A_862 = arith.constant 0 : i32
      %dma_wait3A_863 = arith.constant 0 : i32
      %dma_wait3A_864 = tpu.memref_slice %arg2[%add3A_50, %dma_wait3A_862, %dma_wait3A_863] : memref<4x10000x128xf32, #tpu.memory_space<hbm>> -> memref<1x10000x128xf32, #tpu.memory_space<hbm>>
      %dma_wait3A_865 = tpu.memref_squeeze %dma_wait3A_864 : memref<1x10000x128xf32, #tpu.memory_space<hbm>> -> memref<10000x128xf32, #tpu.memory_space<hbm>>
      %dma_wait3A_866 = arith.constant 0 : i32
      %dma_wait3A_867 = arith.constant 0 : i32
      %dma_wait3A_868 = tpu.memref_slice %dma_wait3A_865[%dma_wait3A_866, %dma_wait3A_867] : memref<10000x128xf32, #tpu.memory_space<hbm>> -> memref<10000x128xf32, #tpu.memory_space<hbm>>
      tpu.wait_indirect_dma semaphore(%arg18 : memref<!tpu.dma_semaphore, #tpu.memory_space<semaphore_mem>>) src(%dma_wait3A_868 : memref<10000x128xf32, #tpu.memory_space<hbm>>) dst(%arg11 : memref<125x128xf32, #tpu.memory_space<vmem>>)
      %dma_start3A_869 = arith.constant 2 : i32
      %dma_start3A_870 = arith.constant 0 : i32
      %dma_start3A_871 = tpu.memref_slice %arg9[%dma_start3A_869, %dma_start3A_870] : memref<16x125xi32, #tpu.memory_space<vmem>> -> memref<1x125xi32, #tpu.memory_space<vmem>>
      %dma_start3A_872 = tpu.memref_squeeze %dma_start3A_871 : memref<1x125xi32, #tpu.memory_space<vmem>> -> memref<125xi32, #tpu.memory_space<vmem>>
      %dma_start3A_873 = arith.constant 0 : i32
      %dma_start3A_874 = arith.constant 0 : i32
      %dma_start3A_875 = tpu.memref_slice %arg2[%add3A_50, %dma_start3A_873, %dma_start3A_874] : memref<4x10000x128xf32, #tpu.memory_space<hbm>> -> memref<1x10000x128xf32, #tpu.memory_space<hbm>>
      %dma_start3A_876 = tpu.memref_squeeze %dma_start3A_875 : memref<1x10000x128xf32, #tpu.memory_space<hbm>> -> memref<10000x128xf32, #tpu.memory_space<hbm>>
      %dma_start3A_877 = arith.constant 0 : i32
      %dma_start3A_878 = arith.constant 0 : i32
      %dma_start3A_879 = tpu.memref_slice %dma_start3A_876[%dma_start3A_877, %dma_start3A_878] : memref<10000x128xf32, #tpu.memory_space<hbm>> -> memref<10000x128xf32, #tpu.memory_space<hbm>>
      tpu.enqueue_indirect_dma source(%dma_start3A_879 : memref<10000x128xf32, #tpu.memory_space<hbm>>) target(%arg11 : memref<125x128xf32, #tpu.memory_space<vmem>>) offsets(%dma_start3A_872 : memref<125xi32, #tpu.memory_space<vmem>>) semaphore(%arg14 : memref<!tpu.dma_semaphore, #tpu.memory_space<semaphore_mem>>)
      %dma_start3A_880 = arith.constant 1 : i32
      %dma_start3A_881 = arith.constant 0 : i32
      %dma_start3A_882 = tpu.memref_slice %arg10[%dma_start3A_880, %dma_start3A_881] : memref<16x125xi32, #tpu.memory_space<vmem>> -> memref<1x125xi32, #tpu.memory_space<vmem>>
      %dma_start3A_883 = tpu.memref_squeeze %dma_start3A_882 : memref<1x125xi32, #tpu.memory_space<vmem>> -> memref<125xi32, #tpu.memory_space<vmem>>
      %dma_start3A_884 = arith.constant 0 : i32
      %dma_start3A_885 = arith.constant 0 : i32
      %dma_start3A_886 = tpu.memref_slice %arg13[%dma_start3A_884, %dma_start3A_885] : memref<10000x128xf32, #tpu.memory_space<vmem_shared>> -> memref<10000x128xf32, #tpu.memory_space<vmem_shared>>
      tpu.enqueue_indirect_dma source(%arg12 : memref<125x128xf32, #tpu.memory_space<vmem>>) target(%dma_start3A_886 : memref<10000x128xf32, #tpu.memory_space<vmem_shared>>) offsets(%dma_start3A_883 : memref<125xi32, #tpu.memory_space<vmem>>) semaphore(%arg19 : memref<!tpu.dma_semaphore, #tpu.memory_space<semaphore_mem>>) {add = true}
      %dma_wait3A_887 = arith.constant 0 : i32
      %dma_wait3A_888 = arith.constant 0 : i32
      %dma_wait3A_889 = tpu.memref_slice %arg7[%dma_wait3A_887, %dma_wait3A_888] : memref<16x125xi32, #tpu.memory_space<vmem>> -> memref<1x125xi32, #tpu.memory_space<vmem>>
      %dma_wait3A_890 = tpu.memref_squeeze %dma_wait3A_889 : memref<1x125xi32, #tpu.memory_space<vmem>> -> memref<125xi32, #tpu.memory_space<vmem>>
      %dma_wait3A_891 = arith.constant 0 : i32
      %dma_wait3A_892 = arith.constant 0 : i32
      %dma_wait3A_893 = tpu.memref_slice %arg2[%add3A_50, %dma_wait3A_891, %dma_wait3A_892] : memref<4x10000x128xf32, #tpu.memory_space<hbm>> -> memref<1x10000x128xf32, #tpu.memory_space<hbm>>
      %dma_wait3A_894 = tpu.memref_squeeze %dma_wait3A_893 : memref<1x10000x128xf32, #tpu.memory_space<hbm>> -> memref<10000x128xf32, #tpu.memory_space<hbm>>
      %dma_wait3A_895 = arith.constant 0 : i32
      %dma_wait3A_896 = arith.constant 0 : i32
      %dma_wait3A_897 = tpu.memref_slice %dma_wait3A_894[%dma_wait3A_895, %dma_wait3A_896] : memref<10000x128xf32, #tpu.memory_space<hbm>> -> memref<10000x128xf32, #tpu.memory_space<hbm>>
      tpu.wait_indirect_dma semaphore(%arg14 : memref<!tpu.dma_semaphore, #tpu.memory_space<semaphore_mem>>) src(%dma_wait3A_897 : memref<10000x128xf32, #tpu.memory_space<hbm>>) dst(%arg11 : memref<125x128xf32, #tpu.memory_space<vmem>>)
      %dma_wait3A_898 = arith.constant 0 : i32
      %dma_wait3A_899 = arith.constant 0 : i32
      %dma_wait3A_900 = tpu.memref_slice %arg7[%dma_wait3A_898, %dma_wait3A_899] : memref<16x125xi32, #tpu.memory_space<vmem>> -> memref<1x125xi32, #tpu.memory_space<vmem>>
      %dma_wait3A_901 = tpu.memref_squeeze %dma_wait3A_900 : memref<1x125xi32, #tpu.memory_space<vmem>> -> memref<125xi32, #tpu.memory_space<vmem>>
      %dma_wait3A_902 = arith.constant 0 : i32
      %dma_wait3A_903 = arith.constant 0 : i32
      %dma_wait3A_904 = tpu.memref_slice %arg2[%add3A_50, %dma_wait3A_902, %dma_wait3A_903] : memref<4x10000x128xf32, #tpu.memory_space<hbm>> -> memref<1x10000x128xf32, #tpu.memory_space<hbm>>
      %dma_wait3A_905 = tpu.memref_squeeze %dma_wait3A_904 : memref<1x10000x128xf32, #tpu.memory_space<hbm>> -> memref<10000x128xf32, #tpu.memory_space<hbm>>
      %dma_wait3A_906 = arith.constant 0 : i32
      %dma_wait3A_907 = arith.constant 0 : i32
      %dma_wait3A_908 = tpu.memref_slice %dma_wait3A_905[%dma_wait3A_906, %dma_wait3A_907] : memref<10000x128xf32, #tpu.memory_space<hbm>> -> memref<10000x128xf32, #tpu.memory_space<hbm>>
      tpu.wait_indirect_dma semaphore(%arg19 : memref<!tpu.dma_semaphore, #tpu.memory_space<semaphore_mem>>) src(%dma_wait3A_908 : memref<10000x128xf32, #tpu.memory_space<hbm>>) dst(%arg12 : memref<125x128xf32, #tpu.memory_space<vmem>>)
      %dma_start3A_909 = arith.constant 3 : i32
      %dma_start3A_910 = arith.constant 0 : i32
      %dma_start3A_911 = tpu.memref_slice %arg9[%dma_start3A_909, %dma_start3A_910] : memref<16x125xi32, #tpu.memory_space<vmem>> -> memref<1x125xi32, #tpu.memory_space<vmem>>
      %dma_start3A_912 = tpu.memref_squeeze %dma_start3A_911 : memref<1x125xi32, #tpu.memory_space<vmem>> -> memref<125xi32, #tpu.memory_space<vmem>>
      %dma_start3A_913 = arith.constant 0 : i32
      %dma_start3A_914 = arith.constant 0 : i32
      %dma_start3A_915 = tpu.memref_slice %arg2[%add3A_50, %dma_start3A_913, %dma_start3A_914] : memref<4x10000x128xf32, #tpu.memory_space<hbm>> -> memref<1x10000x128xf32, #tpu.memory_space<hbm>>
      %dma_start3A_916 = tpu.memref_squeeze %dma_start3A_915 : memref<1x10000x128xf32, #tpu.memory_space<hbm>> -> memref<10000x128xf32, #tpu.memory_space<hbm>>
      %dma_start3A_917 = arith.constant 0 : i32
      %dma_start3A_918 = arith.constant 0 : i32
      %dma_start3A_919 = tpu.memref_slice %dma_start3A_916[%dma_start3A_917, %dma_start3A_918] : memref<10000x128xf32, #tpu.memory_space<hbm>> -> memref<10000x128xf32, #tpu.memory_space<hbm>>
      tpu.enqueue_indirect_dma source(%dma_start3A_919 : memref<10000x128xf32, #tpu.memory_space<hbm>>) target(%arg12 : memref<125x128xf32, #tpu.memory_space<vmem>>) offsets(%dma_start3A_912 : memref<125xi32, #tpu.memory_space<vmem>>) semaphore(%arg15 : memref<!tpu.dma_semaphore, #tpu.memory_space<semaphore_mem>>)
      %dma_start3A_920 = arith.constant 2 : i32
      %dma_start3A_921 = arith.constant 0 : i32
      %dma_start3A_922 = tpu.memref_slice %arg10[%dma_start3A_920, %dma_start3A_921] : memref<16x125xi32, #tpu.memory_space<vmem>> -> memref<1x125xi32, #tpu.memory_space<vmem>>
      %dma_start3A_923 = tpu.memref_squeeze %dma_start3A_922 : memref<1x125xi32, #tpu.memory_space<vmem>> -> memref<125xi32, #tpu.memory_space<vmem>>
      %dma_start3A_924 = arith.constant 0 : i32
      %dma_start3A_925 = arith.constant 0 : i32
      %dma_start3A_926 = tpu.memref_slice %arg13[%dma_start3A_924, %dma_start3A_925] : memref<10000x128xf32, #tpu.memory_space<vmem_shared>> -> memref<10000x128xf32, #tpu.memory_space<vmem_shared>>
      tpu.enqueue_indirect_dma source(%arg11 : memref<125x128xf32, #tpu.memory_space<vmem>>) target(%dma_start3A_926 : memref<10000x128xf32, #tpu.memory_space<vmem_shared>>) offsets(%dma_start3A_923 : memref<125xi32, #tpu.memory_space<vmem>>) semaphore(%arg18 : memref<!tpu.dma_semaphore, #tpu.memory_space<semaphore_mem>>) {add = true}
      %dma_wait3A_927 = arith.constant 0 : i32
      %dma_wait3A_928 = arith.constant 0 : i32
      %dma_wait3A_929 = tpu.memref_slice %arg7[%dma_wait3A_927, %dma_wait3A_928] : memref<16x125xi32, #tpu.memory_space<vmem>> -> memref<1x125xi32, #tpu.memory_space<vmem>>
      %dma_wait3A_930 = tpu.memref_squeeze %dma_wait3A_929 : memref<1x125xi32, #tpu.memory_space<vmem>> -> memref<125xi32, #tpu.memory_space<vmem>>
      %dma_wait3A_931 = arith.constant 0 : i32
      %dma_wait3A_932 = arith.constant 0 : i32
      %dma_wait3A_933 = tpu.memref_slice %arg2[%add3A_50, %dma_wait3A_931, %dma_wait3A_932] : memref<4x10000x128xf32, #tpu.memory_space<hbm>> -> memref<1x10000x128xf32, #tpu.memory_space<hbm>>
      %dma_wait3A_934 = tpu.memref_squeeze %dma_wait3A_933 : memref<1x10000x128xf32, #tpu.memory_space<hbm>> -> memref<10000x128xf32, #tpu.memory_space<hbm>>
      %dma_wait3A_935 = arith.constant 0 : i32
      %dma_wait3A_936 = arith.constant 0 : i32
      %dma_wait3A_937 = tpu.memref_slice %dma_wait3A_934[%dma_wait3A_935, %dma_wait3A_936] : memref<10000x128xf32, #tpu.memory_space<hbm>> -> memref<10000x128xf32, #tpu.memory_space<hbm>>
      tpu.wait_indirect_dma semaphore(%arg15 : memref<!tpu.dma_semaphore, #tpu.memory_space<semaphore_mem>>) src(%dma_wait3A_937 : memref<10000x128xf32, #tpu.memory_space<hbm>>) dst(%arg12 : memref<125x128xf32, #tpu.memory_space<vmem>>)
      %dma_wait3A_938 = arith.constant 0 : i32
      %dma_wait3A_939 = arith.constant 0 : i32
      %dma_wait3A_940 = tpu.memref_slice %arg7[%dma_wait3A_938, %dma_wait3A_939] : memref<16x125xi32, #tpu.memory_space<vmem>> -> memref<1x125xi32, #tpu.memory_space<vmem>>
      %dma_wait3A_941 = tpu.memref_squeeze %dma_wait3A_940 : memref<1x125xi32, #tpu.memory_space<vmem>> -> memref<125xi32, #tpu.memory_space<vmem>>
      %dma_wait3A_942 = arith.constant 0 : i32
      %dma_wait3A_943 = arith.constant 0 : i32
      %dma_wait3A_944 = tpu.memref_slice %arg2[%add3A_50, %dma_wait3A_942, %dma_wait3A_943] : memref<4x10000x128xf32, #tpu.memory_space<hbm>> -> memref<1x10000x128xf32, #tpu.memory_space<hbm>>
      %dma_wait3A_945 = tpu.memref_squeeze %dma_wait3A_944 : memref<1x10000x128xf32, #tpu.memory_space<hbm>> -> memref<10000x128xf32, #tpu.memory_space<hbm>>
      %dma_wait3A_946 = arith.constant 0 : i32
      %dma_wait3A_947 = arith.constant 0 : i32
      %dma_wait3A_948 = tpu.memref_slice %dma_wait3A_945[%dma_wait3A_946, %dma_wait3A_947] : memref<10000x128xf32, #tpu.memory_space<hbm>> -> memref<10000x128xf32, #tpu.memory_space<hbm>>
      tpu.wait_indirect_dma semaphore(%arg18 : memref<!tpu.dma_semaphore, #tpu.memory_space<semaphore_mem>>) src(%dma_wait3A_948 : memref<10000x128xf32, #tpu.memory_space<hbm>>) dst(%arg11 : memref<125x128xf32, #tpu.memory_space<vmem>>)
      %dma_start3A_949 = arith.constant 4 : i32
      %dma_start3A_950 = arith.constant 0 : i32
      %dma_start3A_951 = tpu.memref_slice %arg9[%dma_start3A_949, %dma_start3A_950] : memref<16x125xi32, #tpu.memory_space<vmem>> -> memref<1x125xi32, #tpu.memory_space<vmem>>
      %dma_start3A_952 = tpu.memref_squeeze %dma_start3A_951 : memref<1x125xi32, #tpu.memory_space<vmem>> -> memref<125xi32, #tpu.memory_space<vmem>>
      %dma_start3A_953 = arith.constant 0 : i32
      %dma_start3A_954 = arith.constant 0 : i32
      %dma_start3A_955 = tpu.memref_slice %arg2[%add3A_50, %dma_start3A_953, %dma_start3A_954] : memref<4x10000x128xf32, #tpu.memory_space<hbm>> -> memref<1x10000x128xf32, #tpu.memory_space<hbm>>
      %dma_start3A_956 = tpu.memref_squeeze %dma_start3A_955 : memref<1x10000x128xf32, #tpu.memory_space<hbm>> -> memref<10000x128xf32, #tpu.memory_space<hbm>>
      %dma_start3A_957 = arith.constant 0 : i32
      %dma_start3A_958 = arith.constant 0 : i32
      %dma_start3A_959 = tpu.memref_slice %dma_start3A_956[%dma_start3A_957, %dma_start3A_958] : memref<10000x128xf32, #tpu.memory_space<hbm>> -> memref<10000x128xf32, #tpu.memory_space<hbm>>
      tpu.enqueue_indirect_dma source(%dma_start3A_959 : memref<10000x128xf32, #tpu.memory_space<hbm>>) target(%arg11 : memref<125x128xf32, #tpu.memory_space<vmem>>) offsets(%dma_start3A_952 : memref<125xi32, #tpu.memory_space<vmem>>) semaphore(%arg14 : memref<!tpu.dma_semaphore, #tpu.memory_space<semaphore_mem>>)
      %dma_start3A_960 = arith.constant 3 : i32
      %dma_start3A_961 = arith.constant 0 : i32
      %dma_start3A_962 = tpu.memref_slice %arg10[%dma_start3A_960, %dma_start3A_961] : memref<16x125xi32, #tpu.memory_space<vmem>> -> memref<1x125xi32, #tpu.memory_space<vmem>>
      %dma_start3A_963 = tpu.memref_squeeze %dma_start3A_962 : memref<1x125xi32, #tpu.memory_space<vmem>> -> memref<125xi32, #tpu.memory_space<vmem>>
      %dma_start3A_964 = arith.constant 0 : i32
      %dma_start3A_965 = arith.constant 0 : i32
      %dma_start3A_966 = tpu.memref_slice %arg13[%dma_start3A_964, %dma_start3A_965] : memref<10000x128xf32, #tpu.memory_space<vmem_shared>> -> memref<10000x128xf32, #tpu.memory_space<vmem_shared>>
      tpu.enqueue_indirect_dma source(%arg12 : memref<125x128xf32, #tpu.memory_space<vmem>>) target(%dma_start3A_966 : memref<10000x128xf32, #tpu.memory_space<vmem_shared>>) offsets(%dma_start3A_963 : memref<125xi32, #tpu.memory_space<vmem>>) semaphore(%arg19 : memref<!tpu.dma_semaphore, #tpu.memory_space<semaphore_mem>>) {add = true}
      %dma_wait3A_967 = arith.constant 0 : i32
      %dma_wait3A_968 = arith.constant 0 : i32
      %dma_wait3A_969 = tpu.memref_slice %arg7[%dma_wait3A_967, %dma_wait3A_968] : memref<16x125xi32, #tpu.memory_space<vmem>> -> memref<1x125xi32, #tpu.memory_space<vmem>>
      %dma_wait3A_970 = tpu.memref_squeeze %dma_wait3A_969 : memref<1x125xi32, #tpu.memory_space<vmem>> -> memref<125xi32, #tpu.memory_space<vmem>>
      %dma_wait3A_971 = arith.constant 0 : i32
      %dma_wait3A_972 = arith.constant 0 : i32
      %dma_wait3A_973 = tpu.memref_slice %arg2[%add3A_50, %dma_wait3A_971, %dma_wait3A_972] : memref<4x10000x128xf32, #tpu.memory_space<hbm>> -> memref<1x10000x128xf32, #tpu.memory_space<hbm>>
      %dma_wait3A_974 = tpu.memref_squeeze %dma_wait3A_973 : memref<1x10000x128xf32, #tpu.memory_space<hbm>> -> memref<10000x128xf32, #tpu.memory_space<hbm>>
      %dma_wait3A_975 = arith.constant 0 : i32
      %dma_wait3A_976 = arith.constant 0 : i32
      %dma_wait3A_977 = tpu.memref_slice %dma_wait3A_974[%dma_wait3A_975, %dma_wait3A_976] : memref<10000x128xf32, #tpu.memory_space<hbm>> -> memref<10000x128xf32, #tpu.memory_space<hbm>>
      tpu.wait_indirect_dma semaphore(%arg14 : memref<!tpu.dma_semaphore, #tpu.memory_space<semaphore_mem>>) src(%dma_wait3A_977 : memref<10000x128xf32, #tpu.memory_space<hbm>>) dst(%arg11 : memref<125x128xf32, #tpu.memory_space<vmem>>)
      %dma_wait3A_978 = arith.constant 0 : i32
      %dma_wait3A_979 = arith.constant 0 : i32
      %dma_wait3A_980 = tpu.memref_slice %arg7[%dma_wait3A_978, %dma_wait3A_979] : memref<16x125xi32, #tpu.memory_space<vmem>> -> memref<1x125xi32, #tpu.memory_space<vmem>>
      %dma_wait3A_981 = tpu.memref_squeeze %dma_wait3A_980 : memref<1x125xi32, #tpu.memory_space<vmem>> -> memref<125xi32, #tpu.memory_space<vmem>>
      %dma_wait3A_982 = arith.constant 0 : i32
      %dma_wait3A_983 = arith.constant 0 : i32
      %dma_wait3A_984 = tpu.memref_slice %arg2[%add3A_50, %dma_wait3A_982, %dma_wait3A_983] : memref<4x10000x128xf32, #tpu.memory_space<hbm>> -> memref<1x10000x128xf32, #tpu.memory_space<hbm>>
      %dma_wait3A_985 = tpu.memref_squeeze %dma_wait3A_984 : memref<1x10000x128xf32, #tpu.memory_space<hbm>> -> memref<10000x128xf32, #tpu.memory_space<hbm>>
      %dma_wait3A_986 = arith.constant 0 : i32
      %dma_wait3A_987 = arith.constant 0 : i32
      %dma_wait3A_988 = tpu.memref_slice %dma_wait3A_985[%dma_wait3A_986, %dma_wait3A_987] : memref<10000x128xf32, #tpu.memory_space<hbm>> -> memref<10000x128xf32, #tpu.memory_space<hbm>>
      tpu.wait_indirect_dma semaphore(%arg19 : memref<!tpu.dma_semaphore, #tpu.memory_space<semaphore_mem>>) src(%dma_wait3A_988 : memref<10000x128xf32, #tpu.memory_space<hbm>>) dst(%arg12 : memref<125x128xf32, #tpu.memory_space<vmem>>)
      %dma_start3A_989 = arith.constant 5 : i32
      %dma_start3A_990 = arith.constant 0 : i32
      %dma_start3A_991 = tpu.memref_slice %arg9[%dma_start3A_989, %dma_start3A_990] : memref<16x125xi32, #tpu.memory_space<vmem>> -> memref<1x125xi32, #tpu.memory_space<vmem>>
      %dma_start3A_992 = tpu.memref_squeeze %dma_start3A_991 : memref<1x125xi32, #tpu.memory_space<vmem>> -> memref<125xi32, #tpu.memory_space<vmem>>
      %dma_start3A_993 = arith.constant 0 : i32
      %dma_start3A_994 = arith.constant 0 : i32
      %dma_start3A_995 = tpu.memref_slice %arg2[%add3A_50, %dma_start3A_993, %dma_start3A_994] : memref<4x10000x128xf32, #tpu.memory_space<hbm>> -> memref<1x10000x128xf32, #tpu.memory_space<hbm>>
      %dma_start3A_996 = tpu.memref_squeeze %dma_start3A_995 : memref<1x10000x128xf32, #tpu.memory_space<hbm>> -> memref<10000x128xf32, #tpu.memory_space<hbm>>
      %dma_start3A_997 = arith.constant 0 : i32
      %dma_start3A_998 = arith.constant 0 : i32
      %dma_start3A_999 = tpu.memref_slice %dma_start3A_996[%dma_start3A_997, %dma_start3A_998] : memref<10000x128xf32, #tpu.memory_space<hbm>> -> memref<10000x128xf32, #tpu.memory_space<hbm>>
      tpu.enqueue_indirect_dma source(%dma_start3A_999 : memref<10000x128xf32, #tpu.memory_space<hbm>>) target(%arg12 : memref<125x128xf32, #tpu.memory_space<vmem>>) offsets(%dma_start3A_992 : memref<125xi32, #tpu.memory_space<vmem>>) semaphore(%arg15 : memref<!tpu.dma_semaphore, #tpu.memory_space<semaphore_mem>>)
      %dma_start3A_1000 = arith.constant 4 : i32
      %dma_start3A_1001 = arith.constant 0 : i32
      %dma_start3A_1002 = tpu.memref_slice %arg10[%dma_start3A_1000, %dma_start3A_1001] : memref<16x125xi32, #tpu.memory_space<vmem>> -> memref<1x125xi32, #tpu.memory_space<vmem>>
      %dma_start3A_1003 = tpu.memref_squeeze %dma_start3A_1002 : memref<1x125xi32, #tpu.memory_space<vmem>> -> memref<125xi32, #tpu.memory_space<vmem>>
      %dma_start3A_1004 = arith.constant 0 : i32
      %dma_start3A_1005 = arith.constant 0 : i32
      %dma_start3A_1006 = tpu.memref_slice %arg13[%dma_start3A_1004, %dma_start3A_1005] : memref<10000x128xf32, #tpu.memory_space<vmem_shared>> -> memref<10000x128xf32, #tpu.memory_space<vmem_shared>>
      tpu.enqueue_indirect_dma source(%arg11 : memref<125x128xf32, #tpu.memory_space<vmem>>) target(%dma_start3A_1006 : memref<10000x128xf32, #tpu.memory_space<vmem_shared>>) offsets(%dma_start3A_1003 : memref<125xi32, #tpu.memory_space<vmem>>) semaphore(%arg18 : memref<!tpu.dma_semaphore, #tpu.memory_space<semaphore_mem>>) {add = true}
      %dma_wait3A_1007 = arith.constant 0 : i32
      %dma_wait3A_1008 = arith.constant 0 : i32
      %dma_wait3A_1009 = tpu.memref_slice %arg7[%dma_wait3A_1007, %dma_wait3A_1008] : memref<16x125xi32, #tpu.memory_space<vmem>> -> memref<1x125xi32, #tpu.memory_space<vmem>>
      %dma_wait3A_1010 = tpu.memref_squeeze %dma_wait3A_1009 : memref<1x125xi32, #tpu.memory_space<vmem>> -> memref<125xi32, #tpu.memory_space<vmem>>
      %dma_wait3A_1011 = arith.constant 0 : i32
      %dma_wait3A_1012 = arith.constant 0 : i32
      %dma_wait3A_1013 = tpu.memref_slice %arg2[%add3A_50, %dma_wait3A_1011, %dma_wait3A_1012] : memref<4x10000x128xf32, #tpu.memory_space<hbm>> -> memref<1x10000x128xf32, #tpu.memory_space<hbm>>
      %dma_wait3A_1014 = tpu.memref_squeeze %dma_wait3A_1013 : memref<1x10000x128xf32, #tpu.memory_space<hbm>> -> memref<10000x128xf32, #tpu.memory_space<hbm>>
      %dma_wait3A_1015 = arith.constant 0 : i32
      %dma_wait3A_1016 = arith.constant 0 : i32
      %dma_wait3A_1017 = tpu.memref_slice %dma_wait3A_1014[%dma_wait3A_1015, %dma_wait3A_1016] : memref<10000x128xf32, #tpu.memory_space<hbm>> -> memref<10000x128xf32, #tpu.memory_space<hbm>>
      tpu.wait_indirect_dma semaphore(%arg15 : memref<!tpu.dma_semaphore, #tpu.memory_space<semaphore_mem>>) src(%dma_wait3A_1017 : memref<10000x128xf32, #tpu.memory_space<hbm>>) dst(%arg12 : memref<125x128xf32, #tpu.memory_space<vmem>>)
      %dma_wait3A_1018 = arith.constant 0 : i32
      %dma_wait3A_1019 = arith.constant 0 : i32
      %dma_wait3A_1020 = tpu.memref_slice %arg7[%dma_wait3A_1018, %dma_wait3A_1019] : memref<16x125xi32, #tpu.memory_space<vmem>> -> memref<1x125xi32, #tpu.memory_space<vmem>>
      %dma_wait3A_1021 = tpu.memref_squeeze %dma_wait3A_1020 : memref<1x125xi32, #tpu.memory_space<vmem>> -> memref<125xi32, #tpu.memory_space<vmem>>
      %dma_wait3A_1022 = arith.constant 0 : i32
      %dma_wait3A_1023 = arith.constant 0 : i32
      %dma_wait3A_1024 = tpu.memref_slice %arg2[%add3A_50, %dma_wait3A_1022, %dma_wait3A_1023] : memref<4x10000x128xf32, #tpu.memory_space<hbm>> -> memref<1x10000x128xf32, #tpu.memory_space<hbm>>
      %dma_wait3A_1025 = tpu.memref_squeeze %dma_wait3A_1024 : memref<1x10000x128xf32, #tpu.memory_space<hbm>> -> memref<10000x128xf32, #tpu.memory_space<hbm>>
      %dma_wait3A_1026 = arith.constant 0 : i32
      %dma_wait3A_1027 = arith.constant 0 : i32
      %dma_wait3A_1028 = tpu.memref_slice %dma_wait3A_1025[%dma_wait3A_1026, %dma_wait3A_1027] : memref<10000x128xf32, #tpu.memory_space<hbm>> -> memref<10000x128xf32, #tpu.memory_space<hbm>>
      tpu.wait_indirect_dma semaphore(%arg18 : memref<!tpu.dma_semaphore, #tpu.memory_space<semaphore_mem>>) src(%dma_wait3A_1028 : memref<10000x128xf32, #tpu.memory_space<hbm>>) dst(%arg11 : memref<125x128xf32, #tpu.memory_space<vmem>>)
      %dma_start3A_1029 = arith.constant 6 : i32
      %dma_start3A_1030 = arith.constant 0 : i32
      %dma_start3A_1031 = tpu.memref_slice %arg9[%dma_start3A_1029, %dma_start3A_1030] : memref<16x125xi32, #tpu.memory_space<vmem>> -> memref<1x125xi32, #tpu.memory_space<vmem>>
      %dma_start3A_1032 = tpu.memref_squeeze %dma_start3A_1031 : memref<1x125xi32, #tpu.memory_space<vmem>> -> memref<125xi32, #tpu.memory_space<vmem>>
      %dma_start3A_1033 = arith.constant 0 : i32
      %dma_start3A_1034 = arith.constant 0 : i32
      %dma_start3A_1035 = tpu.memref_slice %arg2[%add3A_50, %dma_start3A_1033, %dma_start3A_1034] : memref<4x10000x128xf32, #tpu.memory_space<hbm>> -> memref<1x10000x128xf32, #tpu.memory_space<hbm>>
      %dma_start3A_1036 = tpu.memref_squeeze %dma_start3A_1035 : memref<1x10000x128xf32, #tpu.memory_space<hbm>> -> memref<10000x128xf32, #tpu.memory_space<hbm>>
      %dma_start3A_1037 = arith.constant 0 : i32
      %dma_start3A_1038 = arith.constant 0 : i32
      %dma_start3A_1039 = tpu.memref_slice %dma_start3A_1036[%dma_start3A_1037, %dma_start3A_1038] : memref<10000x128xf32, #tpu.memory_space<hbm>> -> memref<10000x128xf32, #tpu.memory_space<hbm>>
      tpu.enqueue_indirect_dma source(%dma_start3A_1039 : memref<10000x128xf32, #tpu.memory_space<hbm>>) target(%arg11 : memref<125x128xf32, #tpu.memory_space<vmem>>) offsets(%dma_start3A_1032 : memref<125xi32, #tpu.memory_space<vmem>>) semaphore(%arg14 : memref<!tpu.dma_semaphore, #tpu.memory_space<semaphore_mem>>)
      %dma_start3A_1040 = arith.constant 5 : i32
      %dma_start3A_1041 = arith.constant 0 : i32
      %dma_start3A_1042 = tpu.memref_slice %arg10[%dma_start3A_1040, %dma_start3A_1041] : memref<16x125xi32, #tpu.memory_space<vmem>> -> memref<1x125xi32, #tpu.memory_space<vmem>>
      %dma_start3A_1043 = tpu.memref_squeeze %dma_start3A_1042 : memref<1x125xi32, #tpu.memory_space<vmem>> -> memref<125xi32, #tpu.memory_space<vmem>>
      %dma_start3A_1044 = arith.constant 0 : i32
      %dma_start3A_1045 = arith.constant 0 : i32
      %dma_start3A_1046 = tpu.memref_slice %arg13[%dma_start3A_1044, %dma_start3A_1045] : memref<10000x128xf32, #tpu.memory_space<vmem_shared>> -> memref<10000x128xf32, #tpu.memory_space<vmem_shared>>
      tpu.enqueue_indirect_dma source(%arg12 : memref<125x128xf32, #tpu.memory_space<vmem>>) target(%dma_start3A_1046 : memref<10000x128xf32, #tpu.memory_space<vmem_shared>>) offsets(%dma_start3A_1043 : memref<125xi32, #tpu.memory_space<vmem>>) semaphore(%arg19 : memref<!tpu.dma_semaphore, #tpu.memory_space<semaphore_mem>>) {add = true}
      %dma_wait3A_1047 = arith.constant 0 : i32
      %dma_wait3A_1048 = arith.constant 0 : i32
      %dma_wait3A_1049 = tpu.memref_slice %arg7[%dma_wait3A_1047, %dma_wait3A_1048] : memref<16x125xi32, #tpu.memory_space<vmem>> -> memref<1x125xi32, #tpu.memory_space<vmem>>
      %dma_wait3A_1050 = tpu.memref_squeeze %dma_wait3A_1049 : memref<1x125xi32, #tpu.memory_space<vmem>> -> memref<125xi32, #tpu.memory_space<vmem>>
      %dma_wait3A_1051 = arith.constant 0 : i32
      %dma_wait3A_1052 = arith.constant 0 : i32
      %dma_wait3A_1053 = tpu.memref_slice %arg2[%add3A_50, %dma_wait3A_1051, %dma_wait3A_1052] : memref<4x10000x128xf32, #tpu.memory_space<hbm>> -> memref<1x10000x128xf32, #tpu.memory_space<hbm>>
      %dma_wait3A_1054 = tpu.memref_squeeze %dma_wait3A_1053 : memref<1x10000x128xf32, #tpu.memory_space<hbm>> -> memref<10000x128xf32, #tpu.memory_space<hbm>>
      %dma_wait3A_1055 = arith.constant 0 : i32
      %dma_wait3A_1056 = arith.constant 0 : i32
      %dma_wait3A_1057 = tpu.memref_slice %dma_wait3A_1054[%dma_wait3A_1055, %dma_wait3A_1056] : memref<10000x128xf32, #tpu.memory_space<hbm>> -> memref<10000x128xf32, #tpu.memory_space<hbm>>
      tpu.wait_indirect_dma semaphore(%arg14 : memref<!tpu.dma_semaphore, #tpu.memory_space<semaphore_mem>>) src(%dma_wait3A_1057 : memref<10000x128xf32, #tpu.memory_space<hbm>>) dst(%arg11 : memref<125x128xf32, #tpu.memory_space<vmem>>)
      %dma_wait3A_1058 = arith.constant 0 : i32
      %dma_wait3A_1059 = arith.constant 0 : i32
      %dma_wait3A_1060 = tpu.memref_slice %arg7[%dma_wait3A_1058, %dma_wait3A_1059] : memref<16x125xi32, #tpu.memory_space<vmem>> -> memref<1x125xi32, #tpu.memory_space<vmem>>
      %dma_wait3A_1061 = tpu.memref_squeeze %dma_wait3A_1060 : memref<1x125xi32, #tpu.memory_space<vmem>> -> memref<125xi32, #tpu.memory_space<vmem>>
      %dma_wait3A_1062 = arith.constant 0 : i32
      %dma_wait3A_1063 = arith.constant 0 : i32
      %dma_wait3A_1064 = tpu.memref_slice %arg2[%add3A_50, %dma_wait3A_1062, %dma_wait3A_1063] : memref<4x10000x128xf32, #tpu.memory_space<hbm>> -> memref<1x10000x128xf32, #tpu.memory_space<hbm>>
      %dma_wait3A_1065 = tpu.memref_squeeze %dma_wait3A_1064 : memref<1x10000x128xf32, #tpu.memory_space<hbm>> -> memref<10000x128xf32, #tpu.memory_space<hbm>>
      %dma_wait3A_1066 = arith.constant 0 : i32
      %dma_wait3A_1067 = arith.constant 0 : i32
      %dma_wait3A_1068 = tpu.memref_slice %dma_wait3A_1065[%dma_wait3A_1066, %dma_wait3A_1067] : memref<10000x128xf32, #tpu.memory_space<hbm>> -> memref<10000x128xf32, #tpu.memory_space<hbm>>
      tpu.wait_indirect_dma semaphore(%arg19 : memref<!tpu.dma_semaphore, #tpu.memory_space<semaphore_mem>>) src(%dma_wait3A_1068 : memref<10000x128xf32, #tpu.memory_space<hbm>>) dst(%arg12 : memref<125x128xf32, #tpu.memory_space<vmem>>)
      %dma_start3A_1069 = arith.constant 7 : i32
      %dma_start3A_1070 = arith.constant 0 : i32
      %dma_start3A_1071 = tpu.memref_slice %arg9[%dma_start3A_1069, %dma_start3A_1070] : memref<16x125xi32, #tpu.memory_space<vmem>> -> memref<1x125xi32, #tpu.memory_space<vmem>>
      %dma_start3A_1072 = tpu.memref_squeeze %dma_start3A_1071 : memref<1x125xi32, #tpu.memory_space<vmem>> -> memref<125xi32, #tpu.memory_space<vmem>>
      %dma_start3A_1073 = arith.constant 0 : i32
      %dma_start3A_1074 = arith.constant 0 : i32
      %dma_start3A_1075 = tpu.memref_slice %arg2[%add3A_50, %dma_start3A_1073, %dma_start3A_1074] : memref<4x10000x128xf32, #tpu.memory_space<hbm>> -> memref<1x10000x128xf32, #tpu.memory_space<hbm>>
      %dma_start3A_1076 = tpu.memref_squeeze %dma_start3A_1075 : memref<1x10000x128xf32, #tpu.memory_space<hbm>> -> memref<10000x128xf32, #tpu.memory_space<hbm>>
      %dma_start3A_1077 = arith.constant 0 : i32
      %dma_start3A_1078 = arith.constant 0 : i32
      %dma_start3A_1079 = tpu.memref_slice %dma_start3A_1076[%dma_start3A_1077, %dma_start3A_1078] : memref<10000x128xf32, #tpu.memory_space<hbm>> -> memref<10000x128xf32, #tpu.memory_space<hbm>>
      tpu.enqueue_indirect_dma source(%dma_start3A_1079 : memref<10000x128xf32, #tpu.memory_space<hbm>>) target(%arg12 : memref<125x128xf32, #tpu.memory_space<vmem>>) offsets(%dma_start3A_1072 : memref<125xi32, #tpu.memory_space<vmem>>) semaphore(%arg15 : memref<!tpu.dma_semaphore, #tpu.memory_space<semaphore_mem>>)
      %dma_start3A_1080 = arith.constant 6 : i32
      %dma_start3A_1081 = arith.constant 0 : i32
      %dma_start3A_1082 = tpu.memref_slice %arg10[%dma_start3A_1080, %dma_start3A_1081] : memref<16x125xi32, #tpu.memory_space<vmem>> -> memref<1x125xi32, #tpu.memory_space<vmem>>
      %dma_start3A_1083 = tpu.memref_squeeze %dma_start3A_1082 : memref<1x125xi32, #tpu.memory_space<vmem>> -> memref<125xi32, #tpu.memory_space<vmem>>
      %dma_start3A_1084 = arith.constant 0 : i32
      %dma_start3A_1085 = arith.constant 0 : i32
      %dma_start3A_1086 = tpu.memref_slice %arg13[%dma_start3A_1084, %dma_start3A_1085] : memref<10000x128xf32, #tpu.memory_space<vmem_shared>> -> memref<10000x128xf32, #tpu.memory_space<vmem_shared>>
      tpu.enqueue_indirect_dma source(%arg11 : memref<125x128xf32, #tpu.memory_space<vmem>>) target(%dma_start3A_1086 : memref<10000x128xf32, #tpu.memory_space<vmem_shared>>) offsets(%dma_start3A_1083 : memref<125xi32, #tpu.memory_space<vmem>>) semaphore(%arg18 : memref<!tpu.dma_semaphore, #tpu.memory_space<semaphore_mem>>) {add = true}
      %dma_wait3A_1087 = arith.constant 0 : i32
      %dma_wait3A_1088 = arith.constant 0 : i32
      %dma_wait3A_1089 = tpu.memref_slice %arg7[%dma_wait3A_1087, %dma_wait3A_1088] : memref<16x125xi32, #tpu.memory_space<vmem>> -> memref<1x125xi32, #tpu.memory_space<vmem>>
      %dma_wait3A_1090 = tpu.memref_squeeze %dma_wait3A_1089 : memref<1x125xi32, #tpu.memory_space<vmem>> -> memref<125xi32, #tpu.memory_space<vmem>>
      %dma_wait3A_1091 = arith.constant 0 : i32
      %dma_wait3A_1092 = arith.constant 0 : i32
      %dma_wait3A_1093 = tpu.memref_slice %arg2[%add3A_50, %dma_wait3A_1091, %dma_wait3A_1092] : memref<4x10000x128xf32, #tpu.memory_space<hbm>> -> memref<1x10000x128xf32, #tpu.memory_space<hbm>>
      %dma_wait3A_1094 = tpu.memref_squeeze %dma_wait3A_1093 : memref<1x10000x128xf32, #tpu.memory_space<hbm>> -> memref<10000x128xf32, #tpu.memory_space<hbm>>
      %dma_wait3A_1095 = arith.constant 0 : i32
      %dma_wait3A_1096 = arith.constant 0 : i32
      %dma_wait3A_1097 = tpu.memref_slice %dma_wait3A_1094[%dma_wait3A_1095, %dma_wait3A_1096] : memref<10000x128xf32, #tpu.memory_space<hbm>> -> memref<10000x128xf32, #tpu.memory_space<hbm>>
      tpu.wait_indirect_dma semaphore(%arg15 : memref<!tpu.dma_semaphore, #tpu.memory_space<semaphore_mem>>) src(%dma_wait3A_1097 : memref<10000x128xf32, #tpu.memory_space<hbm>>) dst(%arg12 : memref<125x128xf32, #tpu.memory_space<vmem>>)
      %dma_wait3A_1098 = arith.constant 0 : i32
      %dma_wait3A_1099 = arith.constant 0 : i32
      %dma_wait3A_1100 = tpu.memref_slice %arg7[%dma_wait3A_1098, %dma_wait3A_1099] : memref<16x125xi32, #tpu.memory_space<vmem>> -> memref<1x125xi32, #tpu.memory_space<vmem>>
      %dma_wait3A_1101 = tpu.memref_squeeze %dma_wait3A_1100 : memref<1x125xi32, #tpu.memory_space<vmem>> -> memref<125xi32, #tpu.memory_space<vmem>>
      %dma_wait3A_1102 = arith.constant 0 : i32
      %dma_wait3A_1103 = arith.constant 0 : i32
      %dma_wait3A_1104 = tpu.memref_slice %arg2[%add3A_50, %dma_wait3A_1102, %dma_wait3A_1103] : memref<4x10000x128xf32, #tpu.memory_space<hbm>> -> memref<1x10000x128xf32, #tpu.memory_space<hbm>>
      %dma_wait3A_1105 = tpu.memref_squeeze %dma_wait3A_1104 : memref<1x10000x128xf32, #tpu.memory_space<hbm>> -> memref<10000x128xf32, #tpu.memory_space<hbm>>
      %dma_wait3A_1106 = arith.constant 0 : i32
      %dma_wait3A_1107 = arith.constant 0 : i32
      %dma_wait3A_1108 = tpu.memref_slice %dma_wait3A_1105[%dma_wait3A_1106, %dma_wait3A_1107] : memref<10000x128xf32, #tpu.memory_space<hbm>> -> memref<10000x128xf32, #tpu.memory_space<hbm>>
      tpu.wait_indirect_dma semaphore(%arg18 : memref<!tpu.dma_semaphore, #tpu.memory_space<semaphore_mem>>) src(%dma_wait3A_1108 : memref<10000x128xf32, #tpu.memory_space<hbm>>) dst(%arg11 : memref<125x128xf32, #tpu.memory_space<vmem>>)
      %dma_start3A_1109 = arith.constant 8 : i32
      %dma_start3A_1110 = arith.constant 0 : i32
      %dma_start3A_1111 = tpu.memref_slice %arg9[%dma_start3A_1109, %dma_start3A_1110] : memref<16x125xi32, #tpu.memory_space<vmem>> -> memref<1x125xi32, #tpu.memory_space<vmem>>
      %dma_start3A_1112 = tpu.memref_squeeze %dma_start3A_1111 : memref<1x125xi32, #tpu.memory_space<vmem>> -> memref<125xi32, #tpu.memory_space<vmem>>
      %dma_start3A_1113 = arith.constant 0 : i32
      %dma_start3A_1114 = arith.constant 0 : i32
      %dma_start3A_1115 = tpu.memref_slice %arg2[%add3A_50, %dma_start3A_1113, %dma_start3A_1114] : memref<4x10000x128xf32, #tpu.memory_space<hbm>> -> memref<1x10000x128xf32, #tpu.memory_space<hbm>>
      %dma_start3A_1116 = tpu.memref_squeeze %dma_start3A_1115 : memref<1x10000x128xf32, #tpu.memory_space<hbm>> -> memref<10000x128xf32, #tpu.memory_space<hbm>>
      %dma_start3A_1117 = arith.constant 0 : i32
      %dma_start3A_1118 = arith.constant 0 : i32
      %dma_start3A_1119 = tpu.memref_slice %dma_start3A_1116[%dma_start3A_1117, %dma_start3A_1118] : memref<10000x128xf32, #tpu.memory_space<hbm>> -> memref<10000x128xf32, #tpu.memory_space<hbm>>
      tpu.enqueue_indirect_dma source(%dma_start3A_1119 : memref<10000x128xf32, #tpu.memory_space<hbm>>) target(%arg11 : memref<125x128xf32, #tpu.memory_space<vmem>>) offsets(%dma_start3A_1112 : memref<125xi32, #tpu.memory_space<vmem>>) semaphore(%arg14 : memref<!tpu.dma_semaphore, #tpu.memory_space<semaphore_mem>>)
      %dma_start3A_1120 = arith.constant 7 : i32
      %dma_start3A_1121 = arith.constant 0 : i32
      %dma_start3A_1122 = tpu.memref_slice %arg10[%dma_start3A_1120, %dma_start3A_1121] : memref<16x125xi32, #tpu.memory_space<vmem>> -> memref<1x125xi32, #tpu.memory_space<vmem>>
      %dma_start3A_1123 = tpu.memref_squeeze %dma_start3A_1122 : memref<1x125xi32, #tpu.memory_space<vmem>> -> memref<125xi32, #tpu.memory_space<vmem>>
      %dma_start3A_1124 = arith.constant 0 : i32
      %dma_start3A_1125 = arith.constant 0 : i32
      %dma_start3A_1126 = tpu.memref_slice %arg13[%dma_start3A_1124, %dma_start3A_1125] : memref<10000x128xf32, #tpu.memory_space<vmem_shared>> -> memref<10000x128xf32, #tpu.memory_space<vmem_shared>>
      tpu.enqueue_indirect_dma source(%arg12 : memref<125x128xf32, #tpu.memory_space<vmem>>) target(%dma_start3A_1126 : memref<10000x128xf32, #tpu.memory_space<vmem_shared>>) offsets(%dma_start3A_1123 : memref<125xi32, #tpu.memory_space<vmem>>) semaphore(%arg19 : memref<!tpu.dma_semaphore, #tpu.memory_space<semaphore_mem>>) {add = true}
      %dma_wait3A_1127 = arith.constant 0 : i32
      %dma_wait3A_1128 = arith.constant 0 : i32
      %dma_wait3A_1129 = tpu.memref_slice %arg7[%dma_wait3A_1127, %dma_wait3A_1128] : memref<16x125xi32, #tpu.memory_space<vmem>> -> memref<1x125xi32, #tpu.memory_space<vmem>>
      %dma_wait3A_1130 = tpu.memref_squeeze %dma_wait3A_1129 : memref<1x125xi32, #tpu.memory_space<vmem>> -> memref<125xi32, #tpu.memory_space<vmem>>
      %dma_wait3A_1131 = arith.constant 0 : i32
      %dma_wait3A_1132 = arith.constant 0 : i32
      %dma_wait3A_1133 = tpu.memref_slice %arg2[%add3A_50, %dma_wait3A_1131, %dma_wait3A_1132] : memref<4x10000x128xf32, #tpu.memory_space<hbm>> -> memref<1x10000x128xf32, #tpu.memory_space<hbm>>
      %dma_wait3A_1134 = tpu.memref_squeeze %dma_wait3A_1133 : memref<1x10000x128xf32, #tpu.memory_space<hbm>> -> memref<10000x128xf32, #tpu.memory_space<hbm>>
      %dma_wait3A_1135 = arith.constant 0 : i32
      %dma_wait3A_1136 = arith.constant 0 : i32
      %dma_wait3A_1137 = tpu.memref_slice %dma_wait3A_1134[%dma_wait3A_1135, %dma_wait3A_1136] : memref<10000x128xf32, #tpu.memory_space<hbm>> -> memref<10000x128xf32, #tpu.memory_space<hbm>>
      tpu.wait_indirect_dma semaphore(%arg14 : memref<!tpu.dma_semaphore, #tpu.memory_space<semaphore_mem>>) src(%dma_wait3A_1137 : memref<10000x128xf32, #tpu.memory_space<hbm>>) dst(%arg11 : memref<125x128xf32, #tpu.memory_space<vmem>>)
      %dma_wait3A_1138 = arith.constant 0 : i32
      %dma_wait3A_1139 = arith.constant 0 : i32
      %dma_wait3A_1140 = tpu.memref_slice %arg7[%dma_wait3A_1138, %dma_wait3A_1139] : memref<16x125xi32, #tpu.memory_space<vmem>> -> memref<1x125xi32, #tpu.memory_space<vmem>>
      %dma_wait3A_1141 = tpu.memref_squeeze %dma_wait3A_1140 : memref<1x125xi32, #tpu.memory_space<vmem>> -> memref<125xi32, #tpu.memory_space<vmem>>
      %dma_wait3A_1142 = arith.constant 0 : i32
      %dma_wait3A_1143 = arith.constant 0 : i32
      %dma_wait3A_1144 = tpu.memref_slice %arg2[%add3A_50, %dma_wait3A_1142, %dma_wait3A_1143] : memref<4x10000x128xf32, #tpu.memory_space<hbm>> -> memref<1x10000x128xf32, #tpu.memory_space<hbm>>
      %dma_wait3A_1145 = tpu.memref_squeeze %dma_wait3A_1144 : memref<1x10000x128xf32, #tpu.memory_space<hbm>> -> memref<10000x128xf32, #tpu.memory_space<hbm>>
      %dma_wait3A_1146 = arith.constant 0 : i32
      %dma_wait3A_1147 = arith.constant 0 : i32
      %dma_wait3A_1148 = tpu.memref_slice %dma_wait3A_1145[%dma_wait3A_1146, %dma_wait3A_1147] : memref<10000x128xf32, #tpu.memory_space<hbm>> -> memref<10000x128xf32, #tpu.memory_space<hbm>>
      tpu.wait_indirect_dma semaphore(%arg19 : memref<!tpu.dma_semaphore, #tpu.memory_space<semaphore_mem>>) src(%dma_wait3A_1148 : memref<10000x128xf32, #tpu.memory_space<hbm>>) dst(%arg12 : memref<125x128xf32, #tpu.memory_space<vmem>>)
      %dma_start3A_1149 = arith.constant 9 : i32
      %dma_start3A_1150 = arith.constant 0 : i32
      %dma_start3A_1151 = tpu.memref_slice %arg9[%dma_start3A_1149, %dma_start3A_1150] : memref<16x125xi32, #tpu.memory_space<vmem>> -> memref<1x125xi32, #tpu.memory_space<vmem>>
      %dma_start3A_1152 = tpu.memref_squeeze %dma_start3A_1151 : memref<1x125xi32, #tpu.memory_space<vmem>> -> memref<125xi32, #tpu.memory_space<vmem>>
      %dma_start3A_1153 = arith.constant 0 : i32
      %dma_start3A_1154 = arith.constant 0 : i32
      %dma_start3A_1155 = tpu.memref_slice %arg2[%add3A_50, %dma_start3A_1153, %dma_start3A_1154] : memref<4x10000x128xf32, #tpu.memory_space<hbm>> -> memref<1x10000x128xf32, #tpu.memory_space<hbm>>
      %dma_start3A_1156 = tpu.memref_squeeze %dma_start3A_1155 : memref<1x10000x128xf32, #tpu.memory_space<hbm>> -> memref<10000x128xf32, #tpu.memory_space<hbm>>
      %dma_start3A_1157 = arith.constant 0 : i32
      %dma_start3A_1158 = arith.constant 0 : i32
      %dma_start3A_1159 = tpu.memref_slice %dma_start3A_1156[%dma_start3A_1157, %dma_start3A_1158] : memref<10000x128xf32, #tpu.memory_space<hbm>> -> memref<10000x128xf32, #tpu.memory_space<hbm>>
      tpu.enqueue_indirect_dma source(%dma_start3A_1159 : memref<10000x128xf32, #tpu.memory_space<hbm>>) target(%arg12 : memref<125x128xf32, #tpu.memory_space<vmem>>) offsets(%dma_start3A_1152 : memref<125xi32, #tpu.memory_space<vmem>>) semaphore(%arg15 : memref<!tpu.dma_semaphore, #tpu.memory_space<semaphore_mem>>)
      %dma_start3A_1160 = arith.constant 8 : i32
      %dma_start3A_1161 = arith.constant 0 : i32
      %dma_start3A_1162 = tpu.memref_slice %arg10[%dma_start3A_1160, %dma_start3A_1161] : memref<16x125xi32, #tpu.memory_space<vmem>> -> memref<1x125xi32, #tpu.memory_space<vmem>>
      %dma_start3A_1163 = tpu.memref_squeeze %dma_start3A_1162 : memref<1x125xi32, #tpu.memory_space<vmem>> -> memref<125xi32, #tpu.memory_space<vmem>>
      %dma_start3A_1164 = arith.constant 0 : i32
      %dma_start3A_1165 = arith.constant 0 : i32
      %dma_start3A_1166 = tpu.memref_slice %arg13[%dma_start3A_1164, %dma_start3A_1165] : memref<10000x128xf32, #tpu.memory_space<vmem_shared>> -> memref<10000x128xf32, #tpu.memory_space<vmem_shared>>
      tpu.enqueue_indirect_dma source(%arg11 : memref<125x128xf32, #tpu.memory_space<vmem>>) target(%dma_start3A_1166 : memref<10000x128xf32, #tpu.memory_space<vmem_shared>>) offsets(%dma_start3A_1163 : memref<125xi32, #tpu.memory_space<vmem>>) semaphore(%arg18 : memref<!tpu.dma_semaphore, #tpu.memory_space<semaphore_mem>>) {add = true}
      %dma_wait3A_1167 = arith.constant 0 : i32
      %dma_wait3A_1168 = arith.constant 0 : i32
      %dma_wait3A_1169 = tpu.memref_slice %arg7[%dma_wait3A_1167, %dma_wait3A_1168] : memref<16x125xi32, #tpu.memory_space<vmem>> -> memref<1x125xi32, #tpu.memory_space<vmem>>
      %dma_wait3A_1170 = tpu.memref_squeeze %dma_wait3A_1169 : memref<1x125xi32, #tpu.memory_space<vmem>> -> memref<125xi32, #tpu.memory_space<vmem>>
      %dma_wait3A_1171 = arith.constant 0 : i32
      %dma_wait3A_1172 = arith.constant 0 : i32
      %dma_wait3A_1173 = tpu.memref_slice %arg2[%add3A_50, %dma_wait3A_1171, %dma_wait3A_1172] : memref<4x10000x128xf32, #tpu.memory_space<hbm>> -> memref<1x10000x128xf32, #tpu.memory_space<hbm>>
      %dma_wait3A_1174 = tpu.memref_squeeze %dma_wait3A_1173 : memref<1x10000x128xf32, #tpu.memory_space<hbm>> -> memref<10000x128xf32, #tpu.memory_space<hbm>>
      %dma_wait3A_1175 = arith.constant 0 : i32
      %dma_wait3A_1176 = arith.constant 0 : i32
      %dma_wait3A_1177 = tpu.memref_slice %dma_wait3A_1174[%dma_wait3A_1175, %dma_wait3A_1176] : memref<10000x128xf32, #tpu.memory_space<hbm>> -> memref<10000x128xf32, #tpu.memory_space<hbm>>
      tpu.wait_indirect_dma semaphore(%arg15 : memref<!tpu.dma_semaphore, #tpu.memory_space<semaphore_mem>>) src(%dma_wait3A_1177 : memref<10000x128xf32, #tpu.memory_space<hbm>>) dst(%arg12 : memref<125x128xf32, #tpu.memory_space<vmem>>)
      %dma_wait3A_1178 = arith.constant 0 : i32
      %dma_wait3A_1179 = arith.constant 0 : i32
      %dma_wait3A_1180 = tpu.memref_slice %arg7[%dma_wait3A_1178, %dma_wait3A_1179] : memref<16x125xi32, #tpu.memory_space<vmem>> -> memref<1x125xi32, #tpu.memory_space<vmem>>
      %dma_wait3A_1181 = tpu.memref_squeeze %dma_wait3A_1180 : memref<1x125xi32, #tpu.memory_space<vmem>> -> memref<125xi32, #tpu.memory_space<vmem>>
      %dma_wait3A_1182 = arith.constant 0 : i32
      %dma_wait3A_1183 = arith.constant 0 : i32
      %dma_wait3A_1184 = tpu.memref_slice %arg2[%add3A_50, %dma_wait3A_1182, %dma_wait3A_1183] : memref<4x10000x128xf32, #tpu.memory_space<hbm>> -> memref<1x10000x128xf32, #tpu.memory_space<hbm>>
      %dma_wait3A_1185 = tpu.memref_squeeze %dma_wait3A_1184 : memref<1x10000x128xf32, #tpu.memory_space<hbm>> -> memref<10000x128xf32, #tpu.memory_space<hbm>>
      %dma_wait3A_1186 = arith.constant 0 : i32
      %dma_wait3A_1187 = arith.constant 0 : i32
      %dma_wait3A_1188 = tpu.memref_slice %dma_wait3A_1185[%dma_wait3A_1186, %dma_wait3A_1187] : memref<10000x128xf32, #tpu.memory_space<hbm>> -> memref<10000x128xf32, #tpu.memory_space<hbm>>
      tpu.wait_indirect_dma semaphore(%arg18 : memref<!tpu.dma_semaphore, #tpu.memory_space<semaphore_mem>>) src(%dma_wait3A_1188 : memref<10000x128xf32, #tpu.memory_space<hbm>>) dst(%arg11 : memref<125x128xf32, #tpu.memory_space<vmem>>)
      %dma_start3A_1189 = arith.constant 10 : i32
      %dma_start3A_1190 = arith.constant 0 : i32
      %dma_start3A_1191 = tpu.memref_slice %arg9[%dma_start3A_1189, %dma_start3A_1190] : memref<16x125xi32, #tpu.memory_space<vmem>> -> memref<1x125xi32, #tpu.memory_space<vmem>>
      %dma_start3A_1192 = tpu.memref_squeeze %dma_start3A_1191 : memref<1x125xi32, #tpu.memory_space<vmem>> -> memref<125xi32, #tpu.memory_space<vmem>>
      %dma_start3A_1193 = arith.constant 0 : i32
      %dma_start3A_1194 = arith.constant 0 : i32
      %dma_start3A_1195 = tpu.memref_slice %arg2[%add3A_50, %dma_start3A_1193, %dma_start3A_1194] : memref<4x10000x128xf32, #tpu.memory_space<hbm>> -> memref<1x10000x128xf32, #tpu.memory_space<hbm>>
      %dma_start3A_1196 = tpu.memref_squeeze %dma_start3A_1195 : memref<1x10000x128xf32, #tpu.memory_space<hbm>> -> memref<10000x128xf32, #tpu.memory_space<hbm>>
      %dma_start3A_1197 = arith.constant 0 : i32
      %dma_start3A_1198 = arith.constant 0 : i32
      %dma_start3A_1199 = tpu.memref_slice %dma_start3A_1196[%dma_start3A_1197, %dma_start3A_1198] : memref<10000x128xf32, #tpu.memory_space<hbm>> -> memref<10000x128xf32, #tpu.memory_space<hbm>>
      tpu.enqueue_indirect_dma source(%dma_start3A_1199 : memref<10000x128xf32, #tpu.memory_space<hbm>>) target(%arg11 : memref<125x128xf32, #tpu.memory_space<vmem>>) offsets(%dma_start3A_1192 : memref<125xi32, #tpu.memory_space<vmem>>) semaphore(%arg14 : memref<!tpu.dma_semaphore, #tpu.memory_space<semaphore_mem>>)
      %dma_start3A_1200 = arith.constant 9 : i32
      %dma_start3A_1201 = arith.constant 0 : i32
      %dma_start3A_1202 = tpu.memref_slice %arg10[%dma_start3A_1200, %dma_start3A_1201] : memref<16x125xi32, #tpu.memory_space<vmem>> -> memref<1x125xi32, #tpu.memory_space<vmem>>
      %dma_start3A_1203 = tpu.memref_squeeze %dma_start3A_1202 : memref<1x125xi32, #tpu.memory_space<vmem>> -> memref<125xi32, #tpu.memory_space<vmem>>
      %dma_start3A_1204 = arith.constant 0 : i32
      %dma_start3A_1205 = arith.constant 0 : i32
      %dma_start3A_1206 = tpu.memref_slice %arg13[%dma_start3A_1204, %dma_start3A_1205] : memref<10000x128xf32, #tpu.memory_space<vmem_shared>> -> memref<10000x128xf32, #tpu.memory_space<vmem_shared>>
      tpu.enqueue_indirect_dma source(%arg12 : memref<125x128xf32, #tpu.memory_space<vmem>>) target(%dma_start3A_1206 : memref<10000x128xf32, #tpu.memory_space<vmem_shared>>) offsets(%dma_start3A_1203 : memref<125xi32, #tpu.memory_space<vmem>>) semaphore(%arg19 : memref<!tpu.dma_semaphore, #tpu.memory_space<semaphore_mem>>) {add = true}
      %dma_wait3A_1207 = arith.constant 0 : i32
      %dma_wait3A_1208 = arith.constant 0 : i32
      %dma_wait3A_1209 = tpu.memref_slice %arg7[%dma_wait3A_1207, %dma_wait3A_1208] : memref<16x125xi32, #tpu.memory_space<vmem>> -> memref<1x125xi32, #tpu.memory_space<vmem>>
      %dma_wait3A_1210 = tpu.memref_squeeze %dma_wait3A_1209 : memref<1x125xi32, #tpu.memory_space<vmem>> -> memref<125xi32, #tpu.memory_space<vmem>>
      %dma_wait3A_1211 = arith.constant 0 : i32
      %dma_wait3A_1212 = arith.constant 0 : i32
      %dma_wait3A_1213 = tpu.memref_slice %arg2[%add3A_50, %dma_wait3A_1211, %dma_wait3A_1212] : memref<4x10000x128xf32, #tpu.memory_space<hbm>> -> memref<1x10000x128xf32, #tpu.memory_space<hbm>>
      %dma_wait3A_1214 = tpu.memref_squeeze %dma_wait3A_1213 : memref<1x10000x128xf32, #tpu.memory_space<hbm>> -> memref<10000x128xf32, #tpu.memory_space<hbm>>
      %dma_wait3A_1215 = arith.constant 0 : i32
      %dma_wait3A_1216 = arith.constant 0 : i32
      %dma_wait3A_1217 = tpu.memref_slice %dma_wait3A_1214[%dma_wait3A_1215, %dma_wait3A_1216] : memref<10000x128xf32, #tpu.memory_space<hbm>> -> memref<10000x128xf32, #tpu.memory_space<hbm>>
      tpu.wait_indirect_dma semaphore(%arg14 : memref<!tpu.dma_semaphore, #tpu.memory_space<semaphore_mem>>) src(%dma_wait3A_1217 : memref<10000x128xf32, #tpu.memory_space<hbm>>) dst(%arg11 : memref<125x128xf32, #tpu.memory_space<vmem>>)
      %dma_wait3A_1218 = arith.constant 0 : i32
      %dma_wait3A_1219 = arith.constant 0 : i32
      %dma_wait3A_1220 = tpu.memref_slice %arg7[%dma_wait3A_1218, %dma_wait3A_1219] : memref<16x125xi32, #tpu.memory_space<vmem>> -> memref<1x125xi32, #tpu.memory_space<vmem>>
      %dma_wait3A_1221 = tpu.memref_squeeze %dma_wait3A_1220 : memref<1x125xi32, #tpu.memory_space<vmem>> -> memref<125xi32, #tpu.memory_space<vmem>>
      %dma_wait3A_1222 = arith.constant 0 : i32
      %dma_wait3A_1223 = arith.constant 0 : i32
      %dma_wait3A_1224 = tpu.memref_slice %arg2[%add3A_50, %dma_wait3A_1222, %dma_wait3A_1223] : memref<4x10000x128xf32, #tpu.memory_space<hbm>> -> memref<1x10000x128xf32, #tpu.memory_space<hbm>>
      %dma_wait3A_1225 = tpu.memref_squeeze %dma_wait3A_1224 : memref<1x10000x128xf32, #tpu.memory_space<hbm>> -> memref<10000x128xf32, #tpu.memory_space<hbm>>
      %dma_wait3A_1226 = arith.constant 0 : i32
      %dma_wait3A_1227 = arith.constant 0 : i32
      %dma_wait3A_1228 = tpu.memref_slice %dma_wait3A_1225[%dma_wait3A_1226, %dma_wait3A_1227] : memref<10000x128xf32, #tpu.memory_space<hbm>> -> memref<10000x128xf32, #tpu.memory_space<hbm>>
      tpu.wait_indirect_dma semaphore(%arg19 : memref<!tpu.dma_semaphore, #tpu.memory_space<semaphore_mem>>) src(%dma_wait3A_1228 : memref<10000x128xf32, #tpu.memory_space<hbm>>) dst(%arg12 : memref<125x128xf32, #tpu.memory_space<vmem>>)
      %dma_start3A_1229 = arith.constant 11 : i32
      %dma_start3A_1230 = arith.constant 0 : i32
      %dma_start3A_1231 = tpu.memref_slice %arg9[%dma_start3A_1229, %dma_start3A_1230] : memref<16x125xi32, #tpu.memory_space<vmem>> -> memref<1x125xi32, #tpu.memory_space<vmem>>
      %dma_start3A_1232 = tpu.memref_squeeze %dma_start3A_1231 : memref<1x125xi32, #tpu.memory_space<vmem>> -> memref<125xi32, #tpu.memory_space<vmem>>
      %dma_start3A_1233 = arith.constant 0 : i32
      %dma_start3A_1234 = arith.constant 0 : i32
      %dma_start3A_1235 = tpu.memref_slice %arg2[%add3A_50, %dma_start3A_1233, %dma_start3A_1234] : memref<4x10000x128xf32, #tpu.memory_space<hbm>> -> memref<1x10000x128xf32, #tpu.memory_space<hbm>>
      %dma_start3A_1236 = tpu.memref_squeeze %dma_start3A_1235 : memref<1x10000x128xf32, #tpu.memory_space<hbm>> -> memref<10000x128xf32, #tpu.memory_space<hbm>>
      %dma_start3A_1237 = arith.constant 0 : i32
      %dma_start3A_1238 = arith.constant 0 : i32
      %dma_start3A_1239 = tpu.memref_slice %dma_start3A_1236[%dma_start3A_1237, %dma_start3A_1238] : memref<10000x128xf32, #tpu.memory_space<hbm>> -> memref<10000x128xf32, #tpu.memory_space<hbm>>
      tpu.enqueue_indirect_dma source(%dma_start3A_1239 : memref<10000x128xf32, #tpu.memory_space<hbm>>) target(%arg12 : memref<125x128xf32, #tpu.memory_space<vmem>>) offsets(%dma_start3A_1232 : memref<125xi32, #tpu.memory_space<vmem>>) semaphore(%arg15 : memref<!tpu.dma_semaphore, #tpu.memory_space<semaphore_mem>>)
      %dma_start3A_1240 = arith.constant 10 : i32
      %dma_start3A_1241 = arith.constant 0 : i32
      %dma_start3A_1242 = tpu.memref_slice %arg10[%dma_start3A_1240, %dma_start3A_1241] : memref<16x125xi32, #tpu.memory_space<vmem>> -> memref<1x125xi32, #tpu.memory_space<vmem>>
      %dma_start3A_1243 = tpu.memref_squeeze %dma_start3A_1242 : memref<1x125xi32, #tpu.memory_space<vmem>> -> memref<125xi32, #tpu.memory_space<vmem>>
      %dma_start3A_1244 = arith.constant 0 : i32
      %dma_start3A_1245 = arith.constant 0 : i32
      %dma_start3A_1246 = tpu.memref_slice %arg13[%dma_start3A_1244, %dma_start3A_1245] : memref<10000x128xf32, #tpu.memory_space<vmem_shared>> -> memref<10000x128xf32, #tpu.memory_space<vmem_shared>>
      tpu.enqueue_indirect_dma source(%arg11 : memref<125x128xf32, #tpu.memory_space<vmem>>) target(%dma_start3A_1246 : memref<10000x128xf32, #tpu.memory_space<vmem_shared>>) offsets(%dma_start3A_1243 : memref<125xi32, #tpu.memory_space<vmem>>) semaphore(%arg18 : memref<!tpu.dma_semaphore, #tpu.memory_space<semaphore_mem>>) {add = true}
      %dma_wait3A_1247 = arith.constant 0 : i32
      %dma_wait3A_1248 = arith.constant 0 : i32
      %dma_wait3A_1249 = tpu.memref_slice %arg7[%dma_wait3A_1247, %dma_wait3A_1248] : memref<16x125xi32, #tpu.memory_space<vmem>> -> memref<1x125xi32, #tpu.memory_space<vmem>>
      %dma_wait3A_1250 = tpu.memref_squeeze %dma_wait3A_1249 : memref<1x125xi32, #tpu.memory_space<vmem>> -> memref<125xi32, #tpu.memory_space<vmem>>
      %dma_wait3A_1251 = arith.constant 0 : i32
      %dma_wait3A_1252 = arith.constant 0 : i32
      %dma_wait3A_1253 = tpu.memref_slice %arg2[%add3A_50, %dma_wait3A_1251, %dma_wait3A_1252] : memref<4x10000x128xf32, #tpu.memory_space<hbm>> -> memref<1x10000x128xf32, #tpu.memory_space<hbm>>
      %dma_wait3A_1254 = tpu.memref_squeeze %dma_wait3A_1253 : memref<1x10000x128xf32, #tpu.memory_space<hbm>> -> memref<10000x128xf32, #tpu.memory_space<hbm>>
      %dma_wait3A_1255 = arith.constant 0 : i32
      %dma_wait3A_1256 = arith.constant 0 : i32
      %dma_wait3A_1257 = tpu.memref_slice %dma_wait3A_1254[%dma_wait3A_1255, %dma_wait3A_1256] : memref<10000x128xf32, #tpu.memory_space<hbm>> -> memref<10000x128xf32, #tpu.memory_space<hbm>>
      tpu.wait_indirect_dma semaphore(%arg15 : memref<!tpu.dma_semaphore, #tpu.memory_space<semaphore_mem>>) src(%dma_wait3A_1257 : memref<10000x128xf32, #tpu.memory_space<hbm>>) dst(%arg12 : memref<125x128xf32, #tpu.memory_space<vmem>>)
      %dma_wait3A_1258 = arith.constant 0 : i32
      %dma_wait3A_1259 = arith.constant 0 : i32
      %dma_wait3A_1260 = tpu.memref_slice %arg7[%dma_wait3A_1258, %dma_wait3A_1259] : memref<16x125xi32, #tpu.memory_space<vmem>> -> memref<1x125xi32, #tpu.memory_space<vmem>>
      %dma_wait3A_1261 = tpu.memref_squeeze %dma_wait3A_1260 : memref<1x125xi32, #tpu.memory_space<vmem>> -> memref<125xi32, #tpu.memory_space<vmem>>
      %dma_wait3A_1262 = arith.constant 0 : i32
      %dma_wait3A_1263 = arith.constant 0 : i32
      %dma_wait3A_1264 = tpu.memref_slice %arg2[%add3A_50, %dma_wait3A_1262, %dma_wait3A_1263] : memref<4x10000x128xf32, #tpu.memory_space<hbm>> -> memref<1x10000x128xf32, #tpu.memory_space<hbm>>
      %dma_wait3A_1265 = tpu.memref_squeeze %dma_wait3A_1264 : memref<1x10000x128xf32, #tpu.memory_space<hbm>> -> memref<10000x128xf32, #tpu.memory_space<hbm>>
      %dma_wait3A_1266 = arith.constant 0 : i32
      %dma_wait3A_1267 = arith.constant 0 : i32
      %dma_wait3A_1268 = tpu.memref_slice %dma_wait3A_1265[%dma_wait3A_1266, %dma_wait3A_1267] : memref<10000x128xf32, #tpu.memory_space<hbm>> -> memref<10000x128xf32, #tpu.memory_space<hbm>>
      tpu.wait_indirect_dma semaphore(%arg18 : memref<!tpu.dma_semaphore, #tpu.memory_space<semaphore_mem>>) src(%dma_wait3A_1268 : memref<10000x128xf32, #tpu.memory_space<hbm>>) dst(%arg11 : memref<125x128xf32, #tpu.memory_space<vmem>>)
      %dma_start3A_1269 = arith.constant 12 : i32
      %dma_start3A_1270 = arith.constant 0 : i32
      %dma_start3A_1271 = tpu.memref_slice %arg9[%dma_start3A_1269, %dma_start3A_1270] : memref<16x125xi32, #tpu.memory_space<vmem>> -> memref<1x125xi32, #tpu.memory_space<vmem>>
      %dma_start3A_1272 = tpu.memref_squeeze %dma_start3A_1271 : memref<1x125xi32, #tpu.memory_space<vmem>> -> memref<125xi32, #tpu.memory_space<vmem>>
      %dma_start3A_1273 = arith.constant 0 : i32
      %dma_start3A_1274 = arith.constant 0 : i32
      %dma_start3A_1275 = tpu.memref_slice %arg2[%add3A_50, %dma_start3A_1273, %dma_start3A_1274] : memref<4x10000x128xf32, #tpu.memory_space<hbm>> -> memref<1x10000x128xf32, #tpu.memory_space<hbm>>
      %dma_start3A_1276 = tpu.memref_squeeze %dma_start3A_1275 : memref<1x10000x128xf32, #tpu.memory_space<hbm>> -> memref<10000x128xf32, #tpu.memory_space<hbm>>
      %dma_start3A_1277 = arith.constant 0 : i32
      %dma_start3A_1278 = arith.constant 0 : i32
      %dma_start3A_1279 = tpu.memref_slice %dma_start3A_1276[%dma_start3A_1277, %dma_start3A_1278] : memref<10000x128xf32, #tpu.memory_space<hbm>> -> memref<10000x128xf32, #tpu.memory_space<hbm>>
      tpu.enqueue_indirect_dma source(%dma_start3A_1279 : memref<10000x128xf32, #tpu.memory_space<hbm>>) target(%arg11 : memref<125x128xf32, #tpu.memory_space<vmem>>) offsets(%dma_start3A_1272 : memref<125xi32, #tpu.memory_space<vmem>>) semaphore(%arg14 : memref<!tpu.dma_semaphore, #tpu.memory_space<semaphore_mem>>)
      %dma_start3A_1280 = arith.constant 11 : i32
      %dma_start3A_1281 = arith.constant 0 : i32
      %dma_start3A_1282 = tpu.memref_slice %arg10[%dma_start3A_1280, %dma_start3A_1281] : memref<16x125xi32, #tpu.memory_space<vmem>> -> memref<1x125xi32, #tpu.memory_space<vmem>>
      %dma_start3A_1283 = tpu.memref_squeeze %dma_start3A_1282 : memref<1x125xi32, #tpu.memory_space<vmem>> -> memref<125xi32, #tpu.memory_space<vmem>>
      %dma_start3A_1284 = arith.constant 0 : i32
      %dma_start3A_1285 = arith.constant 0 : i32
      %dma_start3A_1286 = tpu.memref_slice %arg13[%dma_start3A_1284, %dma_start3A_1285] : memref<10000x128xf32, #tpu.memory_space<vmem_shared>> -> memref<10000x128xf32, #tpu.memory_space<vmem_shared>>
      tpu.enqueue_indirect_dma source(%arg12 : memref<125x128xf32, #tpu.memory_space<vmem>>) target(%dma_start3A_1286 : memref<10000x128xf32, #tpu.memory_space<vmem_shared>>) offsets(%dma_start3A_1283 : memref<125xi32, #tpu.memory_space<vmem>>) semaphore(%arg19 : memref<!tpu.dma_semaphore, #tpu.memory_space<semaphore_mem>>) {add = true}
      %dma_wait3A_1287 = arith.constant 0 : i32
      %dma_wait3A_1288 = arith.constant 0 : i32
      %dma_wait3A_1289 = tpu.memref_slice %arg7[%dma_wait3A_1287, %dma_wait3A_1288] : memref<16x125xi32, #tpu.memory_space<vmem>> -> memref<1x125xi32, #tpu.memory_space<vmem>>
      %dma_wait3A_1290 = tpu.memref_squeeze %dma_wait3A_1289 : memref<1x125xi32, #tpu.memory_space<vmem>> -> memref<125xi32, #tpu.memory_space<vmem>>
      %dma_wait3A_1291 = arith.constant 0 : i32
      %dma_wait3A_1292 = arith.constant 0 : i32
      %dma_wait3A_1293 = tpu.memref_slice %arg2[%add3A_50, %dma_wait3A_1291, %dma_wait3A_1292] : memref<4x10000x128xf32, #tpu.memory_space<hbm>> -> memref<1x10000x128xf32, #tpu.memory_space<hbm>>
      %dma_wait3A_1294 = tpu.memref_squeeze %dma_wait3A_1293 : memref<1x10000x128xf32, #tpu.memory_space<hbm>> -> memref<10000x128xf32, #tpu.memory_space<hbm>>
      %dma_wait3A_1295 = arith.constant 0 : i32
      %dma_wait3A_1296 = arith.constant 0 : i32
      %dma_wait3A_1297 = tpu.memref_slice %dma_wait3A_1294[%dma_wait3A_1295, %dma_wait3A_1296] : memref<10000x128xf32, #tpu.memory_space<hbm>> -> memref<10000x128xf32, #tpu.memory_space<hbm>>
      tpu.wait_indirect_dma semaphore(%arg14 : memref<!tpu.dma_semaphore, #tpu.memory_space<semaphore_mem>>) src(%dma_wait3A_1297 : memref<10000x128xf32, #tpu.memory_space<hbm>>) dst(%arg11 : memref<125x128xf32, #tpu.memory_space<vmem>>)
      %dma_wait3A_1298 = arith.constant 0 : i32
      %dma_wait3A_1299 = arith.constant 0 : i32
      %dma_wait3A_1300 = tpu.memref_slice %arg7[%dma_wait3A_1298, %dma_wait3A_1299] : memref<16x125xi32, #tpu.memory_space<vmem>> -> memref<1x125xi32, #tpu.memory_space<vmem>>
      %dma_wait3A_1301 = tpu.memref_squeeze %dma_wait3A_1300 : memref<1x125xi32, #tpu.memory_space<vmem>> -> memref<125xi32, #tpu.memory_space<vmem>>
      %dma_wait3A_1302 = arith.constant 0 : i32
      %dma_wait3A_1303 = arith.constant 0 : i32
      %dma_wait3A_1304 = tpu.memref_slice %arg2[%add3A_50, %dma_wait3A_1302, %dma_wait3A_1303] : memref<4x10000x128xf32, #tpu.memory_space<hbm>> -> memref<1x10000x128xf32, #tpu.memory_space<hbm>>
      %dma_wait3A_1305 = tpu.memref_squeeze %dma_wait3A_1304 : memref<1x10000x128xf32, #tpu.memory_space<hbm>> -> memref<10000x128xf32, #tpu.memory_space<hbm>>
      %dma_wait3A_1306 = arith.constant 0 : i32
      %dma_wait3A_1307 = arith.constant 0 : i32
      %dma_wait3A_1308 = tpu.memref_slice %dma_wait3A_1305[%dma_wait3A_1306, %dma_wait3A_1307] : memref<10000x128xf32, #tpu.memory_space<hbm>> -> memref<10000x128xf32, #tpu.memory_space<hbm>>
      tpu.wait_indirect_dma semaphore(%arg19 : memref<!tpu.dma_semaphore, #tpu.memory_space<semaphore_mem>>) src(%dma_wait3A_1308 : memref<10000x128xf32, #tpu.memory_space<hbm>>) dst(%arg12 : memref<125x128xf32, #tpu.memory_space<vmem>>)
      %dma_start3A_1309 = arith.constant 13 : i32
      %dma_start3A_1310 = arith.constant 0 : i32
      %dma_start3A_1311 = tpu.memref_slice %arg9[%dma_start3A_1309, %dma_start3A_1310] : memref<16x125xi32, #tpu.memory_space<vmem>> -> memref<1x125xi32, #tpu.memory_space<vmem>>
      %dma_start3A_1312 = tpu.memref_squeeze %dma_start3A_1311 : memref<1x125xi32, #tpu.memory_space<vmem>> -> memref<125xi32, #tpu.memory_space<vmem>>
      %dma_start3A_1313 = arith.constant 0 : i32
      %dma_start3A_1314 = arith.constant 0 : i32
      %dma_start3A_1315 = tpu.memref_slice %arg2[%add3A_50, %dma_start3A_1313, %dma_start3A_1314] : memref<4x10000x128xf32, #tpu.memory_space<hbm>> -> memref<1x10000x128xf32, #tpu.memory_space<hbm>>
      %dma_start3A_1316 = tpu.memref_squeeze %dma_start3A_1315 : memref<1x10000x128xf32, #tpu.memory_space<hbm>> -> memref<10000x128xf32, #tpu.memory_space<hbm>>
      %dma_start3A_1317 = arith.constant 0 : i32
      %dma_start3A_1318 = arith.constant 0 : i32
      %dma_start3A_1319 = tpu.memref_slice %dma_start3A_1316[%dma_start3A_1317, %dma_start3A_1318] : memref<10000x128xf32, #tpu.memory_space<hbm>> -> memref<10000x128xf32, #tpu.memory_space<hbm>>
      tpu.enqueue_indirect_dma source(%dma_start3A_1319 : memref<10000x128xf32, #tpu.memory_space<hbm>>) target(%arg12 : memref<125x128xf32, #tpu.memory_space<vmem>>) offsets(%dma_start3A_1312 : memref<125xi32, #tpu.memory_space<vmem>>) semaphore(%arg15 : memref<!tpu.dma_semaphore, #tpu.memory_space<semaphore_mem>>)
      %dma_start3A_1320 = arith.constant 12 : i32
      %dma_start3A_1321 = arith.constant 0 : i32
      %dma_start3A_1322 = tpu.memref_slice %arg10[%dma_start3A_1320, %dma_start3A_1321] : memref<16x125xi32, #tpu.memory_space<vmem>> -> memref<1x125xi32, #tpu.memory_space<vmem>>
      %dma_start3A_1323 = tpu.memref_squeeze %dma_start3A_1322 : memref<1x125xi32, #tpu.memory_space<vmem>> -> memref<125xi32, #tpu.memory_space<vmem>>
      %dma_start3A_1324 = arith.constant 0 : i32
      %dma_start3A_1325 = arith.constant 0 : i32
      %dma_start3A_1326 = tpu.memref_slice %arg13[%dma_start3A_1324, %dma_start3A_1325] : memref<10000x128xf32, #tpu.memory_space<vmem_shared>> -> memref<10000x128xf32, #tpu.memory_space<vmem_shared>>
      tpu.enqueue_indirect_dma source(%arg11 : memref<125x128xf32, #tpu.memory_space<vmem>>) target(%dma_start3A_1326 : memref<10000x128xf32, #tpu.memory_space<vmem_shared>>) offsets(%dma_start3A_1323 : memref<125xi32, #tpu.memory_space<vmem>>) semaphore(%arg18 : memref<!tpu.dma_semaphore, #tpu.memory_space<semaphore_mem>>) {add = true}
      %dma_wait3A_1327 = arith.constant 0 : i32
      %dma_wait3A_1328 = arith.constant 0 : i32
      %dma_wait3A_1329 = tpu.memref_slice %arg7[%dma_wait3A_1327, %dma_wait3A_1328] : memref<16x125xi32, #tpu.memory_space<vmem>> -> memref<1x125xi32, #tpu.memory_space<vmem>>
      %dma_wait3A_1330 = tpu.memref_squeeze %dma_wait3A_1329 : memref<1x125xi32, #tpu.memory_space<vmem>> -> memref<125xi32, #tpu.memory_space<vmem>>
      %dma_wait3A_1331 = arith.constant 0 : i32
      %dma_wait3A_1332 = arith.constant 0 : i32
      %dma_wait3A_1333 = tpu.memref_slice %arg2[%add3A_50, %dma_wait3A_1331, %dma_wait3A_1332] : memref<4x10000x128xf32, #tpu.memory_space<hbm>> -> memref<1x10000x128xf32, #tpu.memory_space<hbm>>
      %dma_wait3A_1334 = tpu.memref_squeeze %dma_wait3A_1333 : memref<1x10000x128xf32, #tpu.memory_space<hbm>> -> memref<10000x128xf32, #tpu.memory_space<hbm>>
      %dma_wait3A_1335 = arith.constant 0 : i32
      %dma_wait3A_1336 = arith.constant 0 : i32
      %dma_wait3A_1337 = tpu.memref_slice %dma_wait3A_1334[%dma_wait3A_1335, %dma_wait3A_1336] : memref<10000x128xf32, #tpu.memory_space<hbm>> -> memref<10000x128xf32, #tpu.memory_space<hbm>>
      tpu.wait_indirect_dma semaphore(%arg15 : memref<!tpu.dma_semaphore, #tpu.memory_space<semaphore_mem>>) src(%dma_wait3A_1337 : memref<10000x128xf32, #tpu.memory_space<hbm>>) dst(%arg12 : memref<125x128xf32, #tpu.memory_space<vmem>>)
      %dma_wait3A_1338 = arith.constant 0 : i32
      %dma_wait3A_1339 = arith.constant 0 : i32
      %dma_wait3A_1340 = tpu.memref_slice %arg7[%dma_wait3A_1338, %dma_wait3A_1339] : memref<16x125xi32, #tpu.memory_space<vmem>> -> memref<1x125xi32, #tpu.memory_space<vmem>>
      %dma_wait3A_1341 = tpu.memref_squeeze %dma_wait3A_1340 : memref<1x125xi32, #tpu.memory_space<vmem>> -> memref<125xi32, #tpu.memory_space<vmem>>
      %dma_wait3A_1342 = arith.constant 0 : i32
      %dma_wait3A_1343 = arith.constant 0 : i32
      %dma_wait3A_1344 = tpu.memref_slice %arg2[%add3A_50, %dma_wait3A_1342, %dma_wait3A_1343] : memref<4x10000x128xf32, #tpu.memory_space<hbm>> -> memref<1x10000x128xf32, #tpu.memory_space<hbm>>
      %dma_wait3A_1345 = tpu.memref_squeeze %dma_wait3A_1344 : memref<1x10000x128xf32, #tpu.memory_space<hbm>> -> memref<10000x128xf32, #tpu.memory_space<hbm>>
      %dma_wait3A_1346 = arith.constant 0 : i32
      %dma_wait3A_1347 = arith.constant 0 : i32
      %dma_wait3A_1348 = tpu.memref_slice %dma_wait3A_1345[%dma_wait3A_1346, %dma_wait3A_1347] : memref<10000x128xf32, #tpu.memory_space<hbm>> -> memref<10000x128xf32, #tpu.memory_space<hbm>>
      tpu.wait_indirect_dma semaphore(%arg18 : memref<!tpu.dma_semaphore, #tpu.memory_space<semaphore_mem>>) src(%dma_wait3A_1348 : memref<10000x128xf32, #tpu.memory_space<hbm>>) dst(%arg11 : memref<125x128xf32, #tpu.memory_space<vmem>>)
      %dma_start3A_1349 = arith.constant 14 : i32
      %dma_start3A_1350 = arith.constant 0 : i32
      %dma_start3A_1351 = tpu.memref_slice %arg9[%dma_start3A_1349, %dma_start3A_1350] : memref<16x125xi32, #tpu.memory_space<vmem>> -> memref<1x125xi32, #tpu.memory_space<vmem>>
      %dma_start3A_1352 = tpu.memref_squeeze %dma_start3A_1351 : memref<1x125xi32, #tpu.memory_space<vmem>> -> memref<125xi32, #tpu.memory_space<vmem>>
      %dma_start3A_1353 = arith.constant 0 : i32
      %dma_start3A_1354 = arith.constant 0 : i32
      %dma_start3A_1355 = tpu.memref_slice %arg2[%add3A_50, %dma_start3A_1353, %dma_start3A_1354] : memref<4x10000x128xf32, #tpu.memory_space<hbm>> -> memref<1x10000x128xf32, #tpu.memory_space<hbm>>
      %dma_start3A_1356 = tpu.memref_squeeze %dma_start3A_1355 : memref<1x10000x128xf32, #tpu.memory_space<hbm>> -> memref<10000x128xf32, #tpu.memory_space<hbm>>
      %dma_start3A_1357 = arith.constant 0 : i32
      %dma_start3A_1358 = arith.constant 0 : i32
      %dma_start3A_1359 = tpu.memref_slice %dma_start3A_1356[%dma_start3A_1357, %dma_start3A_1358] : memref<10000x128xf32, #tpu.memory_space<hbm>> -> memref<10000x128xf32, #tpu.memory_space<hbm>>
      tpu.enqueue_indirect_dma source(%dma_start3A_1359 : memref<10000x128xf32, #tpu.memory_space<hbm>>) target(%arg11 : memref<125x128xf32, #tpu.memory_space<vmem>>) offsets(%dma_start3A_1352 : memref<125xi32, #tpu.memory_space<vmem>>) semaphore(%arg14 : memref<!tpu.dma_semaphore, #tpu.memory_space<semaphore_mem>>)
      %dma_start3A_1360 = arith.constant 13 : i32
      %dma_start3A_1361 = arith.constant 0 : i32
      %dma_start3A_1362 = tpu.memref_slice %arg10[%dma_start3A_1360, %dma_start3A_1361] : memref<16x125xi32, #tpu.memory_space<vmem>> -> memref<1x125xi32, #tpu.memory_space<vmem>>
      %dma_start3A_1363 = tpu.memref_squeeze %dma_start3A_1362 : memref<1x125xi32, #tpu.memory_space<vmem>> -> memref<125xi32, #tpu.memory_space<vmem>>
      %dma_start3A_1364 = arith.constant 0 : i32
      %dma_start3A_1365 = arith.constant 0 : i32
      %dma_start3A_1366 = tpu.memref_slice %arg13[%dma_start3A_1364, %dma_start3A_1365] : memref<10000x128xf32, #tpu.memory_space<vmem_shared>> -> memref<10000x128xf32, #tpu.memory_space<vmem_shared>>
      tpu.enqueue_indirect_dma source(%arg12 : memref<125x128xf32, #tpu.memory_space<vmem>>) target(%dma_start3A_1366 : memref<10000x128xf32, #tpu.memory_space<vmem_shared>>) offsets(%dma_start3A_1363 : memref<125xi32, #tpu.memory_space<vmem>>) semaphore(%arg19 : memref<!tpu.dma_semaphore, #tpu.memory_space<semaphore_mem>>) {add = true}
      %dma_wait3A_1367 = arith.constant 0 : i32
      %dma_wait3A_1368 = arith.constant 0 : i32
      %dma_wait3A_1369 = tpu.memref_slice %arg7[%dma_wait3A_1367, %dma_wait3A_1368] : memref<16x125xi32, #tpu.memory_space<vmem>> -> memref<1x125xi32, #tpu.memory_space<vmem>>
      %dma_wait3A_1370 = tpu.memref_squeeze %dma_wait3A_1369 : memref<1x125xi32, #tpu.memory_space<vmem>> -> memref<125xi32, #tpu.memory_space<vmem>>
      %dma_wait3A_1371 = arith.constant 0 : i32
      %dma_wait3A_1372 = arith.constant 0 : i32
      %dma_wait3A_1373 = tpu.memref_slice %arg2[%add3A_50, %dma_wait3A_1371, %dma_wait3A_1372] : memref<4x10000x128xf32, #tpu.memory_space<hbm>> -> memref<1x10000x128xf32, #tpu.memory_space<hbm>>
      %dma_wait3A_1374 = tpu.memref_squeeze %dma_wait3A_1373 : memref<1x10000x128xf32, #tpu.memory_space<hbm>> -> memref<10000x128xf32, #tpu.memory_space<hbm>>
      %dma_wait3A_1375 = arith.constant 0 : i32
      %dma_wait3A_1376 = arith.constant 0 : i32
      %dma_wait3A_1377 = tpu.memref_slice %dma_wait3A_1374[%dma_wait3A_1375, %dma_wait3A_1376] : memref<10000x128xf32, #tpu.memory_space<hbm>> -> memref<10000x128xf32, #tpu.memory_space<hbm>>
      tpu.wait_indirect_dma semaphore(%arg14 : memref<!tpu.dma_semaphore, #tpu.memory_space<semaphore_mem>>) src(%dma_wait3A_1377 : memref<10000x128xf32, #tpu.memory_space<hbm>>) dst(%arg11 : memref<125x128xf32, #tpu.memory_space<vmem>>)
      %dma_wait3A_1378 = arith.constant 0 : i32
      %dma_wait3A_1379 = arith.constant 0 : i32
      %dma_wait3A_1380 = tpu.memref_slice %arg7[%dma_wait3A_1378, %dma_wait3A_1379] : memref<16x125xi32, #tpu.memory_space<vmem>> -> memref<1x125xi32, #tpu.memory_space<vmem>>
      %dma_wait3A_1381 = tpu.memref_squeeze %dma_wait3A_1380 : memref<1x125xi32, #tpu.memory_space<vmem>> -> memref<125xi32, #tpu.memory_space<vmem>>
      %dma_wait3A_1382 = arith.constant 0 : i32
      %dma_wait3A_1383 = arith.constant 0 : i32
      %dma_wait3A_1384 = tpu.memref_slice %arg2[%add3A_50, %dma_wait3A_1382, %dma_wait3A_1383] : memref<4x10000x128xf32, #tpu.memory_space<hbm>> -> memref<1x10000x128xf32, #tpu.memory_space<hbm>>
      %dma_wait3A_1385 = tpu.memref_squeeze %dma_wait3A_1384 : memref<1x10000x128xf32, #tpu.memory_space<hbm>> -> memref<10000x128xf32, #tpu.memory_space<hbm>>
      %dma_wait3A_1386 = arith.constant 0 : i32
      %dma_wait3A_1387 = arith.constant 0 : i32
      %dma_wait3A_1388 = tpu.memref_slice %dma_wait3A_1385[%dma_wait3A_1386, %dma_wait3A_1387] : memref<10000x128xf32, #tpu.memory_space<hbm>> -> memref<10000x128xf32, #tpu.memory_space<hbm>>
      tpu.wait_indirect_dma semaphore(%arg19 : memref<!tpu.dma_semaphore, #tpu.memory_space<semaphore_mem>>) src(%dma_wait3A_1388 : memref<10000x128xf32, #tpu.memory_space<hbm>>) dst(%arg12 : memref<125x128xf32, #tpu.memory_space<vmem>>)
      %dma_start3A_1389 = arith.constant 15 : i32
      %dma_start3A_1390 = arith.constant 0 : i32
      %dma_start3A_1391 = tpu.memref_slice %arg9[%dma_start3A_1389, %dma_start3A_1390] : memref<16x125xi32, #tpu.memory_space<vmem>> -> memref<1x125xi32, #tpu.memory_space<vmem>>
      %dma_start3A_1392 = tpu.memref_squeeze %dma_start3A_1391 : memref<1x125xi32, #tpu.memory_space<vmem>> -> memref<125xi32, #tpu.memory_space<vmem>>
      %dma_start3A_1393 = arith.constant 0 : i32
      %dma_start3A_1394 = arith.constant 0 : i32
      %dma_start3A_1395 = tpu.memref_slice %arg2[%add3A_50, %dma_start3A_1393, %dma_start3A_1394] : memref<4x10000x128xf32, #tpu.memory_space<hbm>> -> memref<1x10000x128xf32, #tpu.memory_space<hbm>>
      %dma_start3A_1396 = tpu.memref_squeeze %dma_start3A_1395 : memref<1x10000x128xf32, #tpu.memory_space<hbm>> -> memref<10000x128xf32, #tpu.memory_space<hbm>>
      %dma_start3A_1397 = arith.constant 0 : i32
      %dma_start3A_1398 = arith.constant 0 : i32
      %dma_start3A_1399 = tpu.memref_slice %dma_start3A_1396[%dma_start3A_1397, %dma_start3A_1398] : memref<10000x128xf32, #tpu.memory_space<hbm>> -> memref<10000x128xf32, #tpu.memory_space<hbm>>
      tpu.enqueue_indirect_dma source(%dma_start3A_1399 : memref<10000x128xf32, #tpu.memory_space<hbm>>) target(%arg12 : memref<125x128xf32, #tpu.memory_space<vmem>>) offsets(%dma_start3A_1392 : memref<125xi32, #tpu.memory_space<vmem>>) semaphore(%arg15 : memref<!tpu.dma_semaphore, #tpu.memory_space<semaphore_mem>>)
      %dma_start3A_1400 = arith.constant 14 : i32
      %dma_start3A_1401 = arith.constant 0 : i32
      %dma_start3A_1402 = tpu.memref_slice %arg10[%dma_start3A_1400, %dma_start3A_1401] : memref<16x125xi32, #tpu.memory_space<vmem>> -> memref<1x125xi32, #tpu.memory_space<vmem>>
      %dma_start3A_1403 = tpu.memref_squeeze %dma_start3A_1402 : memref<1x125xi32, #tpu.memory_space<vmem>> -> memref<125xi32, #tpu.memory_space<vmem>>
      %dma_start3A_1404 = arith.constant 0 : i32
      %dma_start3A_1405 = arith.constant 0 : i32
      %dma_start3A_1406 = tpu.memref_slice %arg13[%dma_start3A_1404, %dma_start3A_1405] : memref<10000x128xf32, #tpu.memory_space<vmem_shared>> -> memref<10000x128xf32, #tpu.memory_space<vmem_shared>>
      tpu.enqueue_indirect_dma source(%arg11 : memref<125x128xf32, #tpu.memory_space<vmem>>) target(%dma_start3A_1406 : memref<10000x128xf32, #tpu.memory_space<vmem_shared>>) offsets(%dma_start3A_1403 : memref<125xi32, #tpu.memory_space<vmem>>) semaphore(%arg18 : memref<!tpu.dma_semaphore, #tpu.memory_space<semaphore_mem>>) {add = true}
      %dma_wait3A_1407 = arith.constant 0 : i32
      %dma_wait3A_1408 = arith.constant 0 : i32
      %dma_wait3A_1409 = tpu.memref_slice %arg7[%dma_wait3A_1407, %dma_wait3A_1408] : memref<16x125xi32, #tpu.memory_space<vmem>> -> memref<1x125xi32, #tpu.memory_space<vmem>>
      %dma_wait3A_1410 = tpu.memref_squeeze %dma_wait3A_1409 : memref<1x125xi32, #tpu.memory_space<vmem>> -> memref<125xi32, #tpu.memory_space<vmem>>
      %dma_wait3A_1411 = arith.constant 0 : i32
      %dma_wait3A_1412 = arith.constant 0 : i32
      %dma_wait3A_1413 = tpu.memref_slice %arg2[%add3A_50, %dma_wait3A_1411, %dma_wait3A_1412] : memref<4x10000x128xf32, #tpu.memory_space<hbm>> -> memref<1x10000x128xf32, #tpu.memory_space<hbm>>
      %dma_wait3A_1414 = tpu.memref_squeeze %dma_wait3A_1413 : memref<1x10000x128xf32, #tpu.memory_space<hbm>> -> memref<10000x128xf32, #tpu.memory_space<hbm>>
      %dma_wait3A_1415 = arith.constant 0 : i32
      %dma_wait3A_1416 = arith.constant 0 : i32
      %dma_wait3A_1417 = tpu.memref_slice %dma_wait3A_1414[%dma_wait3A_1415, %dma_wait3A_1416] : memref<10000x128xf32, #tpu.memory_space<hbm>> -> memref<10000x128xf32, #tpu.memory_space<hbm>>
      tpu.wait_indirect_dma semaphore(%arg15 : memref<!tpu.dma_semaphore, #tpu.memory_space<semaphore_mem>>) src(%dma_wait3A_1417 : memref<10000x128xf32, #tpu.memory_space<hbm>>) dst(%arg12 : memref<125x128xf32, #tpu.memory_space<vmem>>)
      %dma_wait3A_1418 = arith.constant 0 : i32
      %dma_wait3A_1419 = arith.constant 0 : i32
      %dma_wait3A_1420 = tpu.memref_slice %arg7[%dma_wait3A_1418, %dma_wait3A_1419] : memref<16x125xi32, #tpu.memory_space<vmem>> -> memref<1x125xi32, #tpu.memory_space<vmem>>
      %dma_wait3A_1421 = tpu.memref_squeeze %dma_wait3A_1420 : memref<1x125xi32, #tpu.memory_space<vmem>> -> memref<125xi32, #tpu.memory_space<vmem>>
      %dma_wait3A_1422 = arith.constant 0 : i32
      %dma_wait3A_1423 = arith.constant 0 : i32
      %dma_wait3A_1424 = tpu.memref_slice %arg2[%add3A_50, %dma_wait3A_1422, %dma_wait3A_1423] : memref<4x10000x128xf32, #tpu.memory_space<hbm>> -> memref<1x10000x128xf32, #tpu.memory_space<hbm>>
      %dma_wait3A_1425 = tpu.memref_squeeze %dma_wait3A_1424 : memref<1x10000x128xf32, #tpu.memory_space<hbm>> -> memref<10000x128xf32, #tpu.memory_space<hbm>>
      %dma_wait3A_1426 = arith.constant 0 : i32
      %dma_wait3A_1427 = arith.constant 0 : i32
      %dma_wait3A_1428 = tpu.memref_slice %dma_wait3A_1425[%dma_wait3A_1426, %dma_wait3A_1427] : memref<10000x128xf32, #tpu.memory_space<hbm>> -> memref<10000x128xf32, #tpu.memory_space<hbm>>
      tpu.wait_indirect_dma semaphore(%arg18 : memref<!tpu.dma_semaphore, #tpu.memory_space<semaphore_mem>>) src(%dma_wait3A_1428 : memref<10000x128xf32, #tpu.memory_space<hbm>>) dst(%arg11 : memref<125x128xf32, #tpu.memory_space<vmem>>)
      %convert_element_type3A_1429 = arith.extui %lt3A_806 : i1 to i32
      %cond3A_1430 = arith.constant 0 : i32
      %cond3A_1431 = arith.cmpi ne, %convert_element_type3A_1429, %cond3A_1430 : i32
      scf.if %cond3A_1431 {
        %dma_wait3A_1439 = arith.constant 0 : i32
        %dma_wait3A_1440 = arith.constant 0 : i32
        %dma_wait3A_1441 = tpu.memref_slice %arg3[%arg1, %dma_wait3A_1439, %dma_wait3A_1440] : memref<16x160x125xi32, #tpu.memory_space<hbm>> -> memref<1x160x125xi32, #tpu.memory_space<hbm>>
        %dma_wait3A_1442 = tpu.memref_squeeze %dma_wait3A_1441 : memref<1x160x125xi32, #tpu.memory_space<hbm>> -> memref<160x125xi32, #tpu.memory_space<hbm>>
        %dma_wait3A_1443 = arith.constant 0 : i32
        %dma_wait3A_1444 = arith.constant 0 : i32
        %dma_wait3A_1445 = tpu.memref_slice %dma_wait3A_1442[%dma_wait3A_1443, %dma_wait3A_1444] : memref<160x125xi32, #tpu.memory_space<hbm>> -> memref<16x125xi32, #tpu.memory_space<hbm>>
        %dma_wait3A_1446 = arith.constant 0 : i32
        %dma_wait3A_1447 = arith.constant 0 : i32
        %dma_wait3A_1448 = tpu.memref_slice %arg3[%arg1, %dma_wait3A_1446, %dma_wait3A_1447] : memref<16x160x125xi32, #tpu.memory_space<hbm>> -> memref<1x160x125xi32, #tpu.memory_space<hbm>>
        %dma_wait3A_1449 = tpu.memref_squeeze %dma_wait3A_1448 : memref<1x160x125xi32, #tpu.memory_space<hbm>> -> memref<160x125xi32, #tpu.memory_space<hbm>>
        %dma_wait3A_1450 = arith.constant 0 : i32
        %dma_wait3A_1451 = arith.constant 0 : i32
        %dma_wait3A_1452 = tpu.memref_slice %dma_wait3A_1449[%dma_wait3A_1450, %dma_wait3A_1451] : memref<160x125xi32, #tpu.memory_space<hbm>> -> memref<16x125xi32, #tpu.memory_space<hbm>>
        tpu.wait_dma2 semaphore(%arg16 : memref<!tpu.dma_semaphore, #tpu.memory_space<semaphore_mem>>) src(%dma_wait3A_1452 : memref<16x125xi32, #tpu.memory_space<hbm>>) dst(%arg7 : memref<16x125xi32, #tpu.memory_space<vmem>>)
        %dma_wait3A_1453 = arith.constant 0 : i32
        %dma_wait3A_1454 = arith.constant 0 : i32
        %dma_wait3A_1455 = tpu.memref_slice %arg3[%arg1, %dma_wait3A_1453, %dma_wait3A_1454] : memref<16x160x125xi32, #tpu.memory_space<hbm>> -> memref<1x160x125xi32, #tpu.memory_space<hbm>>
        %dma_wait3A_1456 = tpu.memref_squeeze %dma_wait3A_1455 : memref<1x160x125xi32, #tpu.memory_space<hbm>> -> memref<160x125xi32, #tpu.memory_space<hbm>>
        %dma_wait3A_1457 = arith.constant 0 : i32
        %dma_wait3A_1458 = arith.constant 0 : i32
        %dma_wait3A_1459 = tpu.memref_slice %dma_wait3A_1456[%dma_wait3A_1457, %dma_wait3A_1458] : memref<160x125xi32, #tpu.memory_space<hbm>> -> memref<16x125xi32, #tpu.memory_space<hbm>>
        %dma_wait3A_1460 = arith.constant 0 : i32
        %dma_wait3A_1461 = arith.constant 0 : i32
        %dma_wait3A_1462 = tpu.memref_slice %arg3[%arg1, %dma_wait3A_1460, %dma_wait3A_1461] : memref<16x160x125xi32, #tpu.memory_space<hbm>> -> memref<1x160x125xi32, #tpu.memory_space<hbm>>
        %dma_wait3A_1463 = tpu.memref_squeeze %dma_wait3A_1462 : memref<1x160x125xi32, #tpu.memory_space<hbm>> -> memref<160x125xi32, #tpu.memory_space<hbm>>
        %dma_wait3A_1464 = arith.constant 0 : i32
        %dma_wait3A_1465 = arith.constant 0 : i32
        %dma_wait3A_1466 = tpu.memref_slice %dma_wait3A_1463[%dma_wait3A_1464, %dma_wait3A_1465] : memref<160x125xi32, #tpu.memory_space<hbm>> -> memref<16x125xi32, #tpu.memory_space<hbm>>
        tpu.wait_dma2 semaphore(%arg16 : memref<!tpu.dma_semaphore, #tpu.memory_space<semaphore_mem>>) src(%dma_wait3A_1466 : memref<16x125xi32, #tpu.memory_space<hbm>>) dst(%arg7 : memref<16x125xi32, #tpu.memory_space<vmem>>)
        %dma_start3A_1467 = arith.constant 0 : i32
        %dma_start3A_1468 = arith.constant 0 : i32
        %dma_start3A_1469 = tpu.memref_slice %arg7[%dma_start3A_1467, %dma_start3A_1468] : memref<16x125xi32, #tpu.memory_space<vmem>> -> memref<1x125xi32, #tpu.memory_space<vmem>>
        %dma_start3A_1470 = tpu.memref_squeeze %dma_start3A_1469 : memref<1x125xi32, #tpu.memory_space<vmem>> -> memref<125xi32, #tpu.memory_space<vmem>>
        %dma_start3A_1471 = arith.constant 0 : i32
        %dma_start3A_1472 = arith.constant 0 : i32
        %dma_start3A_1473 = tpu.memref_slice %arg2[%add3A_50, %dma_start3A_1471, %dma_start3A_1472] : memref<4x10000x128xf32, #tpu.memory_space<hbm>> -> memref<1x10000x128xf32, #tpu.memory_space<hbm>>
        %dma_start3A_1474 = tpu.memref_squeeze %dma_start3A_1473 : memref<1x10000x128xf32, #tpu.memory_space<hbm>> -> memref<10000x128xf32, #tpu.memory_space<hbm>>
        %dma_start3A_1475 = arith.constant 0 : i32
        %dma_start3A_1476 = arith.constant 0 : i32
        %dma_start3A_1477 = tpu.memref_slice %dma_start3A_1474[%dma_start3A_1475, %dma_start3A_1476] : memref<10000x128xf32, #tpu.memory_space<hbm>> -> memref<10000x128xf32, #tpu.memory_space<hbm>>
        tpu.enqueue_indirect_dma source(%dma_start3A_1477 : memref<10000x128xf32, #tpu.memory_space<hbm>>) target(%arg11 : memref<125x128xf32, #tpu.memory_space<vmem>>) offsets(%dma_start3A_1470 : memref<125xi32, #tpu.memory_space<vmem>>) semaphore(%arg14 : memref<!tpu.dma_semaphore, #tpu.memory_space<semaphore_mem>>)
      } else {
      }
      %dma_start3A_1432 = arith.constant 15 : i32
      %dma_start3A_1433 = arith.constant 0 : i32
      %dma_start3A_1434 = tpu.memref_slice %arg10[%dma_start3A_1432, %dma_start3A_1433] : memref<16x125xi32, #tpu.memory_space<vmem>> -> memref<1x125xi32, #tpu.memory_space<vmem>>
      %dma_start3A_1435 = tpu.memref_squeeze %dma_start3A_1434 : memref<1x125xi32, #tpu.memory_space<vmem>> -> memref<125xi32, #tpu.memory_space<vmem>>
      %dma_start3A_1436 = arith.constant 0 : i32
      %dma_start3A_1437 = arith.constant 0 : i32
      %dma_start3A_1438 = tpu.memref_slice %arg13[%dma_start3A_1436, %dma_start3A_1437] : memref<10000x128xf32, #tpu.memory_space<vmem_shared>> -> memref<10000x128xf32, #tpu.memory_space<vmem_shared>>
      tpu.enqueue_indirect_dma source(%arg12 : memref<125x128xf32, #tpu.memory_space<vmem>>) target(%dma_start3A_1438 : memref<10000x128xf32, #tpu.memory_space<vmem_shared>>) offsets(%dma_start3A_1435 : memref<125xi32, #tpu.memory_space<vmem>>) semaphore(%arg19 : memref<!tpu.dma_semaphore, #tpu.memory_space<semaphore_mem>>) {add = true}
    }
    %scan3A_78 = arith.constant 5 : i32
    %dma_wait3A_79 = arith.constant 0 : i32
    %dma_wait3A_80 = arith.constant 0 : i32
    %dma_wait3A_81 = tpu.memref_slice %arg7[%dma_wait3A_79, %dma_wait3A_80] : memref<16x125xi32, #tpu.memory_space<vmem>> -> memref<1x125xi32, #tpu.memory_space<vmem>>
    %dma_wait3A_82 = tpu.memref_squeeze %dma_wait3A_81 : memref<1x125xi32, #tpu.memory_space<vmem>> -> memref<125xi32, #tpu.memory_space<vmem>>
    %dma_wait3A_83 = arith.constant 0 : i32
    %dma_wait3A_84 = arith.constant 0 : i32
    %dma_wait3A_85 = tpu.memref_slice %arg2[%add3A_50, %dma_wait3A_83, %dma_wait3A_84] : memref<4x10000x128xf32, #tpu.memory_space<hbm>> -> memref<1x10000x128xf32, #tpu.memory_space<hbm>>
    %dma_wait3A_86 = tpu.memref_squeeze %dma_wait3A_85 : memref<1x10000x128xf32, #tpu.memory_space<hbm>> -> memref<10000x128xf32, #tpu.memory_space<hbm>>
    %dma_wait3A_87 = arith.constant 0 : i32
    %dma_wait3A_88 = arith.constant 0 : i32
    %dma_wait3A_89 = tpu.memref_slice %dma_wait3A_86[%dma_wait3A_87, %dma_wait3A_88] : memref<10000x128xf32, #tpu.memory_space<hbm>> -> memref<10000x128xf32, #tpu.memory_space<hbm>>
    tpu.wait_indirect_dma semaphore(%arg19 : memref<!tpu.dma_semaphore, #tpu.memory_space<semaphore_mem>>) src(%dma_wait3A_89 : memref<10000x128xf32, #tpu.memory_space<hbm>>) dst(%arg12 : memref<125x128xf32, #tpu.memory_space<vmem>>)
    %barrier3A_90 = arith.constant 0 : index
    tpu.barrier barrier_id(%barrier3A_90)
    %lt3A_91 = arith.constant 15 : i32
    %lt3A_92 = arith.cmpi slt, %arg1, %lt3A_91 : i32
    %convert_element_type3A_93 = arith.extui %lt3A_92 : i1 to i32
    %cond3A_94 = arith.constant 0 : i32
    %cond3A_95 = arith.cmpi ne, %convert_element_type3A_93, %cond3A_94 : i32
    scf.if %cond3A_95 {
      %mul3A_102 = arith.constant 10000 : i32
      %mul3A_103 = arith.muli %add3A_50, %mul3A_102 : i32
      %add3A_104 = arith.addi %mul3A_103, %mul3A_0 : i32
      "tpu.region"() ({
        %run_scoped3A = tpu.sem_alloc : memref<!tpu.dma_semaphore, #tpu.memory_space<semaphore_mem>>
        %dma_start3A_105 = arith.constant 0 : i32
        %dma_start3A_106 = tpu.memref_slice %arg6[%add3A_104, %dma_start3A_105] : memref<40000x128xf32, #tpu.memory_space<hbm>> -> memref<624x128xf32, #tpu.memory_space<hbm>>
        %dma_start3A_107 = arith.constant 0 : i32
        %dma_start3A_108 = tpu.memref_slice %arg13[%mul3A_0, %dma_start3A_107] : memref<10000x128xf32, #tpu.memory_space<vmem_shared>> -> memref<624x128xf32, #tpu.memory_space<vmem_shared>>
        tpu.enqueue_dma source(%dma_start3A_108 : memref<624x128xf32, #tpu.memory_space<vmem_shared>>) target(%dma_start3A_106 : memref<624x128xf32, #tpu.memory_space<hbm>>) target_semaphore(%run_scoped3A : memref<!tpu.dma_semaphore, #tpu.memory_space<semaphore_mem>>)
        %dma_wait3A_109 = arith.constant 0 : i32
        %dma_wait3A_110 = tpu.memref_slice %arg6[%add3A_104, %dma_wait3A_109] : memref<40000x128xf32, #tpu.memory_space<hbm>> -> memref<624x128xf32, #tpu.memory_space<hbm>>
        %dma_wait3A_111 = arith.constant 0 : i32
        %dma_wait3A_112 = tpu.memref_slice %arg13[%mul3A_0, %dma_wait3A_111] : memref<10000x128xf32, #tpu.memory_space<vmem_shared>> -> memref<624x128xf32, #tpu.memory_space<vmem_shared>>
        tpu.wait_dma2 semaphore(%run_scoped3A : memref<!tpu.dma_semaphore, #tpu.memory_space<semaphore_mem>>) src(%dma_wait3A_112 : memref<624x128xf32, #tpu.memory_space<vmem_shared>>) dst(%dma_wait3A_110 : memref<624x128xf32, #tpu.memory_space<hbm>>)
        tpu.yield
      }) : () -> ()
    } else {
    }
    %eq3A_96 = arith.constant 15 : i32
    %eq3A_97 = arith.cmpi eq, %arg1, %eq3A_96 : i32
    %convert_element_type3A_98 = arith.extui %eq3A_97 : i1 to i32
    %cond3A_99 = arith.constant 0 : i32
    %cond3A_100 = arith.cmpi ne, %convert_element_type3A_98, %cond3A_99 : i32
    scf.if %cond3A_100 {
      %mul3A_102 = arith.constant 10000 : i32
      %mul3A_103 = arith.muli %add3A_50, %mul3A_102 : i32
      %add3A_104 = arith.constant 9360 : i32
      %add3A_105 = arith.addi %mul3A_103, %add3A_104 : i32
      "tpu.region"() ({
        %run_scoped3A = tpu.sem_alloc : memref<!tpu.dma_semaphore, #tpu.memory_space<semaphore_mem>>
        %dma_start3A_106 = arith.constant 0 : i32
        %dma_start3A_107 = tpu.memref_slice %arg6[%add3A_105, %dma_start3A_106] : memref<40000x128xf32, #tpu.memory_space<hbm>> -> memref<640x128xf32, #tpu.memory_space<hbm>>
        %dma_start3A_108 = arith.constant 9360 : i32
        %dma_start3A_109 = arith.constant 0 : i32
        %dma_start3A_110 = tpu.memref_slice %arg13[%dma_start3A_108, %dma_start3A_109] : memref<10000x128xf32, #tpu.memory_space<vmem_shared>> -> memref<640x128xf32, #tpu.memory_space<vmem_shared>>
        tpu.enqueue_dma source(%dma_start3A_110 : memref<640x128xf32, #tpu.memory_space<vmem_shared>>) target(%dma_start3A_107 : memref<640x128xf32, #tpu.memory_space<hbm>>) target_semaphore(%run_scoped3A : memref<!tpu.dma_semaphore, #tpu.memory_space<semaphore_mem>>)
        %dma_wait3A_111 = arith.constant 0 : i32
        %dma_wait3A_112 = tpu.memref_slice %arg6[%add3A_105, %dma_wait3A_111] : memref<40000x128xf32, #tpu.memory_space<hbm>> -> memref<640x128xf32, #tpu.memory_space<hbm>>
        %dma_wait3A_113 = arith.constant 9360 : i32
        %dma_wait3A_114 = arith.constant 0 : i32
        %dma_wait3A_115 = tpu.memref_slice %arg13[%dma_wait3A_113, %dma_wait3A_114] : memref<10000x128xf32, #tpu.memory_space<vmem_shared>> -> memref<640x128xf32, #tpu.memory_space<vmem_shared>>
        tpu.wait_dma2 semaphore(%run_scoped3A : memref<!tpu.dma_semaphore, #tpu.memory_space<semaphore_mem>>) src(%dma_wait3A_115 : memref<640x128xf32, #tpu.memory_space<vmem_shared>>) dst(%dma_wait3A_112 : memref<640x128xf32, #tpu.memory_space<hbm>>)
        tpu.yield
      }) : () -> ()
    } else {
    }
    %barrier3A_101 = arith.constant 0 : index
    tpu.barrier barrier_id(%barrier3A_101)
    return
  }
}

module attributes {stable_mosaic.version = 14 : i64} {
  func.func @_mlp_body(%arg0: i32, %arg1: memref<8000x128xf32, #tpu.memory_space<vmem>>, %arg2: memref<8000x128xf32, #tpu.memory_space<vmem>>, %arg3: memref<8000x1xi32, #tpu.memory_space<vmem>>, %arg4: memref<128x128xf32, #tpu.memory_space<vmem>>, %arg5: memref<128x128xf32, #tpu.memory_space<vmem>>, %arg6: memref<1x128xf32, #tpu.memory_space<vmem>>, %arg7: memref<128x128xf32, #tpu.memory_space<vmem>>, %arg8: memref<1x128xf32, #tpu.memory_space<vmem>>, %arg9: memref<8000x128xf32, #tpu.memory_space<vmem>>) attributes {dimension_semantics = [#tpu.dimension_semantics<arbitrary>], iteration_bounds = array<i64: 5>, scalar_prefetch = 0 : i64, scratch_operands = 0 : i64, tpu.core_type = #tpu.core_type<tc>, window_params = [{transform_indices = @transform_0, window_bounds = array<i64: 8000, 128>}, {transform_indices = @transform_1, window_bounds = array<i64: 8000, 128>}, {transform_indices = @transform_2, window_bounds = array<i64: 8000, 1>}, {pipeline_mode = #tpu.pipeline_mode<synchronous>, transform_indices = @transform_3, window_bounds = array<i64: 128, 128>}, {pipeline_mode = #tpu.pipeline_mode<synchronous>, transform_indices = @transform_4, window_bounds = array<i64: 128, 128>}, {pipeline_mode = #tpu.pipeline_mode<synchronous>, transform_indices = @transform_5, window_bounds = array<i64: 1, 128>}, {pipeline_mode = #tpu.pipeline_mode<synchronous>, transform_indices = @transform_6, window_bounds = array<i64: 128, 128>}, {pipeline_mode = #tpu.pipeline_mode<synchronous>, transform_indices = @transform_7, window_bounds = array<i64: 1, 128>}, {transform_indices = @transform_8, window_bounds = array<i64: 8000, 128>}]} {
    %get3A = arith.constant 0 : index
    %get3A_0 = arith.constant 0 : index
    %get3A_1 = vector.load %arg1[%get3A, %get3A_0] : memref<8000x128xf32, #tpu.memory_space<vmem>>, vector<8000x128xf32>
    %get3A_2 = arith.constant 0 : index
    %get3A_3 = arith.constant 0 : index
    %get3A_4 = vector.load %arg4[%get3A_2, %get3A_3] : memref<128x128xf32, #tpu.memory_space<vmem>>, vector<128x128xf32>
    %dot_general3A = arith.constant dense<0.000000e+00> : vector<8000x128xf32>
    %dot_general3A_5 = tpu.matmul %get3A_1, %get3A_4, %dot_general3A {dimension_numbers = #tpu.dot_dimension_numbers<[1], [0], [0], [1], [0, 0, 1, 1], [], []>, transpose_lhs_hint = false} : vector<8000x128xf32>, vector<128x128xf32>, vector<8000x128xf32> -> vector<8000x128xf32>
    %get3A_6 = arith.constant 0 : index
    %get3A_7 = arith.constant 0 : index
    %get3A_8 = vector.load %arg2[%get3A_6, %get3A_7] : memref<8000x128xf32, #tpu.memory_space<vmem>>, vector<8000x128xf32>
    %get3A_9 = arith.constant 0 : index
    %get3A_10 = arith.constant 0 : index
    %get3A_11 = vector.load %arg5[%get3A_9, %get3A_10] : memref<128x128xf32, #tpu.memory_space<vmem>>, vector<128x128xf32>
    %dot_general3A_12 = arith.constant dense<0.000000e+00> : vector<8000x128xf32>
    %dot_general3A_13 = tpu.matmul %get3A_8, %get3A_11, %dot_general3A_12 {dimension_numbers = #tpu.dot_dimension_numbers<[1], [0], [0], [1], [0, 0, 1, 1], [], []>, transpose_lhs_hint = false} : vector<8000x128xf32>, vector<128x128xf32>, vector<8000x128xf32> -> vector<8000x128xf32>
    %add3A = arith.addf %dot_general3A_5, %dot_general3A_13 : vector<8000x128xf32>
    %get3A_14 = arith.constant 0 : index
    %get3A_15 = arith.constant 0 : index
    %get3A_16 = vector.load %arg6[%get3A_14, %get3A_15] : memref<1x128xf32, #tpu.memory_space<vmem>>, vector<1x128xf32>
    %add3A_17 = vector.broadcast %get3A_16 : vector<1x128xf32> to vector<8000x128xf32>
    %add3A_18 = arith.addf %add3A, %add3A_17 : vector<8000x128xf32>
    %max3A = arith.constant 0.000000e+00 : f32
    %max3A_19 = vector.broadcast %max3A : f32 to vector<8000x128xf32>
    %max3A_20 = arith.maximumf %add3A_18, %max3A_19 : vector<8000x128xf32>
    %get3A_21 = arith.constant 0 : index
    %get3A_22 = arith.constant 0 : index
    %get3A_23 = vector.load %arg7[%get3A_21, %get3A_22] : memref<128x128xf32, #tpu.memory_space<vmem>>, vector<128x128xf32>
    %dot_general3A_24 = arith.constant dense<0.000000e+00> : vector<8000x128xf32>
    %dot_general3A_25 = tpu.matmul %max3A_20, %get3A_23, %dot_general3A_24 {dimension_numbers = #tpu.dot_dimension_numbers<[1], [0], [0], [1], [0, 0, 1, 1], [], []>, transpose_lhs_hint = false} : vector<8000x128xf32>, vector<128x128xf32>, vector<8000x128xf32> -> vector<8000x128xf32>
    %get3A_26 = arith.constant 0 : index
    %get3A_27 = arith.constant 0 : index
    %get3A_28 = vector.load %arg8[%get3A_26, %get3A_27] : memref<1x128xf32, #tpu.memory_space<vmem>>, vector<1x128xf32>
    %add3A_29 = vector.broadcast %get3A_28 : vector<1x128xf32> to vector<8000x128xf32>
    %add3A_30 = arith.addf %dot_general3A_25, %add3A_29 : vector<8000x128xf32>
    %get3A_31 = arith.constant 0 : index
    %get3A_32 = arith.constant 0 : index
    %get3A_33 = vector.load %arg3[%get3A_31, %get3A_32] : memref<8000x1xi32, #tpu.memory_space<vmem>>, vector<8000x1xi32>
    %ne3A = arith.constant 0 : i32
    %ne3A_34 = vector.broadcast %ne3A : i32 to vector<8000x1xi32>
    %ne3A_35 = arith.cmpi ne, %get3A_33, %ne3A_34 : vector<8000x1xi32>
    %get3A_36 = arith.constant 0 : index
    %get3A_37 = arith.constant 0 : index
    %get3A_38 = vector.load %arg2[%get3A_36, %get3A_37] : memref<8000x128xf32, #tpu.memory_space<vmem>>, vector<8000x128xf32>
    %broadcast_in_dim3A = vector.shape_cast %ne3A_35 : vector<8000x1xi1> to vector<8000x1xi1>
    %broadcast_in_dim3A_39 = vector.broadcast %broadcast_in_dim3A : vector<8000x1xi1> to vector<8000x128xi1>
    %select_n3A = arith.select %broadcast_in_dim3A_39, %add3A_30, %get3A_38 : vector<8000x128xi1>, vector<8000x128xf32>
    %swap3A = arith.constant 0 : index
    %swap3A_40 = arith.constant 0 : index
    %swap3A_41 = vector.load %arg9[%swap3A, %swap3A_40] : memref<8000x128xf32, #tpu.memory_space<vmem>>, vector<8000x128xf32>
    tpu.vector_store %arg9[%swap3A, %swap3A_40], %select_n3A {strides = array<i32>} : memref<8000x128xf32, #tpu.memory_space<vmem>>, vector<8000x128xf32>,
    return
  }
  func.func @transform_0(%arg0: i32) -> (i32, i32) {
    %c0_i32 = arith.constant 0 : i32
    %c0_i32_0 = arith.constant 0 : i32
    return %arg0, %c0_i32 : i32, i32
  }
  func.func @transform_1(%arg0: i32) -> (i32, i32) {
    %c0_i32 = arith.constant 0 : i32
    %c0_i32_0 = arith.constant 0 : i32
    return %arg0, %c0_i32 : i32, i32
  }
  func.func @transform_2(%arg0: i32) -> (i32, i32) {
    %c0_i32 = arith.constant 0 : i32
    %c0_i32_0 = arith.constant 0 : i32
    return %arg0, %c0_i32 : i32, i32
  }
  func.func @transform_3(%arg0: i32) -> (i32, i32) {
    %c0_i32 = arith.constant 0 : i32
    %c0_i32_0 = arith.constant 0 : i32
    %c0_i32_1 = arith.constant 0 : i32
    return %c0_i32, %c0_i32_0 : i32, i32
  }
  func.func @transform_4(%arg0: i32) -> (i32, i32) {
    %c0_i32 = arith.constant 0 : i32
    %c0_i32_0 = arith.constant 0 : i32
    %c0_i32_1 = arith.constant 0 : i32
    return %c0_i32, %c0_i32_0 : i32, i32
  }
  func.func @transform_5(%arg0: i32) -> (i32, i32) {
    %c0_i32 = arith.constant 0 : i32
    %c0_i32_0 = arith.constant 0 : i32
    %c0_i32_1 = arith.constant 0 : i32
    return %c0_i32, %c0_i32_0 : i32, i32
  }
  func.func @transform_6(%arg0: i32) -> (i32, i32) {
    %c0_i32 = arith.constant 0 : i32
    %c0_i32_0 = arith.constant 0 : i32
    %c0_i32_1 = arith.constant 0 : i32
    return %c0_i32, %c0_i32_0 : i32, i32
  }
  func.func @transform_7(%arg0: i32) -> (i32, i32) {
    %c0_i32 = arith.constant 0 : i32
    %c0_i32_0 = arith.constant 0 : i32
    %c0_i32_1 = arith.constant 0 : i32
    return %c0_i32, %c0_i32_0 : i32, i32
  }
  func.func @transform_8(%arg0: i32) -> (i32, i32) {
    %c0_i32 = arith.constant 0 : i32
    %c0_i32_0 = arith.constant 0 : i32
    return %arg0, %c0_i32 : i32, i32
  }
}

</mosaic_0001>

<sc_bundles>
// kernel: kernel.4.cloned.1.call-start
scs
__scs_entry_jumppad:
0x0: {  	(pc) =	sbr.rel $0x88, $3  }
0x1: {  	(tag) =	ssettag $0x0;
	lr =	simm.s32 $0x1  }
0x2: {  	[smem:$0x3F9A] =	sst lr;
	_ =	strace $0xD0000000  }
0x3: {  	_ = 	snop  }
0x4: {  	_ = 	snop  }
0x5: {  	_ = 	snop  }
0x6: {  	_ = 	snop  }
0x7: {  	_ = 	snop  }
__scs_overlays_trampoline_lowered:
0x8: {  	[smem:$0x3FA9] =	sst s0  }
0x9: {  	[smem:$0x3FAA] =	sst s1  }
0xa: {  	[smem:$0x3FAB] =	sst s2  }
0xb: {  	[smem:$0x3FAC] =	sst s3  }
0xc: {  	[smem:$0x3FAD] =	sst s4  }
0xd: {  	[smem:$0x3FAE] =	sst s5  }
0xe: {  	[smem:$0x3FAF] =	sst s6  }
0xf: {  	[smem:$0x3FB0] =	sst s7  }
0x10: {  	[smem:$0x3FB1] =	sst s8  }
0x11: {  	[smem:$0x3FB2] =	sst s9;
	s0 =	simm.s32 @!p0 $0x0  }
0x12: {  	s1 =	sld [smem:$0x3F98];
	s0 =	simm.s32 @p0 $0x1  }
0x13: {  	[smem:$0x3FB3] =	sst s0;
	s0 =	simm.s32 @!p1 $0x0  }
0x14: {  	s2 =	sld [smem:$0x3F97];
	s0 =	simm.s32 @p1 $0x1  }
0x15: {  	[smem:$0x3FB4] =	sst s0;
	s0 =	simm.s32 @!p2 $0x0  }
0x16: {  	s3 =	sld [smem:$0x3FDB];
	s0 =	simm.s32 @p2 $0x1  }
0x17: {  	s4 =	simm.s32 $0x1BF5;
	[smem:$0x3FB6] =	sst s0  }
0x18: {  	s0 =	sld [smem:$0x3F99];
	_ =	swait.ge [sflag:s4], $0x0  }
0x19: {  	s7 =	sld [smem:$0x3F9A]  }
0x1a: {  	s8 =	sadd.s32 $0xFFFFE003, lr  }
0x1b: {  	s9 =	sadd.s32 $0xFFFFFEF7, lr;
	s5 =	simm.s32 $0xFFFFFFFF;
	p2 =	slt.u32 s8, $0xFFFFF086  }
0x1c: {  	p1 =	slt.u32 s9, $0xF7A;
	s5 =	simm.s32 @!p2 $0x0  }
0x1d: {  	s5 =	simm.s32 @p1 $0x1;
	p0 =	seq.s32 s7, s2  }
0x1e: {  	s7 =	smul.u32 @!p0 $0xF7A, s2;
	p2 =	seq.s32 @!p0 s5, $0x0  }
0x1f: {  	s9 =	smul.u32 $0xF7A, s1;
	s8 =	simm.s32 @!p0 $0x1BF5;
	p2 =	por !p2, p0  }
0x20: {  	[sflag:s8] =	ssyncset.s32 @!p0 $0xFFFFF086;
	s6 =	sadd.s32 @!p0 s3, s7;
	s7 =	simm.s32 @!p0 $0x108  }
0x21: {  	s3 =	sadd.s32 s3, s9;
	s6 =	sadd.s32 @!p0 $0x88, s6;
	s7 =	simm.s32 @p2 $0x1082  }
0x22: {  	[simem:s7], [sflag:s8] =	dma.local @!p0 [hbm:s6], $0xF7A  }
0x23: {  	s9 =	sor.u32 $0xD0000000, s2;
	s6 =	simm.s32 $0x108;
	_ =	swait.ge @!p0 [sflag:s8], $0x0  }
0x24: {  	s3 =	sadd.s32 $0x88, s3;
	s6 =	simm.s32 @!p1 $0x1082;
	[sflag:s4] =	ssyncset.s32 $0xFFFFF086  }
0x25: {  	[simem:s6], [sflag:s4] =	dma.local [hbm:s3], $0xF7A  }
0x26: {  	[smem:$0x3F9A] =	sst s1;
	(tag) =	ssettag s2;
	_ =	strace s9  }
0x27: {  	s1 =	sld [smem:$0x3FAA]  }
0x28: {  	s2 =	sld [smem:$0x3FAB]  }
0x29: {  	s4 =	sld [smem:$0x3FAD]  }
0x2a: {  	p0 =	seq.s32 s5, $0x0;
	s5 =	sld [smem:$0x3FAE]  }
0x2b: {  	s6 =	sld [smem:$0x3FAF]  }
0x2c: {  	s7 =	sld [smem:$0x3FB0]  }
0x2d: {  	s3 =	simm.s32 $0x108;
	s8 =	sld [smem:$0x3FB1]  }
0x2e: {  	s3 =	simm.s32 @!p0 $0x1082;
	s9 =	sld [smem:$0x3FB2]  }
0x2f: {  	lr =	sadd.s32 s0, s3;
	s0 =	sld [smem:$0x3FA9]  }
0x30: {  	s3 =	sld [smem:$0x3FAC]  }
0x31: {  	[smem:$0x3FB5] =	sst s10  }
0x32: {  	s10 =	sld [smem:$0x3FB3];
	_ =	sdelay $0x3  }
0x33: {  	p0 =	seq.s32 s10, $0x1;
	s10 =	sld [smem:$0x3FB5];
	_ =	sdelay $0x3  }
0x34: {  	[smem:$0x3FB5] =	sst s10  }
0x35: {  	s10 =	sld [smem:$0x3FB4];
	_ =	sdelay $0x3  }
0x36: {  	p1 =	seq.s32 s10, $0x1;
	s10 =	sld [smem:$0x3FB5];
	_ =	sdelay $0x3  }
0x37: {  	[smem:$0x3FB5] =	sst s10  }
0x38: {  	s10 =	sld [smem:$0x3FB6]  }
0x39: {  	_ = 	snop;
	(pc) =	sbr.ind lr, $3  }
0x3a: {  	_ = 	snop  }
0x3b: {  	_ = 	snop  }
0x3c: {  	p2 =	seq.s32 s10, $0x1;
	s10 =	sld [smem:$0x3FB5]  }
0x3d: {  	_ =	shalt  }
0x3e: {  	_ =	shalt  }
0x3f: {  	_ =	shalt  }
0x40: {  	_ =	shalt  }
0x41: {  	_ =	shalt  }
0x42: {  	_ =	shalt  }
0x43: {  	_ =	shalt  }
0x44: {  	_ =	shalt  }
0x45: {  	_ =	shalt  }
0x46: {  	_ =	shalt  }
0x47: {  	_ =	shalt  }
0x48: {  	_ =	shalt  }
0x49: {  	_ =	shalt  }
0x4a: {  	_ =	shalt  }
0x4b: {  	_ =	shalt  }
0x4c: {  	_ =	shalt  }
0x4d: {  	_ =	shalt  }
0x4e: {  	_ =	shalt  }
0x4f: {  	_ =	shalt  }
0x50: {  	_ =	shalt  }
0x51: {  	_ =	shalt  }
0x52: {  	_ =	shalt  }
0x53: {  	_ =	shalt  }
0x54: {  	_ =	shalt  }
0x55: {  	_ =	shalt  }
0x56: {  	_ =	shalt  }
0x57: {  	_ =	shalt  }
0x58: {  	_ =	shalt  }
0x59: {  	_ =	shalt  }
0x5a: {  	_ =	shalt  }
0x5b: {  	_ =	shalt  }
0x5c: {  	_ =	shalt  }
0x5d: {  	_ =	shalt  }
0x5e: {  	_ =	shalt  }
0x5f: {  	_ =	shalt  }
0x60: {  	_ =	shalt  }
0x61: {  	_ =	shalt  }
0x62: {  	_ =	shalt  }
0x63: {  	_ =	shalt  }
0x64: {  	_ =	shalt  }
0x65: {  	_ =	shalt  }
0x66: {  	_ =	shalt  }
0x67: {  	_ =	shalt  }
0x68: {  	_ =	shalt  }
0x69: {  	_ =	shalt  }
0x6a: {  	_ =	shalt  }
0x6b: {  	_ =	shalt  }
0x6c: {  	_ =	shalt  }
0x6d: {  	_ =	shalt  }
0x6e: {  	_ =	shalt  }
0x6f: {  	_ =	shalt  }
0x70: {  	_ =	shalt  }
0x71: {  	_ =	shalt  }
0x72: {  	_ =	shalt  }
0x73: {  	_ =	shalt  }
0x74: {  	_ =	shalt  }
0x75: {  	_ =	shalt  }
0x76: {  	_ =	shalt  }
0x77: {  	_ =	shalt  }
0x78: {  	_ =	shalt  }
0x79: {  	_ =	shalt  }
0x7a: {  	_ =	shalt  }
0x7b: {  	_ =	shalt  }
0x7c: {  	_ =	shalt  }
0x7d: {  	_ =	shalt  }
0x7e: {  	_ =	shalt  }
0x7f: {  	_ =	shalt  }
0x80: {  	_ =	shalt  }
0x81: {  	_ =	shalt  }
0x82: {  	_ =	shalt  }
0x83: {  	_ =	shalt  }
0x84: {  	_ =	shalt  }
0x85: {  	_ =	shalt  }
0x86: {  	_ =	shalt  }
0x87: {  	_ =	shalt  }
.Lfunc_end0:
.L_simem_size_0:
called_computation_lowered:
.L_overlay_start_0:
0x88: {  	s2 =	sld [smem:$0x3FD9]  }
0x89: {  	s3 =	sld [smem:$0x3FFE];
	_ =	sdelay $0x1  }
0x8a: {  	s1 =	srdreg.scid  }
0x8b: {  	s0 =	sand.u32 $0x1, s1  }
0x8c: {  	s17 =	sshll.u32 s0, $0xA;
	s2 =	sadd.s32 s3, s2  }
0x8d: {  	s2 =	sadd.s32 s2, s17  }
0x8e: {  	[smem:$0x3FC1] =	sst s2  }
0x8f: {  	_ = 	snop  }
0x90: {  	s2 =	sld [smem:$0x3FC9]  }
0x91: {  	s18 =	sld [smem:$0x3FD0];
	(tm) =	ssettm $0x1  }
0x92: {  	s4 =	sld [smem:$0x3FFB];
	_ =	sdelay $0x3  }
0x93: {  	_ =	strace s4  }
0x94: {  	s4 =	sld [smem:$0x3FFC];
	_ =	sdelay $0x3  }
0x95: {  	_ =	strace s4  }
0x96: {  	s4 =	sld [smem:$0x3FFD];
	_ =	sdelay $0x3  }
0x97: {  	_ =	strace s4  }
0x98: {  	_ =	strace $0x8FFFFFFF  }
0x99: {  	s19 =	sld [smem:$0x3FDB];
	_ =	sdelay $0x1  }
0x9a: {  	s5 =	simm.s32 $_scs_section_size  }
0x9b: {  	s6 =	simm.s32 $_size__tile_overlayer_lowered;
	s7 =	simm.s32 $_tile_overlayer_lowered  }
0x9c: {  	s22 =	simm.s32 $0x1BFF;
	s21 =	sshll.u32 s7, $0x1;
	s4 =	sadd.s32 s5, s19  }
0x9d: {  	s8 =	simm.s32 $0x0;
	s20 =	sshll.u32 s6, $0x1;
	s6 =	sadd.s32 s21, s4  }
0x9e: {  	[timem:s8], [sflag:s22] =	dma.local [hbm:s6], s20  }
0x9f: {  	_ =	swait.ge [sflag:s22], s20  }
0xa0: {  	s5 =	ssub.s32 $0x0, s20;
	[sflag:s22] =	ssyncset.done $0x0  }
0xa1: {  	[sflag:s22] =	ssyncadd.s32 s5;
	_ =	sdelay $0x1  }
0xa2: {  	s23 =	simm.s32 $0x1B8B  }
0xa3: {  	_ =	swait.ge [sflag:s23], $0x1  }
0xa4: {  	[sflag:s23] =	ssyncset.done $0x0  }
0xa5: {  	s25 =	simm.s32 $0x1B8E;
	s24 =	sld [smem:$0x3FFE];
	[sflag:s23] =	ssyncadd.s32 $0xFFFFFFFF  }
0xa6: {  	s26 =	simm.s32 $execute0_lowered;
	[smem:$0x3FD2] =	sst s25  }
0xa7: {  	s6 =	sshll.u32 s26, $0x1;
	_ =	strace $0x80000046;
	[dreg:$0x1] =	wrdreg $0xFFFFFFFF  }
0xa8: {  	s28 =	simm.s32 $_size_execute0_lowered;
	s4 =	sadd.s32 s4, s6;
	[dreg:$0x0] =	wrdreg $0x0  }
0xa9: {  	s6 =	sshll.u32 s28, $0x1;
	[dreg:$0x2] =	wrdreg s4  }
0xaa: {  	[dreg:$0x3] =	wrdreg s6  }
0xab: {  	[dreg:$0x4] =	wrdreg $0xC0  }
0xac: {  	_ =	task [dreg:s8], $0x5FFFF  }
0xad: {  	[dreg:$0x1] =	wrdreg $0xFFFFFFFF  }
0xae: {  	[dreg:$0x0] =	wrdreg $0x60  }
0xaf: {  	[dreg:$0x2] =	wrdreg s2  }
0xb0: {  	[dreg:$0x3] =	wrdreg s24  }
0xb1: {  	[dreg:$0x4] =	wrdreg s18  }
0xb2: {  	[dreg:$0x5] =	wrdreg $0xA0000  }
0xb3: {  	[dreg:$0x6] =	wrdreg $0x9  }
0xb4: {  	_ =	task.clear_ibuf [dreg:s8], $0x7FFFF;
	_ =	strace $0x90000046  }
0xb5: {  	s29 =	simm.s32 $0x9;
	_ =	strace $0x80000048  }
0xb6: {  	_ =	swait.ge [sflag:s29], $0x1  }
0xb7: {  	[sflag:s29] =	ssyncadd.s32 $0xFFFFFFFF  }
0xb8: {  	_ =	strace $0x90000048  }
0xb9: {  	_ =	sfence  }
0xba: {  	s30 =	sld [smem:$0x0];
	_ =	sdelay $0x2  }
0xbb: {  	s31 =	sshll.u32 s1, $0xD;
	s1 =	sshrl.u32 s1, $0x2  }
0xbc: {  	s3 =	sand.u32 $0x4000, s31;
	s1 =	sadd.s32 s1, s30  }
0xbd: {  	s0 =	sor.u32 s3, s0;
	s1 =	sshll.u32 s1, $0x11  }
0xbe: {  	s0 =	sor.u32 s1, s0  }
0xbf: {  	s0 =	sadd.s32 $0x8F2B, s0  }
0xc0: {  	[sflag:s0] =	ssyncadd.remote.s32 $0x1  }
0xc1: {  	_ =	sfence.sel $0xFFFF  }
0xc2: {  	[dreg:$0x0] =	wrdreg $0xFFFFFFFF;
	(pc) =	sbr.abs _section_cstart, $3  }
0xc3: {  	[dreg:$0x1] =	wrdreg $0xFFFFFFFF  }
0xc4: {  	_ =	task.clear_ibuf [dreg:s8], $0x2FFFF;
	_ =	strace $0x9FFFFFFF  }
0xc5: {  	(tm) =	ssettm $0x7FFFFFFF  }
tec
execute0_lowered:
.L_overlay_start_1:
0x0: {  	(tag) =	ssettag $0x1  }
0x1: {  	s0 =	rddreg [dreg:$0x0]  }
0x2: {  	s1 =	rddreg [dreg:$0x1]  }
0x3: {  	s4 =	rddreg [dreg:$0x2];
	s17 =	stileid.u32  }
0x4: {  	s2 =	rddreg [dreg:$0x3];
	s5 =	smul.u32 $0xA00, s17  }
0x5: {  	s3 =	simm.s32 $0x0;
	s6 =	srdreg.scid;
	s16 =	smul.u32 $0x4E000, s17  }
0x6: {  	s28 =	simm.s32 $0x5;
	s15 =	sand.u32 $0x1, s6;
	s8 =	smul.u32 $0x270, s17  }
0x7: {  	s31 =	simm.s32 $0x6;
	[smem:$0x7FF] =	sst s3;
	s10 =	smul.u32 $0x4E200, s15  }
0x8: {  	s12 =	sadd.s32 $0x124800, s2;
	p0 =	seq.s32 s17, $0xF;
	s11 =	smul.u32 $0x4E20, s15  }
0x9: {  	_ =	strace $0x80000047;
	s13 =	smul.u32 $0x271000, s15;
	s14 =	sshllo.u32 s15, $0x1  }
0xa: {  	s18 =	ssub.s32 $0x2, s15;
	s7 =	sadd.s32 s5, s1;
	s15 =	smul.u32 $0x27100, s14  }
0xb: {  	s1 =	sadd.s32 $0x14A00, s1;
	s9 =	sshrl.u32 s18, $0x1;
	s21 =	smul.u32 $0x2710, s14  }
0xc: {  	s6 =	sshrl.u32 s16, $0x2;
	s14 =	smul.u32 $0x138800, s14;
	[dreg:$0x5] =	wrdreg s1  }
0xd: {  	s1 =	ssub.s32 s18, s9;
	s9 =	sadd.s32 s6, s2;
	s5 =	sadd.s32 $0xAA00, s7  }
0xe: {  	s6 =	sadd.s32 $0xA00, s7;
	s19 =	sadd.s32 s8, s11;
	s20 =	sshrl.u32 s13, $0x3  }
0xf: {  	s7 =	sadd.s32 s0, s10;
	s18 =	simm.s32 $0x4;
	s13 =	simm.s32 $0x1E00  }
0x10: {  	s16 =	sshll.u32 s19, $0x4;
	s11 =	sadd.s32 s4, s20;
	s10 =	sadd.s32 s0, s15  }
0x11: {  	s24 =	sadd.s32 s8, s21;
	s25 =	sshrl.u32 s14, $0x3;
	s1 =	smax.u32 s1, $0x1  }
0x12: {  	s29 =	sshrl.u32 @!p0 s9, $0x3;
	s19 =	simm.s32 $0x7D;
	s20 =	simm.s32 $0x2000  }
0x13: {  	s21 =	simm.s32 $0x1000;
	s9 =	simm.s32 $0x1600;
	s14 =	simm.s32 $0x1E80  }
0x14: {  	s15 =	simm.s32 $0x1780;
	s22 =	sadd.s32 s4, s16;
	s23 =	sadd.s32 $0x24900, s11  }
0x15: {  	s0 =	sshll.u32 s24, $0x4;
	s8 =	sadd.s32 s4, s25;
	[dreg:$0xa] =	wrdreg s1  }
0x16: {  	s1 =	sshrl.u32 @p0 s12, $0x3;
	s25 =	simm.s32 $0x6000;
	[dreg:$0xd] =	wrdreg s29  }
0x17: {  	s11 =	simm.s32 $0x1D80;
	s12 =	simm.s32 $0x1680;
	[dreg:$0x6] =	wrdreg s22  }
0x18: {  	s16 =	simm.s32 $0x1F00;
	s24 =	simm.s32 $0x3;
	[dreg:$0x7] =	wrdreg s23  }
.Ltmp0:
0x19: {  	s0 =	sadd.s32 s4, s0;
	s26 =	sadd.s32 $0x24900, s8;
	(pc) =	sbr.rel .LBB2_1-.Ltmp0, $4  }
0x1a: {  	[dreg:$0xb] =	wrdreg s1;
	s22 =	simm.s32 $0x1800;
	s23 =	simm.s32 $0x1  }
0x1b: {  	s4 =	simm.s32 $0x1700;
	[dreg:$0x8] =	wrdreg s0;
	s0 =	sshll.u32 @!p0 s17, $0x6  }
0x1c: {  	s1 =	simm.s32 $0x0;
	[dreg:$0x9] =	wrdreg s26;
	s30 =	sor.u32 @!p0 $0x1C07, s0  }
0x1d: {  	s26 =	simm.s32 $0x2;
	s17 =	simm.s32 $0x1F80;
	[dreg:$0xc] =	wrdreg s30  }
.LBB2_7:
0x1e: {  	[spmem:s2] =	stream.indirect.scatter.add.f32 [tilespmem:s25], [sflag:$0x6], $0x80, s17, s19, $0xb8;
	[tilespmem:$0x1D880] =	vst v63  }
0x1f: {  	_ =	swait.ge [sflag:s31], $0x3E80  }
0x20: {  	[sflag:s31] =	ssyncset.done $0x0  }
0x21: {  	[sflag:s31] =	ssyncadd.s32 $0xFFFFC180  }
0x22: {  	[bflag:$0x0] =	sbarrier.arrive $0xFFFF  }
0x23: {  	s1 =	rddreg [dreg:$0x9]  }
0x24: {  	s0 =	simm.s32 @p0 $0x1FC7;
	s8 =	rddreg [dreg:$0xb]  }
0x25: {  	[hbm:s1], [sflag:s0] =	dma.local @p0 [spmem:s8], $0x2800  }
0x26: {  	s0 =	simm.s32 @p0 $0x7  }
0x27: {  	_ =	swait.ge @p0 [sflag:s0], $0x2800  }
0x28: {  	s30 =	rddreg [dreg:$0xc]  }
0x29: {  	[sflag:s0] =	ssyncset.done @p0 $0x0;
	s29 =	rddreg [dreg:$0xd]  }
0x2a: {  	[sflag:s0] =	ssyncadd.s32 @p0 $0xFFFFD800;
	s0 =	rddreg [dreg:$0x8]  }
0x2b: {  	[hbm:s0], [sflag:s30] =	dma.local @!p0 [spmem:s29], $0x2700  }
0x2c: {  	s0 =	simm.s32 @!p0 $0x7  }
0x2d: {  	_ =	swait.ge @!p0 [sflag:s0], $0x2700  }
0x2e: {  	s8 =	rddreg [dreg:$0xe]  }
0x2f: {  	s1 =	sadd.s32 $0x1, s8;
	s8 =	rddreg [dreg:$0xa]  }
0x30: {  	p1 =	sne.s32 s1, s8  }
.Ltmp1:
0x31: {  	_ = 	snop;
	(pc) =	sbr.rel @!p1 .LBB2_8-.Ltmp1, $3  }
0x32: {  	[sflag:s0] =	ssyncset.done @!p0 $0x0  }
0x33: {  	[sflag:s0] =	ssyncadd.s32 @!p0 $0xFFFFD900  }
0x34: {  	[bflag:$0x0] =	sbarrier.arrive $0xFFFF;
	_ =	sdelay $0x1  }
.LBB2_1:
0x35: {  	[dreg:$0xe] =	wrdreg s1  }
0x36: {  	s0 =	rddreg [dreg:$0x5]  }
0x37: {  	s1 =	smov.u32 s29;
	s29 =	simm.s32 @p0 $0x1FC7;
	s8 =	rddreg [dreg:$0xb]  }
0x38: {  	[spmem:s8], [sflag:s29] =	dma.local @p0 [hbm:s0], $0x2800  }
0x39: {  	s29 =	simm.s32 @p0 $0x7  }
0x3a: {  	_ =	swait.ge @p0 [sflag:s29], $0x2800  }
0x3b: {  	[sflag:s29] =	ssyncset.done @p0 $0x0  }
0x3c: {  	[sflag:s29] =	ssyncadd.s32 @p0 $0xFFFFD800;
	s29 =	simm.s32 @!p0 $0x7  }
0x3d: {  	[spmem:s1], [sflag:s30] =	dma.local @!p0 [hbm:s0], $0x2700  }
0x3e: {  	_ =	swait.ge @!p0 [sflag:s29], $0x2700  }
0x3f: {  	[sflag:s29] =	ssyncset.done @!p0 $0x0  }
0x40: {  	[sflag:s29] =	ssyncadd.s32 @!p0 $0xFFFFD900  }
0x41: {  	s8 =	simm.s32 $0x7;
	[bflag:$0x0] =	sbarrier.arrive $0xFFFF  }
0x42: {  	[tilespmem:s3], [sflag:$0x7] =	stream.linear.gather [hbm4b:s5+s3], $0x800, $0x38;
	[tilespmem:$0x1D880] =	vst v63  }
0x43: {  	_ =	swait.ge [sflag:s8], $0x800  }
0x44: {  	[sflag:s8] =	ssyncset.done $0x0  }
0x45: {  	s30 =	simm.s32 $0x800;
	[sflag:s8] =	ssyncadd.s32 $0xFFFFF800  }
0x46: {  	[tilespmem:s30], [sflag:$0x7] =	stream.linear.gather [hbm4b:s6+s3], $0x800, $0x38;
	[tilespmem:$0x1D880] =	vst v63  }
0x47: {  	_ =	swait.ge [sflag:s8], $0x800  }
0x48: {  	[sflag:s8] =	ssyncset.done $0x0  }
0x49: {  	s29 =	simm.s32 $0x0;
	[sflag:s8] =	ssyncadd.s32 $0xFFFFF800;
	s8 =	simm.s32 $0x1D00  }
0x4a: {  	[tilespmem:s20], [sflag:$0x1] =	stream.indirect.gather [hbm4b:s7+s19], $0x80, s3, s19, $0xb8;
	[tilespmem:$0x1D880] =	vst v63  }
.LBB2_2:
0x4b: {  	s30 =	sadd.s32 s29, s5  }
0x4c: {  	s0 =	sadd.s32 s29, s6;
	s30 =	sadd.s32 $0x100, s30  }
0x4d: {  	[tilespmem:s21], [sflag:$0x4] =	stream.linear.gather [hbm4b:s30+s3], $0x800, $0x38;
	[tilespmem:$0x1D880] =	vst v63  }
0x4e: {  	s30 =	sadd.s32 $0x100, s0  }
0x4f: {  	[tilespmem:s22], [sflag:$0x4] =	stream.linear.gather [hbm4b:s30+s3], $0x800, $0x38;
	[tilespmem:$0x1D880] =	vst v63  }
0x50: {  	_ =	swait.ge [sflag:s23], $0x3E80  }
0x51: {  	p1 =	seq.s32 s29, $0x0;
	[sflag:s23] =	ssyncset.done $0x0  }
0x52: {  	s30 =	simm.s32 @!p1 $0x6;
	[sflag:s23] =	ssyncadd.s32 $0xFFFFC180  }
0x53: {  	_ =	swait.ge @!p1 [sflag:s30], $0x3E80  }
0x54: {  	[sflag:s30] =	ssyncset.done @!p1 $0x0  }
0x55: {  	s0 =	simm.s32 $0x80;
	[sflag:s30] =	ssyncadd.s32 @!p1 $0xFFFFC180  }
0x56: {  	[tilespmem:s25], [sflag:$0x2] =	stream.indirect.gather [hbm4b:s7+s19], $0x80, s0, s19, $0xb8;
	[tilespmem:$0x1D880] =	vst v63  }
0x57: {  	s1 =	simm.s32 $0x800  }
0x58: {  	[spmem:s2] =	stream.indirect.scatter.add.f32 [tilespmem:s20], [sflag:$0x5], $0x80, s1, s19, $0xb8;
	[tilespmem:$0x1D880] =	vst v63  }
0x59: {  	_ =	swait.ge [sflag:s26], $0x3E80  }
0x5a: {  	[sflag:s26] =	ssyncset.done $0x0  }
0x5b: {  	[sflag:s26] =	ssyncadd.s32 $0xFFFFC180  }
0x5c: {  	_ =	swait.ge [sflag:s28], $0x3E80  }
0x5d: {  	[sflag:s28] =	ssyncset.done $0x0  }
0x5e: {  	s30 =	simm.s32 $0x100;
	[sflag:s28] =	ssyncadd.s32 $0xFFFFC180  }
0x5f: {  	[tilespmem:s20], [sflag:$0x1] =	stream.indirect.gather [hbm4b:s7+s19], $0x80, s30, s19, $0xb8;
	[tilespmem:$0x1D880] =	vst v63  }
0x60: {  	s1 =	simm.s32 $0x880  }
0x61: {  	[spmem:s2] =	stream.indirect.scatter.add.f32 [tilespmem:s25], [sflag:$0x6], $0x80, s1, s19, $0xb8;
	[tilespmem:$0x1D880] =	vst v63  }
0x62: {  	_ =	swait.ge [sflag:s23], $0x3E80  }
0x63: {  	[sflag:s23] =	ssyncset.done $0x0  }
0x64: {  	[sflag:s23] =	ssyncadd.s32 $0xFFFFC180  }
0x65: {  	_ =	swait.ge [sflag:s31], $0x3E80  }
0x66: {  	[sflag:s31] =	ssyncset.done $0x0  }
0x67: {  	s30 =	simm.s32 $0x180;
	[sflag:s31] =	ssyncadd.s32 $0xFFFFC180  }
0x68: {  	[tilespmem:s25], [sflag:$0x2] =	stream.indirect.gather [hbm4b:s7+s19], $0x80, s30, s19, $0xb8;
	[tilespmem:$0x1D880] =	vst v63  }
0x69: {  	s1 =	simm.s32 $0x900  }
0x6a: {  	[spmem:s2] =	stream.indirect.scatter.add.f32 [tilespmem:s20], [sflag:$0x5], $0x80, s1, s19, $0xb8;
	[tilespmem:$0x1D880] =	vst v63  }
0x6b: {  	_ =	swait.ge [sflag:s26], $0x3E80  }
0x6c: {  	[sflag:s26] =	ssyncset.done $0x0  }
0x6d: {  	[sflag:s26] =	ssyncadd.s32 $0xFFFFC180  }
0x6e: {  	_ =	swait.ge [sflag:s28], $0x3E80  }
0x6f: {  	[sflag:s28] =	ssyncset.done $0x0  }
0x70: {  	s30 =	simm.s32 $0x200;
	[sflag:s28] =	ssyncadd.s32 $0xFFFFC180  }
0x71: {  	[tilespmem:s20], [sflag:$0x1] =	stream.indirect.gather [hbm4b:s7+s19], $0x80, s30, s19, $0xb8;
	[tilespmem:$0x1D880] =	vst v63  }
0x72: {  	s1 =	simm.s32 $0x980  }
0x73: {  	[spmem:s2] =	stream.indirect.scatter.add.f32 [tilespmem:s25], [sflag:$0x6], $0x80, s1, s19, $0xb8;
	[tilespmem:$0x1D880] =	vst v63  }
0x74: {  	_ =	swait.ge [sflag:s23], $0x3E80  }
0x75: {  	[sflag:s23] =	ssyncset.done $0x0  }
0x76: {  	[sflag:s23] =	ssyncadd.s32 $0xFFFFC180  }
0x77: {  	_ =	swait.ge [sflag:s31], $0x3E80  }
0x78: {  	[sflag:s31] =	ssyncset.done $0x0  }
0x79: {  	s30 =	simm.s32 $0x280;
	[sflag:s31] =	ssyncadd.s32 $0xFFFFC180  }
0x7a: {  	[tilespmem:s25], [sflag:$0x2] =	stream.indirect.gather [hbm4b:s7+s19], $0x80, s30, s19, $0xb8;
	[tilespmem:$0x1D880] =	vst v63  }
0x7b: {  	s1 =	simm.s32 $0xA00  }
0x7c: {  	[spmem:s2] =	stream.indirect.scatter.add.f32 [tilespmem:s20], [sflag:$0x5], $0x80, s1, s19, $0xb8;
	[tilespmem:$0x1D880] =	vst v63  }
0x7d: {  	_ =	swait.ge [sflag:s26], $0x3E80  }
0x7e: {  	[sflag:s26] =	ssyncset.done $0x0  }
0x7f: {  	[sflag:s26] =	ssyncadd.s32 $0xFFFFC180  }
0x80: {  	_ =	swait.ge [sflag:s28], $0x3E80  }
0x81: {  	[sflag:s28] =	ssyncset.done $0x0  }
0x82: {  	s30 =	simm.s32 $0x300;
	[sflag:s28] =	ssyncadd.s32 $0xFFFFC180  }
0x83: {  	[tilespmem:s20], [sflag:$0x1] =	stream.indirect.gather [hbm4b:s7+s19], $0x80, s30, s19, $0xb8;
	[tilespmem:$0x1D880] =	vst v63  }
0x84: {  	s1 =	simm.s32 $0xA80  }
0x85: {  	[spmem:s2] =	stream.indirect.scatter.add.f32 [tilespmem:s25], [sflag:$0x6], $0x80, s1, s19, $0xb8;
	[tilespmem:$0x1D880] =	vst v63  }
0x86: {  	_ =	swait.ge [sflag:s23], $0x3E80  }
0x87: {  	[sflag:s23] =	ssyncset.done $0x0  }
0x88: {  	[sflag:s23] =	ssyncadd.s32 $0xFFFFC180  }
0x89: {  	_ =	swait.ge [sflag:s31], $0x3E80  }
0x8a: {  	[sflag:s31] =	ssyncset.done $0x0  }
0x8b: {  	s30 =	simm.s32 $0x380;
	[sflag:s31] =	ssyncadd.s32 $0xFFFFC180  }
0x8c: {  	[tilespmem:s25], [sflag:$0x2] =	stream.indirect.gather [hbm4b:s7+s19], $0x80, s30, s19, $0xb8;
	[tilespmem:$0x1D880] =	vst v63  }
0x8d: {  	s1 =	simm.s32 $0xB00  }
0x8e: {  	[spmem:s2] =	stream.indirect.scatter.add.f32 [tilespmem:s20], [sflag:$0x5], $0x80, s1, s19, $0xb8;
	[tilespmem:$0x1D880] =	vst v63  }
0x8f: {  	_ =	swait.ge [sflag:s26], $0x3E80  }
0x90: {  	[sflag:s26] =	ssyncset.done $0x0  }
0x91: {  	[sflag:s26] =	ssyncadd.s32 $0xFFFFC180  }
0x92: {  	_ =	swait.ge [sflag:s28], $0x3E80  }
0x93: {  	[sflag:s28] =	ssyncset.done $0x0  }
0x94: {  	s30 =	simm.s32 $0x400;
	[sflag:s28] =	ssyncadd.s32 $0xFFFFC180  }
0x95: {  	[tilespmem:s20], [sflag:$0x1] =	stream.indirect.gather [hbm4b:s7+s19], $0x80, s30, s19, $0xb8;
	[tilespmem:$0x1D880] =	vst v63  }
0x96: {  	s1 =	simm.s32 $0xB80  }
0x97: {  	[spmem:s2] =	stream.indirect.scatter.add.f32 [tilespmem:s25], [sflag:$0x6], $0x80, s1, s19, $0xb8;
	[tilespmem:$0x1D880] =	vst v63  }
0x98: {  	_ =	swait.ge [sflag:s23], $0x3E80  }
0x99: {  	[sflag:s23] =	ssyncset.done $0x0  }
0x9a: {  	[sflag:s23] =	ssyncadd.s32 $0xFFFFC180  }
0x9b: {  	_ =	swait.ge [sflag:s31], $0x3E80  }
0x9c: {  	[sflag:s31] =	ssyncset.done $0x0  }
0x9d: {  	s30 =	simm.s32 $0x480;
	[sflag:s31] =	ssyncadd.s32 $0xFFFFC180  }
0x9e: {  	[tilespmem:s25], [sflag:$0x2] =	stream.indirect.gather [hbm4b:s7+s19], $0x80, s30, s19, $0xb8;
	[tilespmem:$0x1D880] =	vst v63  }
0x9f: {  	s1 =	simm.s32 $0xC00  }
0xa0: {  	[spmem:s2] =	stream.indirect.scatter.add.f32 [tilespmem:s20], [sflag:$0x5], $0x80, s1, s19, $0xb8;
	[tilespmem:$0x1D880] =	vst v63  }
0xa1: {  	_ =	swait.ge [sflag:s26], $0x3E80  }
0xa2: {  	[sflag:s26] =	ssyncset.done $0x0  }
0xa3: {  	[sflag:s26] =	ssyncadd.s32 $0xFFFFC180  }
0xa4: {  	_ =	swait.ge [sflag:s28], $0x3E80  }
0xa5: {  	[sflag:s28] =	ssyncset.done $0x0  }
0xa6: {  	s30 =	simm.s32 $0x500;
	[sflag:s28] =	ssyncadd.s32 $0xFFFFC180  }
0xa7: {  	[tilespmem:s20], [sflag:$0x1] =	stream.indirect.gather [hbm4b:s7+s19], $0x80, s30, s19, $0xb8;
	[tilespmem:$0x1D880] =	vst v63  }
0xa8: {  	s1 =	simm.s32 $0xC80  }
0xa9: {  	[spmem:s2] =	stream.indirect.scatter.add.f32 [tilespmem:s25], [sflag:$0x6], $0x80, s1, s19, $0xb8;
	[tilespmem:$0x1D880] =	vst v63  }
0xaa: {  	_ =	swait.ge [sflag:s23], $0x3E80  }
0xab: {  	[sflag:s23] =	ssyncset.done $0x0  }
0xac: {  	[sflag:s23] =	ssyncadd.s32 $0xFFFFC180  }
0xad: {  	_ =	swait.ge [sflag:s31], $0x3E80  }
0xae: {  	[sflag:s31] =	ssyncset.done $0x0  }
0xaf: {  	s30 =	simm.s32 $0x580;
	[sflag:s31] =	ssyncadd.s32 $0xFFFFC180  }
0xb0: {  	[tilespmem:s25], [sflag:$0x2] =	stream.indirect.gather [hbm4b:s7+s19], $0x80, s30, s19, $0xb8;
	[tilespmem:$0x1D880] =	vst v63  }
0xb1: {  	s1 =	simm.s32 $0xD00  }
0xb2: {  	[spmem:s2] =	stream.indirect.scatter.add.f32 [tilespmem:s20], [sflag:$0x5], $0x80, s1, s19, $0xb8;
	[tilespmem:$0x1D880] =	vst v63  }
0xb3: {  	_ =	swait.ge [sflag:s26], $0x3E80  }
0xb4: {  	[sflag:s26] =	ssyncset.done $0x0  }
0xb5: {  	[sflag:s26] =	ssyncadd.s32 $0xFFFFC180  }
0xb6: {  	_ =	swait.ge [sflag:s28], $0x3E80  }
0xb7: {  	[sflag:s28] =	ssyncset.done $0x0  }
0xb8: {  	s30 =	simm.s32 $0x600;
	[sflag:s28] =	ssyncadd.s32 $0xFFFFC180  }
0xb9: {  	[tilespmem:s20], [sflag:$0x1] =	stream.indirect.gather [hbm4b:s7+s19], $0x80, s30, s19, $0xb8;
	[tilespmem:$0x1D880] =	vst v63  }
0xba: {  	s1 =	simm.s32 $0xD80  }
0xbb: {  	[spmem:s2] =	stream.indirect.scatter.add.f32 [tilespmem:s25], [sflag:$0x6], $0x80, s1, s19, $0xb8;
	[tilespmem:$0x1D880] =	vst v63  }
0xbc: {  	_ =	swait.ge [sflag:s23], $0x3E80  }
0xbd: {  	[sflag:s23] =	ssyncset.done $0x0  }
0xbe: {  	[sflag:s23] =	ssyncadd.s32 $0xFFFFC180  }
0xbf: {  	_ =	swait.ge [sflag:s31], $0x3E80  }
0xc0: {  	[sflag:s31] =	ssyncset.done $0x0  }
0xc1: {  	s30 =	simm.s32 $0x680;
	[sflag:s31] =	ssyncadd.s32 $0xFFFFC180  }
0xc2: {  	[tilespmem:s25], [sflag:$0x2] =	stream.indirect.gather [hbm4b:s7+s19], $0x80, s30, s19, $0xb8;
	[tilespmem:$0x1D880] =	vst v63  }
0xc3: {  	s1 =	simm.s32 $0xE00  }
0xc4: {  	[spmem:s2] =	stream.indirect.scatter.add.f32 [tilespmem:s20], [sflag:$0x5], $0x80, s1, s19, $0xb8;
	[tilespmem:$0x1D880] =	vst v63  }
0xc5: {  	_ =	swait.ge [sflag:s26], $0x3E80  }
0xc6: {  	[sflag:s26] =	ssyncset.done $0x0  }
0xc7: {  	[sflag:s26] =	ssyncadd.s32 $0xFFFFC180  }
0xc8: {  	_ =	swait.ge [sflag:s28], $0x3E80  }
0xc9: {  	[sflag:s28] =	ssyncset.done $0x0  }
0xca: {  	s30 =	simm.s32 $0x700;
	[sflag:s28] =	ssyncadd.s32 $0xFFFFC180  }
0xcb: {  	[tilespmem:s20], [sflag:$0x1] =	stream.indirect.gather [hbm4b:s7+s19], $0x80, s30, s19, $0xb8;
	[tilespmem:$0x1D880] =	vst v63  }
0xcc: {  	s1 =	simm.s32 $0xE80  }
0xcd: {  	[spmem:s2] =	stream.indirect.scatter.add.f32 [tilespmem:s25], [sflag:$0x6], $0x80, s1, s19, $0xb8;
	[tilespmem:$0x1D880] =	vst v63  }
0xce: {  	_ =	swait.ge [sflag:s23], $0x3E80  }
0xcf: {  	[sflag:s23] =	ssyncset.done $0x0  }
0xd0: {  	[sflag:s23] =	ssyncadd.s32 $0xFFFFC180  }
0xd1: {  	_ =	swait.ge [sflag:s31], $0x3E80  }
0xd2: {  	[sflag:s31] =	ssyncset.done $0x0  }
0xd3: {  	s30 =	simm.s32 $0x780;
	[sflag:s31] =	ssyncadd.s32 $0xFFFFC180  }
0xd4: {  	[tilespmem:s25], [sflag:$0x2] =	stream.indirect.gather [hbm4b:s7+s19], $0x80, s30, s19, $0xb8;
	[tilespmem:$0x1D880] =	vst v63  }
0xd5: {  	s1 =	simm.s32 $0xF00  }
0xd6: {  	[spmem:s2] =	stream.indirect.scatter.add.f32 [tilespmem:s20], [sflag:$0x5], $0x80, s1, s19, $0xb8;
	[tilespmem:$0x1D880] =	vst v63  }
0xd7: {  	_ =	swait.ge [sflag:s26], $0x3E80  }
0xd8: {  	[sflag:s26] =	ssyncset.done $0x0  }
0xd9: {  	[sflag:s26] =	ssyncadd.s32 $0xFFFFC180  }
0xda: {  	_ =	swait.ge [sflag:s28], $0x3E80  }
0xdb: {  	[sflag:s28] =	ssyncset.done $0x0  }
0xdc: {  	[sflag:s28] =	ssyncadd.s32 $0xFFFFC180  }
0xdd: {  	_ =	swait.ge [sflag:s18], $0x800  }
0xde: {  	[sflag:s18] =	ssyncset.done $0x0  }
0xdf: {  	[sflag:s18] =	ssyncadd.s32 $0xFFFFF800  }
0xe0: {  	_ =	swait.ge [sflag:s18], $0x800  }
0xe1: {  	[sflag:s18] =	ssyncset.done $0x0  }
0xe2: {  	[sflag:s18] =	ssyncadd.s32 $0xFFFFF800  }
0xe3: {  	[tilespmem:s20], [sflag:$0x1] =	stream.indirect.gather [hbm4b:s7+s19], $0x80, s21, s19, $0xb8;
	[tilespmem:$0x1D880] =	vst v63  }
0xe4: {  	p1 =	seq.s32 s29, $0x800;
	s30 =	simm.s32 $0xF80  }
0xe5: {  	[spmem:s2] =	stream.indirect.scatter.add.f32 [tilespmem:s25], [sflag:$0x6], $0x80, s30, s19, $0xb8;
	[tilespmem:$0x1D880] =	vst v63  }
0xe6: {  	s30 =	sadd.s32 @!p1 s29, s5  }
0xe7: {  	s0 =	simm.s32 @!p1 $0x0;
	s30 =	sadd.s32 @!p1 $0x200, s30  }
0xe8: {  	[tilespmem:s0], [sflag:$0x3] =	stream.linear.gather @!p1 [hbm4b:s30+s0], $0x800, $0x38;
	[tilespmem:$0x1D880] =	vst v63  }
0xe9: {  	s30 =	sadd.s32 @!p1 s29, s6  }
0xea: {  	s1 =	simm.s32 @!p1 $0x800;
	s30 =	sadd.s32 @!p1 $0x200, s30  }
0xeb: {  	[tilespmem:s1], [sflag:$0x3] =	stream.linear.gather @!p1 [hbm4b:s30+s0], $0x800, $0x38;
	[tilespmem:$0x1D880] =	vst v63  }
0xec: {  	_ =	swait.ge [sflag:s23], $0x3E80  }
0xed: {  	[sflag:s23] =	ssyncset.done $0x0  }
0xee: {  	[sflag:s23] =	ssyncadd.s32 $0xFFFFC180  }
0xef: {  	_ =	swait.ge [sflag:s31], $0x3E80  }
0xf0: {  	[sflag:s31] =	ssyncset.done $0x0  }
0xf1: {  	s1 =	simm.s32 $0x1080;
	[sflag:s31] =	ssyncadd.s32 $0xFFFFC180  }
0xf2: {  	[tilespmem:s25], [sflag:$0x2] =	stream.indirect.gather [hbm4b:s7+s19], $0x80, s1, s19, $0xb8;
	[tilespmem:$0x1D880] =	vst v63  }
0xf3: {  	_ = 	snop  }
0xf4: {  	[spmem:s2] =	stream.indirect.scatter.add.f32 [tilespmem:s20], [sflag:$0x5], $0x80, s22, s19, $0xb8;
	[tilespmem:$0x1D880] =	vst v63  }
0xf5: {  	_ =	swait.ge [sflag:s26], $0x3E80  }
0xf6: {  	[sflag:s26] =	ssyncset.done $0x0  }
0xf7: {  	[sflag:s26] =	ssyncadd.s32 $0xFFFFC180  }
0xf8: {  	_ =	swait.ge [sflag:s28], $0x3E80  }
0xf9: {  	[sflag:s28] =	ssyncset.done $0x0  }
0xfa: {  	s30 =	simm.s32 $0x1100;
	[sflag:s28] =	ssyncadd.s32 $0xFFFFC180  }
0xfb: {  	[tilespmem:s20], [sflag:$0x1] =	stream.indirect.gather [hbm4b:s7+s19], $0x80, s30, s19, $0xb8;
	[tilespmem:$0x1D880] =	vst v63  }
0xfc: {  	s1 =	simm.s32 $0x1880  }
0xfd: {  	[spmem:s2] =	stream.indirect.scatter.add.f32 [tilespmem:s25], [sflag:$0x6], $0x80, s1, s19, $0xb8;
	[tilespmem:$0x1D880] =	vst v63  }
0xfe: {  	_ =	swait.ge [sflag:s23], $0x3E80  }
0xff: {  	[sflag:s23] =	ssyncset.done $0x0  }
0x100: {  	[sflag:s23] =	ssyncadd.s32 $0xFFFFC180  }
0x101: {  	_ =	swait.ge [sflag:s31], $0x3E80  }
0x102: {  	[sflag:s31] =	ssyncset.done $0x0  }
0x103: {  	s30 =	simm.s32 $0x1180;
	[sflag:s31] =	ssyncadd.s32 $0xFFFFC180  }
0x104: {  	[tilespmem:s25], [sflag:$0x2] =	stream.indirect.gather [hbm4b:s7+s19], $0x80, s30, s19, $0xb8;
	[tilespmem:$0x1D880] =	vst v63  }
0x105: {  	s1 =	simm.s32 $0x1900  }
0x106: {  	[spmem:s2] =	stream.indirect.scatter.add.f32 [tilespmem:s20], [sflag:$0x5], $0x80, s1, s19, $0xb8;
	[tilespmem:$0x1D880] =	vst v63  }
0x107: {  	_ =	swait.ge [sflag:s26], $0x3E80  }
0x108: {  	[sflag:s26] =	ssyncset.done $0x0  }
0x109: {  	[sflag:s26] =	ssyncadd.s32 $0xFFFFC180  }
0x10a: {  	_ =	swait.ge [sflag:s28], $0x3E80  }
0x10b: {  	[sflag:s28] =	ssyncset.done $0x0  }
0x10c: {  	s30 =	simm.s32 $0x1200;
	[sflag:s28] =	ssyncadd.s32 $0xFFFFC180  }
0x10d: {  	[tilespmem:s20], [sflag:$0x1] =	stream.indirect.gather [hbm4b:s7+s19], $0x80, s30, s19, $0xb8;
	[tilespmem:$0x1D880] =	vst v63  }
0x10e: {  	s1 =	simm.s32 $0x1980  }
0x10f: {  	[spmem:s2] =	stream.indirect.scatter.add.f32 [tilespmem:s25], [sflag:$0x6], $0x80, s1, s19, $0xb8;
	[tilespmem:$0x1D880] =	vst v63  }
0x110: {  	_ =	swait.ge [sflag:s23], $0x3E80  }
0x111: {  	[sflag:s23] =	ssyncset.done $0x0  }
0x112: {  	[sflag:s23] =	ssyncadd.s32 $0xFFFFC180  }
0x113: {  	_ =	swait.ge [sflag:s31], $0x3E80  }
0x114: {  	[sflag:s31] =	ssyncset.done $0x0  }
0x115: {  	s30 =	simm.s32 $0x1280;
	[sflag:s31] =	ssyncadd.s32 $0xFFFFC180  }
0x116: {  	[tilespmem:s25], [sflag:$0x2] =	stream.indirect.gather [hbm4b:s7+s19], $0x80, s30, s19, $0xb8;
	[tilespmem:$0x1D880] =	vst v63  }
0x117: {  	s1 =	simm.s32 $0x1A00  }
0x118: {  	[spmem:s2] =	stream.indirect.scatter.add.f32 [tilespmem:s20], [sflag:$0x5], $0x80, s1, s19, $0xb8;
	[tilespmem:$0x1D880] =	vst v63  }
0x119: {  	_ =	swait.ge [sflag:s26], $0x3E80  }
0x11a: {  	[sflag:s26] =	ssyncset.done $0x0  }
0x11b: {  	[sflag:s26] =	ssyncadd.s32 $0xFFFFC180  }
0x11c: {  	_ =	swait.ge [sflag:s28], $0x3E80  }
0x11d: {  	[sflag:s28] =	ssyncset.done $0x0  }
0x11e: {  	s30 =	simm.s32 $0x1300;
	[sflag:s28] =	ssyncadd.s32 $0xFFFFC180  }
0x11f: {  	[tilespmem:s20], [sflag:$0x1] =	stream.indirect.gather [hbm4b:s7+s19], $0x80, s30, s19, $0xb8;
	[tilespmem:$0x1D880] =	vst v63  }
0x120: {  	s1 =	simm.s32 $0x1A80  }
0x121: {  	[spmem:s2] =	stream.indirect.scatter.add.f32 [tilespmem:s25], [sflag:$0x6], $0x80, s1, s19, $0xb8;
	[tilespmem:$0x1D880] =	vst v63  }
0x122: {  	_ =	swait.ge [sflag:s23], $0x3E80  }
0x123: {  	[sflag:s23] =	ssyncset.done $0x0  }
0x124: {  	[sflag:s23] =	ssyncadd.s32 $0xFFFFC180  }
0x125: {  	_ =	swait.ge [sflag:s31], $0x3E80  }
0x126: {  	[sflag:s31] =	ssyncset.done $0x0  }
0x127: {  	s30 =	simm.s32 $0x1380;
	[sflag:s31] =	ssyncadd.s32 $0xFFFFC180  }
0x128: {  	[tilespmem:s25], [sflag:$0x2] =	stream.indirect.gather [hbm4b:s7+s19], $0x80, s30, s19, $0xb8;
	[tilespmem:$0x1D880] =	vst v63  }
0x129: {  	s1 =	simm.s32 $0x1B00  }
0x12a: {  	[spmem:s2] =	stream.indirect.scatter.add.f32 [tilespmem:s20], [sflag:$0x5], $0x80, s1, s19, $0xb8;
	[tilespmem:$0x1D880] =	vst v63  }
0x12b: {  	_ =	swait.ge [sflag:s26], $0x3E80  }
0x12c: {  	[sflag:s26] =	ssyncset.done $0x0  }
0x12d: {  	[sflag:s26] =	ssyncadd.s32 $0xFFFFC180  }
0x12e: {  	_ =	swait.ge [sflag:s28], $0x3E80  }
0x12f: {  	[sflag:s28] =	ssyncset.done $0x0  }
0x130: {  	s30 =	simm.s32 $0x1400;
	[sflag:s28] =	ssyncadd.s32 $0xFFFFC180  }
0x131: {  	[tilespmem:s20], [sflag:$0x1] =	stream.indirect.gather [hbm4b:s7+s19], $0x80, s30, s19, $0xb8;
	[tilespmem:$0x1D880] =	vst v63  }
0x132: {  	s1 =	simm.s32 $0x1B80  }
0x133: {  	[spmem:s2] =	stream.indirect.scatter.add.f32 [tilespmem:s25], [sflag:$0x6], $0x80, s1, s19, $0xb8;
	[tilespmem:$0x1D880] =	vst v63  }
0x134: {  	_ =	swait.ge [sflag:s23], $0x3E80  }
0x135: {  	[sflag:s23] =	ssyncset.done $0x0  }
0x136: {  	[sflag:s23] =	ssyncadd.s32 $0xFFFFC180  }
0x137: {  	_ =	swait.ge [sflag:s31], $0x3E80  }
0x138: {  	[sflag:s31] =	ssyncset.done $0x0  }
0x139: {  	s30 =	simm.s32 $0x1480;
	[sflag:s31] =	ssyncadd.s32 $0xFFFFC180  }
0x13a: {  	[tilespmem:s25], [sflag:$0x2] =	stream.indirect.gather [hbm4b:s7+s19], $0x80, s30, s19, $0xb8;
	[tilespmem:$0x1D880] =	vst v63  }
0x13b: {  	s1 =	simm.s32 $0x1C00  }
0x13c: {  	[spmem:s2] =	stream.indirect.scatter.add.f32 [tilespmem:s20], [sflag:$0x5], $0x80, s1, s19, $0xb8;
	[tilespmem:$0x1D880] =	vst v63  }
0x13d: {  	_ =	swait.ge [sflag:s26], $0x3E80  }
0x13e: {  	[sflag:s26] =	ssyncset.done $0x0  }
0x13f: {  	[sflag:s26] =	ssyncadd.s32 $0xFFFFC180  }
0x140: {  	_ =	swait.ge [sflag:s28], $0x3E80  }
0x141: {  	[sflag:s28] =	ssyncset.done $0x0  }
0x142: {  	s30 =	simm.s32 $0x1500;
	[sflag:s28] =	ssyncadd.s32 $0xFFFFC180  }
0x143: {  	[tilespmem:s20], [sflag:$0x1] =	stream.indirect.gather [hbm4b:s7+s19], $0x80, s30, s19, $0xb8;
	[tilespmem:$0x1D880] =	vst v63  }
0x144: {  	s1 =	simm.s32 $0x1C80  }
0x145: {  	[spmem:s2] =	stream.indirect.scatter.add.f32 [tilespmem:s25], [sflag:$0x6], $0x80, s1, s19, $0xb8;
	[tilespmem:$0x1D880] =	vst v63  }
0x146: {  	_ =	swait.ge [sflag:s23], $0x3E80  }
0x147: {  	[sflag:s23] =	ssyncset.done $0x0  }
0x148: {  	[sflag:s23] =	ssyncadd.s32 $0xFFFFC180  }
0x149: {  	_ =	swait.ge [sflag:s31], $0x3E80  }
0x14a: {  	[sflag:s31] =	ssyncset.done $0x0  }
0x14b: {  	s30 =	simm.s32 $0x1580;
	[sflag:s31] =	ssyncadd.s32 $0xFFFFC180  }
0x14c: {  	[tilespmem:s25], [sflag:$0x2] =	stream.indirect.gather [hbm4b:s7+s19], $0x80, s30, s19, $0xb8;
	[tilespmem:$0x1D880] =	vst v63  }
0x14d: {  	_ = 	snop  }
0x14e: {  	[spmem:s2] =	stream.indirect.scatter.add.f32 [tilespmem:s20], [sflag:$0x5], $0x80, s8, s19, $0xb8;
	[tilespmem:$0x1D880] =	vst v63  }
0x14f: {  	_ =	swait.ge [sflag:s26], $0x3E80  }
0x150: {  	[sflag:s26] =	ssyncset.done $0x0  }
0x151: {  	[sflag:s26] =	ssyncadd.s32 $0xFFFFC180  }
0x152: {  	_ =	swait.ge [sflag:s28], $0x3E80  }
0x153: {  	[sflag:s28] =	ssyncset.done $0x0  }
0x154: {  	[sflag:s28] =	ssyncadd.s32 $0xFFFFC180  }
0x155: {  	[tilespmem:s20], [sflag:$0x1] =	stream.indirect.gather [hbm4b:s7+s19], $0x80, s9, s19, $0xb8;
	[tilespmem:$0x1D880] =	vst v63  }
0x156: {  	_ = 	snop  }
0x157: {  	[spmem:s2] =	stream.indirect.scatter.add.f32 [tilespmem:s25], [sflag:$0x6], $0x80, s11, s19, $0xb8;
	[tilespmem:$0x1D880] =	vst v63  }
0x158: {  	_ =	swait.ge [sflag:s23], $0x3E80  }
0x159: {  	[sflag:s23] =	ssyncset.done $0x0  }
0x15a: {  	[sflag:s23] =	ssyncadd.s32 $0xFFFFC180  }
0x15b: {  	_ =	swait.ge [sflag:s31], $0x3E80  }
0x15c: {  	[sflag:s31] =	ssyncset.done $0x0  }
0x15d: {  	[sflag:s31] =	ssyncadd.s32 $0xFFFFC180  }
0x15e: {  	[tilespmem:s25], [sflag:$0x2] =	stream.indirect.gather [hbm4b:s7+s19], $0x80, s12, s19, $0xb8;
	[tilespmem:$0x1D880] =	vst v63  }
0x15f: {  	_ = 	snop  }
0x160: {  	[spmem:s2] =	stream.indirect.scatter.add.f32 [tilespmem:s20], [sflag:$0x5], $0x80, s13, s19, $0xb8;
	[tilespmem:$0x1D880] =	vst v63  }
0x161: {  	_ =	swait.ge [sflag:s26], $0x3E80  }
0x162: {  	[sflag:s26] =	ssyncset.done $0x0  }
0x163: {  	[sflag:s26] =	ssyncadd.s32 $0xFFFFC180  }
0x164: {  	_ =	swait.ge [sflag:s28], $0x3E80  }
0x165: {  	[sflag:s28] =	ssyncset.done $0x0  }
0x166: {  	[sflag:s28] =	ssyncadd.s32 $0xFFFFC180  }
0x167: {  	[tilespmem:s20], [sflag:$0x1] =	stream.indirect.gather [hbm4b:s7+s19], $0x80, s4, s19, $0xb8;
	[tilespmem:$0x1D880] =	vst v63  }
0x168: {  	_ = 	snop  }
0x169: {  	[spmem:s2] =	stream.indirect.scatter.add.f32 [tilespmem:s25], [sflag:$0x6], $0x80, s14, s19, $0xb8;
	[tilespmem:$0x1D880] =	vst v63  }
0x16a: {  	_ =	swait.ge [sflag:s23], $0x3E80  }
0x16b: {  	[sflag:s23] =	ssyncset.done $0x0  }
0x16c: {  	[sflag:s23] =	ssyncadd.s32 $0xFFFFC180  }
0x16d: {  	_ =	swait.ge [sflag:s31], $0x3E80  }
0x16e: {  	[sflag:s31] =	ssyncset.done $0x0  }
0x16f: {  	[sflag:s31] =	ssyncadd.s32 $0xFFFFC180  }
0x170: {  	[tilespmem:s25], [sflag:$0x2] =	stream.indirect.gather [hbm4b:s7+s19], $0x80, s15, s19, $0xb8;
	[tilespmem:$0x1D880] =	vst v63  }
0x171: {  	_ = 	snop  }
0x172: {  	[spmem:s2] =	stream.indirect.scatter.add.f32 [tilespmem:s20], [sflag:$0x5], $0x80, s16, s19, $0xb8;
	[tilespmem:$0x1D880] =	vst v63  }
0x173: {  	_ =	swait.ge [sflag:s26], $0x3E80  }
.Ltmp2:
0x174: {  	[sflag:s26] =	ssyncset.done $0x0;
	(pc) =	sbr.rel @p1 .LBB2_4-.Ltmp2, $4  }
0x175: {  	[sflag:s26] =	ssyncadd.s32 $0xFFFFC180  }
0x176: {  	_ =	swait.ge [sflag:s28], $0x3E80  }
0x177: {  	[sflag:s28] =	ssyncset.done $0x0  }
0x178: {  	[sflag:s28] =	ssyncadd.s32 $0xFFFFC180  }
0x179: {  	_ =	swait.ge [sflag:s24], $0x800  }
0x17a: {  	[sflag:s24] =	ssyncset.done $0x0  }
0x17b: {  	[sflag:s24] =	ssyncadd.s32 $0xFFFFF800  }
0x17c: {  	_ =	swait.ge [sflag:s24], $0x800  }
.Ltmp3:
0x17d: {  	[sflag:s24] =	ssyncset.done $0x0;
	(pc) =	sbr.rel .LBB2_2-.Ltmp3, $4  }
0x17e: {  	[sflag:s24] =	ssyncadd.s32 $0xFFFFF800  }
0x17f: {  	[tilespmem:s20], [sflag:$0x1] =	stream.indirect.gather [hbm4b:s7+s19], $0x80, s3, s19, $0xb8;
	[tilespmem:$0x1D880] =	vst v63  }
0x180: {  	s29 =	sadd.s32 $0x200, s29  }
0x181: {  	[spmem:s2] =	stream.indirect.scatter.add.f32 [tilespmem:s25], [sflag:$0x6], $0x80, s17, s19, $0xb8;
	[tilespmem:$0x1D880] =	vst v63  }
.LBB2_4:
0x182: {  	[spmem:s2] =	stream.indirect.scatter.add.f32 [tilespmem:s25], [sflag:$0x6], $0x80, s17, s19, $0xb8;
	[tilespmem:$0x1D880] =	vst v63  }
0x183: {  	_ =	swait.ge [sflag:s31], $0x3E80  }
0x184: {  	[sflag:s31] =	ssyncset.done $0x0  }
0x185: {  	[sflag:s31] =	ssyncadd.s32 $0xFFFFC180  }
0x186: {  	[bflag:$0x0] =	sbarrier.arrive $0xFFFF  }
0x187: {  	s1 =	rddreg [dreg:$0x7]  }
0x188: {  	s0 =	simm.s32 @p0 $0x1FC7;
	s30 =	rddreg [dreg:$0xb]  }
0x189: {  	[hbm:s1], [sflag:s0] =	dma.local @p0 [spmem:s30], $0x2800  }
0x18a: {  	s1 =	simm.s32 @p0 $0x7  }
0x18b: {  	_ =	swait.ge @p0 [sflag:s1], $0x2800  }
0x18c: {  	[sflag:s1] =	ssyncset.done @p0 $0x0  }
0x18d: {  	[sflag:s1] =	ssyncadd.s32 @p0 $0xFFFFD800  }
0x18e: {  	[bflag:$0x0] =	sbarrier.arrive @p0 $0xFFFF  }
0x18f: {  	s29 =	rddreg [dreg:$0x5]  }
0x190: {  	[spmem:s30], [sflag:s0] =	dma.local @p0 [hbm:s29], $0x2800  }
0x191: {  	_ =	swait.ge @p0 [sflag:s1], $0x2800  }
0x192: {  	s0 =	rddreg [dreg:$0x6]  }
0x193: {  	[sflag:s1] =	ssyncset.done @p0 $0x0;
	s30 =	rddreg [dreg:$0xd]  }
0x194: {  	[sflag:s1] =	ssyncadd.s32 @p0 $0xFFFFD800;
	s1 =	rddreg [dreg:$0xc]  }
0x195: {  	[hbm:s0], [sflag:s1] =	dma.local @!p0 [spmem:s30], $0x2700  }
0x196: {  	s0 =	simm.s32 @!p0 $0x7  }
0x197: {  	_ =	swait.ge @!p0 [sflag:s0], $0x2700  }
0x198: {  	[sflag:s0] =	ssyncset.done @!p0 $0x0  }
0x199: {  	[sflag:s0] =	ssyncadd.s32 @!p0 $0xFFFFD900  }
0x19a: {  	[bflag:$0x0] =	sbarrier.arrive @!p0 $0xFFFF  }
0x19b: {  	[spmem:s30], [sflag:s1] =	dma.local @!p0 [hbm:s29], $0x2700  }
0x19c: {  	_ =	swait.ge @!p0 [sflag:s0], $0x2700  }
0x19d: {  	[sflag:s0] =	ssyncset.done @!p0 $0x0  }
0x19e: {  	[sflag:s0] =	ssyncadd.s32 @!p0 $0xFFFFD900  }
0x19f: {  	s29 =	simm.s32 $0x0;
	s0 =	simm.s32 $0x7;
	[bflag:$0x0] =	sbarrier.arrive $0xFFFF  }
0x1a0: {  	[tilespmem:s29], [sflag:$0x7] =	stream.linear.gather [hbm4b:s5+s29], $0x800, $0x38;
	[tilespmem:$0x1D880] =	vst v63  }
0x1a1: {  	_ =	swait.ge [sflag:s0], $0x800  }
0x1a2: {  	[sflag:s0] =	ssyncset.done $0x0  }
0x1a3: {  	s30 =	simm.s32 $0x800;
	[sflag:s0] =	ssyncadd.s32 $0xFFFFF800  }
0x1a4: {  	[tilespmem:s30], [sflag:$0x7] =	stream.linear.gather [hbm4b:s6+s29], $0x800, $0x38;
	[tilespmem:$0x1D880] =	vst v63  }
0x1a5: {  	_ =	swait.ge [sflag:s0], $0x800  }
0x1a6: {  	[sflag:s0] =	ssyncset.done $0x0  }
0x1a7: {  	[sflag:s0] =	ssyncadd.s32 $0xFFFFF800  }
0x1a8: {  	[tilespmem:s20], [sflag:$0x1] =	stream.indirect.gather [hbm4b:s10+s19], $0x80, s29, s19, $0xb8;
	[tilespmem:$0x1D880] =	vst v63  }
.LBB2_5:
0x1a9: {  	s0 =	sadd.s32 s29, s5  }
0x1aa: {  	s1 =	sadd.s32 s29, s6;
	s0 =	sadd.s32 $0x100, s0  }
0x1ab: {  	[tilespmem:s21], [sflag:$0x4] =	stream.linear.gather [hbm4b:s0+s3], $0x800, $0x38;
	[tilespmem:$0x1D880] =	vst v63  }
0x1ac: {  	s0 =	sadd.s32 $0x100, s1  }
0x1ad: {  	[tilespmem:s22], [sflag:$0x4] =	stream.linear.gather [hbm4b:s0+s3], $0x800, $0x38;
	[tilespmem:$0x1D880] =	vst v63  }
0x1ae: {  	_ =	swait.ge [sflag:s23], $0x3E80  }
0x1af: {  	p1 =	seq.s32 s29, $0x0;
	[sflag:s23] =	ssyncset.done $0x0  }
0x1b0: {  	s0 =	simm.s32 @!p1 $0x6;
	[sflag:s23] =	ssyncadd.s32 $0xFFFFC180  }
0x1b1: {  	_ =	swait.ge @!p1 [sflag:s0], $0x3E80  }
0x1b2: {  	[sflag:s0] =	ssyncset.done @!p1 $0x0  }
0x1b3: {  	s30 =	simm.s32 $0x80;
	[sflag:s0] =	ssyncadd.s32 @!p1 $0xFFFFC180  }
0x1b4: {  	[tilespmem:s25], [sflag:$0x2] =	stream.indirect.gather [hbm4b:s10+s19], $0x80, s30, s19, $0xb8;
	[tilespmem:$0x1D880] =	vst v63  }
0x1b5: {  	s1 =	simm.s32 $0x800  }
0x1b6: {  	[spmem:s2] =	stream.indirect.scatter.add.f32 [tilespmem:s20], [sflag:$0x5], $0x80, s1, s19, $0xb8;
	[tilespmem:$0x1D880] =	vst v63  }
0x1b7: {  	_ =	swait.ge [sflag:s26], $0x3E80  }
0x1b8: {  	[sflag:s26] =	ssyncset.done $0x0  }
0x1b9: {  	[sflag:s26] =	ssyncadd.s32 $0xFFFFC180  }
0x1ba: {  	_ =	swait.ge [sflag:s28], $0x3E80  }
0x1bb: {  	[sflag:s28] =	ssyncset.done $0x0  }
0x1bc: {  	s30 =	simm.s32 $0x100;
	[sflag:s28] =	ssyncadd.s32 $0xFFFFC180  }
0x1bd: {  	[tilespmem:s20], [sflag:$0x1] =	stream.indirect.gather [hbm4b:s10+s19], $0x80, s30, s19, $0xb8;
	[tilespmem:$0x1D880] =	vst v63  }
0x1be: {  	s1 =	simm.s32 $0x880  }
0x1bf: {  	[spmem:s2] =	stream.indirect.scatter.add.f32 [tilespmem:s25], [sflag:$0x6], $0x80, s1, s19, $0xb8;
	[tilespmem:$0x1D880] =	vst v63  }
0x1c0: {  	_ =	swait.ge [sflag:s23], $0x3E80  }
0x1c1: {  	[sflag:s23] =	ssyncset.done $0x0  }
0x1c2: {  	[sflag:s23] =	ssyncadd.s32 $0xFFFFC180  }
0x1c3: {  	_ =	swait.ge [sflag:s31], $0x3E80  }
0x1c4: {  	[sflag:s31] =	ssyncset.done $0x0  }
0x1c5: {  	s30 =	simm.s32 $0x180;
	[sflag:s31] =	ssyncadd.s32 $0xFFFFC180  }
0x1c6: {  	[tilespmem:s25], [sflag:$0x2] =	stream.indirect.gather [hbm4b:s10+s19], $0x80, s30, s19, $0xb8;
	[tilespmem:$0x1D880] =	vst v63  }
0x1c7: {  	s1 =	simm.s32 $0x900  }
0x1c8: {  	[spmem:s2] =	stream.indirect.scatter.add.f32 [tilespmem:s20], [sflag:$0x5], $0x80, s1, s19, $0xb8;
	[tilespmem:$0x1D880] =	vst v63  }
0x1c9: {  	_ =	swait.ge [sflag:s26], $0x3E80  }
0x1ca: {  	[sflag:s26] =	ssyncset.done $0x0  }
0x1cb: {  	[sflag:s26] =	ssyncadd.s32 $0xFFFFC180  }
0x1cc: {  	_ =	swait.ge [sflag:s28], $0x3E80  }
0x1cd: {  	[sflag:s28] =	ssyncset.done $0x0  }
0x1ce: {  	s30 =	simm.s32 $0x200;
	[sflag:s28] =	ssyncadd.s32 $0xFFFFC180  }
0x1cf: {  	[tilespmem:s20], [sflag:$0x1] =	stream.indirect.gather [hbm4b:s10+s19], $0x80, s30, s19, $0xb8;
	[tilespmem:$0x1D880] =	vst v63  }
0x1d0: {  	s1 =	simm.s32 $0x980  }
0x1d1: {  	[spmem:s2] =	stream.indirect.scatter.add.f32 [tilespmem:s25], [sflag:$0x6], $0x80, s1, s19, $0xb8;
	[tilespmem:$0x1D880] =	vst v63  }
0x1d2: {  	_ =	swait.ge [sflag:s23], $0x3E80  }
0x1d3: {  	[sflag:s23] =	ssyncset.done $0x0  }
0x1d4: {  	[sflag:s23] =	ssyncadd.s32 $0xFFFFC180  }
0x1d5: {  	_ =	swait.ge [sflag:s31], $0x3E80  }
0x1d6: {  	[sflag:s31] =	ssyncset.done $0x0  }
0x1d7: {  	s30 =	simm.s32 $0x280;
	[sflag:s31] =	ssyncadd.s32 $0xFFFFC180  }
0x1d8: {  	[tilespmem:s25], [sflag:$0x2] =	stream.indirect.gather [hbm4b:s10+s19], $0x80, s30, s19, $0xb8;
	[tilespmem:$0x1D880] =	vst v63  }
0x1d9: {  	s1 =	simm.s32 $0xA00  }
0x1da: {  	[spmem:s2] =	stream.indirect.scatter.add.f32 [tilespmem:s20], [sflag:$0x5], $0x80, s1, s19, $0xb8;
	[tilespmem:$0x1D880] =	vst v63  }
0x1db: {  	_ =	swait.ge [sflag:s26], $0x3E80  }
0x1dc: {  	[sflag:s26] =	ssyncset.done $0x0  }
0x1dd: {  	[sflag:s26] =	ssyncadd.s32 $0xFFFFC180  }
0x1de: {  	_ =	swait.ge [sflag:s28], $0x3E80  }
0x1df: {  	[sflag:s28] =	ssyncset.done $0x0  }
0x1e0: {  	s30 =	simm.s32 $0x300;
	[sflag:s28] =	ssyncadd.s32 $0xFFFFC180  }
0x1e1: {  	[tilespmem:s20], [sflag:$0x1] =	stream.indirect.gather [hbm4b:s10+s19], $0x80, s30, s19, $0xb8;
	[tilespmem:$0x1D880] =	vst v63  }
0x1e2: {  	s1 =	simm.s32 $0xA80  }
0x1e3: {  	[spmem:s2] =	stream.indirect.scatter.add.f32 [tilespmem:s25], [sflag:$0x6], $0x80, s1, s19, $0xb8;
	[tilespmem:$0x1D880] =	vst v63  }
0x1e4: {  	_ =	swait.ge [sflag:s23], $0x3E80  }
0x1e5: {  	[sflag:s23] =	ssyncset.done $0x0  }
0x1e6: {  	[sflag:s23] =	ssyncadd.s32 $0xFFFFC180  }
0x1e7: {  	_ =	swait.ge [sflag:s31], $0x3E80  }
0x1e8: {  	[sflag:s31] =	ssyncset.done $0x0  }
0x1e9: {  	s30 =	simm.s32 $0x380;
	[sflag:s31] =	ssyncadd.s32 $0xFFFFC180  }
0x1ea: {  	[tilespmem:s25], [sflag:$0x2] =	stream.indirect.gather [hbm4b:s10+s19], $0x80, s30, s19, $0xb8;
	[tilespmem:$0x1D880] =	vst v63  }
0x1eb: {  	s1 =	simm.s32 $0xB00  }
0x1ec: {  	[spmem:s2] =	stream.indirect.scatter.add.f32 [tilespmem:s20], [sflag:$0x5], $0x80, s1, s19, $0xb8;
	[tilespmem:$0x1D880] =	vst v63  }
0x1ed: {  	_ =	swait.ge [sflag:s26], $0x3E80  }
0x1ee: {  	[sflag:s26] =	ssyncset.done $0x0  }
0x1ef: {  	[sflag:s26] =	ssyncadd.s32 $0xFFFFC180  }
0x1f0: {  	_ =	swait.ge [sflag:s28], $0x3E80  }
0x1f1: {  	[sflag:s28] =	ssyncset.done $0x0  }
0x1f2: {  	s30 =	simm.s32 $0x400;
	[sflag:s28] =	ssyncadd.s32 $0xFFFFC180  }
0x1f3: {  	[tilespmem:s20], [sflag:$0x1] =	stream.indirect.gather [hbm4b:s10+s19], $0x80, s30, s19, $0xb8;
	[tilespmem:$0x1D880] =	vst v63  }
0x1f4: {  	s1 =	simm.s32 $0xB80  }
0x1f5: {  	[spmem:s2] =	stream.indirect.scatter.add.f32 [tilespmem:s25], [sflag:$0x6], $0x80, s1, s19, $0xb8;
	[tilespmem:$0x1D880] =	vst v63  }
0x1f6: {  	_ =	swait.ge [sflag:s23], $0x3E80  }
0x1f7: {  	[sflag:s23] =	ssyncset.done $0x0  }
0x1f8: {  	[sflag:s23] =	ssyncadd.s32 $0xFFFFC180  }
0x1f9: {  	_ =	swait.ge [sflag:s31], $0x3E80  }
0x1fa: {  	[sflag:s31] =	ssyncset.done $0x0  }
0x1fb: {  	s30 =	simm.s32 $0x480;
	[sflag:s31] =	ssyncadd.s32 $0xFFFFC180  }
0x1fc: {  	[tilespmem:s25], [sflag:$0x2] =	stream.indirect.gather [hbm4b:s10+s19], $0x80, s30, s19, $0xb8;
	[tilespmem:$0x1D880] =	vst v63  }
0x1fd: {  	s1 =	simm.s32 $0xC00  }
0x1fe: {  	[spmem:s2] =	stream.indirect.scatter.add.f32 [tilespmem:s20], [sflag:$0x5], $0x80, s1, s19, $0xb8;
	[tilespmem:$0x1D880] =	vst v63  }
0x1ff: {  	_ =	swait.ge [sflag:s26], $0x3E80  }
0x200: {  	[sflag:s26] =	ssyncset.done $0x0  }
0x201: {  	[sflag:s26] =	ssyncadd.s32 $0xFFFFC180  }
0x202: {  	_ =	swait.ge [sflag:s28], $0x3E80  }
0x203: {  	[sflag:s28] =	ssyncset.done $0x0  }
0x204: {  	s30 =	simm.s32 $0x500;
	[sflag:s28] =	ssyncadd.s32 $0xFFFFC180  }
0x205: {  	[tilespmem:s20], [sflag:$0x1] =	stream.indirect.gather [hbm4b:s10+s19], $0x80, s30, s19, $0xb8;
	[tilespmem:$0x1D880] =	vst v63  }
0x206: {  	s1 =	simm.s32 $0xC80  }
0x207: {  	[spmem:s2] =	stream.indirect.scatter.add.f32 [tilespmem:s25], [sflag:$0x6], $0x80, s1, s19, $0xb8;
	[tilespmem:$0x1D880] =	vst v63  }
0x208: {  	_ =	swait.ge [sflag:s23], $0x3E80  }
0x209: {  	[sflag:s23] =	ssyncset.done $0x0  }
0x20a: {  	[sflag:s23] =	ssyncadd.s32 $0xFFFFC180  }
0x20b: {  	_ =	swait.ge [sflag:s31], $0x3E80  }
0x20c: {  	[sflag:s31] =	ssyncset.done $0x0  }
0x20d: {  	s30 =	simm.s32 $0x580;
	[sflag:s31] =	ssyncadd.s32 $0xFFFFC180  }
0x20e: {  	[tilespmem:s25], [sflag:$0x2] =	stream.indirect.gather [hbm4b:s10+s19], $0x80, s30, s19, $0xb8;
	[tilespmem:$0x1D880] =	vst v63  }
0x20f: {  	s1 =	simm.s32 $0xD00  }
0x210: {  	[spmem:s2] =	stream.indirect.scatter.add.f32 [tilespmem:s20], [sflag:$0x5], $0x80, s1, s19, $0xb8;
	[tilespmem:$0x1D880] =	vst v63  }
0x211: {  	_ =	swait.ge [sflag:s26], $0x3E80  }
0x212: {  	[sflag:s26] =	ssyncset.done $0x0  }
0x213: {  	[sflag:s26] =	ssyncadd.s32 $0xFFFFC180  }
0x214: {  	_ =	swait.ge [sflag:s28], $0x3E80  }
0x215: {  	[sflag:s28] =	ssyncset.done $0x0  }
0x216: {  	s30 =	simm.s32 $0x600;
	[sflag:s28] =	ssyncadd.s32 $0xFFFFC180  }
0x217: {  	[tilespmem:s20], [sflag:$0x1] =	stream.indirect.gather [hbm4b:s10+s19], $0x80, s30, s19, $0xb8;
	[tilespmem:$0x1D880] =	vst v63  }
0x218: {  	s1 =	simm.s32 $0xD80  }
0x219: {  	[spmem:s2] =	stream.indirect.scatter.add.f32 [tilespmem:s25], [sflag:$0x6], $0x80, s1, s19, $0xb8;
	[tilespmem:$0x1D880] =	vst v63  }
0x21a: {  	_ =	swait.ge [sflag:s23], $0x3E80  }
0x21b: {  	[sflag:s23] =	ssyncset.done $0x0  }
0x21c: {  	[sflag:s23] =	ssyncadd.s32 $0xFFFFC180  }
0x21d: {  	_ =	swait.ge [sflag:s31], $0x3E80  }
0x21e: {  	[sflag:s31] =	ssyncset.done $0x0  }
0x21f: {  	s30 =	simm.s32 $0x680;
	[sflag:s31] =	ssyncadd.s32 $0xFFFFC180  }
0x220: {  	[tilespmem:s25], [sflag:$0x2] =	stream.indirect.gather [hbm4b:s10+s19], $0x80, s30, s19, $0xb8;
	[tilespmem:$0x1D880] =	vst v63  }
0x221: {  	s1 =	simm.s32 $0xE00  }
0x222: {  	[spmem:s2] =	stream.indirect.scatter.add.f32 [tilespmem:s20], [sflag:$0x5], $0x80, s1, s19, $0xb8;
	[tilespmem:$0x1D880] =	vst v63  }
0x223: {  	_ =	swait.ge [sflag:s26], $0x3E80  }
0x224: {  	[sflag:s26] =	ssyncset.done $0x0  }
0x225: {  	[sflag:s26] =	ssyncadd.s32 $0xFFFFC180  }
0x226: {  	_ =	swait.ge [sflag:s28], $0x3E80  }
0x227: {  	[sflag:s28] =	ssyncset.done $0x0  }
0x228: {  	s30 =	simm.s32 $0x700;
	[sflag:s28] =	ssyncadd.s32 $0xFFFFC180  }
0x229: {  	[tilespmem:s20], [sflag:$0x1] =	stream.indirect.gather [hbm4b:s10+s19], $0x80, s30, s19, $0xb8;
	[tilespmem:$0x1D880] =	vst v63  }
0x22a: {  	s1 =	simm.s32 $0xE80  }
0x22b: {  	[spmem:s2] =	stream.indirect.scatter.add.f32 [tilespmem:s25], [sflag:$0x6], $0x80, s1, s19, $0xb8;
	[tilespmem:$0x1D880] =	vst v63  }
0x22c: {  	_ =	swait.ge [sflag:s23], $0x3E80  }
0x22d: {  	[sflag:s23] =	ssyncset.done $0x0  }
0x22e: {  	[sflag:s23] =	ssyncadd.s32 $0xFFFFC180  }
0x22f: {  	_ =	swait.ge [sflag:s31], $0x3E80  }
0x230: {  	[sflag:s31] =	ssyncset.done $0x0  }
0x231: {  	s30 =	simm.s32 $0x780;
	[sflag:s31] =	ssyncadd.s32 $0xFFFFC180  }
0x232: {  	[tilespmem:s25], [sflag:$0x2] =	stream.indirect.gather [hbm4b:s10+s19], $0x80, s30, s19, $0xb8;
	[tilespmem:$0x1D880] =	vst v63  }
0x233: {  	s1 =	simm.s32 $0xF00  }
0x234: {  	[spmem:s2] =	stream.indirect.scatter.add.f32 [tilespmem:s20], [sflag:$0x5], $0x80, s1, s19, $0xb8;
	[tilespmem:$0x1D880] =	vst v63  }
0x235: {  	_ =	swait.ge [sflag:s26], $0x3E80  }
0x236: {  	[sflag:s26] =	ssyncset.done $0x0  }
0x237: {  	[sflag:s26] =	ssyncadd.s32 $0xFFFFC180  }
0x238: {  	_ =	swait.ge [sflag:s28], $0x3E80  }
0x239: {  	[sflag:s28] =	ssyncset.done $0x0  }
0x23a: {  	[sflag:s28] =	ssyncadd.s32 $0xFFFFC180  }
0x23b: {  	_ =	swait.ge [sflag:s18], $0x800  }
0x23c: {  	[sflag:s18] =	ssyncset.done $0x0  }
0x23d: {  	[sflag:s18] =	ssyncadd.s32 $0xFFFFF800  }
0x23e: {  	_ =	swait.ge [sflag:s18], $0x800  }
0x23f: {  	[sflag:s18] =	ssyncset.done $0x0  }
0x240: {  	p1 =	seq.s32 s29, $0x800;
	[sflag:s18] =	ssyncadd.s32 $0xFFFFF800  }
0x241: {  	[tilespmem:s20], [sflag:$0x1] =	stream.indirect.gather [hbm4b:s10+s19], $0x80, s21, s19, $0xb8;
	[tilespmem:$0x1D880] =	vst v63  }
0x242: {  	s0 =	sadd.s32 @!p1 s29, s5;
	s30 =	simm.s32 $0xF80  }
0x243: {  	[spmem:s2] =	stream.indirect.scatter.add.f32 [tilespmem:s25], [sflag:$0x6], $0x80, s30, s19, $0xb8;
	[tilespmem:$0x1D880] =	vst v63  }
0x244: {  	s0 =	sadd.s32 @!p1 $0x200, s0;
	s1 =	simm.s32 @!p1 $0x0  }
0x245: {  	[tilespmem:s1], [sflag:$0x3] =	stream.linear.gather @!p1 [hbm4b:s0+s1], $0x800, $0x38;
	[tilespmem:$0x1D880] =	vst v63  }
0x246: {  	s0 =	sadd.s32 @!p1 s29, s6  }
0x247: {  	s30 =	simm.s32 @!p1 $0x800;
	s0 =	sadd.s32 @!p1 $0x200, s0  }
0x248: {  	[tilespmem:s30], [sflag:$0x3] =	stream.linear.gather @!p1 [hbm4b:s0+s1], $0x800, $0x38;
	[tilespmem:$0x1D880] =	vst v63  }
0x249: {  	_ =	swait.ge [sflag:s23], $0x3E80  }
0x24a: {  	[sflag:s23] =	ssyncset.done $0x0  }
0x24b: {  	[sflag:s23] =	ssyncadd.s32 $0xFFFFC180  }
0x24c: {  	_ =	swait.ge [sflag:s31], $0x3E80  }
0x24d: {  	[sflag:s31] =	ssyncset.done $0x0  }
0x24e: {  	s1 =	simm.s32 $0x1080;
	[sflag:s31] =	ssyncadd.s32 $0xFFFFC180  }
0x24f: {  	[tilespmem:s25], [sflag:$0x2] =	stream.indirect.gather [hbm4b:s10+s19], $0x80, s1, s19, $0xb8;
	[tilespmem:$0x1D880] =	vst v63  }
0x250: {  	_ = 	snop  }
0x251: {  	[spmem:s2] =	stream.indirect.scatter.add.f32 [tilespmem:s20], [sflag:$0x5], $0x80, s22, s19, $0xb8;
	[tilespmem:$0x1D880] =	vst v63  }
0x252: {  	_ =	swait.ge [sflag:s26], $0x3E80  }
0x253: {  	[sflag:s26] =	ssyncset.done $0x0  }
0x254: {  	[sflag:s26] =	ssyncadd.s32 $0xFFFFC180  }
0x255: {  	_ =	swait.ge [sflag:s28], $0x3E80  }
0x256: {  	[sflag:s28] =	ssyncset.done $0x0  }
0x257: {  	s30 =	simm.s32 $0x1100;
	[sflag:s28] =	ssyncadd.s32 $0xFFFFC180  }
0x258: {  	[tilespmem:s20], [sflag:$0x1] =	stream.indirect.gather [hbm4b:s10+s19], $0x80, s30, s19, $0xb8;
	[tilespmem:$0x1D880] =	vst v63  }
0x259: {  	s1 =	simm.s32 $0x1880  }
0x25a: {  	[spmem:s2] =	stream.indirect.scatter.add.f32 [tilespmem:s25], [sflag:$0x6], $0x80, s1, s19, $0xb8;
	[tilespmem:$0x1D880] =	vst v63  }
0x25b: {  	_ =	swait.ge [sflag:s23], $0x3E80  }
0x25c: {  	[sflag:s23] =	ssyncset.done $0x0  }
0x25d: {  	[sflag:s23] =	ssyncadd.s32 $0xFFFFC180  }
0x25e: {  	_ =	swait.ge [sflag:s31], $0x3E80  }
0x25f: {  	[sflag:s31] =	ssyncset.done $0x0  }
0x260: {  	s30 =	simm.s32 $0x1180;
	[sflag:s31] =	ssyncadd.s32 $0xFFFFC180  }
0x261: {  	[tilespmem:s25], [sflag:$0x2] =	stream.indirect.gather [hbm4b:s10+s19], $0x80, s30, s19, $0xb8;
	[tilespmem:$0x1D880] =	vst v63  }
0x262: {  	s1 =	simm.s32 $0x1900  }
0x263: {  	[spmem:s2] =	stream.indirect.scatter.add.f32 [tilespmem:s20], [sflag:$0x5], $0x80, s1, s19, $0xb8;
	[tilespmem:$0x1D880] =	vst v63  }
0x264: {  	_ =	swait.ge [sflag:s26], $0x3E80  }
0x265: {  	[sflag:s26] =	ssyncset.done $0x0  }
0x266: {  	[sflag:s26] =	ssyncadd.s32 $0xFFFFC180  }
0x267: {  	_ =	swait.ge [sflag:s28], $0x3E80  }
0x268: {  	[sflag:s28] =	ssyncset.done $0x0  }
0x269: {  	s30 =	simm.s32 $0x1200;
	[sflag:s28] =	ssyncadd.s32 $0xFFFFC180  }
0x26a: {  	[tilespmem:s20], [sflag:$0x1] =	stream.indirect.gather [hbm4b:s10+s19], $0x80, s30, s19, $0xb8;
	[tilespmem:$0x1D880] =	vst v63  }
0x26b: {  	s1 =	simm.s32 $0x1980  }
0x26c: {  	[spmem:s2] =	stream.indirect.scatter.add.f32 [tilespmem:s25], [sflag:$0x6], $0x80, s1, s19, $0xb8;
	[tilespmem:$0x1D880] =	vst v63  }
0x26d: {  	_ =	swait.ge [sflag:s23], $0x3E80  }
0x26e: {  	[sflag:s23] =	ssyncset.done $0x0  }
0x26f: {  	[sflag:s23] =	ssyncadd.s32 $0xFFFFC180  }
0x270: {  	_ =	swait.ge [sflag:s31], $0x3E80  }
0x271: {  	[sflag:s31] =	ssyncset.done $0x0  }
0x272: {  	s30 =	simm.s32 $0x1280;
	[sflag:s31] =	ssyncadd.s32 $0xFFFFC180  }
0x273: {  	[tilespmem:s25], [sflag:$0x2] =	stream.indirect.gather [hbm4b:s10+s19], $0x80, s30, s19, $0xb8;
	[tilespmem:$0x1D880] =	vst v63  }
0x274: {  	s1 =	simm.s32 $0x1A00  }
0x275: {  	[spmem:s2] =	stream.indirect.scatter.add.f32 [tilespmem:s20], [sflag:$0x5], $0x80, s1, s19, $0xb8;
	[tilespmem:$0x1D880] =	vst v63  }
0x276: {  	_ =	swait.ge [sflag:s26], $0x3E80  }
0x277: {  	[sflag:s26] =	ssyncset.done $0x0  }
0x278: {  	[sflag:s26] =	ssyncadd.s32 $0xFFFFC180  }
0x279: {  	_ =	swait.ge [sflag:s28], $0x3E80  }
0x27a: {  	[sflag:s28] =	ssyncset.done $0x0  }
0x27b: {  	s30 =	simm.s32 $0x1300;
	[sflag:s28] =	ssyncadd.s32 $0xFFFFC180  }
0x27c: {  	[tilespmem:s20], [sflag:$0x1] =	stream.indirect.gather [hbm4b:s10+s19], $0x80, s30, s19, $0xb8;
	[tilespmem:$0x1D880] =	vst v63  }
0x27d: {  	s1 =	simm.s32 $0x1A80  }
0x27e: {  	[spmem:s2] =	stream.indirect.scatter.add.f32 [tilespmem:s25], [sflag:$0x6], $0x80, s1, s19, $0xb8;
	[tilespmem:$0x1D880] =	vst v63  }
0x27f: {  	_ =	swait.ge [sflag:s23], $0x3E80  }
0x280: {  	[sflag:s23] =	ssyncset.done $0x0  }
0x281: {  	[sflag:s23] =	ssyncadd.s32 $0xFFFFC180  }
0x282: {  	_ =	swait.ge [sflag:s31], $0x3E80  }
0x283: {  	[sflag:s31] =	ssyncset.done $0x0  }
0x284: {  	s30 =	simm.s32 $0x1380;
	[sflag:s31] =	ssyncadd.s32 $0xFFFFC180  }
0x285: {  	[tilespmem:s25], [sflag:$0x2] =	stream.indirect.gather [hbm4b:s10+s19], $0x80, s30, s19, $0xb8;
	[tilespmem:$0x1D880] =	vst v63  }
0x286: {  	s1 =	simm.s32 $0x1B00  }
0x287: {  	[spmem:s2] =	stream.indirect.scatter.add.f32 [tilespmem:s20], [sflag:$0x5], $0x80, s1, s19, $0xb8;
	[tilespmem:$0x1D880] =	vst v63  }
0x288: {  	_ =	swait.ge [sflag:s26], $0x3E80  }
0x289: {  	[sflag:s26] =	ssyncset.done $0x0  }
0x28a: {  	[sflag:s26] =	ssyncadd.s32 $0xFFFFC180  }
0x28b: {  	_ =	swait.ge [sflag:s28], $0x3E80  }
0x28c: {  	[sflag:s28] =	ssyncset.done $0x0  }
0x28d: {  	s30 =	simm.s32 $0x1400;
	[sflag:s28] =	ssyncadd.s32 $0xFFFFC180  }
0x28e: {  	[tilespmem:s20], [sflag:$0x1] =	stream.indirect.gather [hbm4b:s10+s19], $0x80, s30, s19, $0xb8;
	[tilespmem:$0x1D880] =	vst v63  }
0x28f: {  	s1 =	simm.s32 $0x1B80  }
0x290: {  	[spmem:s2] =	stream.indirect.scatter.add.f32 [tilespmem:s25], [sflag:$0x6], $0x80, s1, s19, $0xb8;
	[tilespmem:$0x1D880] =	vst v63  }
0x291: {  	_ =	swait.ge [sflag:s23], $0x3E80  }
0x292: {  	[sflag:s23] =	ssyncset.done $0x0  }
0x293: {  	[sflag:s23] =	ssyncadd.s32 $0xFFFFC180  }
0x294: {  	_ =	swait.ge [sflag:s31], $0x3E80  }
0x295: {  	[sflag:s31] =	ssyncset.done $0x0  }
0x296: {  	s30 =	simm.s32 $0x1480;
	[sflag:s31] =	ssyncadd.s32 $0xFFFFC180  }
0x297: {  	[tilespmem:s25], [sflag:$0x2] =	stream.indirect.gather [hbm4b:s10+s19], $0x80, s30, s19, $0xb8;
	[tilespmem:$0x1D880] =	vst v63  }
0x298: {  	s1 =	simm.s32 $0x1C00  }
0x299: {  	[spmem:s2] =	stream.indirect.scatter.add.f32 [tilespmem:s20], [sflag:$0x5], $0x80, s1, s19, $0xb8;
	[tilespmem:$0x1D880] =	vst v63  }
0x29a: {  	_ =	swait.ge [sflag:s26], $0x3E80  }
0x29b: {  	[sflag:s26] =	ssyncset.done $0x0  }
0x29c: {  	[sflag:s26] =	ssyncadd.s32 $0xFFFFC180  }
0x29d: {  	_ =	swait.ge [sflag:s28], $0x3E80  }
0x29e: {  	[sflag:s28] =	ssyncset.done $0x0  }
0x29f: {  	s30 =	simm.s32 $0x1500;
	[sflag:s28] =	ssyncadd.s32 $0xFFFFC180  }
0x2a0: {  	[tilespmem:s20], [sflag:$0x1] =	stream.indirect.gather [hbm4b:s10+s19], $0x80, s30, s19, $0xb8;
	[tilespmem:$0x1D880] =	vst v63  }
0x2a1: {  	s1 =	simm.s32 $0x1C80  }
0x2a2: {  	[spmem:s2] =	stream.indirect.scatter.add.f32 [tilespmem:s25], [sflag:$0x6], $0x80, s1, s19, $0xb8;
	[tilespmem:$0x1D880] =	vst v63  }
0x2a3: {  	_ =	swait.ge [sflag:s23], $0x3E80  }
0x2a4: {  	[sflag:s23] =	ssyncset.done $0x0  }
0x2a5: {  	[sflag:s23] =	ssyncadd.s32 $0xFFFFC180  }
0x2a6: {  	_ =	swait.ge [sflag:s31], $0x3E80  }
0x2a7: {  	[sflag:s31] =	ssyncset.done $0x0  }
0x2a8: {  	s30 =	simm.s32 $0x1580;
	[sflag:s31] =	ssyncadd.s32 $0xFFFFC180  }
0x2a9: {  	[tilespmem:s25], [sflag:$0x2] =	stream.indirect.gather [hbm4b:s10+s19], $0x80, s30, s19, $0xb8;
	[tilespmem:$0x1D880] =	vst v63  }
0x2aa: {  	_ = 	snop  }
0x2ab: {  	[spmem:s2] =	stream.indirect.scatter.add.f32 [tilespmem:s20], [sflag:$0x5], $0x80, s8, s19, $0xb8;
	[tilespmem:$0x1D880] =	vst v63  }
0x2ac: {  	_ =	swait.ge [sflag:s26], $0x3E80  }
0x2ad: {  	[sflag:s26] =	ssyncset.done $0x0  }
0x2ae: {  	[sflag:s26] =	ssyncadd.s32 $0xFFFFC180  }
0x2af: {  	_ =	swait.ge [sflag:s28], $0x3E80  }
0x2b0: {  	[sflag:s28] =	ssyncset.done $0x0  }
0x2b1: {  	[sflag:s28] =	ssyncadd.s32 $0xFFFFC180  }
0x2b2: {  	[tilespmem:s20], [sflag:$0x1] =	stream.indirect.gather [hbm4b:s10+s19], $0x80, s9, s19, $0xb8;
	[tilespmem:$0x1D880] =	vst v63  }
0x2b3: {  	_ = 	snop  }
0x2b4: {  	[spmem:s2] =	stream.indirect.scatter.add.f32 [tilespmem:s25], [sflag:$0x6], $0x80, s11, s19, $0xb8;
	[tilespmem:$0x1D880] =	vst v63  }
0x2b5: {  	_ =	swait.ge [sflag:s23], $0x3E80  }
0x2b6: {  	[sflag:s23] =	ssyncset.done $0x0  }
0x2b7: {  	[sflag:s23] =	ssyncadd.s32 $0xFFFFC180  }
0x2b8: {  	_ =	swait.ge [sflag:s31], $0x3E80  }
0x2b9: {  	[sflag:s31] =	ssyncset.done $0x0  }
0x2ba: {  	[sflag:s31] =	ssyncadd.s32 $0xFFFFC180  }
0x2bb: {  	[tilespmem:s25], [sflag:$0x2] =	stream.indirect.gather [hbm4b:s10+s19], $0x80, s12, s19, $0xb8;
	[tilespmem:$0x1D880] =	vst v63  }
0x2bc: {  	_ = 	snop  }
0x2bd: {  	[spmem:s2] =	stream.indirect.scatter.add.f32 [tilespmem:s20], [sflag:$0x5], $0x80, s13, s19, $0xb8;
	[tilespmem:$0x1D880] =	vst v63  }
0x2be: {  	_ =	swait.ge [sflag:s26], $0x3E80  }
0x2bf: {  	[sflag:s26] =	ssyncset.done $0x0  }
0x2c0: {  	[sflag:s26] =	ssyncadd.s32 $0xFFFFC180  }
0x2c1: {  	_ =	swait.ge [sflag:s28], $0x3E80  }
0x2c2: {  	[sflag:s28] =	ssyncset.done $0x0  }
0x2c3: {  	[sflag:s28] =	ssyncadd.s32 $0xFFFFC180  }
0x2c4: {  	[tilespmem:s20], [sflag:$0x1] =	stream.indirect.gather [hbm4b:s10+s19], $0x80, s4, s19, $0xb8;
	[tilespmem:$0x1D880] =	vst v63  }
0x2c5: {  	_ = 	snop  }
0x2c6: {  	[spmem:s2] =	stream.indirect.scatter.add.f32 [tilespmem:s25], [sflag:$0x6], $0x80, s14, s19, $0xb8;
	[tilespmem:$0x1D880] =	vst v63  }
0x2c7: {  	_ =	swait.ge [sflag:s23], $0x3E80  }
0x2c8: {  	[sflag:s23] =	ssyncset.done $0x0  }
0x2c9: {  	[sflag:s23] =	ssyncadd.s32 $0xFFFFC180  }
0x2ca: {  	_ =	swait.ge [sflag:s31], $0x3E80  }
0x2cb: {  	[sflag:s31] =	ssyncset.done $0x0  }
0x2cc: {  	[sflag:s31] =	ssyncadd.s32 $0xFFFFC180  }
0x2cd: {  	[tilespmem:s25], [sflag:$0x2] =	stream.indirect.gather [hbm4b:s10+s19], $0x80, s15, s19, $0xb8;
	[tilespmem:$0x1D880] =	vst v63  }
0x2ce: {  	_ = 	snop  }
0x2cf: {  	[spmem:s2] =	stream.indirect.scatter.add.f32 [tilespmem:s20], [sflag:$0x5], $0x80, s16, s19, $0xb8;
	[tilespmem:$0x1D880] =	vst v63  }
0x2d0: {  	_ =	swait.ge [sflag:s26], $0x3E80  }
.Ltmp4:
0x2d1: {  	[sflag:s26] =	ssyncset.done $0x0;
	(pc) =	sbr.rel @p1 .LBB2_7-.Ltmp4, $4  }
0x2d2: {  	[sflag:s26] =	ssyncadd.s32 $0xFFFFC180  }
0x2d3: {  	_ =	swait.ge [sflag:s28], $0x3E80  }
0x2d4: {  	[sflag:s28] =	ssyncset.done $0x0  }
0x2d5: {  	[sflag:s28] =	ssyncadd.s32 $0xFFFFC180  }
0x2d6: {  	_ =	swait.ge [sflag:s24], $0x800  }
0x2d7: {  	[sflag:s24] =	ssyncset.done $0x0  }
0x2d8: {  	[sflag:s24] =	ssyncadd.s32 $0xFFFFF800  }
0x2d9: {  	_ =	swait.ge [sflag:s24], $0x800  }
.Ltmp5:
0x2da: {  	[sflag:s24] =	ssyncset.done $0x0;
	(pc) =	sbr.rel .LBB2_5-.Ltmp5, $4  }
0x2db: {  	[sflag:s24] =	ssyncadd.s32 $0xFFFFF800  }
0x2dc: {  	[tilespmem:s20], [sflag:$0x1] =	stream.indirect.gather [hbm4b:s10+s19], $0x80, s3, s19, $0xb8;
	[tilespmem:$0x1D880] =	vst v63  }
0x2dd: {  	s29 =	sadd.s32 $0x200, s29  }
0x2de: {  	[spmem:s2] =	stream.indirect.scatter.add.f32 [tilespmem:s25], [sflag:$0x6], $0x80, s17, s19, $0xb8;
	[tilespmem:$0x1D880] =	vst v63  }
.LBB2_8:
0x2df: {  	_ =	sfence.sel $0x180000  }
0x2e0: {  	[bflag:$0x0] =	sbarrier.arrive $0xFFFF  }
0x2e1: {  	_ =	strace $0x90000047  }
0x2e2: {  	s0 =	stileid.u32;
	[bflag:$0x2] =	sbarrier.arrive $0xFFFF  }
0x2e3: {  	p0 =	sne.s32 s0, $0x0;
	s0 =	rddreg [dreg:$0x4]  }
0x2e4: {  	s0 =	sadd.s32 @!p0 $0x100000, s0  }
0x2e5: {  	[sflag:s0] =	ssyncadd.tile.s32 @!p0 $0x1;
	_ =	shalt  }
.Lfunc_end2:
_tile_overlayer_lowered:
.L_overlay_start_2:
0x2e6: {  	(tag) =	ssettag $0x2  }
0x2e7: {  	s0 =	rddreg [dreg:$0x0];
	s2 =	stileid.u32  }
0x2e8: {  	s1 =	rddreg [dreg:$0x1];
	p0 =	sne.s32 s2, $0x0  }
0x2e9: {  	s3 =	rddreg [dreg:$0x2];
	[bflag:$0x3] =	sbarrier.arrive $0xFFFF;
	s2 =	simm.s32 @!p0 $0x1C07  }
0x2ea: {  	[timem:s3], [sflag:s2] =	dma.local @!p0 [hbm:s0], s1  }
0x2eb: {  	s0 =	simm.s32 @!p0 $0x7  }
0x2ec: {  	_ =	swait.ge @!p0 [sflag:s0], s1  }
0x2ed: {  	s1 =	ssub.s32 @!p0 $0x0, s1;
	[sflag:s0] =	ssyncset.done @!p0 $0x0  }
0x2ee: {  	[sflag:s0] =	ssyncadd.s32 @!p0 s1  }
0x2ef: {  	[bflag:$0x3] =	sbarrier.arrive $0xFFFF  }
0x2f0: {  	_ =	shalt  }

</sc_bundles>
